<compile_context>
chip_gen: v7x
topology: tpu7x:2x2x1
jax: 0.10.2.dev20260603
libtpu: 0.0.44.dev20260713+nightly
codegen_flags: <defaults>
</compile_context>

<pallas_src>
import functools

import jax
import jax.numpy as jnp
from jax import lax
from jax.experimental import pallas as pl
from jax.experimental.pallas import tpu as pltpu
from jax.experimental.pallas import tpu_sc as plsc

D = 64
HW = 256
K = 3
BB = 128
OUT_PAD = 129
NW = 32


def _sc_bow_embed(idx, table, batch):
    chunks = batch // BB
    n_units = HW * chunks // NW
    hw_per_w = n_units // chunks

    mesh = plsc.VectorSubcoreMesh(core_axis_name="c", subcore_axis_name="s")

    @functools.partial(
        pl.kernel,
        out_type=jax.ShapeDtypeStruct((D, 16, 2, batch // 128, 8, 128),
                                      jnp.float32),
        mesh=mesh,
        compiler_params=pltpu.CompilerParams(
            needs_layout_passes=False, use_tc_tiling_on_sc=False),
        scratch_types=[
            pltpu.VMEM((4, K, BB), jnp.int32),
            pltpu.VMEM((4, K * BB, D), jnp.float32),
            pltpu.VMEM((D, OUT_PAD), jnp.float32),
            [pltpu.SemaphoreType.DMA] * 4,
            [pltpu.SemaphoreType.DMA] * 4,
            pltpu.SemaphoreType.DMA,
        ],
    )
    def body(idx_hbm, table_hbm, out_hbm, idx_v, rows_v, out_t,
             gsem, isem, osem):
        wid = lax.axis_index("s") * 2 + lax.axis_index("c")
        lane = lax.iota(jnp.int32, 16)
        third = jnp.float32(1.0 / 3.0)
        e_rows = [c * 16 + lane for c in range(4)]

        def unit_hwb(u):
            hw = wid * hw_per_w + (u // chunks)
            cb = u % chunks
            return hw // 16, hw % 16, cb

        def idx_dma(u, buf):
            h, w, cb = unit_hwb(u)
            return pltpu.make_async_copy(
                idx_hbm.at[:, h, w, cb], idx_v.at[buf], isem[buf])

        def fire(buf):
            for k in range(K):
                pltpu.async_copy(
                    table_hbm.at[idx_v.at[buf, k]],
                    rows_v.at[buf, pl.ds(k * BB, BB)],
                    gsem[buf],
                )

        def drain(buf):
            for k in range(K):
                pltpu.make_async_copy(
                    table_hbm.at[idx_v.at[buf, k]],
                    rows_v.at[buf, pl.ds(k * BB, BB)],
                    gsem[buf],
                ).wait()

        def out_dma(u):
            h, w, cb = unit_hwb(u)
            wt, w8 = w // 8, w % 8
            return pltpu.make_async_copy(
                out_t.at[:, pl.ds(0, BB)],
                out_hbm.at[:, h, wt, cb, w8],
                osem,
            )

        def compute(buf):
            rv = rows_v.at[buf]

            @plsc.parallel_loop(0, BB, 1, unroll=4)
            def _(p):
                col = jnp.zeros((16,), jnp.int32) + p
                for c in range(4):
                    sl = pl.ds(c * 16, 16)
                    v = (rv[p, sl] + rv[BB + p, sl]
                         + rv[2 * BB + p, sl]) * third
                    plsc.store_scatter(out_t, [e_rows[c], col], v)

        idx_dma(0, 0).start()
        idx_dma(0, 0).wait()
        fire(0)
        idx_dma(1, 1).start()
        idx_dma(1, 1).wait()
        fire(1)
        idx_dma(2, 2).start()

        def quad_body(qr, _):
            base = qr * 4
            for par in (0, 1, 2, 3):
                u = base + par

                @pl.when(u + 2 < n_units)
                def _():
                    idx_dma(u + 2, (par + 2) & 3).wait()
                    fire((par + 2) & 3)

                @pl.when(u + 3 < n_units)
                def _():
                    idx_dma(u + 3, (par + 3) & 3).start()

                drain(par)

                @pl.when(u > 0)
                def _():
                    out_dma(u - 1).wait()

                compute(par)
                out_dma(u).start()
            return 0

        lax.fori_loop(0, n_units // 4, quad_body, 0)
        out_dma(n_units - 1).wait()

    return body(idx, table)


def kernel(inputs, table):
    b, k, h, w = inputs.shape
    idx = inputs.transpose(1, 2, 3, 0).reshape(k, h, w, b // 128, 128)
    out = _sc_bow_embed(idx, table, b)
    out = out.transpose(3, 5, 0, 1, 2, 4)
    return out.reshape(b, D, h, w)

# --- scband reference (transcript-rebuilt; emitter-appended) ---
"""Pipeline reference for scband-image-bowembedding-67860483277423 (READ-ONLY COPY).

The authoritative reference and input builder live on the scoring server;
editing this copy changes nothing except your own understanding.
"""

import jax, jax.numpy as jnp
import numpy as np

NUM_EMBEDDINGS = 100000
EMBEDDING_DIM = 64

def setup_inputs(seed: int = 0) -> dict:
    key = jax.random.key(seed)
    k_idx, k_tab = jax.random.split(key)
    inputs = jax.random.randint(k_idx, (1024, 3, 16, 16), 0, NUM_EMBEDDINGS, dtype=jnp.int32)
    # nn.Embedding default init: N(0, 1)
    table = jax.random.normal(k_tab, (NUM_EMBEDDINGS, EMBEDDING_DIM), dtype=jnp.float32)
    return {"inputs": inputs, "table": table}

def reference(inputs, table):
    # embeddings = self.embedding(inputs.long())  -> [B, K, H, W, E]
    embeddings = jnp.take(table, inputs, axis=0)
    # reduce_fn = torch.mean over dim=1 -> [B, H, W, E]
    embeddings = jnp.mean(embeddings, axis=1)
    # transpose(1, 3) -> [B, E, W, H]
    embeddings = jnp.swapaxes(embeddings, 1, 3)
    # transpose(2, 3) -> [B, E, H, W]
    embeddings = jnp.swapaxes(embeddings, 2, 3)
    return embeddings

if __name__ == "__main__":
    import jax
    _d = setup_inputs()
    print(jax.jit(kernel)(*tuple(_d.values())))

</pallas_src>

<mosaic_0001>
#map = affine_map<(d0, d1) -> (0, 0, 0, 0, 0)>
#map1 = affine_map<(d0, d1) -> (0, 0)>
#map2 = affine_map<(d0, d1) -> (0, 0, 0, 0, 0, 0)>
module attributes {stable_mosaic.version = 14 : i64} {
  func.func @body(%arg0: i32, %arg1: i32, %arg2: memref<3x16x16x8x128xi32, #tpu.memory_space<hbm>>, %arg3: memref<100000x64xf32, #tpu.memory_space<hbm>>, %arg4: memref<64x16x2x8x8x128xf32, #tpu.memory_space<hbm>>, %arg5: memref<4x3x128xi32, #tpu.memory_space<vmem>>, %arg6: memref<4x384x64xf32, #tpu.memory_space<vmem>>, %arg7: memref<64x129xf32, #tpu.memory_space<vmem>>, %arg8: memref<!tpu.dma_semaphore, #tpu.memory_space<semaphore_mem>>, %arg9: memref<!tpu.dma_semaphore, #tpu.memory_space<semaphore_mem>>, %arg10: memref<!tpu.dma_semaphore, #tpu.memory_space<semaphore_mem>>, %arg11: memref<!tpu.dma_semaphore, #tpu.memory_space<semaphore_mem>>, %arg12: memref<!tpu.dma_semaphore, #tpu.memory_space<semaphore_mem>>, %arg13: memref<!tpu.dma_semaphore, #tpu.memory_space<semaphore_mem>>, %arg14: memref<!tpu.dma_semaphore, #tpu.memory_space<semaphore_mem>>, %arg15: memref<!tpu.dma_semaphore, #tpu.memory_space<semaphore_mem>>, %arg16: memref<!tpu.dma_semaphore, #tpu.memory_space<semaphore_mem>>) attributes {dimension_semantics = [#tpu.dimension_semantics<core_parallel>, #tpu.dimension_semantics<subcore_parallel>], iteration_bounds = array<i64: 2, 16>, scalar_prefetch = 0 : i64, scratch_operands = 12 : i64, tpu.core_type = #tpu.core_type<sc_vector_subcore>, window_params = [{transform_indices = #map}, {transform_indices = #map1}, {transform_indices = #map2}]} {
    %mul3A = arith.constant 2 : i32
    %mul3A_0 = arith.muli %arg1, %mul3A : i32
    %add3A = arith.addi %mul3A_0, %arg0 : i32
    %iota3A = tpu.iota {dimensions = array<i32: 0>} : vector<16xi32>
    %add3A_1 = arith.constant 0 : i32
    %add3A_2 = vector.broadcast %add3A_1 : i32 to vector<16xi32>
    %add3A_3 = arith.addi %add3A_2, %iota3A : vector<16xi32>
    %add3A_4 = arith.constant 16 : i32
    %add3A_5 = vector.broadcast %add3A_4 : i32 to vector<16xi32>
    %add3A_6 = arith.addi %add3A_5, %iota3A : vector<16xi32>
    %add3A_7 = arith.constant 32 : i32
    %add3A_8 = vector.broadcast %add3A_7 : i32 to vector<16xi32>
    %add3A_9 = arith.addi %add3A_8, %iota3A : vector<16xi32>
    %add3A_10 = arith.constant 48 : i32
    %add3A_11 = vector.broadcast %add3A_10 : i32 to vector<16xi32>
    %add3A_12 = arith.addi %add3A_11, %iota3A : vector<16xi32>
    %mul3A_13 = arith.constant 8 : i32
    %mul3A_14 = arith.muli %add3A, %mul3A_13 : i32
    %add3A_15 = arith.constant 0 : i32
    %add3A_16 = arith.addi %mul3A_14, %add3A_15 : i32
    %jit3A = arith.constant 16 : i32
    %div3A = arith.divsi %add3A_16, %jit3A : i32
    %sign3A = arith.constant 0 : i32
    %sign3A_17 = arith.cmpi sgt, %add3A_16, %sign3A : i32
    %sign3A_18 = arith.extui %sign3A_17 : i1 to i32
    %sign3A_19 = arith.constant 0 : i32
    %sign3A_20 = arith.cmpi slt, %add3A_16, %sign3A_19 : i32
    %sign3A_21 = arith.extui %sign3A_20 : i1 to i32
    %sign3A_22 = arith.subi %sign3A_18, %sign3A_21 : i32
    %sign3A_23 = arith.constant 0 : i32
    %sign3A_24 = arith.cmpi sgt, %jit3A, %sign3A_23 : i32
    %sign3A_25 = arith.extui %sign3A_24 : i1 to i32
    %sign3A_26 = arith.constant 0 : i32
    %sign3A_27 = arith.cmpi slt, %jit3A, %sign3A_26 : i32
    %sign3A_28 = arith.extui %sign3A_27 : i1 to i32
    %sign3A_29 = arith.subi %sign3A_25, %sign3A_28 : i32
    %ne3A = arith.cmpi ne, %sign3A_22, %sign3A_29 : i32
    %rem3A = arith.remsi %add3A_16, %jit3A : i32
    %ne3A_30 = arith.constant 0 : i32
    %ne3A_31 = arith.cmpi ne, %rem3A, %ne3A_30 : i32
    %and3A = arith.andi %ne3A, %ne3A_31 : i1
    %sub3A = arith.constant 1 : i32
    %sub3A_32 = arith.subi %div3A, %sub3A : i32
    %select_n3A = arith.select %and3A, %sub3A_32, %div3A : i32
    %jit3A_33 = arith.constant 16 : i32
    %eq3A = arith.constant 0 : i32
    %eq3A_34 = arith.cmpi eq, %jit3A_33, %eq3A : i32
    %jit3A_35 = arith.constant 1 : i32
    %select_n3A_36 = arith.select %eq3A_34, %jit3A_35, %jit3A_33 : i32
    %rem3A_37 = arith.remsi %add3A_16, %select_n3A_36 : i32
    %ne3A_38 = arith.constant 0 : i32
    %ne3A_39 = arith.cmpi ne, %rem3A_37, %ne3A_38 : i32
    %lt3A = arith.constant 0 : i32
    %lt3A_40 = arith.cmpi slt, %rem3A_37, %lt3A : i32
    %lt3A_41 = arith.constant 0 : i32
    %lt3A_42 = arith.cmpi slt, %select_n3A_36, %lt3A_41 : i32
    %ne3A_43 = arith.xori %lt3A_40, %lt3A_42 : i1
    %and3A_44 = arith.andi %ne3A_43, %ne3A_39 : i1
    %add3A_45 = arith.addi %rem3A_37, %select_n3A_36 : i32
    %select_n3A_46 = arith.select %and3A_44, %add3A_45, %rem3A_37 : i32
    %dma_start3A = arith.constant 0 : i32
    %dma_start3A_47 = arith.constant 0 : i32
    %dma_start3A_48 = arith.constant 0 : i32
    %dma_start3A_49 = arith.constant 0 : i32
    %dma_start3A_50 = tpu.memref_slice %arg5[%dma_start3A_47, %dma_start3A_48, %dma_start3A_49] : memref<4x3x128xi32, #tpu.memory_space<vmem>> -> memref<1x3x128xi32, #tpu.memory_space<vmem>>
    %dma_start3A_51 = tpu.memref_squeeze %dma_start3A_50 : memref<1x3x128xi32, #tpu.memory_space<vmem>> -> memref<3x128xi32, #tpu.memory_space<vmem>>
    %dma_start3A_52 = arith.constant 0 : i32
    %dma_start3A_53 = arith.constant 0 : i32
    %dma_start3A_54 = tpu.memref_slice %arg2[%dma_start3A_52, %select_n3A, %select_n3A_46, %dma_start3A, %dma_start3A_53] : memref<3x16x16x8x128xi32, #tpu.memory_space<hbm>> -> memref<3x1x1x1x128xi32, #tpu.memory_space<hbm>>
    %dma_start3A_55 = tpu.memref_squeeze %dma_start3A_54 : memref<3x1x1x1x128xi32, #tpu.memory_space<hbm>> -> memref<3x128xi32, #tpu.memory_space<hbm>>
    %dma_start3A_56 = arith.constant 0 : i32
    %dma_start3A_57 = arith.constant 0 : i32
    %dma_start3A_58 = tpu.memref_slice %arg5[%dma_start3A_47, %dma_start3A_56, %dma_start3A_57] : memref<4x3x128xi32, #tpu.memory_space<vmem>> -> memref<1x3x128xi32, #tpu.memory_space<vmem>>
    %dma_start3A_59 = tpu.memref_squeeze %dma_start3A_58 : memref<1x3x128xi32, #tpu.memory_space<vmem>> -> memref<3x128xi32, #tpu.memory_space<vmem>>
    %dma_start3A_60 = arith.constant 0 : i32
    %dma_start3A_61 = arith.constant 0 : i32
    %dma_start3A_62 = tpu.memref_slice %arg2[%dma_start3A_60, %select_n3A, %select_n3A_46, %dma_start3A, %dma_start3A_61] : memref<3x16x16x8x128xi32, #tpu.memory_space<hbm>> -> memref<3x1x1x1x128xi32, #tpu.memory_space<hbm>>
    %dma_start3A_63 = tpu.memref_squeeze %dma_start3A_62 : memref<3x1x1x1x128xi32, #tpu.memory_space<hbm>> -> memref<3x128xi32, #tpu.memory_space<hbm>>
    tpu.enqueue_dma source(%dma_start3A_63 : memref<3x128xi32, #tpu.memory_space<hbm>>) target(%dma_start3A_59 : memref<3x128xi32, #tpu.memory_space<vmem>>) target_semaphore(%arg12 : memref<!tpu.dma_semaphore, #tpu.memory_space<semaphore_mem>>)
    %mul3A_64 = arith.constant 8 : i32
    %mul3A_65 = arith.muli %add3A, %mul3A_64 : i32
    %add3A_66 = arith.constant 0 : i32
    %add3A_67 = arith.addi %mul3A_65, %add3A_66 : i32
    %jit3A_68 = arith.constant 16 : i32
    %div3A_69 = arith.divsi %add3A_67, %jit3A_68 : i32
    %sign3A_70 = arith.constant 0 : i32
    %sign3A_71 = arith.cmpi sgt, %add3A_67, %sign3A_70 : i32
    %sign3A_72 = arith.extui %sign3A_71 : i1 to i32
    %sign3A_73 = arith.constant 0 : i32
    %sign3A_74 = arith.cmpi slt, %add3A_67, %sign3A_73 : i32
    %sign3A_75 = arith.extui %sign3A_74 : i1 to i32
    %sign3A_76 = arith.subi %sign3A_72, %sign3A_75 : i32
    %sign3A_77 = arith.constant 0 : i32
    %sign3A_78 = arith.cmpi sgt, %jit3A_68, %sign3A_77 : i32
    %sign3A_79 = arith.extui %sign3A_78 : i1 to i32
    %sign3A_80 = arith.constant 0 : i32
    %sign3A_81 = arith.cmpi slt, %jit3A_68, %sign3A_80 : i32
    %sign3A_82 = arith.extui %sign3A_81 : i1 to i32
    %sign3A_83 = arith.subi %sign3A_79, %sign3A_82 : i32
    %ne3A_84 = arith.cmpi ne, %sign3A_76, %sign3A_83 : i32
    %rem3A_85 = arith.remsi %add3A_67, %jit3A_68 : i32
    %ne3A_86 = arith.constant 0 : i32
    %ne3A_87 = arith.cmpi ne, %rem3A_85, %ne3A_86 : i32
    %and3A_88 = arith.andi %ne3A_84, %ne3A_87 : i1
    %sub3A_89 = arith.constant 1 : i32
    %sub3A_90 = arith.subi %div3A_69, %sub3A_89 : i32
    %select_n3A_91 = arith.select %and3A_88, %sub3A_90, %div3A_69 : i32
    %jit3A_92 = arith.constant 16 : i32
    %eq3A_93 = arith.constant 0 : i32
    %eq3A_94 = arith.cmpi eq, %jit3A_92, %eq3A_93 : i32
    %jit3A_95 = arith.constant 1 : i32
    %select_n3A_96 = arith.select %eq3A_94, %jit3A_95, %jit3A_92 : i32
    %rem3A_97 = arith.remsi %add3A_67, %select_n3A_96 : i32
    %ne3A_98 = arith.constant 0 : i32
    %ne3A_99 = arith.cmpi ne, %rem3A_97, %ne3A_98 : i32
    %lt3A_100 = arith.constant 0 : i32
    %lt3A_101 = arith.cmpi slt, %rem3A_97, %lt3A_100 : i32
    %lt3A_102 = arith.constant 0 : i32
    %lt3A_103 = arith.cmpi slt, %select_n3A_96, %lt3A_102 : i32
    %ne3A_104 = arith.xori %lt3A_101, %lt3A_103 : i1
    %and3A_105 = arith.andi %ne3A_104, %ne3A_99 : i1
    %add3A_106 = arith.addi %rem3A_97, %select_n3A_96 : i32
    %select_n3A_107 = arith.select %and3A_105, %add3A_106, %rem3A_97 : i32
    %dma_wait3A = arith.constant 0 : i32
    %dma_wait3A_108 = arith.constant 0 : i32
    %dma_wait3A_109 = arith.constant 0 : i32
    %dma_wait3A_110 = arith.constant 0 : i32
    %dma_wait3A_111 = tpu.memref_slice %arg5[%dma_wait3A_108, %dma_wait3A_109, %dma_wait3A_110] : memref<4x3x128xi32, #tpu.memory_space<vmem>> -> memref<1x3x128xi32, #tpu.memory_space<vmem>>
    %dma_wait3A_112 = tpu.memref_squeeze %dma_wait3A_111 : memref<1x3x128xi32, #tpu.memory_space<vmem>> -> memref<3x128xi32, #tpu.memory_space<vmem>>
    %dma_wait3A_113 = arith.constant 0 : i32
    %dma_wait3A_114 = arith.constant 0 : i32
    %dma_wait3A_115 = tpu.memref_slice %arg2[%dma_wait3A_113, %select_n3A_91, %select_n3A_107, %dma_wait3A, %dma_wait3A_114] : memref<3x16x16x8x128xi32, #tpu.memory_space<hbm>> -> memref<3x1x1x1x128xi32, #tpu.memory_space<hbm>>
    %dma_wait3A_116 = tpu.memref_squeeze %dma_wait3A_115 : memref<3x1x1x1x128xi32, #tpu.memory_space<hbm>> -> memref<3x128xi32, #tpu.memory_space<hbm>>
    %dma_wait3A_117 = arith.constant 0 : i32
    %dma_wait3A_118 = arith.constant 0 : i32
    %dma_wait3A_119 = tpu.memref_slice %arg5[%dma_wait3A_108, %dma_wait3A_117, %dma_wait3A_118] : memref<4x3x128xi32, #tpu.memory_space<vmem>> -> memref<1x3x128xi32, #tpu.memory_space<vmem>>
    %dma_wait3A_120 = tpu.memref_squeeze %dma_wait3A_119 : memref<1x3x128xi32, #tpu.memory_space<vmem>> -> memref<3x128xi32, #tpu.memory_space<vmem>>
    %dma_wait3A_121 = arith.constant 0 : i32
    %dma_wait3A_122 = arith.constant 0 : i32
    %dma_wait3A_123 = tpu.memref_slice %arg2[%dma_wait3A_121, %select_n3A_91, %select_n3A_107, %dma_wait3A, %dma_wait3A_122] : memref<3x16x16x8x128xi32, #tpu.memory_space<hbm>> -> memref<3x1x1x1x128xi32, #tpu.memory_space<hbm>>
    %dma_wait3A_124 = tpu.memref_squeeze %dma_wait3A_123 : memref<3x1x1x1x128xi32, #tpu.memory_space<hbm>> -> memref<3x128xi32, #tpu.memory_space<hbm>>
    tpu.wait_dma2 semaphore(%arg12 : memref<!tpu.dma_semaphore, #tpu.memory_space<semaphore_mem>>) src(%dma_wait3A_124 : memref<3x128xi32, #tpu.memory_space<hbm>>) dst(%dma_wait3A_120 : memref<3x128xi32, #tpu.memory_space<vmem>>)
    %dma_start3A_125 = arith.constant 0 : i32
    %dma_start3A_126 = arith.constant 0 : i32
    %dma_start3A_127 = arith.constant 0 : i32
    %dma_start3A_128 = arith.constant 0 : i32
    %dma_start3A_129 = arith.constant 0 : i32
    %dma_start3A_130 = tpu.memref_slice %arg6[%dma_start3A_127, %dma_start3A_128, %dma_start3A_129] : memref<4x384x64xf32, #tpu.memory_space<vmem>> -> memref<1x128x64xf32, #tpu.memory_space<vmem>>
    %dma_start3A_131 = tpu.memref_squeeze %dma_start3A_130 : memref<1x128x64xf32, #tpu.memory_space<vmem>> -> memref<128x64xf32, #tpu.memory_space<vmem>>
    %dma_start3A_132 = arith.constant 0 : i32
    %dma_start3A_133 = tpu.memref_slice %arg5[%dma_start3A_125, %dma_start3A_126, %dma_start3A_132] : memref<4x3x128xi32, #tpu.memory_space<vmem>> -> memref<1x1x128xi32, #tpu.memory_space<vmem>>
    %dma_start3A_134 = tpu.memref_squeeze %dma_start3A_133 : memref<1x1x128xi32, #tpu.memory_space<vmem>> -> memref<128xi32, #tpu.memory_space<vmem>>
    %dma_start3A_135 = arith.constant 0 : i32
    %dma_start3A_136 = arith.constant 0 : i32
    %dma_start3A_137 = tpu.memref_slice %arg3[%dma_start3A_135, %dma_start3A_136] : memref<100000x64xf32, #tpu.memory_space<hbm>> -> memref<100000x64xf32, #tpu.memory_space<hbm>>
    tpu.enqueue_indirect_dma source(%dma_start3A_137 : memref<100000x64xf32, #tpu.memory_space<hbm>>) target(%dma_start3A_131 : memref<128x64xf32, #tpu.memory_space<vmem>>) offsets(%dma_start3A_134 : memref<128xi32, #tpu.memory_space<vmem>>) semaphore(%arg8 : memref<!tpu.dma_semaphore, #tpu.memory_space<semaphore_mem>>)
    %dma_start3A_138 = arith.constant 0 : i32
    %dma_start3A_139 = arith.constant 1 : i32
    %dma_start3A_140 = arith.constant 0 : i32
    %dma_start3A_141 = arith.constant 128 : i32
    %dma_start3A_142 = arith.constant 0 : i32
    %dma_start3A_143 = tpu.memref_slice %arg6[%dma_start3A_140, %dma_start3A_141, %dma_start3A_142] : memref<4x384x64xf32, #tpu.memory_space<vmem>> -> memref<1x128x64xf32, #tpu.memory_space<vmem>>
    %dma_start3A_144 = tpu.memref_squeeze %dma_start3A_143 : memref<1x128x64xf32, #tpu.memory_space<vmem>> -> memref<128x64xf32, #tpu.memory_space<vmem>>
    %dma_start3A_145 = arith.constant 0 : i32
    %dma_start3A_146 = tpu.memref_slice %arg5[%dma_start3A_138, %dma_start3A_139, %dma_start3A_145] : memref<4x3x128xi32, #tpu.memory_space<vmem>> -> memref<1x1x128xi32, #tpu.memory_space<vmem>>
    %dma_start3A_147 = tpu.memref_squeeze %dma_start3A_146 : memref<1x1x128xi32, #tpu.memory_space<vmem>> -> memref<128xi32, #tpu.memory_space<vmem>>
    %dma_start3A_148 = arith.constant 0 : i32
    %dma_start3A_149 = arith.constant 0 : i32
    %dma_start3A_150 = tpu.memref_slice %arg3[%dma_start3A_148, %dma_start3A_149] : memref<100000x64xf32, #tpu.memory_space<hbm>> -> memref<100000x64xf32, #tpu.memory_space<hbm>>
    tpu.enqueue_indirect_dma source(%dma_start3A_150 : memref<100000x64xf32, #tpu.memory_space<hbm>>) target(%dma_start3A_144 : memref<128x64xf32, #tpu.memory_space<vmem>>) offsets(%dma_start3A_147 : memref<128xi32, #tpu.memory_space<vmem>>) semaphore(%arg8 : memref<!tpu.dma_semaphore, #tpu.memory_space<semaphore_mem>>)
    %dma_start3A_151 = arith.constant 0 : i32
    %dma_start3A_152 = arith.constant 2 : i32
    %dma_start3A_153 = arith.constant 0 : i32
    %dma_start3A_154 = arith.constant 256 : i32
    %dma_start3A_155 = arith.constant 0 : i32
    %dma_start3A_156 = tpu.memref_slice %arg6[%dma_start3A_153, %dma_start3A_154, %dma_start3A_155] : memref<4x384x64xf32, #tpu.memory_space<vmem>> -> memref<1x128x64xf32, #tpu.memory_space<vmem>>
    %dma_start3A_157 = tpu.memref_squeeze %dma_start3A_156 : memref<1x128x64xf32, #tpu.memory_space<vmem>> -> memref<128x64xf32, #tpu.memory_space<vmem>>
    %dma_start3A_158 = arith.constant 0 : i32
    %dma_start3A_159 = tpu.memref_slice %arg5[%dma_start3A_151, %dma_start3A_152, %dma_start3A_158] : memref<4x3x128xi32, #tpu.memory_space<vmem>> -> memref<1x1x128xi32, #tpu.memory_space<vmem>>
    %dma_start3A_160 = tpu.memref_squeeze %dma_start3A_159 : memref<1x1x128xi32, #tpu.memory_space<vmem>> -> memref<128xi32, #tpu.memory_space<vmem>>
    %dma_start3A_161 = arith.constant 0 : i32
    %dma_start3A_162 = arith.constant 0 : i32
    %dma_start3A_163 = tpu.memref_slice %arg3[%dma_start3A_161, %dma_start3A_162] : memref<100000x64xf32, #tpu.memory_space<hbm>> -> memref<100000x64xf32, #tpu.memory_space<hbm>>
    tpu.enqueue_indirect_dma source(%dma_start3A_163 : memref<100000x64xf32, #tpu.memory_space<hbm>>) target(%dma_start3A_157 : memref<128x64xf32, #tpu.memory_space<vmem>>) offsets(%dma_start3A_160 : memref<128xi32, #tpu.memory_space<vmem>>) semaphore(%arg8 : memref<!tpu.dma_semaphore, #tpu.memory_space<semaphore_mem>>)
    %mul3A_164 = arith.constant 8 : i32
    %mul3A_165 = arith.muli %add3A, %mul3A_164 : i32
    %add3A_166 = arith.constant 0 : i32
    %add3A_167 = arith.addi %mul3A_165, %add3A_166 : i32
    %jit3A_168 = arith.constant 16 : i32
    %div3A_169 = arith.divsi %add3A_167, %jit3A_168 : i32
    %sign3A_170 = arith.constant 0 : i32
    %sign3A_171 = arith.cmpi sgt, %add3A_167, %sign3A_170 : i32
    %sign3A_172 = arith.extui %sign3A_171 : i1 to i32
    %sign3A_173 = arith.constant 0 : i32
    %sign3A_174 = arith.cmpi slt, %add3A_167, %sign3A_173 : i32
    %sign3A_175 = arith.extui %sign3A_174 : i1 to i32
    %sign3A_176 = arith.subi %sign3A_172, %sign3A_175 : i32
    %sign3A_177 = arith.constant 0 : i32
    %sign3A_178 = arith.cmpi sgt, %jit3A_168, %sign3A_177 : i32
    %sign3A_179 = arith.extui %sign3A_178 : i1 to i32
    %sign3A_180 = arith.constant 0 : i32
    %sign3A_181 = arith.cmpi slt, %jit3A_168, %sign3A_180 : i32
    %sign3A_182 = arith.extui %sign3A_181 : i1 to i32
    %sign3A_183 = arith.subi %sign3A_179, %sign3A_182 : i32
    %ne3A_184 = arith.cmpi ne, %sign3A_176, %sign3A_183 : i32
    %rem3A_185 = arith.remsi %add3A_167, %jit3A_168 : i32
    %ne3A_186 = arith.constant 0 : i32
    %ne3A_187 = arith.cmpi ne, %rem3A_185, %ne3A_186 : i32
    %and3A_188 = arith.andi %ne3A_184, %ne3A_187 : i1
    %sub3A_189 = arith.constant 1 : i32
    %sub3A_190 = arith.subi %div3A_169, %sub3A_189 : i32
    %select_n3A_191 = arith.select %and3A_188, %sub3A_190, %div3A_169 : i32
    %jit3A_192 = arith.constant 16 : i32
    %eq3A_193 = arith.constant 0 : i32
    %eq3A_194 = arith.cmpi eq, %jit3A_192, %eq3A_193 : i32
    %jit3A_195 = arith.constant 1 : i32
    %select_n3A_196 = arith.select %eq3A_194, %jit3A_195, %jit3A_192 : i32
    %rem3A_197 = arith.remsi %add3A_167, %select_n3A_196 : i32
    %ne3A_198 = arith.constant 0 : i32
    %ne3A_199 = arith.cmpi ne, %rem3A_197, %ne3A_198 : i32
    %lt3A_200 = arith.constant 0 : i32
    %lt3A_201 = arith.cmpi slt, %rem3A_197, %lt3A_200 : i32
    %lt3A_202 = arith.constant 0 : i32
    %lt3A_203 = arith.cmpi slt, %select_n3A_196, %lt3A_202 : i32
    %ne3A_204 = arith.xori %lt3A_201, %lt3A_203 : i1
    %and3A_205 = arith.andi %ne3A_204, %ne3A_199 : i1
    %add3A_206 = arith.addi %rem3A_197, %select_n3A_196 : i32
    %select_n3A_207 = arith.select %and3A_205, %add3A_206, %rem3A_197 : i32
    %dma_start3A_208 = arith.constant 1 : i32
    %dma_start3A_209 = arith.constant 1 : i32
    %dma_start3A_210 = arith.constant 0 : i32
    %dma_start3A_211 = arith.constant 0 : i32
    %dma_start3A_212 = tpu.memref_slice %arg5[%dma_start3A_209, %dma_start3A_210, %dma_start3A_211] : memref<4x3x128xi32, #tpu.memory_space<vmem>> -> memref<1x3x128xi32, #tpu.memory_space<vmem>>
    %dma_start3A_213 = tpu.memref_squeeze %dma_start3A_212 : memref<1x3x128xi32, #tpu.memory_space<vmem>> -> memref<3x128xi32, #tpu.memory_space<vmem>>
    %dma_start3A_214 = arith.constant 0 : i32
    %dma_start3A_215 = arith.constant 0 : i32
    %dma_start3A_216 = tpu.memref_slice %arg2[%dma_start3A_214, %select_n3A_191, %select_n3A_207, %dma_start3A_208, %dma_start3A_215] : memref<3x16x16x8x128xi32, #tpu.memory_space<hbm>> -> memref<3x1x1x1x128xi32, #tpu.memory_space<hbm>>
    %dma_start3A_217 = tpu.memref_squeeze %dma_start3A_216 : memref<3x1x1x1x128xi32, #tpu.memory_space<hbm>> -> memref<3x128xi32, #tpu.memory_space<hbm>>
    %dma_start3A_218 = arith.constant 0 : i32
    %dma_start3A_219 = arith.constant 0 : i32
    %dma_start3A_220 = tpu.memref_slice %arg5[%dma_start3A_209, %dma_start3A_218, %dma_start3A_219] : memref<4x3x128xi32, #tpu.memory_space<vmem>> -> memref<1x3x128xi32, #tpu.memory_space<vmem>>
    %dma_start3A_221 = tpu.memref_squeeze %dma_start3A_220 : memref<1x3x128xi32, #tpu.memory_space<vmem>> -> memref<3x128xi32, #tpu.memory_space<vmem>>
    %dma_start3A_222 = arith.constant 0 : i32
    %dma_start3A_223 = arith.constant 0 : i32
    %dma_start3A_224 = tpu.memref_slice %arg2[%dma_start3A_222, %select_n3A_191, %select_n3A_207, %dma_start3A_208, %dma_start3A_223] : memref<3x16x16x8x128xi32, #tpu.memory_space<hbm>> -> memref<3x1x1x1x128xi32, #tpu.memory_space<hbm>>
    %dma_start3A_225 = tpu.memref_squeeze %dma_start3A_224 : memref<3x1x1x1x128xi32, #tpu.memory_space<hbm>> -> memref<3x128xi32, #tpu.memory_space<hbm>>
    tpu.enqueue_dma source(%dma_start3A_225 : memref<3x128xi32, #tpu.memory_space<hbm>>) target(%dma_start3A_221 : memref<3x128xi32, #tpu.memory_space<vmem>>) target_semaphore(%arg13 : memref<!tpu.dma_semaphore, #tpu.memory_space<semaphore_mem>>)
    %mul3A_226 = arith.constant 8 : i32
    %mul3A_227 = arith.muli %add3A, %mul3A_226 : i32
    %add3A_228 = arith.constant 0 : i32
    %add3A_229 = arith.addi %mul3A_227, %add3A_228 : i32
    %jit3A_230 = arith.constant 16 : i32
    %div3A_231 = arith.divsi %add3A_229, %jit3A_230 : i32
    %sign3A_232 = arith.constant 0 : i32
    %sign3A_233 = arith.cmpi sgt, %add3A_229, %sign3A_232 : i32
    %sign3A_234 = arith.extui %sign3A_233 : i1 to i32
    %sign3A_235 = arith.constant 0 : i32
    %sign3A_236 = arith.cmpi slt, %add3A_229, %sign3A_235 : i32
    %sign3A_237 = arith.extui %sign3A_236 : i1 to i32
    %sign3A_238 = arith.subi %sign3A_234, %sign3A_237 : i32
    %sign3A_239 = arith.constant 0 : i32
    %sign3A_240 = arith.cmpi sgt, %jit3A_230, %sign3A_239 : i32
    %sign3A_241 = arith.extui %sign3A_240 : i1 to i32
    %sign3A_242 = arith.constant 0 : i32
    %sign3A_243 = arith.cmpi slt, %jit3A_230, %sign3A_242 : i32
    %sign3A_244 = arith.extui %sign3A_243 : i1 to i32
    %sign3A_245 = arith.subi %sign3A_241, %sign3A_244 : i32
    %ne3A_246 = arith.cmpi ne, %sign3A_238, %sign3A_245 : i32
    %rem3A_247 = arith.remsi %add3A_229, %jit3A_230 : i32
    %ne3A_248 = arith.constant 0 : i32
    %ne3A_249 = arith.cmpi ne, %rem3A_247, %ne3A_248 : i32
    %and3A_250 = arith.andi %ne3A_246, %ne3A_249 : i1
    %sub3A_251 = arith.constant 1 : i32
    %sub3A_252 = arith.subi %div3A_231, %sub3A_251 : i32
    %select_n3A_253 = arith.select %and3A_250, %sub3A_252, %div3A_231 : i32
    %jit3A_254 = arith.constant 16 : i32
    %eq3A_255 = arith.constant 0 : i32
    %eq3A_256 = arith.cmpi eq, %jit3A_254, %eq3A_255 : i32
    %jit3A_257 = arith.constant 1 : i32
    %select_n3A_258 = arith.select %eq3A_256, %jit3A_257, %jit3A_254 : i32
    %rem3A_259 = arith.remsi %add3A_229, %select_n3A_258 : i32
    %ne3A_260 = arith.constant 0 : i32
    %ne3A_261 = arith.cmpi ne, %rem3A_259, %ne3A_260 : i32
    %lt3A_262 = arith.constant 0 : i32
    %lt3A_263 = arith.cmpi slt, %rem3A_259, %lt3A_262 : i32
    %lt3A_264 = arith.constant 0 : i32
    %lt3A_265 = arith.cmpi slt, %select_n3A_258, %lt3A_264 : i32
    %ne3A_266 = arith.xori %lt3A_263, %lt3A_265 : i1
    %and3A_267 = arith.andi %ne3A_266, %ne3A_261 : i1
    %add3A_268 = arith.addi %rem3A_259, %select_n3A_258 : i32
    %select_n3A_269 = arith.select %and3A_267, %add3A_268, %rem3A_259 : i32
    %dma_wait3A_270 = arith.constant 1 : i32
    %dma_wait3A_271 = arith.constant 1 : i32
    %dma_wait3A_272 = arith.constant 0 : i32
    %dma_wait3A_273 = arith.constant 0 : i32
    %dma_wait3A_274 = tpu.memref_slice %arg5[%dma_wait3A_271, %dma_wait3A_272, %dma_wait3A_273] : memref<4x3x128xi32, #tpu.memory_space<vmem>> -> memref<1x3x128xi32, #tpu.memory_space<vmem>>
    %dma_wait3A_275 = tpu.memref_squeeze %dma_wait3A_274 : memref<1x3x128xi32, #tpu.memory_space<vmem>> -> memref<3x128xi32, #tpu.memory_space<vmem>>
    %dma_wait3A_276 = arith.constant 0 : i32
    %dma_wait3A_277 = arith.constant 0 : i32
    %dma_wait3A_278 = tpu.memref_slice %arg2[%dma_wait3A_276, %select_n3A_253, %select_n3A_269, %dma_wait3A_270, %dma_wait3A_277] : memref<3x16x16x8x128xi32, #tpu.memory_space<hbm>> -> memref<3x1x1x1x128xi32, #tpu.memory_space<hbm>>
    %dma_wait3A_279 = tpu.memref_squeeze %dma_wait3A_278 : memref<3x1x1x1x128xi32, #tpu.memory_space<hbm>> -> memref<3x128xi32, #tpu.memory_space<hbm>>
    %dma_wait3A_280 = arith.constant 0 : i32
    %dma_wait3A_281 = arith.constant 0 : i32
    %dma_wait3A_282 = tpu.memref_slice %arg5[%dma_wait3A_271, %dma_wait3A_280, %dma_wait3A_281] : memref<4x3x128xi32, #tpu.memory_space<vmem>> -> memref<1x3x128xi32, #tpu.memory_space<vmem>>
    %dma_wait3A_283 = tpu.memref_squeeze %dma_wait3A_282 : memref<1x3x128xi32, #tpu.memory_space<vmem>> -> memref<3x128xi32, #tpu.memory_space<vmem>>
    %dma_wait3A_284 = arith.constant 0 : i32
    %dma_wait3A_285 = arith.constant 0 : i32
    %dma_wait3A_286 = tpu.memref_slice %arg2[%dma_wait3A_284, %select_n3A_253, %select_n3A_269, %dma_wait3A_270, %dma_wait3A_285] : memref<3x16x16x8x128xi32, #tpu.memory_space<hbm>> -> memref<3x1x1x1x128xi32, #tpu.memory_space<hbm>>
    %dma_wait3A_287 = tpu.memref_squeeze %dma_wait3A_286 : memref<3x1x1x1x128xi32, #tpu.memory_space<hbm>> -> memref<3x128xi32, #tpu.memory_space<hbm>>
    tpu.wait_dma2 semaphore(%arg13 : memref<!tpu.dma_semaphore, #tpu.memory_space<semaphore_mem>>) src(%dma_wait3A_287 : memref<3x128xi32, #tpu.memory_space<hbm>>) dst(%dma_wait3A_283 : memref<3x128xi32, #tpu.memory_space<vmem>>)
    %dma_start3A_288 = arith.constant 1 : i32
    %dma_start3A_289 = arith.constant 0 : i32
    %dma_start3A_290 = arith.constant 1 : i32
    %dma_start3A_291 = arith.constant 0 : i32
    %dma_start3A_292 = arith.constant 0 : i32
    %dma_start3A_293 = tpu.memref_slice %arg6[%dma_start3A_290, %dma_start3A_291, %dma_start3A_292] : memref<4x384x64xf32, #tpu.memory_space<vmem>> -> memref<1x128x64xf32, #tpu.memory_space<vmem>>
    %dma_start3A_294 = tpu.memref_squeeze %dma_start3A_293 : memref<1x128x64xf32, #tpu.memory_space<vmem>> -> memref<128x64xf32, #tpu.memory_space<vmem>>
    %dma_start3A_295 = arith.constant 0 : i32
    %dma_start3A_296 = tpu.memref_slice %arg5[%dma_start3A_288, %dma_start3A_289, %dma_start3A_295] : memref<4x3x128xi32, #tpu.memory_space<vmem>> -> memref<1x1x128xi32, #tpu.memory_space<vmem>>
    %dma_start3A_297 = tpu.memref_squeeze %dma_start3A_296 : memref<1x1x128xi32, #tpu.memory_space<vmem>> -> memref<128xi32, #tpu.memory_space<vmem>>
    %dma_start3A_298 = arith.constant 0 : i32
    %dma_start3A_299 = arith.constant 0 : i32
    %dma_start3A_300 = tpu.memref_slice %arg3[%dma_start3A_298, %dma_start3A_299] : memref<100000x64xf32, #tpu.memory_space<hbm>> -> memref<100000x64xf32, #tpu.memory_space<hbm>>
    tpu.enqueue_indirect_dma source(%dma_start3A_300 : memref<100000x64xf32, #tpu.memory_space<hbm>>) target(%dma_start3A_294 : memref<128x64xf32, #tpu.memory_space<vmem>>) offsets(%dma_start3A_297 : memref<128xi32, #tpu.memory_space<vmem>>) semaphore(%arg9 : memref<!tpu.dma_semaphore, #tpu.memory_space<semaphore_mem>>)
    %dma_start3A_301 = arith.constant 1 : i32
    %dma_start3A_302 = arith.constant 1 : i32
    %dma_start3A_303 = arith.constant 1 : i32
    %dma_start3A_304 = arith.constant 128 : i32
    %dma_start3A_305 = arith.constant 0 : i32
    %dma_start3A_306 = tpu.memref_slice %arg6[%dma_start3A_303, %dma_start3A_304, %dma_start3A_305] : memref<4x384x64xf32, #tpu.memory_space<vmem>> -> memref<1x128x64xf32, #tpu.memory_space<vmem>>
    %dma_start3A_307 = tpu.memref_squeeze %dma_start3A_306 : memref<1x128x64xf32, #tpu.memory_space<vmem>> -> memref<128x64xf32, #tpu.memory_space<vmem>>
    %dma_start3A_308 = arith.constant 0 : i32
    %dma_start3A_309 = tpu.memref_slice %arg5[%dma_start3A_301, %dma_start3A_302, %dma_start3A_308] : memref<4x3x128xi32, #tpu.memory_space<vmem>> -> memref<1x1x128xi32, #tpu.memory_space<vmem>>
    %dma_start3A_310 = tpu.memref_squeeze %dma_start3A_309 : memref<1x1x128xi32, #tpu.memory_space<vmem>> -> memref<128xi32, #tpu.memory_space<vmem>>
    %dma_start3A_311 = arith.constant 0 : i32
    %dma_start3A_312 = arith.constant 0 : i32
    %dma_start3A_313 = tpu.memref_slice %arg3[%dma_start3A_311, %dma_start3A_312] : memref<100000x64xf32, #tpu.memory_space<hbm>> -> memref<100000x64xf32, #tpu.memory_space<hbm>>
    tpu.enqueue_indirect_dma source(%dma_start3A_313 : memref<100000x64xf32, #tpu.memory_space<hbm>>) target(%dma_start3A_307 : memref<128x64xf32, #tpu.memory_space<vmem>>) offsets(%dma_start3A_310 : memref<128xi32, #tpu.memory_space<vmem>>) semaphore(%arg9 : memref<!tpu.dma_semaphore, #tpu.memory_space<semaphore_mem>>)
    %dma_start3A_314 = arith.constant 1 : i32
    %dma_start3A_315 = arith.constant 2 : i32
    %dma_start3A_316 = arith.constant 1 : i32
    %dma_start3A_317 = arith.constant 256 : i32
    %dma_start3A_318 = arith.constant 0 : i32
    %dma_start3A_319 = tpu.memref_slice %arg6[%dma_start3A_316, %dma_start3A_317, %dma_start3A_318] : memref<4x384x64xf32, #tpu.memory_space<vmem>> -> memref<1x128x64xf32, #tpu.memory_space<vmem>>
    %dma_start3A_320 = tpu.memref_squeeze %dma_start3A_319 : memref<1x128x64xf32, #tpu.memory_space<vmem>> -> memref<128x64xf32, #tpu.memory_space<vmem>>
    %dma_start3A_321 = arith.constant 0 : i32
    %dma_start3A_322 = tpu.memref_slice %arg5[%dma_start3A_314, %dma_start3A_315, %dma_start3A_321] : memref<4x3x128xi32, #tpu.memory_space<vmem>> -> memref<1x1x128xi32, #tpu.memory_space<vmem>>
    %dma_start3A_323 = tpu.memref_squeeze %dma_start3A_322 : memref<1x1x128xi32, #tpu.memory_space<vmem>> -> memref<128xi32, #tpu.memory_space<vmem>>
    %dma_start3A_324 = arith.constant 0 : i32
    %dma_start3A_325 = arith.constant 0 : i32
    %dma_start3A_326 = tpu.memref_slice %arg3[%dma_start3A_324, %dma_start3A_325] : memref<100000x64xf32, #tpu.memory_space<hbm>> -> memref<100000x64xf32, #tpu.memory_space<hbm>>
    tpu.enqueue_indirect_dma source(%dma_start3A_326 : memref<100000x64xf32, #tpu.memory_space<hbm>>) target(%dma_start3A_320 : memref<128x64xf32, #tpu.memory_space<vmem>>) offsets(%dma_start3A_323 : memref<128xi32, #tpu.memory_space<vmem>>) semaphore(%arg9 : memref<!tpu.dma_semaphore, #tpu.memory_space<semaphore_mem>>)
    %mul3A_327 = arith.constant 8 : i32
    %mul3A_328 = arith.muli %add3A, %mul3A_327 : i32
    %add3A_329 = arith.constant 0 : i32
    %add3A_330 = arith.addi %mul3A_328, %add3A_329 : i32
    %jit3A_331 = arith.constant 16 : i32
    %div3A_332 = arith.divsi %add3A_330, %jit3A_331 : i32
    %sign3A_333 = arith.constant 0 : i32
    %sign3A_334 = arith.cmpi sgt, %add3A_330, %sign3A_333 : i32
    %sign3A_335 = arith.extui %sign3A_334 : i1 to i32
    %sign3A_336 = arith.constant 0 : i32
    %sign3A_337 = arith.cmpi slt, %add3A_330, %sign3A_336 : i32
    %sign3A_338 = arith.extui %sign3A_337 : i1 to i32
    %sign3A_339 = arith.subi %sign3A_335, %sign3A_338 : i32
    %sign3A_340 = arith.constant 0 : i32
    %sign3A_341 = arith.cmpi sgt, %jit3A_331, %sign3A_340 : i32
    %sign3A_342 = arith.extui %sign3A_341 : i1 to i32
    %sign3A_343 = arith.constant 0 : i32
    %sign3A_344 = arith.cmpi slt, %jit3A_331, %sign3A_343 : i32
    %sign3A_345 = arith.extui %sign3A_344 : i1 to i32
    %sign3A_346 = arith.subi %sign3A_342, %sign3A_345 : i32
    %ne3A_347 = arith.cmpi ne, %sign3A_339, %sign3A_346 : i32
    %rem3A_348 = arith.remsi %add3A_330, %jit3A_331 : i32
    %ne3A_349 = arith.constant 0 : i32
    %ne3A_350 = arith.cmpi ne, %rem3A_348, %ne3A_349 : i32
    %and3A_351 = arith.andi %ne3A_347, %ne3A_350 : i1
    %sub3A_352 = arith.constant 1 : i32
    %sub3A_353 = arith.subi %div3A_332, %sub3A_352 : i32
    %select_n3A_354 = arith.select %and3A_351, %sub3A_353, %div3A_332 : i32
    %jit3A_355 = arith.constant 16 : i32
    %eq3A_356 = arith.constant 0 : i32
    %eq3A_357 = arith.cmpi eq, %jit3A_355, %eq3A_356 : i32
    %jit3A_358 = arith.constant 1 : i32
    %select_n3A_359 = arith.select %eq3A_357, %jit3A_358, %jit3A_355 : i32
    %rem3A_360 = arith.remsi %add3A_330, %select_n3A_359 : i32
    %ne3A_361 = arith.constant 0 : i32
    %ne3A_362 = arith.cmpi ne, %rem3A_360, %ne3A_361 : i32
    %lt3A_363 = arith.constant 0 : i32
    %lt3A_364 = arith.cmpi slt, %rem3A_360, %lt3A_363 : i32
    %lt3A_365 = arith.constant 0 : i32
    %lt3A_366 = arith.cmpi slt, %select_n3A_359, %lt3A_365 : i32
    %ne3A_367 = arith.xori %lt3A_364, %lt3A_366 : i1
    %and3A_368 = arith.andi %ne3A_367, %ne3A_362 : i1
    %add3A_369 = arith.addi %rem3A_360, %select_n3A_359 : i32
    %select_n3A_370 = arith.select %and3A_368, %add3A_369, %rem3A_360 : i32
    %dma_start3A_371 = arith.constant 2 : i32
    %dma_start3A_372 = arith.constant 2 : i32
    %dma_start3A_373 = arith.constant 0 : i32
    %dma_start3A_374 = arith.constant 0 : i32
    %dma_start3A_375 = tpu.memref_slice %arg5[%dma_start3A_372, %dma_start3A_373, %dma_start3A_374] : memref<4x3x128xi32, #tpu.memory_space<vmem>> -> memref<1x3x128xi32, #tpu.memory_space<vmem>>
    %dma_start3A_376 = tpu.memref_squeeze %dma_start3A_375 : memref<1x3x128xi32, #tpu.memory_space<vmem>> -> memref<3x128xi32, #tpu.memory_space<vmem>>
    %dma_start3A_377 = arith.constant 0 : i32
    %dma_start3A_378 = arith.constant 0 : i32
    %dma_start3A_379 = tpu.memref_slice %arg2[%dma_start3A_377, %select_n3A_354, %select_n3A_370, %dma_start3A_371, %dma_start3A_378] : memref<3x16x16x8x128xi32, #tpu.memory_space<hbm>> -> memref<3x1x1x1x128xi32, #tpu.memory_space<hbm>>
    %dma_start3A_380 = tpu.memref_squeeze %dma_start3A_379 : memref<3x1x1x1x128xi32, #tpu.memory_space<hbm>> -> memref<3x128xi32, #tpu.memory_space<hbm>>
    %dma_start3A_381 = arith.constant 0 : i32
    %dma_start3A_382 = arith.constant 0 : i32
    %dma_start3A_383 = tpu.memref_slice %arg5[%dma_start3A_372, %dma_start3A_381, %dma_start3A_382] : memref<4x3x128xi32, #tpu.memory_space<vmem>> -> memref<1x3x128xi32, #tpu.memory_space<vmem>>
    %dma_start3A_384 = tpu.memref_squeeze %dma_start3A_383 : memref<1x3x128xi32, #tpu.memory_space<vmem>> -> memref<3x128xi32, #tpu.memory_space<vmem>>
    %dma_start3A_385 = arith.constant 0 : i32
    %dma_start3A_386 = arith.constant 0 : i32
    %dma_start3A_387 = tpu.memref_slice %arg2[%dma_start3A_385, %select_n3A_354, %select_n3A_370, %dma_start3A_371, %dma_start3A_386] : memref<3x16x16x8x128xi32, #tpu.memory_space<hbm>> -> memref<3x1x1x1x128xi32, #tpu.memory_space<hbm>>
    %dma_start3A_388 = tpu.memref_squeeze %dma_start3A_387 : memref<3x1x1x1x128xi32, #tpu.memory_space<hbm>> -> memref<3x128xi32, #tpu.memory_space<hbm>>
    tpu.enqueue_dma source(%dma_start3A_388 : memref<3x128xi32, #tpu.memory_space<hbm>>) target(%dma_start3A_384 : memref<3x128xi32, #tpu.memory_space<vmem>>) target_semaphore(%arg14 : memref<!tpu.dma_semaphore, #tpu.memory_space<semaphore_mem>>)
    %scan3A = arith.constant 0.333333343 : f32
    %scan3A_389 = arith.constant 0 : i32
    %scan3A_390 = arith.constant 0 : i32
    %scan3A_391 = arith.constant 16 : i32
    %scan3A_392 = arith.addi %scan3A_390, %scan3A_391 : i32
    %scan3A_393 = arith.constant 1 : i32
    %scan3A_394 = scf.for %scan3A_495 = %scan3A_390 to %scan3A_392 step %scan3A_393 iter_args(%scan3A_496 = %scan3A_389) -> (i32)  : i32 {
      %mul3A_497 = arith.constant 4 : i32
      %mul3A_498 = arith.muli %scan3A_495, %mul3A_497 : i32
      %add3A_499 = arith.constant 0 : i32
      %add3A_500 = arith.addi %mul3A_498, %add3A_499 : i32
      %add3A_501 = arith.constant 2 : i32
      %add3A_502 = arith.addi %add3A_500, %add3A_501 : i32
      %lt3A_503 = arith.constant 64 : i32
      %lt3A_504 = arith.cmpi slt, %add3A_502, %lt3A_503 : i32
      %convert_element_type3A = arith.extui %lt3A_504 : i1 to i32
      %cond3A = arith.constant 0 : i32
      %cond3A_505 = arith.cmpi ne, %convert_element_type3A, %cond3A : i32
      scf.if %cond3A_505 {
        %add3A_1300 = arith.constant 2 : i32
        %add3A_1301 = arith.addi %add3A_500, %add3A_1300 : i32
        %mul3A_1302 = arith.constant 8 : i32
        %mul3A_1303 = arith.muli %add3A, %mul3A_1302 : i32
        %jit3A_1304 = arith.constant 8 : i32
        %div3A_1305 = arith.divsi %add3A_1301, %jit3A_1304 : i32
        %sign3A_1306 = arith.constant 0 : i32
        %sign3A_1307 = arith.cmpi sgt, %add3A_1301, %sign3A_1306 : i32
        %sign3A_1308 = arith.extui %sign3A_1307 : i1 to i32
        %sign3A_1309 = arith.constant 0 : i32
        %sign3A_1310 = arith.cmpi slt, %add3A_1301, %sign3A_1309 : i32
        %sign3A_1311 = arith.extui %sign3A_1310 : i1 to i32
        %sign3A_1312 = arith.subi %sign3A_1308, %sign3A_1311 : i32
        %sign3A_1313 = arith.constant 0 : i32
        %sign3A_1314 = arith.cmpi sgt, %jit3A_1304, %sign3A_1313 : i32
        %sign3A_1315 = arith.extui %sign3A_1314 : i1 to i32
        %sign3A_1316 = arith.constant 0 : i32
        %sign3A_1317 = arith.cmpi slt, %jit3A_1304, %sign3A_1316 : i32
        %sign3A_1318 = arith.extui %sign3A_1317 : i1 to i32
        %sign3A_1319 = arith.subi %sign3A_1315, %sign3A_1318 : i32
        %ne3A_1320 = arith.cmpi ne, %sign3A_1312, %sign3A_1319 : i32
        %rem3A_1321 = arith.remsi %add3A_1301, %jit3A_1304 : i32
        %ne3A_1322 = arith.constant 0 : i32
        %ne3A_1323 = arith.cmpi ne, %rem3A_1321, %ne3A_1322 : i32
        %and3A_1324 = arith.andi %ne3A_1320, %ne3A_1323 : i1
        %sub3A_1325 = arith.constant 1 : i32
        %sub3A_1326 = arith.subi %div3A_1305, %sub3A_1325 : i32
        %select_n3A_1327 = arith.select %and3A_1324, %sub3A_1326, %div3A_1305 : i32
        %add3A_1328 = arith.addi %mul3A_1303, %select_n3A_1327 : i32
        %jit3A_1329 = arith.constant 8 : i32
        %eq3A_1330 = arith.constant 0 : i32
        %eq3A_1331 = arith.cmpi eq, %jit3A_1329, %eq3A_1330 : i32
        %jit3A_1332 = arith.constant 1 : i32
        %select_n3A_1333 = arith.select %eq3A_1331, %jit3A_1332, %jit3A_1329 : i32
        %rem3A_1334 = arith.remsi %add3A_1301, %select_n3A_1333 : i32
        %ne3A_1335 = arith.constant 0 : i32
        %ne3A_1336 = arith.cmpi ne, %rem3A_1334, %ne3A_1335 : i32
        %lt3A_1337 = arith.constant 0 : i32
        %lt3A_1338 = arith.cmpi slt, %rem3A_1334, %lt3A_1337 : i32
        %lt3A_1339 = arith.constant 0 : i32
        %lt3A_1340 = arith.cmpi slt, %select_n3A_1333, %lt3A_1339 : i32
        %ne3A_1341 = arith.xori %lt3A_1338, %lt3A_1340 : i1
        %and3A_1342 = arith.andi %ne3A_1341, %ne3A_1336 : i1
        %add3A_1343 = arith.addi %rem3A_1334, %select_n3A_1333 : i32
        %select_n3A_1344 = arith.select %and3A_1342, %add3A_1343, %rem3A_1334 : i32
        %jit3A_1345 = arith.constant 16 : i32
        %div3A_1346 = arith.divsi %add3A_1328, %jit3A_1345 : i32
        %sign3A_1347 = arith.constant 0 : i32
        %sign3A_1348 = arith.cmpi sgt, %add3A_1328, %sign3A_1347 : i32
        %sign3A_1349 = arith.extui %sign3A_1348 : i1 to i32
        %sign3A_1350 = arith.constant 0 : i32
        %sign3A_1351 = arith.cmpi slt, %add3A_1328, %sign3A_1350 : i32
        %sign3A_1352 = arith.extui %sign3A_1351 : i1 to i32
        %sign3A_1353 = arith.subi %sign3A_1349, %sign3A_1352 : i32
        %sign3A_1354 = arith.constant 0 : i32
        %sign3A_1355 = arith.cmpi sgt, %jit3A_1345, %sign3A_1354 : i32
        %sign3A_1356 = arith.extui %sign3A_1355 : i1 to i32
        %sign3A_1357 = arith.constant 0 : i32
        %sign3A_1358 = arith.cmpi slt, %jit3A_1345, %sign3A_1357 : i32
        %sign3A_1359 = arith.extui %sign3A_1358 : i1 to i32
        %sign3A_1360 = arith.subi %sign3A_1356, %sign3A_1359 : i32
        %ne3A_1361 = arith.cmpi ne, %sign3A_1353, %sign3A_1360 : i32
        %rem3A_1362 = arith.remsi %add3A_1328, %jit3A_1345 : i32
        %ne3A_1363 = arith.constant 0 : i32
        %ne3A_1364 = arith.cmpi ne, %rem3A_1362, %ne3A_1363 : i32
        %and3A_1365 = arith.andi %ne3A_1361, %ne3A_1364 : i1
        %sub3A_1366 = arith.constant 1 : i32
        %sub3A_1367 = arith.subi %div3A_1346, %sub3A_1366 : i32
        %select_n3A_1368 = arith.select %and3A_1365, %sub3A_1367, %div3A_1346 : i32
        %jit3A_1369 = arith.constant 16 : i32
        %eq3A_1370 = arith.constant 0 : i32
        %eq3A_1371 = arith.cmpi eq, %jit3A_1369, %eq3A_1370 : i32
        %jit3A_1372 = arith.constant 1 : i32
        %select_n3A_1373 = arith.select %eq3A_1371, %jit3A_1372, %jit3A_1369 : i32
        %rem3A_1374 = arith.remsi %add3A_1328, %select_n3A_1373 : i32
        %ne3A_1375 = arith.constant 0 : i32
        %ne3A_1376 = arith.cmpi ne, %rem3A_1374, %ne3A_1375 : i32
        %lt3A_1377 = arith.constant 0 : i32
        %lt3A_1378 = arith.cmpi slt, %rem3A_1374, %lt3A_1377 : i32
        %lt3A_1379 = arith.constant 0 : i32
        %lt3A_1380 = arith.cmpi slt, %select_n3A_1373, %lt3A_1379 : i32
        %ne3A_1381 = arith.xori %lt3A_1378, %lt3A_1380 : i1
        %and3A_1382 = arith.andi %ne3A_1381, %ne3A_1376 : i1
        %add3A_1383 = arith.addi %rem3A_1374, %select_n3A_1373 : i32
        %select_n3A_1384 = arith.select %and3A_1382, %add3A_1383, %rem3A_1374 : i32
        %dma_wait3A_1385 = arith.constant 2 : i32
        %dma_wait3A_1386 = arith.constant 0 : i32
        %dma_wait3A_1387 = arith.constant 0 : i32
        %dma_wait3A_1388 = tpu.memref_slice %arg5[%dma_wait3A_1385, %dma_wait3A_1386, %dma_wait3A_1387] : memref<4x3x128xi32, #tpu.memory_space<vmem>> -> memref<1x3x128xi32, #tpu.memory_space<vmem>>
        %dma_wait3A_1389 = tpu.memref_squeeze %dma_wait3A_1388 : memref<1x3x128xi32, #tpu.memory_space<vmem>> -> memref<3x128xi32, #tpu.memory_space<vmem>>
        %dma_wait3A_1390 = arith.constant 0 : i32
        %dma_wait3A_1391 = arith.constant 0 : i32
        %dma_wait3A_1392 = tpu.memref_slice %arg2[%dma_wait3A_1390, %select_n3A_1368, %select_n3A_1384, %select_n3A_1344, %dma_wait3A_1391] : memref<3x16x16x8x128xi32, #tpu.memory_space<hbm>> -> memref<3x1x1x1x128xi32, #tpu.memory_space<hbm>>
        %dma_wait3A_1393 = tpu.memref_squeeze %dma_wait3A_1392 : memref<3x1x1x1x128xi32, #tpu.memory_space<hbm>> -> memref<3x128xi32, #tpu.memory_space<hbm>>
        %dma_wait3A_1394 = arith.constant 0 : i32
        %dma_wait3A_1395 = arith.constant 0 : i32
        %dma_wait3A_1396 = tpu.memref_slice %arg5[%dma_wait3A_1385, %dma_wait3A_1394, %dma_wait3A_1395] : memref<4x3x128xi32, #tpu.memory_space<vmem>> -> memref<1x3x128xi32, #tpu.memory_space<vmem>>
        %dma_wait3A_1397 = tpu.memref_squeeze %dma_wait3A_1396 : memref<1x3x128xi32, #tpu.memory_space<vmem>> -> memref<3x128xi32, #tpu.memory_space<vmem>>
        %dma_wait3A_1398 = arith.constant 0 : i32
        %dma_wait3A_1399 = arith.constant 0 : i32
        %dma_wait3A_1400 = tpu.memref_slice %arg2[%dma_wait3A_1398, %select_n3A_1368, %select_n3A_1384, %select_n3A_1344, %dma_wait3A_1399] : memref<3x16x16x8x128xi32, #tpu.memory_space<hbm>> -> memref<3x1x1x1x128xi32, #tpu.memory_space<hbm>>
        %dma_wait3A_1401 = tpu.memref_squeeze %dma_wait3A_1400 : memref<3x1x1x1x128xi32, #tpu.memory_space<hbm>> -> memref<3x128xi32, #tpu.memory_space<hbm>>
        tpu.wait_dma2 semaphore(%arg14 : memref<!tpu.dma_semaphore, #tpu.memory_space<semaphore_mem>>) src(%dma_wait3A_1401 : memref<3x128xi32, #tpu.memory_space<hbm>>) dst(%dma_wait3A_1397 : memref<3x128xi32, #tpu.memory_space<vmem>>)
        %dma_start3A_1402 = arith.constant 2 : i32
        %dma_start3A_1403 = arith.constant 0 : i32
        %dma_start3A_1404 = arith.constant 2 : i32
        %dma_start3A_1405 = arith.constant 0 : i32
        %dma_start3A_1406 = arith.constant 0 : i32
        %dma_start3A_1407 = tpu.memref_slice %arg6[%dma_start3A_1404, %dma_start3A_1405, %dma_start3A_1406] : memref<4x384x64xf32, #tpu.memory_space<vmem>> -> memref<1x128x64xf32, #tpu.memory_space<vmem>>
        %dma_start3A_1408 = tpu.memref_squeeze %dma_start3A_1407 : memref<1x128x64xf32, #tpu.memory_space<vmem>> -> memref<128x64xf32, #tpu.memory_space<vmem>>
        %dma_start3A_1409 = arith.constant 0 : i32
        %dma_start3A_1410 = tpu.memref_slice %arg5[%dma_start3A_1402, %dma_start3A_1403, %dma_start3A_1409] : memref<4x3x128xi32, #tpu.memory_space<vmem>> -> memref<1x1x128xi32, #tpu.memory_space<vmem>>
        %dma_start3A_1411 = tpu.memref_squeeze %dma_start3A_1410 : memref<1x1x128xi32, #tpu.memory_space<vmem>> -> memref<128xi32, #tpu.memory_space<vmem>>
        %dma_start3A_1412 = arith.constant 0 : i32
        %dma_start3A_1413 = arith.constant 0 : i32
        %dma_start3A_1414 = tpu.memref_slice %arg3[%dma_start3A_1412, %dma_start3A_1413] : memref<100000x64xf32, #tpu.memory_space<hbm>> -> memref<100000x64xf32, #tpu.memory_space<hbm>>
        tpu.enqueue_indirect_dma source(%dma_start3A_1414 : memref<100000x64xf32, #tpu.memory_space<hbm>>) target(%dma_start3A_1408 : memref<128x64xf32, #tpu.memory_space<vmem>>) offsets(%dma_start3A_1411 : memref<128xi32, #tpu.memory_space<vmem>>) semaphore(%arg10 : memref<!tpu.dma_semaphore, #tpu.memory_space<semaphore_mem>>)
        %dma_start3A_1415 = arith.constant 2 : i32
        %dma_start3A_1416 = arith.constant 1 : i32
        %dma_start3A_1417 = arith.constant 2 : i32
        %dma_start3A_1418 = arith.constant 128 : i32
        %dma_start3A_1419 = arith.constant 0 : i32
        %dma_start3A_1420 = tpu.memref_slice %arg6[%dma_start3A_1417, %dma_start3A_1418, %dma_start3A_1419] : memref<4x384x64xf32, #tpu.memory_space<vmem>> -> memref<1x128x64xf32, #tpu.memory_space<vmem>>
        %dma_start3A_1421 = tpu.memref_squeeze %dma_start3A_1420 : memref<1x128x64xf32, #tpu.memory_space<vmem>> -> memref<128x64xf32, #tpu.memory_space<vmem>>
        %dma_start3A_1422 = arith.constant 0 : i32
        %dma_start3A_1423 = tpu.memref_slice %arg5[%dma_start3A_1415, %dma_start3A_1416, %dma_start3A_1422] : memref<4x3x128xi32, #tpu.memory_space<vmem>> -> memref<1x1x128xi32, #tpu.memory_space<vmem>>
        %dma_start3A_1424 = tpu.memref_squeeze %dma_start3A_1423 : memref<1x1x128xi32, #tpu.memory_space<vmem>> -> memref<128xi32, #tpu.memory_space<vmem>>
        %dma_start3A_1425 = arith.constant 0 : i32
        %dma_start3A_1426 = arith.constant 0 : i32
        %dma_start3A_1427 = tpu.memref_slice %arg3[%dma_start3A_1425, %dma_start3A_1426] : memref<100000x64xf32, #tpu.memory_space<hbm>> -> memref<100000x64xf32, #tpu.memory_space<hbm>>
        tpu.enqueue_indirect_dma source(%dma_start3A_1427 : memref<100000x64xf32, #tpu.memory_space<hbm>>) target(%dma_start3A_1421 : memref<128x64xf32, #tpu.memory_space<vmem>>) offsets(%dma_start3A_1424 : memref<128xi32, #tpu.memory_space<vmem>>) semaphore(%arg10 : memref<!tpu.dma_semaphore, #tpu.memory_space<semaphore_mem>>)
        %dma_start3A_1428 = arith.constant 2 : i32
        %dma_start3A_1429 = arith.constant 2 : i32
        %dma_start3A_1430 = arith.constant 2 : i32
        %dma_start3A_1431 = arith.constant 256 : i32
        %dma_start3A_1432 = arith.constant 0 : i32
        %dma_start3A_1433 = tpu.memref_slice %arg6[%dma_start3A_1430, %dma_start3A_1431, %dma_start3A_1432] : memref<4x384x64xf32, #tpu.memory_space<vmem>> -> memref<1x128x64xf32, #tpu.memory_space<vmem>>
        %dma_start3A_1434 = tpu.memref_squeeze %dma_start3A_1433 : memref<1x128x64xf32, #tpu.memory_space<vmem>> -> memref<128x64xf32, #tpu.memory_space<vmem>>
        %dma_start3A_1435 = arith.constant 0 : i32
        %dma_start3A_1436 = tpu.memref_slice %arg5[%dma_start3A_1428, %dma_start3A_1429, %dma_start3A_1435] : memref<4x3x128xi32, #tpu.memory_space<vmem>> -> memref<1x1x128xi32, #tpu.memory_space<vmem>>
        %dma_start3A_1437 = tpu.memref_squeeze %dma_start3A_1436 : memref<1x1x128xi32, #tpu.memory_space<vmem>> -> memref<128xi32, #tpu.memory_space<vmem>>
        %dma_start3A_1438 = arith.constant 0 : i32
        %dma_start3A_1439 = arith.constant 0 : i32
        %dma_start3A_1440 = tpu.memref_slice %arg3[%dma_start3A_1438, %dma_start3A_1439] : memref<100000x64xf32, #tpu.memory_space<hbm>> -> memref<100000x64xf32, #tpu.memory_space<hbm>>
        tpu.enqueue_indirect_dma source(%dma_start3A_1440 : memref<100000x64xf32, #tpu.memory_space<hbm>>) target(%dma_start3A_1434 : memref<128x64xf32, #tpu.memory_space<vmem>>) offsets(%dma_start3A_1437 : memref<128xi32, #tpu.memory_space<vmem>>) semaphore(%arg10 : memref<!tpu.dma_semaphore, #tpu.memory_space<semaphore_mem>>)
      } else {
      }
      %add3A_506 = arith.constant 3 : i32
      %add3A_507 = arith.addi %add3A_500, %add3A_506 : i32
      %lt3A_508 = arith.constant 64 : i32
      %lt3A_509 = arith.cmpi slt, %add3A_507, %lt3A_508 : i32
      %convert_element_type3A_510 = arith.extui %lt3A_509 : i1 to i32
      %cond3A_511 = arith.constant 0 : i32
      %cond3A_512 = arith.cmpi ne, %convert_element_type3A_510, %cond3A_511 : i32
      scf.if %cond3A_512 {
        %add3A_1300 = arith.constant 3 : i32
        %add3A_1301 = arith.addi %add3A_500, %add3A_1300 : i32
        %mul3A_1302 = arith.constant 8 : i32
        %mul3A_1303 = arith.muli %add3A, %mul3A_1302 : i32
        %jit3A_1304 = arith.constant 8 : i32
        %div3A_1305 = arith.divsi %add3A_1301, %jit3A_1304 : i32
        %sign3A_1306 = arith.constant 0 : i32
        %sign3A_1307 = arith.cmpi sgt, %add3A_1301, %sign3A_1306 : i32
        %sign3A_1308 = arith.extui %sign3A_1307 : i1 to i32
        %sign3A_1309 = arith.constant 0 : i32
        %sign3A_1310 = arith.cmpi slt, %add3A_1301, %sign3A_1309 : i32
        %sign3A_1311 = arith.extui %sign3A_1310 : i1 to i32
        %sign3A_1312 = arith.subi %sign3A_1308, %sign3A_1311 : i32
        %sign3A_1313 = arith.constant 0 : i32
        %sign3A_1314 = arith.cmpi sgt, %jit3A_1304, %sign3A_1313 : i32
        %sign3A_1315 = arith.extui %sign3A_1314 : i1 to i32
        %sign3A_1316 = arith.constant 0 : i32
        %sign3A_1317 = arith.cmpi slt, %jit3A_1304, %sign3A_1316 : i32
        %sign3A_1318 = arith.extui %sign3A_1317 : i1 to i32
        %sign3A_1319 = arith.subi %sign3A_1315, %sign3A_1318 : i32
        %ne3A_1320 = arith.cmpi ne, %sign3A_1312, %sign3A_1319 : i32
        %rem3A_1321 = arith.remsi %add3A_1301, %jit3A_1304 : i32
        %ne3A_1322 = arith.constant 0 : i32
        %ne3A_1323 = arith.cmpi ne, %rem3A_1321, %ne3A_1322 : i32
        %and3A_1324 = arith.andi %ne3A_1320, %ne3A_1323 : i1
        %sub3A_1325 = arith.constant 1 : i32
        %sub3A_1326 = arith.subi %div3A_1305, %sub3A_1325 : i32
        %select_n3A_1327 = arith.select %and3A_1324, %sub3A_1326, %div3A_1305 : i32
        %add3A_1328 = arith.addi %mul3A_1303, %select_n3A_1327 : i32
        %jit3A_1329 = arith.constant 8 : i32
        %eq3A_1330 = arith.constant 0 : i32
        %eq3A_1331 = arith.cmpi eq, %jit3A_1329, %eq3A_1330 : i32
        %jit3A_1332 = arith.constant 1 : i32
        %select_n3A_1333 = arith.select %eq3A_1331, %jit3A_1332, %jit3A_1329 : i32
        %rem3A_1334 = arith.remsi %add3A_1301, %select_n3A_1333 : i32
        %ne3A_1335 = arith.constant 0 : i32
        %ne3A_1336 = arith.cmpi ne, %rem3A_1334, %ne3A_1335 : i32
        %lt3A_1337 = arith.constant 0 : i32
        %lt3A_1338 = arith.cmpi slt, %rem3A_1334, %lt3A_1337 : i32
        %lt3A_1339 = arith.constant 0 : i32
        %lt3A_1340 = arith.cmpi slt, %select_n3A_1333, %lt3A_1339 : i32
        %ne3A_1341 = arith.xori %lt3A_1338, %lt3A_1340 : i1
        %and3A_1342 = arith.andi %ne3A_1341, %ne3A_1336 : i1
        %add3A_1343 = arith.addi %rem3A_1334, %select_n3A_1333 : i32
        %select_n3A_1344 = arith.select %and3A_1342, %add3A_1343, %rem3A_1334 : i32
        %jit3A_1345 = arith.constant 16 : i32
        %div3A_1346 = arith.divsi %add3A_1328, %jit3A_1345 : i32
        %sign3A_1347 = arith.constant 0 : i32
        %sign3A_1348 = arith.cmpi sgt, %add3A_1328, %sign3A_1347 : i32
        %sign3A_1349 = arith.extui %sign3A_1348 : i1 to i32
        %sign3A_1350 = arith.constant 0 : i32
        %sign3A_1351 = arith.cmpi slt, %add3A_1328, %sign3A_1350 : i32
        %sign3A_1352 = arith.extui %sign3A_1351 : i1 to i32
        %sign3A_1353 = arith.subi %sign3A_1349, %sign3A_1352 : i32
        %sign3A_1354 = arith.constant 0 : i32
        %sign3A_1355 = arith.cmpi sgt, %jit3A_1345, %sign3A_1354 : i32
        %sign3A_1356 = arith.extui %sign3A_1355 : i1 to i32
        %sign3A_1357 = arith.constant 0 : i32
        %sign3A_1358 = arith.cmpi slt, %jit3A_1345, %sign3A_1357 : i32
        %sign3A_1359 = arith.extui %sign3A_1358 : i1 to i32
        %sign3A_1360 = arith.subi %sign3A_1356, %sign3A_1359 : i32
        %ne3A_1361 = arith.cmpi ne, %sign3A_1353, %sign3A_1360 : i32
        %rem3A_1362 = arith.remsi %add3A_1328, %jit3A_1345 : i32
        %ne3A_1363 = arith.constant 0 : i32
        %ne3A_1364 = arith.cmpi ne, %rem3A_1362, %ne3A_1363 : i32
        %and3A_1365 = arith.andi %ne3A_1361, %ne3A_1364 : i1
        %sub3A_1366 = arith.constant 1 : i32
        %sub3A_1367 = arith.subi %div3A_1346, %sub3A_1366 : i32
        %select_n3A_1368 = arith.select %and3A_1365, %sub3A_1367, %div3A_1346 : i32
        %jit3A_1369 = arith.constant 16 : i32
        %eq3A_1370 = arith.constant 0 : i32
        %eq3A_1371 = arith.cmpi eq, %jit3A_1369, %eq3A_1370 : i32
        %jit3A_1372 = arith.constant 1 : i32
        %select_n3A_1373 = arith.select %eq3A_1371, %jit3A_1372, %jit3A_1369 : i32
        %rem3A_1374 = arith.remsi %add3A_1328, %select_n3A_1373 : i32
        %ne3A_1375 = arith.constant 0 : i32
        %ne3A_1376 = arith.cmpi ne, %rem3A_1374, %ne3A_1375 : i32
        %lt3A_1377 = arith.constant 0 : i32
        %lt3A_1378 = arith.cmpi slt, %rem3A_1374, %lt3A_1377 : i32
        %lt3A_1379 = arith.constant 0 : i32
        %lt3A_1380 = arith.cmpi slt, %select_n3A_1373, %lt3A_1379 : i32
        %ne3A_1381 = arith.xori %lt3A_1378, %lt3A_1380 : i1
        %and3A_1382 = arith.andi %ne3A_1381, %ne3A_1376 : i1
        %add3A_1383 = arith.addi %rem3A_1374, %select_n3A_1373 : i32
        %select_n3A_1384 = arith.select %and3A_1382, %add3A_1383, %rem3A_1374 : i32
        %dma_start3A_1385 = arith.constant 3 : i32
        %dma_start3A_1386 = arith.constant 0 : i32
        %dma_start3A_1387 = arith.constant 0 : i32
        %dma_start3A_1388 = tpu.memref_slice %arg5[%dma_start3A_1385, %dma_start3A_1386, %dma_start3A_1387] : memref<4x3x128xi32, #tpu.memory_space<vmem>> -> memref<1x3x128xi32, #tpu.memory_space<vmem>>
        %dma_start3A_1389 = tpu.memref_squeeze %dma_start3A_1388 : memref<1x3x128xi32, #tpu.memory_space<vmem>> -> memref<3x128xi32, #tpu.memory_space<vmem>>
        %dma_start3A_1390 = arith.constant 0 : i32
        %dma_start3A_1391 = arith.constant 0 : i32
        %dma_start3A_1392 = tpu.memref_slice %arg2[%dma_start3A_1390, %select_n3A_1368, %select_n3A_1384, %select_n3A_1344, %dma_start3A_1391] : memref<3x16x16x8x128xi32, #tpu.memory_space<hbm>> -> memref<3x1x1x1x128xi32, #tpu.memory_space<hbm>>
        %dma_start3A_1393 = tpu.memref_squeeze %dma_start3A_1392 : memref<3x1x1x1x128xi32, #tpu.memory_space<hbm>> -> memref<3x128xi32, #tpu.memory_space<hbm>>
        %dma_start3A_1394 = arith.constant 0 : i32
        %dma_start3A_1395 = arith.constant 0 : i32
        %dma_start3A_1396 = tpu.memref_slice %arg5[%dma_start3A_1385, %dma_start3A_1394, %dma_start3A_1395] : memref<4x3x128xi32, #tpu.memory_space<vmem>> -> memref<1x3x128xi32, #tpu.memory_space<vmem>>
        %dma_start3A_1397 = tpu.memref_squeeze %dma_start3A_1396 : memref<1x3x128xi32, #tpu.memory_space<vmem>> -> memref<3x128xi32, #tpu.memory_space<vmem>>
        %dma_start3A_1398 = arith.constant 0 : i32
        %dma_start3A_1399 = arith.constant 0 : i32
        %dma_start3A_1400 = tpu.memref_slice %arg2[%dma_start3A_1398, %select_n3A_1368, %select_n3A_1384, %select_n3A_1344, %dma_start3A_1399] : memref<3x16x16x8x128xi32, #tpu.memory_space<hbm>> -> memref<3x1x1x1x128xi32, #tpu.memory_space<hbm>>
        %dma_start3A_1401 = tpu.memref_squeeze %dma_start3A_1400 : memref<3x1x1x1x128xi32, #tpu.memory_space<hbm>> -> memref<3x128xi32, #tpu.memory_space<hbm>>
        tpu.enqueue_dma source(%dma_start3A_1401 : memref<3x128xi32, #tpu.memory_space<hbm>>) target(%dma_start3A_1397 : memref<3x128xi32, #tpu.memory_space<vmem>>) target_semaphore(%arg15 : memref<!tpu.dma_semaphore, #tpu.memory_space<semaphore_mem>>)
      } else {
      }
      %dma_wait3A_513 = arith.constant 0 : i32
      %dma_wait3A_514 = arith.constant 0 : i32
      %dma_wait3A_515 = arith.constant 0 : i32
      %dma_wait3A_516 = arith.constant 0 : i32
      %dma_wait3A_517 = arith.constant 0 : i32
      %dma_wait3A_518 = tpu.memref_slice %arg6[%dma_wait3A_515, %dma_wait3A_516, %dma_wait3A_517] : memref<4x384x64xf32, #tpu.memory_space<vmem>> -> memref<1x128x64xf32, #tpu.memory_space<vmem>>
      %dma_wait3A_519 = tpu.memref_squeeze %dma_wait3A_518 : memref<1x128x64xf32, #tpu.memory_space<vmem>> -> memref<128x64xf32, #tpu.memory_space<vmem>>
      %dma_wait3A_520 = arith.constant 0 : i32
      %dma_wait3A_521 = tpu.memref_slice %arg5[%dma_wait3A_513, %dma_wait3A_514, %dma_wait3A_520] : memref<4x3x128xi32, #tpu.memory_space<vmem>> -> memref<1x1x128xi32, #tpu.memory_space<vmem>>
      %dma_wait3A_522 = tpu.memref_squeeze %dma_wait3A_521 : memref<1x1x128xi32, #tpu.memory_space<vmem>> -> memref<128xi32, #tpu.memory_space<vmem>>
      %dma_wait3A_523 = arith.constant 0 : i32
      %dma_wait3A_524 = arith.constant 0 : i32
      %dma_wait3A_525 = tpu.memref_slice %arg3[%dma_wait3A_523, %dma_wait3A_524] : memref<100000x64xf32, #tpu.memory_space<hbm>> -> memref<100000x64xf32, #tpu.memory_space<hbm>>
      tpu.wait_indirect_dma semaphore(%arg8 : memref<!tpu.dma_semaphore, #tpu.memory_space<semaphore_mem>>) src(%dma_wait3A_525 : memref<100000x64xf32, #tpu.memory_space<hbm>>) dst(%dma_wait3A_519 : memref<128x64xf32, #tpu.memory_space<vmem>>)
      %dma_wait3A_526 = arith.constant 0 : i32
      %dma_wait3A_527 = arith.constant 1 : i32
      %dma_wait3A_528 = arith.constant 0 : i32
      %dma_wait3A_529 = arith.constant 128 : i32
      %dma_wait3A_530 = arith.constant 0 : i32
      %dma_wait3A_531 = tpu.memref_slice %arg6[%dma_wait3A_528, %dma_wait3A_529, %dma_wait3A_530] : memref<4x384x64xf32, #tpu.memory_space<vmem>> -> memref<1x128x64xf32, #tpu.memory_space<vmem>>
      %dma_wait3A_532 = tpu.memref_squeeze %dma_wait3A_531 : memref<1x128x64xf32, #tpu.memory_space<vmem>> -> memref<128x64xf32, #tpu.memory_space<vmem>>
      %dma_wait3A_533 = arith.constant 0 : i32
      %dma_wait3A_534 = tpu.memref_slice %arg5[%dma_wait3A_526, %dma_wait3A_527, %dma_wait3A_533] : memref<4x3x128xi32, #tpu.memory_space<vmem>> -> memref<1x1x128xi32, #tpu.memory_space<vmem>>
      %dma_wait3A_535 = tpu.memref_squeeze %dma_wait3A_534 : memref<1x1x128xi32, #tpu.memory_space<vmem>> -> memref<128xi32, #tpu.memory_space<vmem>>
      %dma_wait3A_536 = arith.constant 0 : i32
      %dma_wait3A_537 = arith.constant 0 : i32
      %dma_wait3A_538 = tpu.memref_slice %arg3[%dma_wait3A_536, %dma_wait3A_537] : memref<100000x64xf32, #tpu.memory_space<hbm>> -> memref<100000x64xf32, #tpu.memory_space<hbm>>
      tpu.wait_indirect_dma semaphore(%arg8 : memref<!tpu.dma_semaphore, #tpu.memory_space<semaphore_mem>>) src(%dma_wait3A_538 : memref<100000x64xf32, #tpu.memory_space<hbm>>) dst(%dma_wait3A_532 : memref<128x64xf32, #tpu.memory_space<vmem>>)
      %dma_wait3A_539 = arith.constant 0 : i32
      %dma_wait3A_540 = arith.constant 2 : i32
      %dma_wait3A_541 = arith.constant 0 : i32
      %dma_wait3A_542 = arith.constant 256 : i32
      %dma_wait3A_543 = arith.constant 0 : i32
      %dma_wait3A_544 = tpu.memref_slice %arg6[%dma_wait3A_541, %dma_wait3A_542, %dma_wait3A_543] : memref<4x384x64xf32, #tpu.memory_space<vmem>> -> memref<1x128x64xf32, #tpu.memory_space<vmem>>
      %dma_wait3A_545 = tpu.memref_squeeze %dma_wait3A_544 : memref<1x128x64xf32, #tpu.memory_space<vmem>> -> memref<128x64xf32, #tpu.memory_space<vmem>>
      %dma_wait3A_546 = arith.constant 0 : i32
      %dma_wait3A_547 = tpu.memref_slice %arg5[%dma_wait3A_539, %dma_wait3A_540, %dma_wait3A_546] : memref<4x3x128xi32, #tpu.memory_space<vmem>> -> memref<1x1x128xi32, #tpu.memory_space<vmem>>
      %dma_wait3A_548 = tpu.memref_squeeze %dma_wait3A_547 : memref<1x1x128xi32, #tpu.memory_space<vmem>> -> memref<128xi32, #tpu.memory_space<vmem>>
      %dma_wait3A_549 = arith.constant 0 : i32
      %dma_wait3A_550 = arith.constant 0 : i32
      %dma_wait3A_551 = tpu.memref_slice %arg3[%dma_wait3A_549, %dma_wait3A_550] : memref<100000x64xf32, #tpu.memory_space<hbm>> -> memref<100000x64xf32, #tpu.memory_space<hbm>>
      tpu.wait_indirect_dma semaphore(%arg8 : memref<!tpu.dma_semaphore, #tpu.memory_space<semaphore_mem>>) src(%dma_wait3A_551 : memref<100000x64xf32, #tpu.memory_space<hbm>>) dst(%dma_wait3A_545 : memref<128x64xf32, #tpu.memory_space<vmem>>)
      %gt3A = arith.constant 0 : i32
      %gt3A_552 = arith.cmpi sgt, %add3A_500, %gt3A : i32
      %convert_element_type3A_553 = arith.extui %gt3A_552 : i1 to i32
      %cond3A_554 = arith.constant 0 : i32
      %cond3A_555 = arith.cmpi ne, %convert_element_type3A_553, %cond3A_554 : i32
      scf.if %cond3A_555 {
        %sub3A_1300 = arith.constant 1 : i32
        %sub3A_1301 = arith.subi %add3A_500, %sub3A_1300 : i32
        %mul3A_1302 = arith.constant 8 : i32
        %mul3A_1303 = arith.muli %add3A, %mul3A_1302 : i32
        %jit3A_1304 = arith.constant 8 : i32
        %div3A_1305 = arith.divsi %sub3A_1301, %jit3A_1304 : i32
        %sign3A_1306 = arith.constant 0 : i32
        %sign3A_1307 = arith.cmpi sgt, %sub3A_1301, %sign3A_1306 : i32
        %sign3A_1308 = arith.extui %sign3A_1307 : i1 to i32
        %sign3A_1309 = arith.constant 0 : i32
        %sign3A_1310 = arith.cmpi slt, %sub3A_1301, %sign3A_1309 : i32
        %sign3A_1311 = arith.extui %sign3A_1310 : i1 to i32
        %sign3A_1312 = arith.subi %sign3A_1308, %sign3A_1311 : i32
        %sign3A_1313 = arith.constant 0 : i32
        %sign3A_1314 = arith.cmpi sgt, %jit3A_1304, %sign3A_1313 : i32
        %sign3A_1315 = arith.extui %sign3A_1314 : i1 to i32
        %sign3A_1316 = arith.constant 0 : i32
        %sign3A_1317 = arith.cmpi slt, %jit3A_1304, %sign3A_1316 : i32
        %sign3A_1318 = arith.extui %sign3A_1317 : i1 to i32
        %sign3A_1319 = arith.subi %sign3A_1315, %sign3A_1318 : i32
        %ne3A_1320 = arith.cmpi ne, %sign3A_1312, %sign3A_1319 : i32
        %rem3A_1321 = arith.remsi %sub3A_1301, %jit3A_1304 : i32
        %ne3A_1322 = arith.constant 0 : i32
        %ne3A_1323 = arith.cmpi ne, %rem3A_1321, %ne3A_1322 : i32
        %and3A_1324 = arith.andi %ne3A_1320, %ne3A_1323 : i1
        %sub3A_1325 = arith.constant 1 : i32
        %sub3A_1326 = arith.subi %div3A_1305, %sub3A_1325 : i32
        %select_n3A_1327 = arith.select %and3A_1324, %sub3A_1326, %div3A_1305 : i32
        %add3A_1328 = arith.addi %mul3A_1303, %select_n3A_1327 : i32
        %jit3A_1329 = arith.constant 8 : i32
        %eq3A_1330 = arith.constant 0 : i32
        %eq3A_1331 = arith.cmpi eq, %jit3A_1329, %eq3A_1330 : i32
        %jit3A_1332 = arith.constant 1 : i32
        %select_n3A_1333 = arith.select %eq3A_1331, %jit3A_1332, %jit3A_1329 : i32
        %rem3A_1334 = arith.remsi %sub3A_1301, %select_n3A_1333 : i32
        %ne3A_1335 = arith.constant 0 : i32
        %ne3A_1336 = arith.cmpi ne, %rem3A_1334, %ne3A_1335 : i32
        %lt3A_1337 = arith.constant 0 : i32
        %lt3A_1338 = arith.cmpi slt, %rem3A_1334, %lt3A_1337 : i32
        %lt3A_1339 = arith.constant 0 : i32
        %lt3A_1340 = arith.cmpi slt, %select_n3A_1333, %lt3A_1339 : i32
        %ne3A_1341 = arith.xori %lt3A_1338, %lt3A_1340 : i1
        %and3A_1342 = arith.andi %ne3A_1341, %ne3A_1336 : i1
        %add3A_1343 = arith.addi %rem3A_1334, %select_n3A_1333 : i32
        %select_n3A_1344 = arith.select %and3A_1342, %add3A_1343, %rem3A_1334 : i32
        %jit3A_1345 = arith.constant 16 : i32
        %div3A_1346 = arith.divsi %add3A_1328, %jit3A_1345 : i32
        %sign3A_1347 = arith.constant 0 : i32
        %sign3A_1348 = arith.cmpi sgt, %add3A_1328, %sign3A_1347 : i32
        %sign3A_1349 = arith.extui %sign3A_1348 : i1 to i32
        %sign3A_1350 = arith.constant 0 : i32
        %sign3A_1351 = arith.cmpi slt, %add3A_1328, %sign3A_1350 : i32
        %sign3A_1352 = arith.extui %sign3A_1351 : i1 to i32
        %sign3A_1353 = arith.subi %sign3A_1349, %sign3A_1352 : i32
        %sign3A_1354 = arith.constant 0 : i32
        %sign3A_1355 = arith.cmpi sgt, %jit3A_1345, %sign3A_1354 : i32
        %sign3A_1356 = arith.extui %sign3A_1355 : i1 to i32
        %sign3A_1357 = arith.constant 0 : i32
        %sign3A_1358 = arith.cmpi slt, %jit3A_1345, %sign3A_1357 : i32
        %sign3A_1359 = arith.extui %sign3A_1358 : i1 to i32
        %sign3A_1360 = arith.subi %sign3A_1356, %sign3A_1359 : i32
        %ne3A_1361 = arith.cmpi ne, %sign3A_1353, %sign3A_1360 : i32
        %rem3A_1362 = arith.remsi %add3A_1328, %jit3A_1345 : i32
        %ne3A_1363 = arith.constant 0 : i32
        %ne3A_1364 = arith.cmpi ne, %rem3A_1362, %ne3A_1363 : i32
        %and3A_1365 = arith.andi %ne3A_1361, %ne3A_1364 : i1
        %sub3A_1366 = arith.constant 1 : i32
        %sub3A_1367 = arith.subi %div3A_1346, %sub3A_1366 : i32
        %select_n3A_1368 = arith.select %and3A_1365, %sub3A_1367, %div3A_1346 : i32
        %jit3A_1369 = arith.constant 16 : i32
        %eq3A_1370 = arith.constant 0 : i32
        %eq3A_1371 = arith.cmpi eq, %jit3A_1369, %eq3A_1370 : i32
        %jit3A_1372 = arith.constant 1 : i32
        %select_n3A_1373 = arith.select %eq3A_1371, %jit3A_1372, %jit3A_1369 : i32
        %rem3A_1374 = arith.remsi %add3A_1328, %select_n3A_1373 : i32
        %ne3A_1375 = arith.constant 0 : i32
        %ne3A_1376 = arith.cmpi ne, %rem3A_1374, %ne3A_1375 : i32
        %lt3A_1377 = arith.constant 0 : i32
        %lt3A_1378 = arith.cmpi slt, %rem3A_1374, %lt3A_1377 : i32
        %lt3A_1379 = arith.constant 0 : i32
        %lt3A_1380 = arith.cmpi slt, %select_n3A_1373, %lt3A_1379 : i32
        %ne3A_1381 = arith.xori %lt3A_1378, %lt3A_1380 : i1
        %and3A_1382 = arith.andi %ne3A_1381, %ne3A_1376 : i1
        %add3A_1383 = arith.addi %rem3A_1374, %select_n3A_1373 : i32
        %select_n3A_1384 = arith.select %and3A_1382, %add3A_1383, %rem3A_1374 : i32
        %jit3A_1385 = arith.constant 8 : i32
        %div3A_1386 = arith.divsi %select_n3A_1384, %jit3A_1385 : i32
        %sign3A_1387 = arith.constant 0 : i32
        %sign3A_1388 = arith.cmpi sgt, %select_n3A_1384, %sign3A_1387 : i32
        %sign3A_1389 = arith.extui %sign3A_1388 : i1 to i32
        %sign3A_1390 = arith.constant 0 : i32
        %sign3A_1391 = arith.cmpi slt, %select_n3A_1384, %sign3A_1390 : i32
        %sign3A_1392 = arith.extui %sign3A_1391 : i1 to i32
        %sign3A_1393 = arith.subi %sign3A_1389, %sign3A_1392 : i32
        %sign3A_1394 = arith.constant 0 : i32
        %sign3A_1395 = arith.cmpi sgt, %jit3A_1385, %sign3A_1394 : i32
        %sign3A_1396 = arith.extui %sign3A_1395 : i1 to i32
        %sign3A_1397 = arith.constant 0 : i32
        %sign3A_1398 = arith.cmpi slt, %jit3A_1385, %sign3A_1397 : i32
        %sign3A_1399 = arith.extui %sign3A_1398 : i1 to i32
        %sign3A_1400 = arith.subi %sign3A_1396, %sign3A_1399 : i32
        %ne3A_1401 = arith.cmpi ne, %sign3A_1393, %sign3A_1400 : i32
        %rem3A_1402 = arith.remsi %select_n3A_1384, %jit3A_1385 : i32
        %ne3A_1403 = arith.constant 0 : i32
        %ne3A_1404 = arith.cmpi ne, %rem3A_1402, %ne3A_1403 : i32
        %and3A_1405 = arith.andi %ne3A_1401, %ne3A_1404 : i1
        %sub3A_1406 = arith.constant 1 : i32
        %sub3A_1407 = arith.subi %div3A_1386, %sub3A_1406 : i32
        %select_n3A_1408 = arith.select %and3A_1405, %sub3A_1407, %div3A_1386 : i32
        %jit3A_1409 = arith.constant 8 : i32
        %eq3A_1410 = arith.constant 0 : i32
        %eq3A_1411 = arith.cmpi eq, %jit3A_1409, %eq3A_1410 : i32
        %jit3A_1412 = arith.constant 1 : i32
        %select_n3A_1413 = arith.select %eq3A_1411, %jit3A_1412, %jit3A_1409 : i32
        %rem3A_1414 = arith.remsi %select_n3A_1384, %select_n3A_1413 : i32
        %ne3A_1415 = arith.constant 0 : i32
        %ne3A_1416 = arith.cmpi ne, %rem3A_1414, %ne3A_1415 : i32
        %lt3A_1417 = arith.constant 0 : i32
        %lt3A_1418 = arith.cmpi slt, %rem3A_1414, %lt3A_1417 : i32
        %lt3A_1419 = arith.constant 0 : i32
        %lt3A_1420 = arith.cmpi slt, %select_n3A_1413, %lt3A_1419 : i32
        %ne3A_1421 = arith.xori %lt3A_1418, %lt3A_1420 : i1
        %and3A_1422 = arith.andi %ne3A_1421, %ne3A_1416 : i1
        %add3A_1423 = arith.addi %rem3A_1414, %select_n3A_1413 : i32
        %select_n3A_1424 = arith.select %and3A_1422, %add3A_1423, %rem3A_1414 : i32
        %dma_wait3A_1425 = arith.constant 0 : i32
        %dma_wait3A_1426 = arith.constant 0 : i32
        %dma_wait3A_1427 = tpu.memref_slice %arg7[%dma_wait3A_1425, %dma_wait3A_1426] : memref<64x129xf32, #tpu.memory_space<vmem>> -> memref<64x128xf32, #tpu.memory_space<vmem>>
        %dma_wait3A_1428 = arith.constant 0 : i32
        %dma_wait3A_1429 = arith.constant 0 : i32
        %dma_wait3A_1430 = tpu.memref_slice %arg4[%dma_wait3A_1428, %select_n3A_1368, %select_n3A_1408, %select_n3A_1344, %select_n3A_1424, %dma_wait3A_1429] : memref<64x16x2x8x8x128xf32, #tpu.memory_space<hbm>> -> memref<64x1x1x1x1x128xf32, #tpu.memory_space<hbm>>
        %dma_wait3A_1431 = tpu.memref_squeeze %dma_wait3A_1430 : memref<64x1x1x1x1x128xf32, #tpu.memory_space<hbm>> -> memref<64x128xf32, #tpu.memory_space<hbm>>
        %dma_wait3A_1432 = arith.constant 0 : i32
        %dma_wait3A_1433 = arith.constant 0 : i32
        %dma_wait3A_1434 = tpu.memref_slice %arg4[%dma_wait3A_1432, %select_n3A_1368, %select_n3A_1408, %select_n3A_1344, %select_n3A_1424, %dma_wait3A_1433] : memref<64x16x2x8x8x128xf32, #tpu.memory_space<hbm>> -> memref<64x1x1x1x1x128xf32, #tpu.memory_space<hbm>>
        %dma_wait3A_1435 = tpu.memref_squeeze %dma_wait3A_1434 : memref<64x1x1x1x1x128xf32, #tpu.memory_space<hbm>> -> memref<64x128xf32, #tpu.memory_space<hbm>>
        %dma_wait3A_1436 = arith.constant 0 : i32
        %dma_wait3A_1437 = arith.constant 0 : i32
        %dma_wait3A_1438 = tpu.memref_slice %arg7[%dma_wait3A_1436, %dma_wait3A_1437] : memref<64x129xf32, #tpu.memory_space<vmem>> -> memref<64x128xf32, #tpu.memory_space<vmem>>
        tpu.wait_dma2 semaphore(%arg16 : memref<!tpu.dma_semaphore, #tpu.memory_space<semaphore_mem>>) src(%dma_wait3A_1438 : memref<64x128xf32, #tpu.memory_space<vmem>>) dst(%dma_wait3A_1435 : memref<64x128xf32, #tpu.memory_space<hbm>>)
      } else {
      }
      %parallel_loop3A = arith.constant 0 : i32
      %parallel_loop3A_556 = arith.constant 128 : i32
      %parallel_loop3A_557 = arith.constant 1 : i32
      %parallel_loop3A_558 = arith.constant 0 : i32
      scf.for %parallel_loop3A_1300 = %parallel_loop3A to %parallel_loop3A_556 step %parallel_loop3A_557  : i32 {
        %parallel_loop3A_1301 = arith.constant 0 : i32
        %parallel_loop3A_1302 = vector.broadcast %parallel_loop3A_1301 : i32 to vector<16xi32>
        %parallel_loop3A_1303 = vector.broadcast %parallel_loop3A_1300 : i32 to vector<16xi32>
        %parallel_loop3A_1304 = arith.addi %parallel_loop3A_1302, %parallel_loop3A_1303 : vector<16xi32>
        %parallel_loop3A_1305 = arith.constant 0 : i32
        %parallel_loop3A_1306 = arith.constant 0 : i32
        %parallel_loop3A_1307 = tpu.memref_slice %arg6[%parallel_loop3A_558, %parallel_loop3A_1305, %parallel_loop3A_1306] : memref<4x384x64xf32, #tpu.memory_space<vmem>> -> memref<1x384x64xf32, #tpu.memory_space<vmem>>
        %parallel_loop3A_1308 = tpu.memref_squeeze %parallel_loop3A_1307 : memref<1x384x64xf32, #tpu.memory_space<vmem>> -> memref<384x64xf32, #tpu.memory_space<vmem>>
        %parallel_loop3A_1309 = arith.index_cast %parallel_loop3A_1300 : i32 to index
        %parallel_loop3A_1310 = arith.constant 0 : index
        %parallel_loop3A_1311 = tpu.vector_load %parallel_loop3A_1308[%parallel_loop3A_1309, %parallel_loop3A_1310] {strides = array<i32>} : memref<384x64xf32, #tpu.memory_space<vmem>>, vector<16xf32>,
        %parallel_loop3A_1312 = arith.constant 128 : i32
        %parallel_loop3A_1313 = arith.addi %parallel_loop3A_1312, %parallel_loop3A_1300 : i32
        %parallel_loop3A_1314 = arith.constant 0 : i32
        %parallel_loop3A_1315 = arith.constant 0 : i32
        %parallel_loop3A_1316 = tpu.memref_slice %arg6[%parallel_loop3A_558, %parallel_loop3A_1314, %parallel_loop3A_1315] : memref<4x384x64xf32, #tpu.memory_space<vmem>> -> memref<1x384x64xf32, #tpu.memory_space<vmem>>
        %parallel_loop3A_1317 = tpu.memref_squeeze %parallel_loop3A_1316 : memref<1x384x64xf32, #tpu.memory_space<vmem>> -> memref<384x64xf32, #tpu.memory_space<vmem>>
        %parallel_loop3A_1318 = arith.index_cast %parallel_loop3A_1313 : i32 to index
        %parallel_loop3A_1319 = arith.constant 0 : index
        %parallel_loop3A_1320 = tpu.vector_load %parallel_loop3A_1317[%parallel_loop3A_1318, %parallel_loop3A_1319] {strides = array<i32>} : memref<384x64xf32, #tpu.memory_space<vmem>>, vector<16xf32>,
        %parallel_loop3A_1321 = arith.addf %parallel_loop3A_1311, %parallel_loop3A_1320 : vector<16xf32>
        %parallel_loop3A_1322 = arith.constant 256 : i32
        %parallel_loop3A_1323 = arith.addi %parallel_loop3A_1322, %parallel_loop3A_1300 : i32
        %parallel_loop3A_1324 = arith.constant 0 : i32
        %parallel_loop3A_1325 = arith.constant 0 : i32
        %parallel_loop3A_1326 = tpu.memref_slice %arg6[%parallel_loop3A_558, %parallel_loop3A_1324, %parallel_loop3A_1325] : memref<4x384x64xf32, #tpu.memory_space<vmem>> -> memref<1x384x64xf32, #tpu.memory_space<vmem>>
        %parallel_loop3A_1327 = tpu.memref_squeeze %parallel_loop3A_1326 : memref<1x384x64xf32, #tpu.memory_space<vmem>> -> memref<384x64xf32, #tpu.memory_space<vmem>>
        %parallel_loop3A_1328 = arith.index_cast %parallel_loop3A_1323 : i32 to index
        %parallel_loop3A_1329 = arith.constant 0 : index
        %parallel_loop3A_1330 = tpu.vector_load %parallel_loop3A_1327[%parallel_loop3A_1328, %parallel_loop3A_1329] {strides = array<i32>} : memref<384x64xf32, #tpu.memory_space<vmem>>, vector<16xf32>,
        %parallel_loop3A_1331 = arith.addf %parallel_loop3A_1321, %parallel_loop3A_1330 : vector<16xf32>
        %parallel_loop3A_1332 = vector.broadcast %scan3A : f32 to vector<16xf32>
        %parallel_loop3A_1333 = arith.mulf %parallel_loop3A_1331, %parallel_loop3A_1332 : vector<16xf32>
        tpu.vector_store_idx %arg7[%add3A_3, %parallel_loop3A_1304], %parallel_loop3A_1333 : memref<64x129xf32, #tpu.memory_space<vmem>>[vector<16xi32>, vector<16xi32>], vector<16xf32>,
        %parallel_loop3A_1334 = arith.constant 0 : i32
        %parallel_loop3A_1335 = arith.constant 0 : i32
        %parallel_loop3A_1336 = tpu.memref_slice %arg6[%parallel_loop3A_558, %parallel_loop3A_1334, %parallel_loop3A_1335] : memref<4x384x64xf32, #tpu.memory_space<vmem>> -> memref<1x384x64xf32, #tpu.memory_space<vmem>>
        %parallel_loop3A_1337 = tpu.memref_squeeze %parallel_loop3A_1336 : memref<1x384x64xf32, #tpu.memory_space<vmem>> -> memref<384x64xf32, #tpu.memory_space<vmem>>
        %parallel_loop3A_1338 = arith.index_cast %parallel_loop3A_1300 : i32 to index
        %parallel_loop3A_1339 = arith.constant 16 : index
        %parallel_loop3A_1340 = tpu.vector_load %parallel_loop3A_1337[%parallel_loop3A_1338, %parallel_loop3A_1339] {strides = array<i32>} : memref<384x64xf32, #tpu.memory_space<vmem>>, vector<16xf32>,
        %parallel_loop3A_1341 = arith.constant 128 : i32
        %parallel_loop3A_1342 = arith.addi %parallel_loop3A_1341, %parallel_loop3A_1300 : i32
        %parallel_loop3A_1343 = arith.constant 0 : i32
        %parallel_loop3A_1344 = arith.constant 0 : i32
        %parallel_loop3A_1345 = tpu.memref_slice %arg6[%parallel_loop3A_558, %parallel_loop3A_1343, %parallel_loop3A_1344] : memref<4x384x64xf32, #tpu.memory_space<vmem>> -> memref<1x384x64xf32, #tpu.memory_space<vmem>>
        %parallel_loop3A_1346 = tpu.memref_squeeze %parallel_loop3A_1345 : memref<1x384x64xf32, #tpu.memory_space<vmem>> -> memref<384x64xf32, #tpu.memory_space<vmem>>
        %parallel_loop3A_1347 = arith.index_cast %parallel_loop3A_1342 : i32 to index
        %parallel_loop3A_1348 = arith.constant 16 : index
        %parallel_loop3A_1349 = tpu.vector_load %parallel_loop3A_1346[%parallel_loop3A_1347, %parallel_loop3A_1348] {strides = array<i32>} : memref<384x64xf32, #tpu.memory_space<vmem>>, vector<16xf32>,
        %parallel_loop3A_1350 = arith.addf %parallel_loop3A_1340, %parallel_loop3A_1349 : vector<16xf32>
        %parallel_loop3A_1351 = arith.constant 256 : i32
        %parallel_loop3A_1352 = arith.addi %parallel_loop3A_1351, %parallel_loop3A_1300 : i32
        %parallel_loop3A_1353 = arith.constant 0 : i32
        %parallel_loop3A_1354 = arith.constant 0 : i32
        %parallel_loop3A_1355 = tpu.memref_slice %arg6[%parallel_loop3A_558, %parallel_loop3A_1353, %parallel_loop3A_1354] : memref<4x384x64xf32, #tpu.memory_space<vmem>> -> memref<1x384x64xf32, #tpu.memory_space<vmem>>
        %parallel_loop3A_1356 = tpu.memref_squeeze %parallel_loop3A_1355 : memref<1x384x64xf32, #tpu.memory_space<vmem>> -> memref<384x64xf32, #tpu.memory_space<vmem>>
        %parallel_loop3A_1357 = arith.index_cast %parallel_loop3A_1352 : i32 to index
        %parallel_loop3A_1358 = arith.constant 16 : index
        %parallel_loop3A_1359 = tpu.vector_load %parallel_loop3A_1356[%parallel_loop3A_1357, %parallel_loop3A_1358] {strides = array<i32>} : memref<384x64xf32, #tpu.memory_space<vmem>>, vector<16xf32>,
        %parallel_loop3A_1360 = arith.addf %parallel_loop3A_1350, %parallel_loop3A_1359 : vector<16xf32>
        %parallel_loop3A_1361 = vector.broadcast %scan3A : f32 to vector<16xf32>
        %parallel_loop3A_1362 = arith.mulf %parallel_loop3A_1360, %parallel_loop3A_1361 : vector<16xf32>
        tpu.vector_store_idx %arg7[%add3A_6, %parallel_loop3A_1304], %parallel_loop3A_1362 : memref<64x129xf32, #tpu.memory_space<vmem>>[vector<16xi32>, vector<16xi32>], vector<16xf32>,
        %parallel_loop3A_1363 = arith.constant 0 : i32
        %parallel_loop3A_1364 = arith.constant 0 : i32
        %parallel_loop3A_1365 = tpu.memref_slice %arg6[%parallel_loop3A_558, %parallel_loop3A_1363, %parallel_loop3A_1364] : memref<4x384x64xf32, #tpu.memory_space<vmem>> -> memref<1x384x64xf32, #tpu.memory_space<vmem>>
        %parallel_loop3A_1366 = tpu.memref_squeeze %parallel_loop3A_1365 : memref<1x384x64xf32, #tpu.memory_space<vmem>> -> memref<384x64xf32, #tpu.memory_space<vmem>>
        %parallel_loop3A_1367 = arith.index_cast %parallel_loop3A_1300 : i32 to index
        %parallel_loop3A_1368 = arith.constant 32 : index
        %parallel_loop3A_1369 = tpu.vector_load %parallel_loop3A_1366[%parallel_loop3A_1367, %parallel_loop3A_1368] {strides = array<i32>} : memref<384x64xf32, #tpu.memory_space<vmem>>, vector<16xf32>,
        %parallel_loop3A_1370 = arith.constant 128 : i32
        %parallel_loop3A_1371 = arith.addi %parallel_loop3A_1370, %parallel_loop3A_1300 : i32
        %parallel_loop3A_1372 = arith.constant 0 : i32
        %parallel_loop3A_1373 = arith.constant 0 : i32
        %parallel_loop3A_1374 = tpu.memref_slice %arg6[%parallel_loop3A_558, %parallel_loop3A_1372, %parallel_loop3A_1373] : memref<4x384x64xf32, #tpu.memory_space<vmem>> -> memref<1x384x64xf32, #tpu.memory_space<vmem>>
        %parallel_loop3A_1375 = tpu.memref_squeeze %parallel_loop3A_1374 : memref<1x384x64xf32, #tpu.memory_space<vmem>> -> memref<384x64xf32, #tpu.memory_space<vmem>>
        %parallel_loop3A_1376 = arith.index_cast %parallel_loop3A_1371 : i32 to index
        %parallel_loop3A_1377 = arith.constant 32 : index
        %parallel_loop3A_1378 = tpu.vector_load %parallel_loop3A_1375[%parallel_loop3A_1376, %parallel_loop3A_1377] {strides = array<i32>} : memref<384x64xf32, #tpu.memory_space<vmem>>, vector<16xf32>,
        %parallel_loop3A_1379 = arith.addf %parallel_loop3A_1369, %parallel_loop3A_1378 : vector<16xf32>
        %parallel_loop3A_1380 = arith.constant 256 : i32
        %parallel_loop3A_1381 = arith.addi %parallel_loop3A_1380, %parallel_loop3A_1300 : i32
        %parallel_loop3A_1382 = arith.constant 0 : i32
        %parallel_loop3A_1383 = arith.constant 0 : i32
        %parallel_loop3A_1384 = tpu.memref_slice %arg6[%parallel_loop3A_558, %parallel_loop3A_1382, %parallel_loop3A_1383] : memref<4x384x64xf32, #tpu.memory_space<vmem>> -> memref<1x384x64xf32, #tpu.memory_space<vmem>>
        %parallel_loop3A_1385 = tpu.memref_squeeze %parallel_loop3A_1384 : memref<1x384x64xf32, #tpu.memory_space<vmem>> -> memref<384x64xf32, #tpu.memory_space<vmem>>
        %parallel_loop3A_1386 = arith.index_cast %parallel_loop3A_1381 : i32 to index
        %parallel_loop3A_1387 = arith.constant 32 : index
        %parallel_loop3A_1388 = tpu.vector_load %parallel_loop3A_1385[%parallel_loop3A_1386, %parallel_loop3A_1387] {strides = array<i32>} : memref<384x64xf32, #tpu.memory_space<vmem>>, vector<16xf32>,
        %parallel_loop3A_1389 = arith.addf %parallel_loop3A_1379, %parallel_loop3A_1388 : vector<16xf32>
        %parallel_loop3A_1390 = vector.broadcast %scan3A : f32 to vector<16xf32>
        %parallel_loop3A_1391 = arith.mulf %parallel_loop3A_1389, %parallel_loop3A_1390 : vector<16xf32>
        tpu.vector_store_idx %arg7[%add3A_9, %parallel_loop3A_1304], %parallel_loop3A_1391 : memref<64x129xf32, #tpu.memory_space<vmem>>[vector<16xi32>, vector<16xi32>], vector<16xf32>,
        %parallel_loop3A_1392 = arith.constant 0 : i32
        %parallel_loop3A_1393 = arith.constant 0 : i32
        %parallel_loop3A_1394 = tpu.memref_slice %arg6[%parallel_loop3A_558, %parallel_loop3A_1392, %parallel_loop3A_1393] : memref<4x384x64xf32, #tpu.memory_space<vmem>> -> memref<1x384x64xf32, #tpu.memory_space<vmem>>
        %parallel_loop3A_1395 = tpu.memref_squeeze %parallel_loop3A_1394 : memref<1x384x64xf32, #tpu.memory_space<vmem>> -> memref<384x64xf32, #tpu.memory_space<vmem>>
        %parallel_loop3A_1396 = arith.index_cast %parallel_loop3A_1300 : i32 to index
        %parallel_loop3A_1397 = arith.constant 48 : index
        %parallel_loop3A_1398 = tpu.vector_load %parallel_loop3A_1395[%parallel_loop3A_1396, %parallel_loop3A_1397] {strides = array<i32>} : memref<384x64xf32, #tpu.memory_space<vmem>>, vector<16xf32>,
        %parallel_loop3A_1399 = arith.constant 128 : i32
        %parallel_loop3A_1400 = arith.addi %parallel_loop3A_1399, %parallel_loop3A_1300 : i32
        %parallel_loop3A_1401 = arith.constant 0 : i32
        %parallel_loop3A_1402 = arith.constant 0 : i32
        %parallel_loop3A_1403 = tpu.memref_slice %arg6[%parallel_loop3A_558, %parallel_loop3A_1401, %parallel_loop3A_1402] : memref<4x384x64xf32, #tpu.memory_space<vmem>> -> memref<1x384x64xf32, #tpu.memory_space<vmem>>
        %parallel_loop3A_1404 = tpu.memref_squeeze %parallel_loop3A_1403 : memref<1x384x64xf32, #tpu.memory_space<vmem>> -> memref<384x64xf32, #tpu.memory_space<vmem>>
        %parallel_loop3A_1405 = arith.index_cast %parallel_loop3A_1400 : i32 to index
        %parallel_loop3A_1406 = arith.constant 48 : index
        %parallel_loop3A_1407 = tpu.vector_load %parallel_loop3A_1404[%parallel_loop3A_1405, %parallel_loop3A_1406] {strides = array<i32>} : memref<384x64xf32, #tpu.memory_space<vmem>>, vector<16xf32>,
        %parallel_loop3A_1408 = arith.addf %parallel_loop3A_1398, %parallel_loop3A_1407 : vector<16xf32>
        %parallel_loop3A_1409 = arith.constant 256 : i32
        %parallel_loop3A_1410 = arith.addi %parallel_loop3A_1409, %parallel_loop3A_1300 : i32
        %parallel_loop3A_1411 = arith.constant 0 : i32
        %parallel_loop3A_1412 = arith.constant 0 : i32
        %parallel_loop3A_1413 = tpu.memref_slice %arg6[%parallel_loop3A_558, %parallel_loop3A_1411, %parallel_loop3A_1412] : memref<4x384x64xf32, #tpu.memory_space<vmem>> -> memref<1x384x64xf32, #tpu.memory_space<vmem>>
        %parallel_loop3A_1414 = tpu.memref_squeeze %parallel_loop3A_1413 : memref<1x384x64xf32, #tpu.memory_space<vmem>> -> memref<384x64xf32, #tpu.memory_space<vmem>>
        %parallel_loop3A_1415 = arith.index_cast %parallel_loop3A_1410 : i32 to index
        %parallel_loop3A_1416 = arith.constant 48 : index
        %parallel_loop3A_1417 = tpu.vector_load %parallel_loop3A_1414[%parallel_loop3A_1415, %parallel_loop3A_1416] {strides = array<i32>} : memref<384x64xf32, #tpu.memory_space<vmem>>, vector<16xf32>,
        %parallel_loop3A_1418 = arith.addf %parallel_loop3A_1408, %parallel_loop3A_1417 : vector<16xf32>
        %parallel_loop3A_1419 = vector.broadcast %scan3A : f32 to vector<16xf32>
        %parallel_loop3A_1420 = arith.mulf %parallel_loop3A_1418, %parallel_loop3A_1419 : vector<16xf32>
        tpu.vector_store_idx %arg7[%add3A_12, %parallel_loop3A_1304], %parallel_loop3A_1420 : memref<64x129xf32, #tpu.memory_space<vmem>>[vector<16xi32>, vector<16xi32>], vector<16xf32>,
      } {sc.loop_unroll_factor = 4 : i64, sc.parallel_access}
      %mul3A_559 = arith.constant 8 : i32
      %mul3A_560 = arith.muli %add3A, %mul3A_559 : i32
      %jit3A_561 = arith.constant 8 : i32
      %div3A_562 = arith.divsi %add3A_500, %jit3A_561 : i32
      %sign3A_563 = arith.constant 0 : i32
      %sign3A_564 = arith.cmpi sgt, %add3A_500, %sign3A_563 : i32
      %sign3A_565 = arith.extui %sign3A_564 : i1 to i32
      %sign3A_566 = arith.constant 0 : i32
      %sign3A_567 = arith.cmpi slt, %add3A_500, %sign3A_566 : i32
      %sign3A_568 = arith.extui %sign3A_567 : i1 to i32
      %sign3A_569 = arith.subi %sign3A_565, %sign3A_568 : i32
      %sign3A_570 = arith.constant 0 : i32
      %sign3A_571 = arith.cmpi sgt, %jit3A_561, %sign3A_570 : i32
      %sign3A_572 = arith.extui %sign3A_571 : i1 to i32
      %sign3A_573 = arith.constant 0 : i32
      %sign3A_574 = arith.cmpi slt, %jit3A_561, %sign3A_573 : i32
      %sign3A_575 = arith.extui %sign3A_574 : i1 to i32
      %sign3A_576 = arith.subi %sign3A_572, %sign3A_575 : i32
      %ne3A_577 = arith.cmpi ne, %sign3A_569, %sign3A_576 : i32
      %rem3A_578 = arith.remsi %add3A_500, %jit3A_561 : i32
      %ne3A_579 = arith.constant 0 : i32
      %ne3A_580 = arith.cmpi ne, %rem3A_578, %ne3A_579 : i32
      %and3A_581 = arith.andi %ne3A_577, %ne3A_580 : i1
      %sub3A_582 = arith.constant 1 : i32
      %sub3A_583 = arith.subi %div3A_562, %sub3A_582 : i32
      %select_n3A_584 = arith.select %and3A_581, %sub3A_583, %div3A_562 : i32
      %add3A_585 = arith.addi %mul3A_560, %select_n3A_584 : i32
      %jit3A_586 = arith.constant 8 : i32
      %eq3A_587 = arith.constant 0 : i32
      %eq3A_588 = arith.cmpi eq, %jit3A_586, %eq3A_587 : i32
      %jit3A_589 = arith.constant 1 : i32
      %select_n3A_590 = arith.select %eq3A_588, %jit3A_589, %jit3A_586 : i32
      %rem3A_591 = arith.remsi %add3A_500, %select_n3A_590 : i32
      %ne3A_592 = arith.constant 0 : i32
      %ne3A_593 = arith.cmpi ne, %rem3A_591, %ne3A_592 : i32
      %lt3A_594 = arith.constant 0 : i32
      %lt3A_595 = arith.cmpi slt, %rem3A_591, %lt3A_594 : i32
      %lt3A_596 = arith.constant 0 : i32
      %lt3A_597 = arith.cmpi slt, %select_n3A_590, %lt3A_596 : i32
      %ne3A_598 = arith.xori %lt3A_595, %lt3A_597 : i1
      %and3A_599 = arith.andi %ne3A_598, %ne3A_593 : i1
      %add3A_600 = arith.addi %rem3A_591, %select_n3A_590 : i32
      %select_n3A_601 = arith.select %and3A_599, %add3A_600, %rem3A_591 : i32
      %jit3A_602 = arith.constant 16 : i32
      %div3A_603 = arith.divsi %add3A_585, %jit3A_602 : i32
      %sign3A_604 = arith.constant 0 : i32
      %sign3A_605 = arith.cmpi sgt, %add3A_585, %sign3A_604 : i32
      %sign3A_606 = arith.extui %sign3A_605 : i1 to i32
      %sign3A_607 = arith.constant 0 : i32
      %sign3A_608 = arith.cmpi slt, %add3A_585, %sign3A_607 : i32
      %sign3A_609 = arith.extui %sign3A_608 : i1 to i32
      %sign3A_610 = arith.subi %sign3A_606, %sign3A_609 : i32
      %sign3A_611 = arith.constant 0 : i32
      %sign3A_612 = arith.cmpi sgt, %jit3A_602, %sign3A_611 : i32
      %sign3A_613 = arith.extui %sign3A_612 : i1 to i32
      %sign3A_614 = arith.constant 0 : i32
      %sign3A_615 = arith.cmpi slt, %jit3A_602, %sign3A_614 : i32
      %sign3A_616 = arith.extui %sign3A_615 : i1 to i32
      %sign3A_617 = arith.subi %sign3A_613, %sign3A_616 : i32
      %ne3A_618 = arith.cmpi ne, %sign3A_610, %sign3A_617 : i32
      %rem3A_619 = arith.remsi %add3A_585, %jit3A_602 : i32
      %ne3A_620 = arith.constant 0 : i32
      %ne3A_621 = arith.cmpi ne, %rem3A_619, %ne3A_620 : i32
      %and3A_622 = arith.andi %ne3A_618, %ne3A_621 : i1
      %sub3A_623 = arith.constant 1 : i32
      %sub3A_624 = arith.subi %div3A_603, %sub3A_623 : i32
      %select_n3A_625 = arith.select %and3A_622, %sub3A_624, %div3A_603 : i32
      %jit3A_626 = arith.constant 16 : i32
      %eq3A_627 = arith.constant 0 : i32
      %eq3A_628 = arith.cmpi eq, %jit3A_626, %eq3A_627 : i32
      %jit3A_629 = arith.constant 1 : i32
      %select_n3A_630 = arith.select %eq3A_628, %jit3A_629, %jit3A_626 : i32
      %rem3A_631 = arith.remsi %add3A_585, %select_n3A_630 : i32
      %ne3A_632 = arith.constant 0 : i32
      %ne3A_633 = arith.cmpi ne, %rem3A_631, %ne3A_632 : i32
      %lt3A_634 = arith.constant 0 : i32
      %lt3A_635 = arith.cmpi slt, %rem3A_631, %lt3A_634 : i32
      %lt3A_636 = arith.constant 0 : i32
      %lt3A_637 = arith.cmpi slt, %select_n3A_630, %lt3A_636 : i32
      %ne3A_638 = arith.xori %lt3A_635, %lt3A_637 : i1
      %and3A_639 = arith.andi %ne3A_638, %ne3A_633 : i1
      %add3A_640 = arith.addi %rem3A_631, %select_n3A_630 : i32
      %select_n3A_641 = arith.select %and3A_639, %add3A_640, %rem3A_631 : i32
      %jit3A_642 = arith.constant 8 : i32
      %div3A_643 = arith.divsi %select_n3A_641, %jit3A_642 : i32
      %sign3A_644 = arith.constant 0 : i32
      %sign3A_645 = arith.cmpi sgt, %select_n3A_641, %sign3A_644 : i32
      %sign3A_646 = arith.extui %sign3A_645 : i1 to i32
      %sign3A_647 = arith.constant 0 : i32
      %sign3A_648 = arith.cmpi slt, %select_n3A_641, %sign3A_647 : i32
      %sign3A_649 = arith.extui %sign3A_648 : i1 to i32
      %sign3A_650 = arith.subi %sign3A_646, %sign3A_649 : i32
      %sign3A_651 = arith.constant 0 : i32
      %sign3A_652 = arith.cmpi sgt, %jit3A_642, %sign3A_651 : i32
      %sign3A_653 = arith.extui %sign3A_652 : i1 to i32
      %sign3A_654 = arith.constant 0 : i32
      %sign3A_655 = arith.cmpi slt, %jit3A_642, %sign3A_654 : i32
      %sign3A_656 = arith.extui %sign3A_655 : i1 to i32
      %sign3A_657 = arith.subi %sign3A_653, %sign3A_656 : i32
      %ne3A_658 = arith.cmpi ne, %sign3A_650, %sign3A_657 : i32
      %rem3A_659 = arith.remsi %select_n3A_641, %jit3A_642 : i32
      %ne3A_660 = arith.constant 0 : i32
      %ne3A_661 = arith.cmpi ne, %rem3A_659, %ne3A_660 : i32
      %and3A_662 = arith.andi %ne3A_658, %ne3A_661 : i1
      %sub3A_663 = arith.constant 1 : i32
      %sub3A_664 = arith.subi %div3A_643, %sub3A_663 : i32
      %select_n3A_665 = arith.select %and3A_662, %sub3A_664, %div3A_643 : i32
      %jit3A_666 = arith.constant 8 : i32
      %eq3A_667 = arith.constant 0 : i32
      %eq3A_668 = arith.cmpi eq, %jit3A_666, %eq3A_667 : i32
      %jit3A_669 = arith.constant 1 : i32
      %select_n3A_670 = arith.select %eq3A_668, %jit3A_669, %jit3A_666 : i32
      %rem3A_671 = arith.remsi %select_n3A_641, %select_n3A_670 : i32
      %ne3A_672 = arith.constant 0 : i32
      %ne3A_673 = arith.cmpi ne, %rem3A_671, %ne3A_672 : i32
      %lt3A_674 = arith.constant 0 : i32
      %lt3A_675 = arith.cmpi slt, %rem3A_671, %lt3A_674 : i32
      %lt3A_676 = arith.constant 0 : i32
      %lt3A_677 = arith.cmpi slt, %select_n3A_670, %lt3A_676 : i32
      %ne3A_678 = arith.xori %lt3A_675, %lt3A_677 : i1
      %and3A_679 = arith.andi %ne3A_678, %ne3A_673 : i1
      %add3A_680 = arith.addi %rem3A_671, %select_n3A_670 : i32
      %select_n3A_681 = arith.select %and3A_679, %add3A_680, %rem3A_671 : i32
      %dma_start3A_682 = arith.constant 0 : i32
      %dma_start3A_683 = arith.constant 0 : i32
      %dma_start3A_684 = tpu.memref_slice %arg7[%dma_start3A_682, %dma_start3A_683] : memref<64x129xf32, #tpu.memory_space<vmem>> -> memref<64x128xf32, #tpu.memory_space<vmem>>
      %dma_start3A_685 = arith.constant 0 : i32
      %dma_start3A_686 = arith.constant 0 : i32
      %dma_start3A_687 = tpu.memref_slice %arg4[%dma_start3A_685, %select_n3A_625, %select_n3A_665, %select_n3A_601, %select_n3A_681, %dma_start3A_686] : memref<64x16x2x8x8x128xf32, #tpu.memory_space<hbm>> -> memref<64x1x1x1x1x128xf32, #tpu.memory_space<hbm>>
      %dma_start3A_688 = tpu.memref_squeeze %dma_start3A_687 : memref<64x1x1x1x1x128xf32, #tpu.memory_space<hbm>> -> memref<64x128xf32, #tpu.memory_space<hbm>>
      %dma_start3A_689 = arith.constant 0 : i32
      %dma_start3A_690 = arith.constant 0 : i32
      %dma_start3A_691 = tpu.memref_slice %arg4[%dma_start3A_689, %select_n3A_625, %select_n3A_665, %select_n3A_601, %select_n3A_681, %dma_start3A_690] : memref<64x16x2x8x8x128xf32, #tpu.memory_space<hbm>> -> memref<64x1x1x1x1x128xf32, #tpu.memory_space<hbm>>
      %dma_start3A_692 = tpu.memref_squeeze %dma_start3A_691 : memref<64x1x1x1x1x128xf32, #tpu.memory_space<hbm>> -> memref<64x128xf32, #tpu.memory_space<hbm>>
      %dma_start3A_693 = arith.constant 0 : i32
      %dma_start3A_694 = arith.constant 0 : i32
      %dma_start3A_695 = tpu.memref_slice %arg7[%dma_start3A_693, %dma_start3A_694] : memref<64x129xf32, #tpu.memory_space<vmem>> -> memref<64x128xf32, #tpu.memory_space<vmem>>
      tpu.enqueue_dma source(%dma_start3A_695 : memref<64x128xf32, #tpu.memory_space<vmem>>) target(%dma_start3A_692 : memref<64x128xf32, #tpu.memory_space<hbm>>) target_semaphore(%arg16 : memref<!tpu.dma_semaphore, #tpu.memory_space<semaphore_mem>>)
      %add3A_696 = arith.constant 1 : i32
      %add3A_697 = arith.addi %mul3A_498, %add3A_696 : i32
      %add3A_698 = arith.constant 2 : i32
      %add3A_699 = arith.addi %add3A_697, %add3A_698 : i32
      %lt3A_700 = arith.constant 64 : i32
      %lt3A_701 = arith.cmpi slt, %add3A_699, %lt3A_700 : i32
      %convert_element_type3A_702 = arith.extui %lt3A_701 : i1 to i32
      %cond3A_703 = arith.constant 0 : i32
      %cond3A_704 = arith.cmpi ne, %convert_element_type3A_702, %cond3A_703 : i32
      scf.if %cond3A_704 {
        %add3A_1300 = arith.constant 2 : i32
        %add3A_1301 = arith.addi %add3A_697, %add3A_1300 : i32
        %mul3A_1302 = arith.constant 8 : i32
        %mul3A_1303 = arith.muli %add3A, %mul3A_1302 : i32
        %jit3A_1304 = arith.constant 8 : i32
        %div3A_1305 = arith.divsi %add3A_1301, %jit3A_1304 : i32
        %sign3A_1306 = arith.constant 0 : i32
        %sign3A_1307 = arith.cmpi sgt, %add3A_1301, %sign3A_1306 : i32
        %sign3A_1308 = arith.extui %sign3A_1307 : i1 to i32
        %sign3A_1309 = arith.constant 0 : i32
        %sign3A_1310 = arith.cmpi slt, %add3A_1301, %sign3A_1309 : i32
        %sign3A_1311 = arith.extui %sign3A_1310 : i1 to i32
        %sign3A_1312 = arith.subi %sign3A_1308, %sign3A_1311 : i32
        %sign3A_1313 = arith.constant 0 : i32
        %sign3A_1314 = arith.cmpi sgt, %jit3A_1304, %sign3A_1313 : i32
        %sign3A_1315 = arith.extui %sign3A_1314 : i1 to i32
        %sign3A_1316 = arith.constant 0 : i32
        %sign3A_1317 = arith.cmpi slt, %jit3A_1304, %sign3A_1316 : i32
        %sign3A_1318 = arith.extui %sign3A_1317 : i1 to i32
        %sign3A_1319 = arith.subi %sign3A_1315, %sign3A_1318 : i32
        %ne3A_1320 = arith.cmpi ne, %sign3A_1312, %sign3A_1319 : i32
        %rem3A_1321 = arith.remsi %add3A_1301, %jit3A_1304 : i32
        %ne3A_1322 = arith.constant 0 : i32
        %ne3A_1323 = arith.cmpi ne, %rem3A_1321, %ne3A_1322 : i32
        %and3A_1324 = arith.andi %ne3A_1320, %ne3A_1323 : i1
        %sub3A_1325 = arith.constant 1 : i32
        %sub3A_1326 = arith.subi %div3A_1305, %sub3A_1325 : i32
        %select_n3A_1327 = arith.select %and3A_1324, %sub3A_1326, %div3A_1305 : i32
        %add3A_1328 = arith.addi %mul3A_1303, %select_n3A_1327 : i32
        %jit3A_1329 = arith.constant 8 : i32
        %eq3A_1330 = arith.constant 0 : i32
        %eq3A_1331 = arith.cmpi eq, %jit3A_1329, %eq3A_1330 : i32
        %jit3A_1332 = arith.constant 1 : i32
        %select_n3A_1333 = arith.select %eq3A_1331, %jit3A_1332, %jit3A_1329 : i32
        %rem3A_1334 = arith.remsi %add3A_1301, %select_n3A_1333 : i32
        %ne3A_1335 = arith.constant 0 : i32
        %ne3A_1336 = arith.cmpi ne, %rem3A_1334, %ne3A_1335 : i32
        %lt3A_1337 = arith.constant 0 : i32
        %lt3A_1338 = arith.cmpi slt, %rem3A_1334, %lt3A_1337 : i32
        %lt3A_1339 = arith.constant 0 : i32
        %lt3A_1340 = arith.cmpi slt, %select_n3A_1333, %lt3A_1339 : i32
        %ne3A_1341 = arith.xori %lt3A_1338, %lt3A_1340 : i1
        %and3A_1342 = arith.andi %ne3A_1341, %ne3A_1336 : i1
        %add3A_1343 = arith.addi %rem3A_1334, %select_n3A_1333 : i32
        %select_n3A_1344 = arith.select %and3A_1342, %add3A_1343, %rem3A_1334 : i32
        %jit3A_1345 = arith.constant 16 : i32
        %div3A_1346 = arith.divsi %add3A_1328, %jit3A_1345 : i32
        %sign3A_1347 = arith.constant 0 : i32
        %sign3A_1348 = arith.cmpi sgt, %add3A_1328, %sign3A_1347 : i32
        %sign3A_1349 = arith.extui %sign3A_1348 : i1 to i32
        %sign3A_1350 = arith.constant 0 : i32
        %sign3A_1351 = arith.cmpi slt, %add3A_1328, %sign3A_1350 : i32
        %sign3A_1352 = arith.extui %sign3A_1351 : i1 to i32
        %sign3A_1353 = arith.subi %sign3A_1349, %sign3A_1352 : i32
        %sign3A_1354 = arith.constant 0 : i32
        %sign3A_1355 = arith.cmpi sgt, %jit3A_1345, %sign3A_1354 : i32
        %sign3A_1356 = arith.extui %sign3A_1355 : i1 to i32
        %sign3A_1357 = arith.constant 0 : i32
        %sign3A_1358 = arith.cmpi slt, %jit3A_1345, %sign3A_1357 : i32
        %sign3A_1359 = arith.extui %sign3A_1358 : i1 to i32
        %sign3A_1360 = arith.subi %sign3A_1356, %sign3A_1359 : i32
        %ne3A_1361 = arith.cmpi ne, %sign3A_1353, %sign3A_1360 : i32
        %rem3A_1362 = arith.remsi %add3A_1328, %jit3A_1345 : i32
        %ne3A_1363 = arith.constant 0 : i32
        %ne3A_1364 = arith.cmpi ne, %rem3A_1362, %ne3A_1363 : i32
        %and3A_1365 = arith.andi %ne3A_1361, %ne3A_1364 : i1
        %sub3A_1366 = arith.constant 1 : i32
        %sub3A_1367 = arith.subi %div3A_1346, %sub3A_1366 : i32
        %select_n3A_1368 = arith.select %and3A_1365, %sub3A_1367, %div3A_1346 : i32
        %jit3A_1369 = arith.constant 16 : i32
        %eq3A_1370 = arith.constant 0 : i32
        %eq3A_1371 = arith.cmpi eq, %jit3A_1369, %eq3A_1370 : i32
        %jit3A_1372 = arith.constant 1 : i32
        %select_n3A_1373 = arith.select %eq3A_1371, %jit3A_1372, %jit3A_1369 : i32
        %rem3A_1374 = arith.remsi %add3A_1328, %select_n3A_1373 : i32
        %ne3A_1375 = arith.constant 0 : i32
        %ne3A_1376 = arith.cmpi ne, %rem3A_1374, %ne3A_1375 : i32
        %lt3A_1377 = arith.constant 0 : i32
        %lt3A_1378 = arith.cmpi slt, %rem3A_1374, %lt3A_1377 : i32
        %lt3A_1379 = arith.constant 0 : i32
        %lt3A_1380 = arith.cmpi slt, %select_n3A_1373, %lt3A_1379 : i32
        %ne3A_1381 = arith.xori %lt3A_1378, %lt3A_1380 : i1
        %and3A_1382 = arith.andi %ne3A_1381, %ne3A_1376 : i1
        %add3A_1383 = arith.addi %rem3A_1374, %select_n3A_1373 : i32
        %select_n3A_1384 = arith.select %and3A_1382, %add3A_1383, %rem3A_1374 : i32
        %dma_wait3A_1385 = arith.constant 3 : i32
        %dma_wait3A_1386 = arith.constant 0 : i32
        %dma_wait3A_1387 = arith.constant 0 : i32
        %dma_wait3A_1388 = tpu.memref_slice %arg5[%dma_wait3A_1385, %dma_wait3A_1386, %dma_wait3A_1387] : memref<4x3x128xi32, #tpu.memory_space<vmem>> -> memref<1x3x128xi32, #tpu.memory_space<vmem>>
        %dma_wait3A_1389 = tpu.memref_squeeze %dma_wait3A_1388 : memref<1x3x128xi32, #tpu.memory_space<vmem>> -> memref<3x128xi32, #tpu.memory_space<vmem>>
        %dma_wait3A_1390 = arith.constant 0 : i32
        %dma_wait3A_1391 = arith.constant 0 : i32
        %dma_wait3A_1392 = tpu.memref_slice %arg2[%dma_wait3A_1390, %select_n3A_1368, %select_n3A_1384, %select_n3A_1344, %dma_wait3A_1391] : memref<3x16x16x8x128xi32, #tpu.memory_space<hbm>> -> memref<3x1x1x1x128xi32, #tpu.memory_space<hbm>>
        %dma_wait3A_1393 = tpu.memref_squeeze %dma_wait3A_1392 : memref<3x1x1x1x128xi32, #tpu.memory_space<hbm>> -> memref<3x128xi32, #tpu.memory_space<hbm>>
        %dma_wait3A_1394 = arith.constant 0 : i32
        %dma_wait3A_1395 = arith.constant 0 : i32
        %dma_wait3A_1396 = tpu.memref_slice %arg5[%dma_wait3A_1385, %dma_wait3A_1394, %dma_wait3A_1395] : memref<4x3x128xi32, #tpu.memory_space<vmem>> -> memref<1x3x128xi32, #tpu.memory_space<vmem>>
        %dma_wait3A_1397 = tpu.memref_squeeze %dma_wait3A_1396 : memref<1x3x128xi32, #tpu.memory_space<vmem>> -> memref<3x128xi32, #tpu.memory_space<vmem>>
        %dma_wait3A_1398 = arith.constant 0 : i32
        %dma_wait3A_1399 = arith.constant 0 : i32
        %dma_wait3A_1400 = tpu.memref_slice %arg2[%dma_wait3A_1398, %select_n3A_1368, %select_n3A_1384, %select_n3A_1344, %dma_wait3A_1399] : memref<3x16x16x8x128xi32, #tpu.memory_space<hbm>> -> memref<3x1x1x1x128xi32, #tpu.memory_space<hbm>>
        %dma_wait3A_1401 = tpu.memref_squeeze %dma_wait3A_1400 : memref<3x1x1x1x128xi32, #tpu.memory_space<hbm>> -> memref<3x128xi32, #tpu.memory_space<hbm>>
        tpu.wait_dma2 semaphore(%arg15 : memref<!tpu.dma_semaphore, #tpu.memory_space<semaphore_mem>>) src(%dma_wait3A_1401 : memref<3x128xi32, #tpu.memory_space<hbm>>) dst(%dma_wait3A_1397 : memref<3x128xi32, #tpu.memory_space<vmem>>)
        %dma_start3A_1402 = arith.constant 3 : i32
        %dma_start3A_1403 = arith.constant 0 : i32
        %dma_start3A_1404 = arith.constant 3 : i32
        %dma_start3A_1405 = arith.constant 0 : i32
        %dma_start3A_1406 = arith.constant 0 : i32
        %dma_start3A_1407 = tpu.memref_slice %arg6[%dma_start3A_1404, %dma_start3A_1405, %dma_start3A_1406] : memref<4x384x64xf32, #tpu.memory_space<vmem>> -> memref<1x128x64xf32, #tpu.memory_space<vmem>>
        %dma_start3A_1408 = tpu.memref_squeeze %dma_start3A_1407 : memref<1x128x64xf32, #tpu.memory_space<vmem>> -> memref<128x64xf32, #tpu.memory_space<vmem>>
        %dma_start3A_1409 = arith.constant 0 : i32
        %dma_start3A_1410 = tpu.memref_slice %arg5[%dma_start3A_1402, %dma_start3A_1403, %dma_start3A_1409] : memref<4x3x128xi32, #tpu.memory_space<vmem>> -> memref<1x1x128xi32, #tpu.memory_space<vmem>>
        %dma_start3A_1411 = tpu.memref_squeeze %dma_start3A_1410 : memref<1x1x128xi32, #tpu.memory_space<vmem>> -> memref<128xi32, #tpu.memory_space<vmem>>
        %dma_start3A_1412 = arith.constant 0 : i32
        %dma_start3A_1413 = arith.constant 0 : i32
        %dma_start3A_1414 = tpu.memref_slice %arg3[%dma_start3A_1412, %dma_start3A_1413] : memref<100000x64xf32, #tpu.memory_space<hbm>> -> memref<100000x64xf32, #tpu.memory_space<hbm>>
        tpu.enqueue_indirect_dma source(%dma_start3A_1414 : memref<100000x64xf32, #tpu.memory_space<hbm>>) target(%dma_start3A_1408 : memref<128x64xf32, #tpu.memory_space<vmem>>) offsets(%dma_start3A_1411 : memref<128xi32, #tpu.memory_space<vmem>>) semaphore(%arg11 : memref<!tpu.dma_semaphore, #tpu.memory_space<semaphore_mem>>)
        %dma_start3A_1415 = arith.constant 3 : i32
        %dma_start3A_1416 = arith.constant 1 : i32
        %dma_start3A_1417 = arith.constant 3 : i32
        %dma_start3A_1418 = arith.constant 128 : i32
        %dma_start3A_1419 = arith.constant 0 : i32
        %dma_start3A_1420 = tpu.memref_slice %arg6[%dma_start3A_1417, %dma_start3A_1418, %dma_start3A_1419] : memref<4x384x64xf32, #tpu.memory_space<vmem>> -> memref<1x128x64xf32, #tpu.memory_space<vmem>>
        %dma_start3A_1421 = tpu.memref_squeeze %dma_start3A_1420 : memref<1x128x64xf32, #tpu.memory_space<vmem>> -> memref<128x64xf32, #tpu.memory_space<vmem>>
        %dma_start3A_1422 = arith.constant 0 : i32
        %dma_start3A_1423 = tpu.memref_slice %arg5[%dma_start3A_1415, %dma_start3A_1416, %dma_start3A_1422] : memref<4x3x128xi32, #tpu.memory_space<vmem>> -> memref<1x1x128xi32, #tpu.memory_space<vmem>>
        %dma_start3A_1424 = tpu.memref_squeeze %dma_start3A_1423 : memref<1x1x128xi32, #tpu.memory_space<vmem>> -> memref<128xi32, #tpu.memory_space<vmem>>
        %dma_start3A_1425 = arith.constant 0 : i32
        %dma_start3A_1426 = arith.constant 0 : i32
        %dma_start3A_1427 = tpu.memref_slice %arg3[%dma_start3A_1425, %dma_start3A_1426] : memref<100000x64xf32, #tpu.memory_space<hbm>> -> memref<100000x64xf32, #tpu.memory_space<hbm>>
        tpu.enqueue_indirect_dma source(%dma_start3A_1427 : memref<100000x64xf32, #tpu.memory_space<hbm>>) target(%dma_start3A_1421 : memref<128x64xf32, #tpu.memory_space<vmem>>) offsets(%dma_start3A_1424 : memref<128xi32, #tpu.memory_space<vmem>>) semaphore(%arg11 : memref<!tpu.dma_semaphore, #tpu.memory_space<semaphore_mem>>)
        %dma_start3A_1428 = arith.constant 3 : i32
        %dma_start3A_1429 = arith.constant 2 : i32
        %dma_start3A_1430 = arith.constant 3 : i32
        %dma_start3A_1431 = arith.constant 256 : i32
        %dma_start3A_1432 = arith.constant 0 : i32
        %dma_start3A_1433 = tpu.memref_slice %arg6[%dma_start3A_1430, %dma_start3A_1431, %dma_start3A_1432] : memref<4x384x64xf32, #tpu.memory_space<vmem>> -> memref<1x128x64xf32, #tpu.memory_space<vmem>>
        %dma_start3A_1434 = tpu.memref_squeeze %dma_start3A_1433 : memref<1x128x64xf32, #tpu.memory_space<vmem>> -> memref<128x64xf32, #tpu.memory_space<vmem>>
        %dma_start3A_1435 = arith.constant 0 : i32
        %dma_start3A_1436 = tpu.memref_slice %arg5[%dma_start3A_1428, %dma_start3A_1429, %dma_start3A_1435] : memref<4x3x128xi32, #tpu.memory_space<vmem>> -> memref<1x1x128xi32, #tpu.memory_space<vmem>>
        %dma_start3A_1437 = tpu.memref_squeeze %dma_start3A_1436 : memref<1x1x128xi32, #tpu.memory_space<vmem>> -> memref<128xi32, #tpu.memory_space<vmem>>
        %dma_start3A_1438 = arith.constant 0 : i32
        %dma_start3A_1439 = arith.constant 0 : i32
        %dma_start3A_1440 = tpu.memref_slice %arg3[%dma_start3A_1438, %dma_start3A_1439] : memref<100000x64xf32, #tpu.memory_space<hbm>> -> memref<100000x64xf32, #tpu.memory_space<hbm>>
        tpu.enqueue_indirect_dma source(%dma_start3A_1440 : memref<100000x64xf32, #tpu.memory_space<hbm>>) target(%dma_start3A_1434 : memref<128x64xf32, #tpu.memory_space<vmem>>) offsets(%dma_start3A_1437 : memref<128xi32, #tpu.memory_space<vmem>>) semaphore(%arg11 : memref<!tpu.dma_semaphore, #tpu.memory_space<semaphore_mem>>)
      } else {
      }
      %add3A_705 = arith.constant 3 : i32
      %add3A_706 = arith.addi %add3A_697, %add3A_705 : i32
      %lt3A_707 = arith.constant 64 : i32
      %lt3A_708 = arith.cmpi slt, %add3A_706, %lt3A_707 : i32
      %convert_element_type3A_709 = arith.extui %lt3A_708 : i1 to i32
      %cond3A_710 = arith.constant 0 : i32
      %cond3A_711 = arith.cmpi ne, %convert_element_type3A_709, %cond3A_710 : i32
      scf.if %cond3A_711 {
        %add3A_1300 = arith.constant 3 : i32
        %add3A_1301 = arith.addi %add3A_697, %add3A_1300 : i32
        %mul3A_1302 = arith.constant 8 : i32
        %mul3A_1303 = arith.muli %add3A, %mul3A_1302 : i32
        %jit3A_1304 = arith.constant 8 : i32
        %div3A_1305 = arith.divsi %add3A_1301, %jit3A_1304 : i32
        %sign3A_1306 = arith.constant 0 : i32
        %sign3A_1307 = arith.cmpi sgt, %add3A_1301, %sign3A_1306 : i32
        %sign3A_1308 = arith.extui %sign3A_1307 : i1 to i32
        %sign3A_1309 = arith.constant 0 : i32
        %sign3A_1310 = arith.cmpi slt, %add3A_1301, %sign3A_1309 : i32
        %sign3A_1311 = arith.extui %sign3A_1310 : i1 to i32
        %sign3A_1312 = arith.subi %sign3A_1308, %sign3A_1311 : i32
        %sign3A_1313 = arith.constant 0 : i32
        %sign3A_1314 = arith.cmpi sgt, %jit3A_1304, %sign3A_1313 : i32
        %sign3A_1315 = arith.extui %sign3A_1314 : i1 to i32
        %sign3A_1316 = arith.constant 0 : i32
        %sign3A_1317 = arith.cmpi slt, %jit3A_1304, %sign3A_1316 : i32
        %sign3A_1318 = arith.extui %sign3A_1317 : i1 to i32
        %sign3A_1319 = arith.subi %sign3A_1315, %sign3A_1318 : i32
        %ne3A_1320 = arith.cmpi ne, %sign3A_1312, %sign3A_1319 : i32
        %rem3A_1321 = arith.remsi %add3A_1301, %jit3A_1304 : i32
        %ne3A_1322 = arith.constant 0 : i32
        %ne3A_1323 = arith.cmpi ne, %rem3A_1321, %ne3A_1322 : i32
        %and3A_1324 = arith.andi %ne3A_1320, %ne3A_1323 : i1
        %sub3A_1325 = arith.constant 1 : i32
        %sub3A_1326 = arith.subi %div3A_1305, %sub3A_1325 : i32
        %select_n3A_1327 = arith.select %and3A_1324, %sub3A_1326, %div3A_1305 : i32
        %add3A_1328 = arith.addi %mul3A_1303, %select_n3A_1327 : i32
        %jit3A_1329 = arith.constant 8 : i32
        %eq3A_1330 = arith.constant 0 : i32
        %eq3A_1331 = arith.cmpi eq, %jit3A_1329, %eq3A_1330 : i32
        %jit3A_1332 = arith.constant 1 : i32
        %select_n3A_1333 = arith.select %eq3A_1331, %jit3A_1332, %jit3A_1329 : i32
        %rem3A_1334 = arith.remsi %add3A_1301, %select_n3A_1333 : i32
        %ne3A_1335 = arith.constant 0 : i32
        %ne3A_1336 = arith.cmpi ne, %rem3A_1334, %ne3A_1335 : i32
        %lt3A_1337 = arith.constant 0 : i32
        %lt3A_1338 = arith.cmpi slt, %rem3A_1334, %lt3A_1337 : i32
        %lt3A_1339 = arith.constant 0 : i32
        %lt3A_1340 = arith.cmpi slt, %select_n3A_1333, %lt3A_1339 : i32
        %ne3A_1341 = arith.xori %lt3A_1338, %lt3A_1340 : i1
        %and3A_1342 = arith.andi %ne3A_1341, %ne3A_1336 : i1
        %add3A_1343 = arith.addi %rem3A_1334, %select_n3A_1333 : i32
        %select_n3A_1344 = arith.select %and3A_1342, %add3A_1343, %rem3A_1334 : i32
        %jit3A_1345 = arith.constant 16 : i32
        %div3A_1346 = arith.divsi %add3A_1328, %jit3A_1345 : i32
        %sign3A_1347 = arith.constant 0 : i32
        %sign3A_1348 = arith.cmpi sgt, %add3A_1328, %sign3A_1347 : i32
        %sign3A_1349 = arith.extui %sign3A_1348 : i1 to i32
        %sign3A_1350 = arith.constant 0 : i32
        %sign3A_1351 = arith.cmpi slt, %add3A_1328, %sign3A_1350 : i32
        %sign3A_1352 = arith.extui %sign3A_1351 : i1 to i32
        %sign3A_1353 = arith.subi %sign3A_1349, %sign3A_1352 : i32
        %sign3A_1354 = arith.constant 0 : i32
        %sign3A_1355 = arith.cmpi sgt, %jit3A_1345, %sign3A_1354 : i32
        %sign3A_1356 = arith.extui %sign3A_1355 : i1 to i32
        %sign3A_1357 = arith.constant 0 : i32
        %sign3A_1358 = arith.cmpi slt, %jit3A_1345, %sign3A_1357 : i32
        %sign3A_1359 = arith.extui %sign3A_1358 : i1 to i32
        %sign3A_1360 = arith.subi %sign3A_1356, %sign3A_1359 : i32
        %ne3A_1361 = arith.cmpi ne, %sign3A_1353, %sign3A_1360 : i32
        %rem3A_1362 = arith.remsi %add3A_1328, %jit3A_1345 : i32
        %ne3A_1363 = arith.constant 0 : i32
        %ne3A_1364 = arith.cmpi ne, %rem3A_1362, %ne3A_1363 : i32
        %and3A_1365 = arith.andi %ne3A_1361, %ne3A_1364 : i1
        %sub3A_1366 = arith.constant 1 : i32
        %sub3A_1367 = arith.subi %div3A_1346, %sub3A_1366 : i32
        %select_n3A_1368 = arith.select %and3A_1365, %sub3A_1367, %div3A_1346 : i32
        %jit3A_1369 = arith.constant 16 : i32
        %eq3A_1370 = arith.constant 0 : i32
        %eq3A_1371 = arith.cmpi eq, %jit3A_1369, %eq3A_1370 : i32
        %jit3A_1372 = arith.constant 1 : i32
        %select_n3A_1373 = arith.select %eq3A_1371, %jit3A_1372, %jit3A_1369 : i32
        %rem3A_1374 = arith.remsi %add3A_1328, %select_n3A_1373 : i32
        %ne3A_1375 = arith.constant 0 : i32
        %ne3A_1376 = arith.cmpi ne, %rem3A_1374, %ne3A_1375 : i32
        %lt3A_1377 = arith.constant 0 : i32
        %lt3A_1378 = arith.cmpi slt, %rem3A_1374, %lt3A_1377 : i32
        %lt3A_1379 = arith.constant 0 : i32
        %lt3A_1380 = arith.cmpi slt, %select_n3A_1373, %lt3A_1379 : i32
        %ne3A_1381 = arith.xori %lt3A_1378, %lt3A_1380 : i1
        %and3A_1382 = arith.andi %ne3A_1381, %ne3A_1376 : i1
        %add3A_1383 = arith.addi %rem3A_1374, %select_n3A_1373 : i32
        %select_n3A_1384 = arith.select %and3A_1382, %add3A_1383, %rem3A_1374 : i32
        %dma_start3A_1385 = arith.constant 0 : i32
        %dma_start3A_1386 = arith.constant 0 : i32
        %dma_start3A_1387 = arith.constant 0 : i32
        %dma_start3A_1388 = tpu.memref_slice %arg5[%dma_start3A_1385, %dma_start3A_1386, %dma_start3A_1387] : memref<4x3x128xi32, #tpu.memory_space<vmem>> -> memref<1x3x128xi32, #tpu.memory_space<vmem>>
        %dma_start3A_1389 = tpu.memref_squeeze %dma_start3A_1388 : memref<1x3x128xi32, #tpu.memory_space<vmem>> -> memref<3x128xi32, #tpu.memory_space<vmem>>
        %dma_start3A_1390 = arith.constant 0 : i32
        %dma_start3A_1391 = arith.constant 0 : i32
        %dma_start3A_1392 = tpu.memref_slice %arg2[%dma_start3A_1390, %select_n3A_1368, %select_n3A_1384, %select_n3A_1344, %dma_start3A_1391] : memref<3x16x16x8x128xi32, #tpu.memory_space<hbm>> -> memref<3x1x1x1x128xi32, #tpu.memory_space<hbm>>
        %dma_start3A_1393 = tpu.memref_squeeze %dma_start3A_1392 : memref<3x1x1x1x128xi32, #tpu.memory_space<hbm>> -> memref<3x128xi32, #tpu.memory_space<hbm>>
        %dma_start3A_1394 = arith.constant 0 : i32
        %dma_start3A_1395 = arith.constant 0 : i32
        %dma_start3A_1396 = tpu.memref_slice %arg5[%dma_start3A_1385, %dma_start3A_1394, %dma_start3A_1395] : memref<4x3x128xi32, #tpu.memory_space<vmem>> -> memref<1x3x128xi32, #tpu.memory_space<vmem>>
        %dma_start3A_1397 = tpu.memref_squeeze %dma_start3A_1396 : memref<1x3x128xi32, #tpu.memory_space<vmem>> -> memref<3x128xi32, #tpu.memory_space<vmem>>
        %dma_start3A_1398 = arith.constant 0 : i32
        %dma_start3A_1399 = arith.constant 0 : i32
        %dma_start3A_1400 = tpu.memref_slice %arg2[%dma_start3A_1398, %select_n3A_1368, %select_n3A_1384, %select_n3A_1344, %dma_start3A_1399] : memref<3x16x16x8x128xi32, #tpu.memory_space<hbm>> -> memref<3x1x1x1x128xi32, #tpu.memory_space<hbm>>
        %dma_start3A_1401 = tpu.memref_squeeze %dma_start3A_1400 : memref<3x1x1x1x128xi32, #tpu.memory_space<hbm>> -> memref<3x128xi32, #tpu.memory_space<hbm>>
        tpu.enqueue_dma source(%dma_start3A_1401 : memref<3x128xi32, #tpu.memory_space<hbm>>) target(%dma_start3A_1397 : memref<3x128xi32, #tpu.memory_space<vmem>>) target_semaphore(%arg12 : memref<!tpu.dma_semaphore, #tpu.memory_space<semaphore_mem>>)
      } else {
      }
      %dma_wait3A_712 = arith.constant 1 : i32
      %dma_wait3A_713 = arith.constant 0 : i32
      %dma_wait3A_714 = arith.constant 1 : i32
      %dma_wait3A_715 = arith.constant 0 : i32
      %dma_wait3A_716 = arith.constant 0 : i32
      %dma_wait3A_717 = tpu.memref_slice %arg6[%dma_wait3A_714, %dma_wait3A_715, %dma_wait3A_716] : memref<4x384x64xf32, #tpu.memory_space<vmem>> -> memref<1x128x64xf32, #tpu.memory_space<vmem>>
      %dma_wait3A_718 = tpu.memref_squeeze %dma_wait3A_717 : memref<1x128x64xf32, #tpu.memory_space<vmem>> -> memref<128x64xf32, #tpu.memory_space<vmem>>
      %dma_wait3A_719 = arith.constant 0 : i32
      %dma_wait3A_720 = tpu.memref_slice %arg5[%dma_wait3A_712, %dma_wait3A_713, %dma_wait3A_719] : memref<4x3x128xi32, #tpu.memory_space<vmem>> -> memref<1x1x128xi32, #tpu.memory_space<vmem>>
      %dma_wait3A_721 = tpu.memref_squeeze %dma_wait3A_720 : memref<1x1x128xi32, #tpu.memory_space<vmem>> -> memref<128xi32, #tpu.memory_space<vmem>>
      %dma_wait3A_722 = arith.constant 0 : i32
      %dma_wait3A_723 = arith.constant 0 : i32
      %dma_wait3A_724 = tpu.memref_slice %arg3[%dma_wait3A_722, %dma_wait3A_723] : memref<100000x64xf32, #tpu.memory_space<hbm>> -> memref<100000x64xf32, #tpu.memory_space<hbm>>
      tpu.wait_indirect_dma semaphore(%arg9 : memref<!tpu.dma_semaphore, #tpu.memory_space<semaphore_mem>>) src(%dma_wait3A_724 : memref<100000x64xf32, #tpu.memory_space<hbm>>) dst(%dma_wait3A_718 : memref<128x64xf32, #tpu.memory_space<vmem>>)
      %dma_wait3A_725 = arith.constant 1 : i32
      %dma_wait3A_726 = arith.constant 1 : i32
      %dma_wait3A_727 = arith.constant 1 : i32
      %dma_wait3A_728 = arith.constant 128 : i32
      %dma_wait3A_729 = arith.constant 0 : i32
      %dma_wait3A_730 = tpu.memref_slice %arg6[%dma_wait3A_727, %dma_wait3A_728, %dma_wait3A_729] : memref<4x384x64xf32, #tpu.memory_space<vmem>> -> memref<1x128x64xf32, #tpu.memory_space<vmem>>
      %dma_wait3A_731 = tpu.memref_squeeze %dma_wait3A_730 : memref<1x128x64xf32, #tpu.memory_space<vmem>> -> memref<128x64xf32, #tpu.memory_space<vmem>>
      %dma_wait3A_732 = arith.constant 0 : i32
      %dma_wait3A_733 = tpu.memref_slice %arg5[%dma_wait3A_725, %dma_wait3A_726, %dma_wait3A_732] : memref<4x3x128xi32, #tpu.memory_space<vmem>> -> memref<1x1x128xi32, #tpu.memory_space<vmem>>
      %dma_wait3A_734 = tpu.memref_squeeze %dma_wait3A_733 : memref<1x1x128xi32, #tpu.memory_space<vmem>> -> memref<128xi32, #tpu.memory_space<vmem>>
      %dma_wait3A_735 = arith.constant 0 : i32
      %dma_wait3A_736 = arith.constant 0 : i32
      %dma_wait3A_737 = tpu.memref_slice %arg3[%dma_wait3A_735, %dma_wait3A_736] : memref<100000x64xf32, #tpu.memory_space<hbm>> -> memref<100000x64xf32, #tpu.memory_space<hbm>>
      tpu.wait_indirect_dma semaphore(%arg9 : memref<!tpu.dma_semaphore, #tpu.memory_space<semaphore_mem>>) src(%dma_wait3A_737 : memref<100000x64xf32, #tpu.memory_space<hbm>>) dst(%dma_wait3A_731 : memref<128x64xf32, #tpu.memory_space<vmem>>)
      %dma_wait3A_738 = arith.constant 1 : i32
      %dma_wait3A_739 = arith.constant 2 : i32
      %dma_wait3A_740 = arith.constant 1 : i32
      %dma_wait3A_741 = arith.constant 256 : i32
      %dma_wait3A_742 = arith.constant 0 : i32
      %dma_wait3A_743 = tpu.memref_slice %arg6[%dma_wait3A_740, %dma_wait3A_741, %dma_wait3A_742] : memref<4x384x64xf32, #tpu.memory_space<vmem>> -> memref<1x128x64xf32, #tpu.memory_space<vmem>>
      %dma_wait3A_744 = tpu.memref_squeeze %dma_wait3A_743 : memref<1x128x64xf32, #tpu.memory_space<vmem>> -> memref<128x64xf32, #tpu.memory_space<vmem>>
      %dma_wait3A_745 = arith.constant 0 : i32
      %dma_wait3A_746 = tpu.memref_slice %arg5[%dma_wait3A_738, %dma_wait3A_739, %dma_wait3A_745] : memref<4x3x128xi32, #tpu.memory_space<vmem>> -> memref<1x1x128xi32, #tpu.memory_space<vmem>>
      %dma_wait3A_747 = tpu.memref_squeeze %dma_wait3A_746 : memref<1x1x128xi32, #tpu.memory_space<vmem>> -> memref<128xi32, #tpu.memory_space<vmem>>
      %dma_wait3A_748 = arith.constant 0 : i32
      %dma_wait3A_749 = arith.constant 0 : i32
      %dma_wait3A_750 = tpu.memref_slice %arg3[%dma_wait3A_748, %dma_wait3A_749] : memref<100000x64xf32, #tpu.memory_space<hbm>> -> memref<100000x64xf32, #tpu.memory_space<hbm>>
      tpu.wait_indirect_dma semaphore(%arg9 : memref<!tpu.dma_semaphore, #tpu.memory_space<semaphore_mem>>) src(%dma_wait3A_750 : memref<100000x64xf32, #tpu.memory_space<hbm>>) dst(%dma_wait3A_744 : memref<128x64xf32, #tpu.memory_space<vmem>>)
      %gt3A_751 = arith.constant 0 : i32
      %gt3A_752 = arith.cmpi sgt, %add3A_697, %gt3A_751 : i32
      %convert_element_type3A_753 = arith.extui %gt3A_752 : i1 to i32
      %cond3A_754 = arith.constant 0 : i32
      %cond3A_755 = arith.cmpi ne, %convert_element_type3A_753, %cond3A_754 : i32
      scf.if %cond3A_755 {
        %sub3A_1300 = arith.constant 1 : i32
        %sub3A_1301 = arith.subi %add3A_697, %sub3A_1300 : i32
        %mul3A_1302 = arith.constant 8 : i32
        %mul3A_1303 = arith.muli %add3A, %mul3A_1302 : i32
        %jit3A_1304 = arith.constant 8 : i32
        %div3A_1305 = arith.divsi %sub3A_1301, %jit3A_1304 : i32
        %sign3A_1306 = arith.constant 0 : i32
        %sign3A_1307 = arith.cmpi sgt, %sub3A_1301, %sign3A_1306 : i32
        %sign3A_1308 = arith.extui %sign3A_1307 : i1 to i32
        %sign3A_1309 = arith.constant 0 : i32
        %sign3A_1310 = arith.cmpi slt, %sub3A_1301, %sign3A_1309 : i32
        %sign3A_1311 = arith.extui %sign3A_1310 : i1 to i32
        %sign3A_1312 = arith.subi %sign3A_1308, %sign3A_1311 : i32
        %sign3A_1313 = arith.constant 0 : i32
        %sign3A_1314 = arith.cmpi sgt, %jit3A_1304, %sign3A_1313 : i32
        %sign3A_1315 = arith.extui %sign3A_1314 : i1 to i32
        %sign3A_1316 = arith.constant 0 : i32
        %sign3A_1317 = arith.cmpi slt, %jit3A_1304, %sign3A_1316 : i32
        %sign3A_1318 = arith.extui %sign3A_1317 : i1 to i32
        %sign3A_1319 = arith.subi %sign3A_1315, %sign3A_1318 : i32
        %ne3A_1320 = arith.cmpi ne, %sign3A_1312, %sign3A_1319 : i32
        %rem3A_1321 = arith.remsi %sub3A_1301, %jit3A_1304 : i32
        %ne3A_1322 = arith.constant 0 : i32
        %ne3A_1323 = arith.cmpi ne, %rem3A_1321, %ne3A_1322 : i32
        %and3A_1324 = arith.andi %ne3A_1320, %ne3A_1323 : i1
        %sub3A_1325 = arith.constant 1 : i32
        %sub3A_1326 = arith.subi %div3A_1305, %sub3A_1325 : i32
        %select_n3A_1327 = arith.select %and3A_1324, %sub3A_1326, %div3A_1305 : i32
        %add3A_1328 = arith.addi %mul3A_1303, %select_n3A_1327 : i32
        %jit3A_1329 = arith.constant 8 : i32
        %eq3A_1330 = arith.constant 0 : i32
        %eq3A_1331 = arith.cmpi eq, %jit3A_1329, %eq3A_1330 : i32
        %jit3A_1332 = arith.constant 1 : i32
        %select_n3A_1333 = arith.select %eq3A_1331, %jit3A_1332, %jit3A_1329 : i32
        %rem3A_1334 = arith.remsi %sub3A_1301, %select_n3A_1333 : i32
        %ne3A_1335 = arith.constant 0 : i32
        %ne3A_1336 = arith.cmpi ne, %rem3A_1334, %ne3A_1335 : i32
        %lt3A_1337 = arith.constant 0 : i32
        %lt3A_1338 = arith.cmpi slt, %rem3A_1334, %lt3A_1337 : i32
        %lt3A_1339 = arith.constant 0 : i32
        %lt3A_1340 = arith.cmpi slt, %select_n3A_1333, %lt3A_1339 : i32
        %ne3A_1341 = arith.xori %lt3A_1338, %lt3A_1340 : i1
        %and3A_1342 = arith.andi %ne3A_1341, %ne3A_1336 : i1
        %add3A_1343 = arith.addi %rem3A_1334, %select_n3A_1333 : i32
        %select_n3A_1344 = arith.select %and3A_1342, %add3A_1343, %rem3A_1334 : i32
        %jit3A_1345 = arith.constant 16 : i32
        %div3A_1346 = arith.divsi %add3A_1328, %jit3A_1345 : i32
        %sign3A_1347 = arith.constant 0 : i32
        %sign3A_1348 = arith.cmpi sgt, %add3A_1328, %sign3A_1347 : i32
        %sign3A_1349 = arith.extui %sign3A_1348 : i1 to i32
        %sign3A_1350 = arith.constant 0 : i32
        %sign3A_1351 = arith.cmpi slt, %add3A_1328, %sign3A_1350 : i32
        %sign3A_1352 = arith.extui %sign3A_1351 : i1 to i32
        %sign3A_1353 = arith.subi %sign3A_1349, %sign3A_1352 : i32
        %sign3A_1354 = arith.constant 0 : i32
        %sign3A_1355 = arith.cmpi sgt, %jit3A_1345, %sign3A_1354 : i32
        %sign3A_1356 = arith.extui %sign3A_1355 : i1 to i32
        %sign3A_1357 = arith.constant 0 : i32
        %sign3A_1358 = arith.cmpi slt, %jit3A_1345, %sign3A_1357 : i32
        %sign3A_1359 = arith.extui %sign3A_1358 : i1 to i32
        %sign3A_1360 = arith.subi %sign3A_1356, %sign3A_1359 : i32
        %ne3A_1361 = arith.cmpi ne, %sign3A_1353, %sign3A_1360 : i32
        %rem3A_1362 = arith.remsi %add3A_1328, %jit3A_1345 : i32
        %ne3A_1363 = arith.constant 0 : i32
        %ne3A_1364 = arith.cmpi ne, %rem3A_1362, %ne3A_1363 : i32
        %and3A_1365 = arith.andi %ne3A_1361, %ne3A_1364 : i1
        %sub3A_1366 = arith.constant 1 : i32
        %sub3A_1367 = arith.subi %div3A_1346, %sub3A_1366 : i32
        %select_n3A_1368 = arith.select %and3A_1365, %sub3A_1367, %div3A_1346 : i32
        %jit3A_1369 = arith.constant 16 : i32
        %eq3A_1370 = arith.constant 0 : i32
        %eq3A_1371 = arith.cmpi eq, %jit3A_1369, %eq3A_1370 : i32
        %jit3A_1372 = arith.constant 1 : i32
        %select_n3A_1373 = arith.select %eq3A_1371, %jit3A_1372, %jit3A_1369 : i32
        %rem3A_1374 = arith.remsi %add3A_1328, %select_n3A_1373 : i32
        %ne3A_1375 = arith.constant 0 : i32
        %ne3A_1376 = arith.cmpi ne, %rem3A_1374, %ne3A_1375 : i32
        %lt3A_1377 = arith.constant 0 : i32
        %lt3A_1378 = arith.cmpi slt, %rem3A_1374, %lt3A_1377 : i32
        %lt3A_1379 = arith.constant 0 : i32
        %lt3A_1380 = arith.cmpi slt, %select_n3A_1373, %lt3A_1379 : i32
        %ne3A_1381 = arith.xori %lt3A_1378, %lt3A_1380 : i1
        %and3A_1382 = arith.andi %ne3A_1381, %ne3A_1376 : i1
        %add3A_1383 = arith.addi %rem3A_1374, %select_n3A_1373 : i32
        %select_n3A_1384 = arith.select %and3A_1382, %add3A_1383, %rem3A_1374 : i32
        %jit3A_1385 = arith.constant 8 : i32
        %div3A_1386 = arith.divsi %select_n3A_1384, %jit3A_1385 : i32
        %sign3A_1387 = arith.constant 0 : i32
        %sign3A_1388 = arith.cmpi sgt, %select_n3A_1384, %sign3A_1387 : i32
        %sign3A_1389 = arith.extui %sign3A_1388 : i1 to i32
        %sign3A_1390 = arith.constant 0 : i32
        %sign3A_1391 = arith.cmpi slt, %select_n3A_1384, %sign3A_1390 : i32
        %sign3A_1392 = arith.extui %sign3A_1391 : i1 to i32
        %sign3A_1393 = arith.subi %sign3A_1389, %sign3A_1392 : i32
        %sign3A_1394 = arith.constant 0 : i32
        %sign3A_1395 = arith.cmpi sgt, %jit3A_1385, %sign3A_1394 : i32
        %sign3A_1396 = arith.extui %sign3A_1395 : i1 to i32
        %sign3A_1397 = arith.constant 0 : i32
        %sign3A_1398 = arith.cmpi slt, %jit3A_1385, %sign3A_1397 : i32
        %sign3A_1399 = arith.extui %sign3A_1398 : i1 to i32
        %sign3A_1400 = arith.subi %sign3A_1396, %sign3A_1399 : i32
        %ne3A_1401 = arith.cmpi ne, %sign3A_1393, %sign3A_1400 : i32
        %rem3A_1402 = arith.remsi %select_n3A_1384, %jit3A_1385 : i32
        %ne3A_1403 = arith.constant 0 : i32
        %ne3A_1404 = arith.cmpi ne, %rem3A_1402, %ne3A_1403 : i32
        %and3A_1405 = arith.andi %ne3A_1401, %ne3A_1404 : i1
        %sub3A_1406 = arith.constant 1 : i32
        %sub3A_1407 = arith.subi %div3A_1386, %sub3A_1406 : i32
        %select_n3A_1408 = arith.select %and3A_1405, %sub3A_1407, %div3A_1386 : i32
        %jit3A_1409 = arith.constant 8 : i32
        %eq3A_1410 = arith.constant 0 : i32
        %eq3A_1411 = arith.cmpi eq, %jit3A_1409, %eq3A_1410 : i32
        %jit3A_1412 = arith.constant 1 : i32
        %select_n3A_1413 = arith.select %eq3A_1411, %jit3A_1412, %jit3A_1409 : i32
        %rem3A_1414 = arith.remsi %select_n3A_1384, %select_n3A_1413 : i32
        %ne3A_1415 = arith.constant 0 : i32
        %ne3A_1416 = arith.cmpi ne, %rem3A_1414, %ne3A_1415 : i32
        %lt3A_1417 = arith.constant 0 : i32
        %lt3A_1418 = arith.cmpi slt, %rem3A_1414, %lt3A_1417 : i32
        %lt3A_1419 = arith.constant 0 : i32
        %lt3A_1420 = arith.cmpi slt, %select_n3A_1413, %lt3A_1419 : i32
        %ne3A_1421 = arith.xori %lt3A_1418, %lt3A_1420 : i1
        %and3A_1422 = arith.andi %ne3A_1421, %ne3A_1416 : i1
        %add3A_1423 = arith.addi %rem3A_1414, %select_n3A_1413 : i32
        %select_n3A_1424 = arith.select %and3A_1422, %add3A_1423, %rem3A_1414 : i32
        %dma_wait3A_1425 = arith.constant 0 : i32
        %dma_wait3A_1426 = arith.constant 0 : i32
        %dma_wait3A_1427 = tpu.memref_slice %arg7[%dma_wait3A_1425, %dma_wait3A_1426] : memref<64x129xf32, #tpu.memory_space<vmem>> -> memref<64x128xf32, #tpu.memory_space<vmem>>
        %dma_wait3A_1428 = arith.constant 0 : i32
        %dma_wait3A_1429 = arith.constant 0 : i32
        %dma_wait3A_1430 = tpu.memref_slice %arg4[%dma_wait3A_1428, %select_n3A_1368, %select_n3A_1408, %select_n3A_1344, %select_n3A_1424, %dma_wait3A_1429] : memref<64x16x2x8x8x128xf32, #tpu.memory_space<hbm>> -> memref<64x1x1x1x1x128xf32, #tpu.memory_space<hbm>>
        %dma_wait3A_1431 = tpu.memref_squeeze %dma_wait3A_1430 : memref<64x1x1x1x1x128xf32, #tpu.memory_space<hbm>> -> memref<64x128xf32, #tpu.memory_space<hbm>>
        %dma_wait3A_1432 = arith.constant 0 : i32
        %dma_wait3A_1433 = arith.constant 0 : i32
        %dma_wait3A_1434 = tpu.memref_slice %arg4[%dma_wait3A_1432, %select_n3A_1368, %select_n3A_1408, %select_n3A_1344, %select_n3A_1424, %dma_wait3A_1433] : memref<64x16x2x8x8x128xf32, #tpu.memory_space<hbm>> -> memref<64x1x1x1x1x128xf32, #tpu.memory_space<hbm>>
        %dma_wait3A_1435 = tpu.memref_squeeze %dma_wait3A_1434 : memref<64x1x1x1x1x128xf32, #tpu.memory_space<hbm>> -> memref<64x128xf32, #tpu.memory_space<hbm>>
        %dma_wait3A_1436 = arith.constant 0 : i32
        %dma_wait3A_1437 = arith.constant 0 : i32
        %dma_wait3A_1438 = tpu.memref_slice %arg7[%dma_wait3A_1436, %dma_wait3A_1437] : memref<64x129xf32, #tpu.memory_space<vmem>> -> memref<64x128xf32, #tpu.memory_space<vmem>>
        tpu.wait_dma2 semaphore(%arg16 : memref<!tpu.dma_semaphore, #tpu.memory_space<semaphore_mem>>) src(%dma_wait3A_1438 : memref<64x128xf32, #tpu.memory_space<vmem>>) dst(%dma_wait3A_1435 : memref<64x128xf32, #tpu.memory_space<hbm>>)
      } else {
      }
      %parallel_loop3A_756 = arith.constant 0 : i32
      %parallel_loop3A_757 = arith.constant 128 : i32
      %parallel_loop3A_758 = arith.constant 1 : i32
      %parallel_loop3A_759 = arith.constant 1 : i32
      scf.for %parallel_loop3A_1300 = %parallel_loop3A_756 to %parallel_loop3A_757 step %parallel_loop3A_758  : i32 {
        %parallel_loop3A_1301 = arith.constant 0 : i32
        %parallel_loop3A_1302 = vector.broadcast %parallel_loop3A_1301 : i32 to vector<16xi32>
        %parallel_loop3A_1303 = vector.broadcast %parallel_loop3A_1300 : i32 to vector<16xi32>
        %parallel_loop3A_1304 = arith.addi %parallel_loop3A_1302, %parallel_loop3A_1303 : vector<16xi32>
        %parallel_loop3A_1305 = arith.constant 0 : i32
        %parallel_loop3A_1306 = arith.constant 0 : i32
        %parallel_loop3A_1307 = tpu.memref_slice %arg6[%parallel_loop3A_759, %parallel_loop3A_1305, %parallel_loop3A_1306] : memref<4x384x64xf32, #tpu.memory_space<vmem>> -> memref<1x384x64xf32, #tpu.memory_space<vmem>>
        %parallel_loop3A_1308 = tpu.memref_squeeze %parallel_loop3A_1307 : memref<1x384x64xf32, #tpu.memory_space<vmem>> -> memref<384x64xf32, #tpu.memory_space<vmem>>
        %parallel_loop3A_1309 = arith.index_cast %parallel_loop3A_1300 : i32 to index
        %parallel_loop3A_1310 = arith.constant 0 : index
        %parallel_loop3A_1311 = tpu.vector_load %parallel_loop3A_1308[%parallel_loop3A_1309, %parallel_loop3A_1310] {strides = array<i32>} : memref<384x64xf32, #tpu.memory_space<vmem>>, vector<16xf32>,
        %parallel_loop3A_1312 = arith.constant 128 : i32
        %parallel_loop3A_1313 = arith.addi %parallel_loop3A_1312, %parallel_loop3A_1300 : i32
        %parallel_loop3A_1314 = arith.constant 0 : i32
        %parallel_loop3A_1315 = arith.constant 0 : i32
        %parallel_loop3A_1316 = tpu.memref_slice %arg6[%parallel_loop3A_759, %parallel_loop3A_1314, %parallel_loop3A_1315] : memref<4x384x64xf32, #tpu.memory_space<vmem>> -> memref<1x384x64xf32, #tpu.memory_space<vmem>>
        %parallel_loop3A_1317 = tpu.memref_squeeze %parallel_loop3A_1316 : memref<1x384x64xf32, #tpu.memory_space<vmem>> -> memref<384x64xf32, #tpu.memory_space<vmem>>
        %parallel_loop3A_1318 = arith.index_cast %parallel_loop3A_1313 : i32 to index
        %parallel_loop3A_1319 = arith.constant 0 : index
        %parallel_loop3A_1320 = tpu.vector_load %parallel_loop3A_1317[%parallel_loop3A_1318, %parallel_loop3A_1319] {strides = array<i32>} : memref<384x64xf32, #tpu.memory_space<vmem>>, vector<16xf32>,
        %parallel_loop3A_1321 = arith.addf %parallel_loop3A_1311, %parallel_loop3A_1320 : vector<16xf32>
        %parallel_loop3A_1322 = arith.constant 256 : i32
        %parallel_loop3A_1323 = arith.addi %parallel_loop3A_1322, %parallel_loop3A_1300 : i32
        %parallel_loop3A_1324 = arith.constant 0 : i32
        %parallel_loop3A_1325 = arith.constant 0 : i32
        %parallel_loop3A_1326 = tpu.memref_slice %arg6[%parallel_loop3A_759, %parallel_loop3A_1324, %parallel_loop3A_1325] : memref<4x384x64xf32, #tpu.memory_space<vmem>> -> memref<1x384x64xf32, #tpu.memory_space<vmem>>
        %parallel_loop3A_1327 = tpu.memref_squeeze %parallel_loop3A_1326 : memref<1x384x64xf32, #tpu.memory_space<vmem>> -> memref<384x64xf32, #tpu.memory_space<vmem>>
        %parallel_loop3A_1328 = arith.index_cast %parallel_loop3A_1323 : i32 to index
        %parallel_loop3A_1329 = arith.constant 0 : index
        %parallel_loop3A_1330 = tpu.vector_load %parallel_loop3A_1327[%parallel_loop3A_1328, %parallel_loop3A_1329] {strides = array<i32>} : memref<384x64xf32, #tpu.memory_space<vmem>>, vector<16xf32>,
        %parallel_loop3A_1331 = arith.addf %parallel_loop3A_1321, %parallel_loop3A_1330 : vector<16xf32>
        %parallel_loop3A_1332 = vector.broadcast %scan3A : f32 to vector<16xf32>
        %parallel_loop3A_1333 = arith.mulf %parallel_loop3A_1331, %parallel_loop3A_1332 : vector<16xf32>
        tpu.vector_store_idx %arg7[%add3A_3, %parallel_loop3A_1304], %parallel_loop3A_1333 : memref<64x129xf32, #tpu.memory_space<vmem>>[vector<16xi32>, vector<16xi32>], vector<16xf32>,
        %parallel_loop3A_1334 = arith.constant 0 : i32
        %parallel_loop3A_1335 = arith.constant 0 : i32
        %parallel_loop3A_1336 = tpu.memref_slice %arg6[%parallel_loop3A_759, %parallel_loop3A_1334, %parallel_loop3A_1335] : memref<4x384x64xf32, #tpu.memory_space<vmem>> -> memref<1x384x64xf32, #tpu.memory_space<vmem>>
        %parallel_loop3A_1337 = tpu.memref_squeeze %parallel_loop3A_1336 : memref<1x384x64xf32, #tpu.memory_space<vmem>> -> memref<384x64xf32, #tpu.memory_space<vmem>>
        %parallel_loop3A_1338 = arith.index_cast %parallel_loop3A_1300 : i32 to index
        %parallel_loop3A_1339 = arith.constant 16 : index
        %parallel_loop3A_1340 = tpu.vector_load %parallel_loop3A_1337[%parallel_loop3A_1338, %parallel_loop3A_1339] {strides = array<i32>} : memref<384x64xf32, #tpu.memory_space<vmem>>, vector<16xf32>,
        %parallel_loop3A_1341 = arith.constant 128 : i32
        %parallel_loop3A_1342 = arith.addi %parallel_loop3A_1341, %parallel_loop3A_1300 : i32
        %parallel_loop3A_1343 = arith.constant 0 : i32
        %parallel_loop3A_1344 = arith.constant 0 : i32
        %parallel_loop3A_1345 = tpu.memref_slice %arg6[%parallel_loop3A_759, %parallel_loop3A_1343, %parallel_loop3A_1344] : memref<4x384x64xf32, #tpu.memory_space<vmem>> -> memref<1x384x64xf32, #tpu.memory_space<vmem>>
        %parallel_loop3A_1346 = tpu.memref_squeeze %parallel_loop3A_1345 : memref<1x384x64xf32, #tpu.memory_space<vmem>> -> memref<384x64xf32, #tpu.memory_space<vmem>>
        %parallel_loop3A_1347 = arith.index_cast %parallel_loop3A_1342 : i32 to index
        %parallel_loop3A_1348 = arith.constant 16 : index
        %parallel_loop3A_1349 = tpu.vector_load %parallel_loop3A_1346[%parallel_loop3A_1347, %parallel_loop3A_1348] {strides = array<i32>} : memref<384x64xf32, #tpu.memory_space<vmem>>, vector<16xf32>,
        %parallel_loop3A_1350 = arith.addf %parallel_loop3A_1340, %parallel_loop3A_1349 : vector<16xf32>
        %parallel_loop3A_1351 = arith.constant 256 : i32
        %parallel_loop3A_1352 = arith.addi %parallel_loop3A_1351, %parallel_loop3A_1300 : i32
        %parallel_loop3A_1353 = arith.constant 0 : i32
        %parallel_loop3A_1354 = arith.constant 0 : i32
        %parallel_loop3A_1355 = tpu.memref_slice %arg6[%parallel_loop3A_759, %parallel_loop3A_1353, %parallel_loop3A_1354] : memref<4x384x64xf32, #tpu.memory_space<vmem>> -> memref<1x384x64xf32, #tpu.memory_space<vmem>>
        %parallel_loop3A_1356 = tpu.memref_squeeze %parallel_loop3A_1355 : memref<1x384x64xf32, #tpu.memory_space<vmem>> -> memref<384x64xf32, #tpu.memory_space<vmem>>
        %parallel_loop3A_1357 = arith.index_cast %parallel_loop3A_1352 : i32 to index
        %parallel_loop3A_1358 = arith.constant 16 : index
        %parallel_loop3A_1359 = tpu.vector_load %parallel_loop3A_1356[%parallel_loop3A_1357, %parallel_loop3A_1358] {strides = array<i32>} : memref<384x64xf32, #tpu.memory_space<vmem>>, vector<16xf32>,
        %parallel_loop3A_1360 = arith.addf %parallel_loop3A_1350, %parallel_loop3A_1359 : vector<16xf32>
        %parallel_loop3A_1361 = vector.broadcast %scan3A : f32 to vector<16xf32>
        %parallel_loop3A_1362 = arith.mulf %parallel_loop3A_1360, %parallel_loop3A_1361 : vector<16xf32>
        tpu.vector_store_idx %arg7[%add3A_6, %parallel_loop3A_1304], %parallel_loop3A_1362 : memref<64x129xf32, #tpu.memory_space<vmem>>[vector<16xi32>, vector<16xi32>], vector<16xf32>,
        %parallel_loop3A_1363 = arith.constant 0 : i32
        %parallel_loop3A_1364 = arith.constant 0 : i32
        %parallel_loop3A_1365 = tpu.memref_slice %arg6[%parallel_loop3A_759, %parallel_loop3A_1363, %parallel_loop3A_1364] : memref<4x384x64xf32, #tpu.memory_space<vmem>> -> memref<1x384x64xf32, #tpu.memory_space<vmem>>
        %parallel_loop3A_1366 = tpu.memref_squeeze %parallel_loop3A_1365 : memref<1x384x64xf32, #tpu.memory_space<vmem>> -> memref<384x64xf32, #tpu.memory_space<vmem>>
        %parallel_loop3A_1367 = arith.index_cast %parallel_loop3A_1300 : i32 to index
        %parallel_loop3A_1368 = arith.constant 32 : index
        %parallel_loop3A_1369 = tpu.vector_load %parallel_loop3A_1366[%parallel_loop3A_1367, %parallel_loop3A_1368] {strides = array<i32>} : memref<384x64xf32, #tpu.memory_space<vmem>>, vector<16xf32>,
        %parallel_loop3A_1370 = arith.constant 128 : i32
        %parallel_loop3A_1371 = arith.addi %parallel_loop3A_1370, %parallel_loop3A_1300 : i32
        %parallel_loop3A_1372 = arith.constant 0 : i32
        %parallel_loop3A_1373 = arith.constant 0 : i32
        %parallel_loop3A_1374 = tpu.memref_slice %arg6[%parallel_loop3A_759, %parallel_loop3A_1372, %parallel_loop3A_1373] : memref<4x384x64xf32, #tpu.memory_space<vmem>> -> memref<1x384x64xf32, #tpu.memory_space<vmem>>
        %parallel_loop3A_1375 = tpu.memref_squeeze %parallel_loop3A_1374 : memref<1x384x64xf32, #tpu.memory_space<vmem>> -> memref<384x64xf32, #tpu.memory_space<vmem>>
        %parallel_loop3A_1376 = arith.index_cast %parallel_loop3A_1371 : i32 to index
        %parallel_loop3A_1377 = arith.constant 32 : index
        %parallel_loop3A_1378 = tpu.vector_load %parallel_loop3A_1375[%parallel_loop3A_1376, %parallel_loop3A_1377] {strides = array<i32>} : memref<384x64xf32, #tpu.memory_space<vmem>>, vector<16xf32>,
        %parallel_loop3A_1379 = arith.addf %parallel_loop3A_1369, %parallel_loop3A_1378 : vector<16xf32>
        %parallel_loop3A_1380 = arith.constant 256 : i32
        %parallel_loop3A_1381 = arith.addi %parallel_loop3A_1380, %parallel_loop3A_1300 : i32
        %parallel_loop3A_1382 = arith.constant 0 : i32
        %parallel_loop3A_1383 = arith.constant 0 : i32
        %parallel_loop3A_1384 = tpu.memref_slice %arg6[%parallel_loop3A_759, %parallel_loop3A_1382, %parallel_loop3A_1383] : memref<4x384x64xf32, #tpu.memory_space<vmem>> -> memref<1x384x64xf32, #tpu.memory_space<vmem>>
        %parallel_loop3A_1385 = tpu.memref_squeeze %parallel_loop3A_1384 : memref<1x384x64xf32, #tpu.memory_space<vmem>> -> memref<384x64xf32, #tpu.memory_space<vmem>>
        %parallel_loop3A_1386 = arith.index_cast %parallel_loop3A_1381 : i32 to index
        %parallel_loop3A_1387 = arith.constant 32 : index
        %parallel_loop3A_1388 = tpu.vector_load %parallel_loop3A_1385[%parallel_loop3A_1386, %parallel_loop3A_1387] {strides = array<i32>} : memref<384x64xf32, #tpu.memory_space<vmem>>, vector<16xf32>,
        %parallel_loop3A_1389 = arith.addf %parallel_loop3A_1379, %parallel_loop3A_1388 : vector<16xf32>
        %parallel_loop3A_1390 = vector.broadcast %scan3A : f32 to vector<16xf32>
        %parallel_loop3A_1391 = arith.mulf %parallel_loop3A_1389, %parallel_loop3A_1390 : vector<16xf32>
        tpu.vector_store_idx %arg7[%add3A_9, %parallel_loop3A_1304], %parallel_loop3A_1391 : memref<64x129xf32, #tpu.memory_space<vmem>>[vector<16xi32>, vector<16xi32>], vector<16xf32>,
        %parallel_loop3A_1392 = arith.constant 0 : i32
        %parallel_loop3A_1393 = arith.constant 0 : i32
        %parallel_loop3A_1394 = tpu.memref_slice %arg6[%parallel_loop3A_759, %parallel_loop3A_1392, %parallel_loop3A_1393] : memref<4x384x64xf32, #tpu.memory_space<vmem>> -> memref<1x384x64xf32, #tpu.memory_space<vmem>>
        %parallel_loop3A_1395 = tpu.memref_squeeze %parallel_loop3A_1394 : memref<1x384x64xf32, #tpu.memory_space<vmem>> -> memref<384x64xf32, #tpu.memory_space<vmem>>
        %parallel_loop3A_1396 = arith.index_cast %parallel_loop3A_1300 : i32 to index
        %parallel_loop3A_1397 = arith.constant 48 : index
        %parallel_loop3A_1398 = tpu.vector_load %parallel_loop3A_1395[%parallel_loop3A_1396, %parallel_loop3A_1397] {strides = array<i32>} : memref<384x64xf32, #tpu.memory_space<vmem>>, vector<16xf32>,
        %parallel_loop3A_1399 = arith.constant 128 : i32
        %parallel_loop3A_1400 = arith.addi %parallel_loop3A_1399, %parallel_loop3A_1300 : i32
        %parallel_loop3A_1401 = arith.constant 0 : i32
        %parallel_loop3A_1402 = arith.constant 0 : i32
        %parallel_loop3A_1403 = tpu.memref_slice %arg6[%parallel_loop3A_759, %parallel_loop3A_1401, %parallel_loop3A_1402] : memref<4x384x64xf32, #tpu.memory_space<vmem>> -> memref<1x384x64xf32, #tpu.memory_space<vmem>>
        %parallel_loop3A_1404 = tpu.memref_squeeze %parallel_loop3A_1403 : memref<1x384x64xf32, #tpu.memory_space<vmem>> -> memref<384x64xf32, #tpu.memory_space<vmem>>
        %parallel_loop3A_1405 = arith.index_cast %parallel_loop3A_1400 : i32 to index
        %parallel_loop3A_1406 = arith.constant 48 : index
        %parallel_loop3A_1407 = tpu.vector_load %parallel_loop3A_1404[%parallel_loop3A_1405, %parallel_loop3A_1406] {strides = array<i32>} : memref<384x64xf32, #tpu.memory_space<vmem>>, vector<16xf32>,
        %parallel_loop3A_1408 = arith.addf %parallel_loop3A_1398, %parallel_loop3A_1407 : vector<16xf32>
        %parallel_loop3A_1409 = arith.constant 256 : i32
        %parallel_loop3A_1410 = arith.addi %parallel_loop3A_1409, %parallel_loop3A_1300 : i32
        %parallel_loop3A_1411 = arith.constant 0 : i32
        %parallel_loop3A_1412 = arith.constant 0 : i32
        %parallel_loop3A_1413 = tpu.memref_slice %arg6[%parallel_loop3A_759, %parallel_loop3A_1411, %parallel_loop3A_1412] : memref<4x384x64xf32, #tpu.memory_space<vmem>> -> memref<1x384x64xf32, #tpu.memory_space<vmem>>
        %parallel_loop3A_1414 = tpu.memref_squeeze %parallel_loop3A_1413 : memref<1x384x64xf32, #tpu.memory_space<vmem>> -> memref<384x64xf32, #tpu.memory_space<vmem>>
        %parallel_loop3A_1415 = arith.index_cast %parallel_loop3A_1410 : i32 to index
        %parallel_loop3A_1416 = arith.constant 48 : index
        %parallel_loop3A_1417 = tpu.vector_load %parallel_loop3A_1414[%parallel_loop3A_1415, %parallel_loop3A_1416] {strides = array<i32>} : memref<384x64xf32, #tpu.memory_space<vmem>>, vector<16xf32>,
        %parallel_loop3A_1418 = arith.addf %parallel_loop3A_1408, %parallel_loop3A_1417 : vector<16xf32>
        %parallel_loop3A_1419 = vector.broadcast %scan3A : f32 to vector<16xf32>
        %parallel_loop3A_1420 = arith.mulf %parallel_loop3A_1418, %parallel_loop3A_1419 : vector<16xf32>
        tpu.vector_store_idx %arg7[%add3A_12, %parallel_loop3A_1304], %parallel_loop3A_1420 : memref<64x129xf32, #tpu.memory_space<vmem>>[vector<16xi32>, vector<16xi32>], vector<16xf32>,
      } {sc.loop_unroll_factor = 4 : i64, sc.parallel_access}
      %mul3A_760 = arith.constant 8 : i32
      %mul3A_761 = arith.muli %add3A, %mul3A_760 : i32
      %jit3A_762 = arith.constant 8 : i32
      %div3A_763 = arith.divsi %add3A_697, %jit3A_762 : i32
      %sign3A_764 = arith.constant 0 : i32
      %sign3A_765 = arith.cmpi sgt, %add3A_697, %sign3A_764 : i32
      %sign3A_766 = arith.extui %sign3A_765 : i1 to i32
      %sign3A_767 = arith.constant 0 : i32
      %sign3A_768 = arith.cmpi slt, %add3A_697, %sign3A_767 : i32
      %sign3A_769 = arith.extui %sign3A_768 : i1 to i32
      %sign3A_770 = arith.subi %sign3A_766, %sign3A_769 : i32
      %sign3A_771 = arith.constant 0 : i32
      %sign3A_772 = arith.cmpi sgt, %jit3A_762, %sign3A_771 : i32
      %sign3A_773 = arith.extui %sign3A_772 : i1 to i32
      %sign3A_774 = arith.constant 0 : i32
      %sign3A_775 = arith.cmpi slt, %jit3A_762, %sign3A_774 : i32
      %sign3A_776 = arith.extui %sign3A_775 : i1 to i32
      %sign3A_777 = arith.subi %sign3A_773, %sign3A_776 : i32
      %ne3A_778 = arith.cmpi ne, %sign3A_770, %sign3A_777 : i32
      %rem3A_779 = arith.remsi %add3A_697, %jit3A_762 : i32
      %ne3A_780 = arith.constant 0 : i32
      %ne3A_781 = arith.cmpi ne, %rem3A_779, %ne3A_780 : i32
      %and3A_782 = arith.andi %ne3A_778, %ne3A_781 : i1
      %sub3A_783 = arith.constant 1 : i32
      %sub3A_784 = arith.subi %div3A_763, %sub3A_783 : i32
      %select_n3A_785 = arith.select %and3A_782, %sub3A_784, %div3A_763 : i32
      %add3A_786 = arith.addi %mul3A_761, %select_n3A_785 : i32
      %jit3A_787 = arith.constant 8 : i32
      %eq3A_788 = arith.constant 0 : i32
      %eq3A_789 = arith.cmpi eq, %jit3A_787, %eq3A_788 : i32
      %jit3A_790 = arith.constant 1 : i32
      %select_n3A_791 = arith.select %eq3A_789, %jit3A_790, %jit3A_787 : i32
      %rem3A_792 = arith.remsi %add3A_697, %select_n3A_791 : i32
      %ne3A_793 = arith.constant 0 : i32
      %ne3A_794 = arith.cmpi ne, %rem3A_792, %ne3A_793 : i32
      %lt3A_795 = arith.constant 0 : i32
      %lt3A_796 = arith.cmpi slt, %rem3A_792, %lt3A_795 : i32
      %lt3A_797 = arith.constant 0 : i32
      %lt3A_798 = arith.cmpi slt, %select_n3A_791, %lt3A_797 : i32
      %ne3A_799 = arith.xori %lt3A_796, %lt3A_798 : i1
      %and3A_800 = arith.andi %ne3A_799, %ne3A_794 : i1
      %add3A_801 = arith.addi %rem3A_792, %select_n3A_791 : i32
      %select_n3A_802 = arith.select %and3A_800, %add3A_801, %rem3A_792 : i32
      %jit3A_803 = arith.constant 16 : i32
      %div3A_804 = arith.divsi %add3A_786, %jit3A_803 : i32
      %sign3A_805 = arith.constant 0 : i32
      %sign3A_806 = arith.cmpi sgt, %add3A_786, %sign3A_805 : i32
      %sign3A_807 = arith.extui %sign3A_806 : i1 to i32
      %sign3A_808 = arith.constant 0 : i32
      %sign3A_809 = arith.cmpi slt, %add3A_786, %sign3A_808 : i32
      %sign3A_810 = arith.extui %sign3A_809 : i1 to i32
      %sign3A_811 = arith.subi %sign3A_807, %sign3A_810 : i32
      %sign3A_812 = arith.constant 0 : i32
      %sign3A_813 = arith.cmpi sgt, %jit3A_803, %sign3A_812 : i32
      %sign3A_814 = arith.extui %sign3A_813 : i1 to i32
      %sign3A_815 = arith.constant 0 : i32
      %sign3A_816 = arith.cmpi slt, %jit3A_803, %sign3A_815 : i32
      %sign3A_817 = arith.extui %sign3A_816 : i1 to i32
      %sign3A_818 = arith.subi %sign3A_814, %sign3A_817 : i32
      %ne3A_819 = arith.cmpi ne, %sign3A_811, %sign3A_818 : i32
      %rem3A_820 = arith.remsi %add3A_786, %jit3A_803 : i32
      %ne3A_821 = arith.constant 0 : i32
      %ne3A_822 = arith.cmpi ne, %rem3A_820, %ne3A_821 : i32
      %and3A_823 = arith.andi %ne3A_819, %ne3A_822 : i1
      %sub3A_824 = arith.constant 1 : i32
      %sub3A_825 = arith.subi %div3A_804, %sub3A_824 : i32
      %select_n3A_826 = arith.select %and3A_823, %sub3A_825, %div3A_804 : i32
      %jit3A_827 = arith.constant 16 : i32
      %eq3A_828 = arith.constant 0 : i32
      %eq3A_829 = arith.cmpi eq, %jit3A_827, %eq3A_828 : i32
      %jit3A_830 = arith.constant 1 : i32
      %select_n3A_831 = arith.select %eq3A_829, %jit3A_830, %jit3A_827 : i32
      %rem3A_832 = arith.remsi %add3A_786, %select_n3A_831 : i32
      %ne3A_833 = arith.constant 0 : i32
      %ne3A_834 = arith.cmpi ne, %rem3A_832, %ne3A_833 : i32
      %lt3A_835 = arith.constant 0 : i32
      %lt3A_836 = arith.cmpi slt, %rem3A_832, %lt3A_835 : i32
      %lt3A_837 = arith.constant 0 : i32
      %lt3A_838 = arith.cmpi slt, %select_n3A_831, %lt3A_837 : i32
      %ne3A_839 = arith.xori %lt3A_836, %lt3A_838 : i1
      %and3A_840 = arith.andi %ne3A_839, %ne3A_834 : i1
      %add3A_841 = arith.addi %rem3A_832, %select_n3A_831 : i32
      %select_n3A_842 = arith.select %and3A_840, %add3A_841, %rem3A_832 : i32
      %jit3A_843 = arith.constant 8 : i32
      %div3A_844 = arith.divsi %select_n3A_842, %jit3A_843 : i32
      %sign3A_845 = arith.constant 0 : i32
      %sign3A_846 = arith.cmpi sgt, %select_n3A_842, %sign3A_845 : i32
      %sign3A_847 = arith.extui %sign3A_846 : i1 to i32
      %sign3A_848 = arith.constant 0 : i32
      %sign3A_849 = arith.cmpi slt, %select_n3A_842, %sign3A_848 : i32
      %sign3A_850 = arith.extui %sign3A_849 : i1 to i32
      %sign3A_851 = arith.subi %sign3A_847, %sign3A_850 : i32
      %sign3A_852 = arith.constant 0 : i32
      %sign3A_853 = arith.cmpi sgt, %jit3A_843, %sign3A_852 : i32
      %sign3A_854 = arith.extui %sign3A_853 : i1 to i32
      %sign3A_855 = arith.constant 0 : i32
      %sign3A_856 = arith.cmpi slt, %jit3A_843, %sign3A_855 : i32
      %sign3A_857 = arith.extui %sign3A_856 : i1 to i32
      %sign3A_858 = arith.subi %sign3A_854, %sign3A_857 : i32
      %ne3A_859 = arith.cmpi ne, %sign3A_851, %sign3A_858 : i32
      %rem3A_860 = arith.remsi %select_n3A_842, %jit3A_843 : i32
      %ne3A_861 = arith.constant 0 : i32
      %ne3A_862 = arith.cmpi ne, %rem3A_860, %ne3A_861 : i32
      %and3A_863 = arith.andi %ne3A_859, %ne3A_862 : i1
      %sub3A_864 = arith.constant 1 : i32
      %sub3A_865 = arith.subi %div3A_844, %sub3A_864 : i32
      %select_n3A_866 = arith.select %and3A_863, %sub3A_865, %div3A_844 : i32
      %jit3A_867 = arith.constant 8 : i32
      %eq3A_868 = arith.constant 0 : i32
      %eq3A_869 = arith.cmpi eq, %jit3A_867, %eq3A_868 : i32
      %jit3A_870 = arith.constant 1 : i32
      %select_n3A_871 = arith.select %eq3A_869, %jit3A_870, %jit3A_867 : i32
      %rem3A_872 = arith.remsi %select_n3A_842, %select_n3A_871 : i32
      %ne3A_873 = arith.constant 0 : i32
      %ne3A_874 = arith.cmpi ne, %rem3A_872, %ne3A_873 : i32
      %lt3A_875 = arith.constant 0 : i32
      %lt3A_876 = arith.cmpi slt, %rem3A_872, %lt3A_875 : i32
      %lt3A_877 = arith.constant 0 : i32
      %lt3A_878 = arith.cmpi slt, %select_n3A_871, %lt3A_877 : i32
      %ne3A_879 = arith.xori %lt3A_876, %lt3A_878 : i1
      %and3A_880 = arith.andi %ne3A_879, %ne3A_874 : i1
      %add3A_881 = arith.addi %rem3A_872, %select_n3A_871 : i32
      %select_n3A_882 = arith.select %and3A_880, %add3A_881, %rem3A_872 : i32
      %dma_start3A_883 = arith.constant 0 : i32
      %dma_start3A_884 = arith.constant 0 : i32
      %dma_start3A_885 = tpu.memref_slice %arg7[%dma_start3A_883, %dma_start3A_884] : memref<64x129xf32, #tpu.memory_space<vmem>> -> memref<64x128xf32, #tpu.memory_space<vmem>>
      %dma_start3A_886 = arith.constant 0 : i32
      %dma_start3A_887 = arith.constant 0 : i32
      %dma_start3A_888 = tpu.memref_slice %arg4[%dma_start3A_886, %select_n3A_826, %select_n3A_866, %select_n3A_802, %select_n3A_882, %dma_start3A_887] : memref<64x16x2x8x8x128xf32, #tpu.memory_space<hbm>> -> memref<64x1x1x1x1x128xf32, #tpu.memory_space<hbm>>
      %dma_start3A_889 = tpu.memref_squeeze %dma_start3A_888 : memref<64x1x1x1x1x128xf32, #tpu.memory_space<hbm>> -> memref<64x128xf32, #tpu.memory_space<hbm>>
      %dma_start3A_890 = arith.constant 0 : i32
      %dma_start3A_891 = arith.constant 0 : i32
      %dma_start3A_892 = tpu.memref_slice %arg4[%dma_start3A_890, %select_n3A_826, %select_n3A_866, %select_n3A_802, %select_n3A_882, %dma_start3A_891] : memref<64x16x2x8x8x128xf32, #tpu.memory_space<hbm>> -> memref<64x1x1x1x1x128xf32, #tpu.memory_space<hbm>>
      %dma_start3A_893 = tpu.memref_squeeze %dma_start3A_892 : memref<64x1x1x1x1x128xf32, #tpu.memory_space<hbm>> -> memref<64x128xf32, #tpu.memory_space<hbm>>
      %dma_start3A_894 = arith.constant 0 : i32
      %dma_start3A_895 = arith.constant 0 : i32
      %dma_start3A_896 = tpu.memref_slice %arg7[%dma_start3A_894, %dma_start3A_895] : memref<64x129xf32, #tpu.memory_space<vmem>> -> memref<64x128xf32, #tpu.memory_space<vmem>>
      tpu.enqueue_dma source(%dma_start3A_896 : memref<64x128xf32, #tpu.memory_space<vmem>>) target(%dma_start3A_893 : memref<64x128xf32, #tpu.memory_space<hbm>>) target_semaphore(%arg16 : memref<!tpu.dma_semaphore, #tpu.memory_space<semaphore_mem>>)
      %add3A_897 = arith.constant 2 : i32
      %add3A_898 = arith.addi %mul3A_498, %add3A_897 : i32
      %add3A_899 = arith.constant 2 : i32
      %add3A_900 = arith.addi %add3A_898, %add3A_899 : i32
      %lt3A_901 = arith.constant 64 : i32
      %lt3A_902 = arith.cmpi slt, %add3A_900, %lt3A_901 : i32
      %convert_element_type3A_903 = arith.extui %lt3A_902 : i1 to i32
      %cond3A_904 = arith.constant 0 : i32
      %cond3A_905 = arith.cmpi ne, %convert_element_type3A_903, %cond3A_904 : i32
      scf.if %cond3A_905 {
        %add3A_1300 = arith.constant 2 : i32
        %add3A_1301 = arith.addi %add3A_898, %add3A_1300 : i32
        %mul3A_1302 = arith.constant 8 : i32
        %mul3A_1303 = arith.muli %add3A, %mul3A_1302 : i32
        %jit3A_1304 = arith.constant 8 : i32
        %div3A_1305 = arith.divsi %add3A_1301, %jit3A_1304 : i32
        %sign3A_1306 = arith.constant 0 : i32
        %sign3A_1307 = arith.cmpi sgt, %add3A_1301, %sign3A_1306 : i32
        %sign3A_1308 = arith.extui %sign3A_1307 : i1 to i32
        %sign3A_1309 = arith.constant 0 : i32
        %sign3A_1310 = arith.cmpi slt, %add3A_1301, %sign3A_1309 : i32
        %sign3A_1311 = arith.extui %sign3A_1310 : i1 to i32
        %sign3A_1312 = arith.subi %sign3A_1308, %sign3A_1311 : i32
        %sign3A_1313 = arith.constant 0 : i32
        %sign3A_1314 = arith.cmpi sgt, %jit3A_1304, %sign3A_1313 : i32
        %sign3A_1315 = arith.extui %sign3A_1314 : i1 to i32
        %sign3A_1316 = arith.constant 0 : i32
        %sign3A_1317 = arith.cmpi slt, %jit3A_1304, %sign3A_1316 : i32
        %sign3A_1318 = arith.extui %sign3A_1317 : i1 to i32
        %sign3A_1319 = arith.subi %sign3A_1315, %sign3A_1318 : i32
        %ne3A_1320 = arith.cmpi ne, %sign3A_1312, %sign3A_1319 : i32
        %rem3A_1321 = arith.remsi %add3A_1301, %jit3A_1304 : i32
        %ne3A_1322 = arith.constant 0 : i32
        %ne3A_1323 = arith.cmpi ne, %rem3A_1321, %ne3A_1322 : i32
        %and3A_1324 = arith.andi %ne3A_1320, %ne3A_1323 : i1
        %sub3A_1325 = arith.constant 1 : i32
        %sub3A_1326 = arith.subi %div3A_1305, %sub3A_1325 : i32
        %select_n3A_1327 = arith.select %and3A_1324, %sub3A_1326, %div3A_1305 : i32
        %add3A_1328 = arith.addi %mul3A_1303, %select_n3A_1327 : i32
        %jit3A_1329 = arith.constant 8 : i32
        %eq3A_1330 = arith.constant 0 : i32
        %eq3A_1331 = arith.cmpi eq, %jit3A_1329, %eq3A_1330 : i32
        %jit3A_1332 = arith.constant 1 : i32
        %select_n3A_1333 = arith.select %eq3A_1331, %jit3A_1332, %jit3A_1329 : i32
        %rem3A_1334 = arith.remsi %add3A_1301, %select_n3A_1333 : i32
        %ne3A_1335 = arith.constant 0 : i32
        %ne3A_1336 = arith.cmpi ne, %rem3A_1334, %ne3A_1335 : i32
        %lt3A_1337 = arith.constant 0 : i32
        %lt3A_1338 = arith.cmpi slt, %rem3A_1334, %lt3A_1337 : i32
        %lt3A_1339 = arith.constant 0 : i32
        %lt3A_1340 = arith.cmpi slt, %select_n3A_1333, %lt3A_1339 : i32
        %ne3A_1341 = arith.xori %lt3A_1338, %lt3A_1340 : i1
        %and3A_1342 = arith.andi %ne3A_1341, %ne3A_1336 : i1
        %add3A_1343 = arith.addi %rem3A_1334, %select_n3A_1333 : i32
        %select_n3A_1344 = arith.select %and3A_1342, %add3A_1343, %rem3A_1334 : i32
        %jit3A_1345 = arith.constant 16 : i32
        %div3A_1346 = arith.divsi %add3A_1328, %jit3A_1345 : i32
        %sign3A_1347 = arith.constant 0 : i32
        %sign3A_1348 = arith.cmpi sgt, %add3A_1328, %sign3A_1347 : i32
        %sign3A_1349 = arith.extui %sign3A_1348 : i1 to i32
        %sign3A_1350 = arith.constant 0 : i32
        %sign3A_1351 = arith.cmpi slt, %add3A_1328, %sign3A_1350 : i32
        %sign3A_1352 = arith.extui %sign3A_1351 : i1 to i32
        %sign3A_1353 = arith.subi %sign3A_1349, %sign3A_1352 : i32
        %sign3A_1354 = arith.constant 0 : i32
        %sign3A_1355 = arith.cmpi sgt, %jit3A_1345, %sign3A_1354 : i32
        %sign3A_1356 = arith.extui %sign3A_1355 : i1 to i32
        %sign3A_1357 = arith.constant 0 : i32
        %sign3A_1358 = arith.cmpi slt, %jit3A_1345, %sign3A_1357 : i32
        %sign3A_1359 = arith.extui %sign3A_1358 : i1 to i32
        %sign3A_1360 = arith.subi %sign3A_1356, %sign3A_1359 : i32
        %ne3A_1361 = arith.cmpi ne, %sign3A_1353, %sign3A_1360 : i32
        %rem3A_1362 = arith.remsi %add3A_1328, %jit3A_1345 : i32
        %ne3A_1363 = arith.constant 0 : i32
        %ne3A_1364 = arith.cmpi ne, %rem3A_1362, %ne3A_1363 : i32
        %and3A_1365 = arith.andi %ne3A_1361, %ne3A_1364 : i1
        %sub3A_1366 = arith.constant 1 : i32
        %sub3A_1367 = arith.subi %div3A_1346, %sub3A_1366 : i32
        %select_n3A_1368 = arith.select %and3A_1365, %sub3A_1367, %div3A_1346 : i32
        %jit3A_1369 = arith.constant 16 : i32
        %eq3A_1370 = arith.constant 0 : i32
        %eq3A_1371 = arith.cmpi eq, %jit3A_1369, %eq3A_1370 : i32
        %jit3A_1372 = arith.constant 1 : i32
        %select_n3A_1373 = arith.select %eq3A_1371, %jit3A_1372, %jit3A_1369 : i32
        %rem3A_1374 = arith.remsi %add3A_1328, %select_n3A_1373 : i32
        %ne3A_1375 = arith.constant 0 : i32
        %ne3A_1376 = arith.cmpi ne, %rem3A_1374, %ne3A_1375 : i32
        %lt3A_1377 = arith.constant 0 : i32
        %lt3A_1378 = arith.cmpi slt, %rem3A_1374, %lt3A_1377 : i32
        %lt3A_1379 = arith.constant 0 : i32
        %lt3A_1380 = arith.cmpi slt, %select_n3A_1373, %lt3A_1379 : i32
        %ne3A_1381 = arith.xori %lt3A_1378, %lt3A_1380 : i1
        %and3A_1382 = arith.andi %ne3A_1381, %ne3A_1376 : i1
        %add3A_1383 = arith.addi %rem3A_1374, %select_n3A_1373 : i32
        %select_n3A_1384 = arith.select %and3A_1382, %add3A_1383, %rem3A_1374 : i32
        %dma_wait3A_1385 = arith.constant 0 : i32
        %dma_wait3A_1386 = arith.constant 0 : i32
        %dma_wait3A_1387 = arith.constant 0 : i32
        %dma_wait3A_1388 = tpu.memref_slice %arg5[%dma_wait3A_1385, %dma_wait3A_1386, %dma_wait3A_1387] : memref<4x3x128xi32, #tpu.memory_space<vmem>> -> memref<1x3x128xi32, #tpu.memory_space<vmem>>
        %dma_wait3A_1389 = tpu.memref_squeeze %dma_wait3A_1388 : memref<1x3x128xi32, #tpu.memory_space<vmem>> -> memref<3x128xi32, #tpu.memory_space<vmem>>
        %dma_wait3A_1390 = arith.constant 0 : i32
        %dma_wait3A_1391 = arith.constant 0 : i32
        %dma_wait3A_1392 = tpu.memref_slice %arg2[%dma_wait3A_1390, %select_n3A_1368, %select_n3A_1384, %select_n3A_1344, %dma_wait3A_1391] : memref<3x16x16x8x128xi32, #tpu.memory_space<hbm>> -> memref<3x1x1x1x128xi32, #tpu.memory_space<hbm>>
        %dma_wait3A_1393 = tpu.memref_squeeze %dma_wait3A_1392 : memref<3x1x1x1x128xi32, #tpu.memory_space<hbm>> -> memref<3x128xi32, #tpu.memory_space<hbm>>
        %dma_wait3A_1394 = arith.constant 0 : i32
        %dma_wait3A_1395 = arith.constant 0 : i32
        %dma_wait3A_1396 = tpu.memref_slice %arg5[%dma_wait3A_1385, %dma_wait3A_1394, %dma_wait3A_1395] : memref<4x3x128xi32, #tpu.memory_space<vmem>> -> memref<1x3x128xi32, #tpu.memory_space<vmem>>
        %dma_wait3A_1397 = tpu.memref_squeeze %dma_wait3A_1396 : memref<1x3x128xi32, #tpu.memory_space<vmem>> -> memref<3x128xi32, #tpu.memory_space<vmem>>
        %dma_wait3A_1398 = arith.constant 0 : i32
        %dma_wait3A_1399 = arith.constant 0 : i32
        %dma_wait3A_1400 = tpu.memref_slice %arg2[%dma_wait3A_1398, %select_n3A_1368, %select_n3A_1384, %select_n3A_1344, %dma_wait3A_1399] : memref<3x16x16x8x128xi32, #tpu.memory_space<hbm>> -> memref<3x1x1x1x128xi32, #tpu.memory_space<hbm>>
        %dma_wait3A_1401 = tpu.memref_squeeze %dma_wait3A_1400 : memref<3x1x1x1x128xi32, #tpu.memory_space<hbm>> -> memref<3x128xi32, #tpu.memory_space<hbm>>
        tpu.wait_dma2 semaphore(%arg12 : memref<!tpu.dma_semaphore, #tpu.memory_space<semaphore_mem>>) src(%dma_wait3A_1401 : memref<3x128xi32, #tpu.memory_space<hbm>>) dst(%dma_wait3A_1397 : memref<3x128xi32, #tpu.memory_space<vmem>>)
        %dma_start3A_1402 = arith.constant 0 : i32
        %dma_start3A_1403 = arith.constant 0 : i32
        %dma_start3A_1404 = arith.constant 0 : i32
        %dma_start3A_1405 = arith.constant 0 : i32
        %dma_start3A_1406 = arith.constant 0 : i32
        %dma_start3A_1407 = tpu.memref_slice %arg6[%dma_start3A_1404, %dma_start3A_1405, %dma_start3A_1406] : memref<4x384x64xf32, #tpu.memory_space<vmem>> -> memref<1x128x64xf32, #tpu.memory_space<vmem>>
        %dma_start3A_1408 = tpu.memref_squeeze %dma_start3A_1407 : memref<1x128x64xf32, #tpu.memory_space<vmem>> -> memref<128x64xf32, #tpu.memory_space<vmem>>
        %dma_start3A_1409 = arith.constant 0 : i32
        %dma_start3A_1410 = tpu.memref_slice %arg5[%dma_start3A_1402, %dma_start3A_1403, %dma_start3A_1409] : memref<4x3x128xi32, #tpu.memory_space<vmem>> -> memref<1x1x128xi32, #tpu.memory_space<vmem>>
        %dma_start3A_1411 = tpu.memref_squeeze %dma_start3A_1410 : memref<1x1x128xi32, #tpu.memory_space<vmem>> -> memref<128xi32, #tpu.memory_space<vmem>>
        %dma_start3A_1412 = arith.constant 0 : i32
        %dma_start3A_1413 = arith.constant 0 : i32
        %dma_start3A_1414 = tpu.memref_slice %arg3[%dma_start3A_1412, %dma_start3A_1413] : memref<100000x64xf32, #tpu.memory_space<hbm>> -> memref<100000x64xf32, #tpu.memory_space<hbm>>
        tpu.enqueue_indirect_dma source(%dma_start3A_1414 : memref<100000x64xf32, #tpu.memory_space<hbm>>) target(%dma_start3A_1408 : memref<128x64xf32, #tpu.memory_space<vmem>>) offsets(%dma_start3A_1411 : memref<128xi32, #tpu.memory_space<vmem>>) semaphore(%arg8 : memref<!tpu.dma_semaphore, #tpu.memory_space<semaphore_mem>>)
        %dma_start3A_1415 = arith.constant 0 : i32
        %dma_start3A_1416 = arith.constant 1 : i32
        %dma_start3A_1417 = arith.constant 0 : i32
        %dma_start3A_1418 = arith.constant 128 : i32
        %dma_start3A_1419 = arith.constant 0 : i32
        %dma_start3A_1420 = tpu.memref_slice %arg6[%dma_start3A_1417, %dma_start3A_1418, %dma_start3A_1419] : memref<4x384x64xf32, #tpu.memory_space<vmem>> -> memref<1x128x64xf32, #tpu.memory_space<vmem>>
        %dma_start3A_1421 = tpu.memref_squeeze %dma_start3A_1420 : memref<1x128x64xf32, #tpu.memory_space<vmem>> -> memref<128x64xf32, #tpu.memory_space<vmem>>
        %dma_start3A_1422 = arith.constant 0 : i32
        %dma_start3A_1423 = tpu.memref_slice %arg5[%dma_start3A_1415, %dma_start3A_1416, %dma_start3A_1422] : memref<4x3x128xi32, #tpu.memory_space<vmem>> -> memref<1x1x128xi32, #tpu.memory_space<vmem>>
        %dma_start3A_1424 = tpu.memref_squeeze %dma_start3A_1423 : memref<1x1x128xi32, #tpu.memory_space<vmem>> -> memref<128xi32, #tpu.memory_space<vmem>>
        %dma_start3A_1425 = arith.constant 0 : i32
        %dma_start3A_1426 = arith.constant 0 : i32
        %dma_start3A_1427 = tpu.memref_slice %arg3[%dma_start3A_1425, %dma_start3A_1426] : memref<100000x64xf32, #tpu.memory_space<hbm>> -> memref<100000x64xf32, #tpu.memory_space<hbm>>
        tpu.enqueue_indirect_dma source(%dma_start3A_1427 : memref<100000x64xf32, #tpu.memory_space<hbm>>) target(%dma_start3A_1421 : memref<128x64xf32, #tpu.memory_space<vmem>>) offsets(%dma_start3A_1424 : memref<128xi32, #tpu.memory_space<vmem>>) semaphore(%arg8 : memref<!tpu.dma_semaphore, #tpu.memory_space<semaphore_mem>>)
        %dma_start3A_1428 = arith.constant 0 : i32
        %dma_start3A_1429 = arith.constant 2 : i32
        %dma_start3A_1430 = arith.constant 0 : i32
        %dma_start3A_1431 = arith.constant 256 : i32
        %dma_start3A_1432 = arith.constant 0 : i32
        %dma_start3A_1433 = tpu.memref_slice %arg6[%dma_start3A_1430, %dma_start3A_1431, %dma_start3A_1432] : memref<4x384x64xf32, #tpu.memory_space<vmem>> -> memref<1x128x64xf32, #tpu.memory_space<vmem>>
        %dma_start3A_1434 = tpu.memref_squeeze %dma_start3A_1433 : memref<1x128x64xf32, #tpu.memory_space<vmem>> -> memref<128x64xf32, #tpu.memory_space<vmem>>
        %dma_start3A_1435 = arith.constant 0 : i32
        %dma_start3A_1436 = tpu.memref_slice %arg5[%dma_start3A_1428, %dma_start3A_1429, %dma_start3A_1435] : memref<4x3x128xi32, #tpu.memory_space<vmem>> -> memref<1x1x128xi32, #tpu.memory_space<vmem>>
        %dma_start3A_1437 = tpu.memref_squeeze %dma_start3A_1436 : memref<1x1x128xi32, #tpu.memory_space<vmem>> -> memref<128xi32, #tpu.memory_space<vmem>>
        %dma_start3A_1438 = arith.constant 0 : i32
        %dma_start3A_1439 = arith.constant 0 : i32
        %dma_start3A_1440 = tpu.memref_slice %arg3[%dma_start3A_1438, %dma_start3A_1439] : memref<100000x64xf32, #tpu.memory_space<hbm>> -> memref<100000x64xf32, #tpu.memory_space<hbm>>
        tpu.enqueue_indirect_dma source(%dma_start3A_1440 : memref<100000x64xf32, #tpu.memory_space<hbm>>) target(%dma_start3A_1434 : memref<128x64xf32, #tpu.memory_space<vmem>>) offsets(%dma_start3A_1437 : memref<128xi32, #tpu.memory_space<vmem>>) semaphore(%arg8 : memref<!tpu.dma_semaphore, #tpu.memory_space<semaphore_mem>>)
      } else {
      }
      %add3A_906 = arith.constant 3 : i32
      %add3A_907 = arith.addi %add3A_898, %add3A_906 : i32
      %lt3A_908 = arith.constant 64 : i32
      %lt3A_909 = arith.cmpi slt, %add3A_907, %lt3A_908 : i32
      %convert_element_type3A_910 = arith.extui %lt3A_909 : i1 to i32
      %cond3A_911 = arith.constant 0 : i32
      %cond3A_912 = arith.cmpi ne, %convert_element_type3A_910, %cond3A_911 : i32
      scf.if %cond3A_912 {
        %add3A_1300 = arith.constant 3 : i32
        %add3A_1301 = arith.addi %add3A_898, %add3A_1300 : i32
        %mul3A_1302 = arith.constant 8 : i32
        %mul3A_1303 = arith.muli %add3A, %mul3A_1302 : i32
        %jit3A_1304 = arith.constant 8 : i32
        %div3A_1305 = arith.divsi %add3A_1301, %jit3A_1304 : i32
        %sign3A_1306 = arith.constant 0 : i32
        %sign3A_1307 = arith.cmpi sgt, %add3A_1301, %sign3A_1306 : i32
        %sign3A_1308 = arith.extui %sign3A_1307 : i1 to i32
        %sign3A_1309 = arith.constant 0 : i32
        %sign3A_1310 = arith.cmpi slt, %add3A_1301, %sign3A_1309 : i32
        %sign3A_1311 = arith.extui %sign3A_1310 : i1 to i32
        %sign3A_1312 = arith.subi %sign3A_1308, %sign3A_1311 : i32
        %sign3A_1313 = arith.constant 0 : i32
        %sign3A_1314 = arith.cmpi sgt, %jit3A_1304, %sign3A_1313 : i32
        %sign3A_1315 = arith.extui %sign3A_1314 : i1 to i32
        %sign3A_1316 = arith.constant 0 : i32
        %sign3A_1317 = arith.cmpi slt, %jit3A_1304, %sign3A_1316 : i32
        %sign3A_1318 = arith.extui %sign3A_1317 : i1 to i32
        %sign3A_1319 = arith.subi %sign3A_1315, %sign3A_1318 : i32
        %ne3A_1320 = arith.cmpi ne, %sign3A_1312, %sign3A_1319 : i32
        %rem3A_1321 = arith.remsi %add3A_1301, %jit3A_1304 : i32
        %ne3A_1322 = arith.constant 0 : i32
        %ne3A_1323 = arith.cmpi ne, %rem3A_1321, %ne3A_1322 : i32
        %and3A_1324 = arith.andi %ne3A_1320, %ne3A_1323 : i1
        %sub3A_1325 = arith.constant 1 : i32
        %sub3A_1326 = arith.subi %div3A_1305, %sub3A_1325 : i32
        %select_n3A_1327 = arith.select %and3A_1324, %sub3A_1326, %div3A_1305 : i32
        %add3A_1328 = arith.addi %mul3A_1303, %select_n3A_1327 : i32
        %jit3A_1329 = arith.constant 8 : i32
        %eq3A_1330 = arith.constant 0 : i32
        %eq3A_1331 = arith.cmpi eq, %jit3A_1329, %eq3A_1330 : i32
        %jit3A_1332 = arith.constant 1 : i32
        %select_n3A_1333 = arith.select %eq3A_1331, %jit3A_1332, %jit3A_1329 : i32
        %rem3A_1334 = arith.remsi %add3A_1301, %select_n3A_1333 : i32
        %ne3A_1335 = arith.constant 0 : i32
        %ne3A_1336 = arith.cmpi ne, %rem3A_1334, %ne3A_1335 : i32
        %lt3A_1337 = arith.constant 0 : i32
        %lt3A_1338 = arith.cmpi slt, %rem3A_1334, %lt3A_1337 : i32
        %lt3A_1339 = arith.constant 0 : i32
        %lt3A_1340 = arith.cmpi slt, %select_n3A_1333, %lt3A_1339 : i32
        %ne3A_1341 = arith.xori %lt3A_1338, %lt3A_1340 : i1
        %and3A_1342 = arith.andi %ne3A_1341, %ne3A_1336 : i1
        %add3A_1343 = arith.addi %rem3A_1334, %select_n3A_1333 : i32
        %select_n3A_1344 = arith.select %and3A_1342, %add3A_1343, %rem3A_1334 : i32
        %jit3A_1345 = arith.constant 16 : i32
        %div3A_1346 = arith.divsi %add3A_1328, %jit3A_1345 : i32
        %sign3A_1347 = arith.constant 0 : i32
        %sign3A_1348 = arith.cmpi sgt, %add3A_1328, %sign3A_1347 : i32
        %sign3A_1349 = arith.extui %sign3A_1348 : i1 to i32
        %sign3A_1350 = arith.constant 0 : i32
        %sign3A_1351 = arith.cmpi slt, %add3A_1328, %sign3A_1350 : i32
        %sign3A_1352 = arith.extui %sign3A_1351 : i1 to i32
        %sign3A_1353 = arith.subi %sign3A_1349, %sign3A_1352 : i32
        %sign3A_1354 = arith.constant 0 : i32
        %sign3A_1355 = arith.cmpi sgt, %jit3A_1345, %sign3A_1354 : i32
        %sign3A_1356 = arith.extui %sign3A_1355 : i1 to i32
        %sign3A_1357 = arith.constant 0 : i32
        %sign3A_1358 = arith.cmpi slt, %jit3A_1345, %sign3A_1357 : i32
        %sign3A_1359 = arith.extui %sign3A_1358 : i1 to i32
        %sign3A_1360 = arith.subi %sign3A_1356, %sign3A_1359 : i32
        %ne3A_1361 = arith.cmpi ne, %sign3A_1353, %sign3A_1360 : i32
        %rem3A_1362 = arith.remsi %add3A_1328, %jit3A_1345 : i32
        %ne3A_1363 = arith.constant 0 : i32
        %ne3A_1364 = arith.cmpi ne, %rem3A_1362, %ne3A_1363 : i32
        %and3A_1365 = arith.andi %ne3A_1361, %ne3A_1364 : i1
        %sub3A_1366 = arith.constant 1 : i32
        %sub3A_1367 = arith.subi %div3A_1346, %sub3A_1366 : i32
        %select_n3A_1368 = arith.select %and3A_1365, %sub3A_1367, %div3A_1346 : i32
        %jit3A_1369 = arith.constant 16 : i32
        %eq3A_1370 = arith.constant 0 : i32
        %eq3A_1371 = arith.cmpi eq, %jit3A_1369, %eq3A_1370 : i32
        %jit3A_1372 = arith.constant 1 : i32
        %select_n3A_1373 = arith.select %eq3A_1371, %jit3A_1372, %jit3A_1369 : i32
        %rem3A_1374 = arith.remsi %add3A_1328, %select_n3A_1373 : i32
        %ne3A_1375 = arith.constant 0 : i32
        %ne3A_1376 = arith.cmpi ne, %rem3A_1374, %ne3A_1375 : i32
        %lt3A_1377 = arith.constant 0 : i32
        %lt3A_1378 = arith.cmpi slt, %rem3A_1374, %lt3A_1377 : i32
        %lt3A_1379 = arith.constant 0 : i32
        %lt3A_1380 = arith.cmpi slt, %select_n3A_1373, %lt3A_1379 : i32
        %ne3A_1381 = arith.xori %lt3A_1378, %lt3A_1380 : i1
        %and3A_1382 = arith.andi %ne3A_1381, %ne3A_1376 : i1
        %add3A_1383 = arith.addi %rem3A_1374, %select_n3A_1373 : i32
        %select_n3A_1384 = arith.select %and3A_1382, %add3A_1383, %rem3A_1374 : i32
        %dma_start3A_1385 = arith.constant 1 : i32
        %dma_start3A_1386 = arith.constant 0 : i32
        %dma_start3A_1387 = arith.constant 0 : i32
        %dma_start3A_1388 = tpu.memref_slice %arg5[%dma_start3A_1385, %dma_start3A_1386, %dma_start3A_1387] : memref<4x3x128xi32, #tpu.memory_space<vmem>> -> memref<1x3x128xi32, #tpu.memory_space<vmem>>
        %dma_start3A_1389 = tpu.memref_squeeze %dma_start3A_1388 : memref<1x3x128xi32, #tpu.memory_space<vmem>> -> memref<3x128xi32, #tpu.memory_space<vmem>>
        %dma_start3A_1390 = arith.constant 0 : i32
        %dma_start3A_1391 = arith.constant 0 : i32
        %dma_start3A_1392 = tpu.memref_slice %arg2[%dma_start3A_1390, %select_n3A_1368, %select_n3A_1384, %select_n3A_1344, %dma_start3A_1391] : memref<3x16x16x8x128xi32, #tpu.memory_space<hbm>> -> memref<3x1x1x1x128xi32, #tpu.memory_space<hbm>>
        %dma_start3A_1393 = tpu.memref_squeeze %dma_start3A_1392 : memref<3x1x1x1x128xi32, #tpu.memory_space<hbm>> -> memref<3x128xi32, #tpu.memory_space<hbm>>
        %dma_start3A_1394 = arith.constant 0 : i32
        %dma_start3A_1395 = arith.constant 0 : i32
        %dma_start3A_1396 = tpu.memref_slice %arg5[%dma_start3A_1385, %dma_start3A_1394, %dma_start3A_1395] : memref<4x3x128xi32, #tpu.memory_space<vmem>> -> memref<1x3x128xi32, #tpu.memory_space<vmem>>
        %dma_start3A_1397 = tpu.memref_squeeze %dma_start3A_1396 : memref<1x3x128xi32, #tpu.memory_space<vmem>> -> memref<3x128xi32, #tpu.memory_space<vmem>>
        %dma_start3A_1398 = arith.constant 0 : i32
        %dma_start3A_1399 = arith.constant 0 : i32
        %dma_start3A_1400 = tpu.memref_slice %arg2[%dma_start3A_1398, %select_n3A_1368, %select_n3A_1384, %select_n3A_1344, %dma_start3A_1399] : memref<3x16x16x8x128xi32, #tpu.memory_space<hbm>> -> memref<3x1x1x1x128xi32, #tpu.memory_space<hbm>>
        %dma_start3A_1401 = tpu.memref_squeeze %dma_start3A_1400 : memref<3x1x1x1x128xi32, #tpu.memory_space<hbm>> -> memref<3x128xi32, #tpu.memory_space<hbm>>
        tpu.enqueue_dma source(%dma_start3A_1401 : memref<3x128xi32, #tpu.memory_space<hbm>>) target(%dma_start3A_1397 : memref<3x128xi32, #tpu.memory_space<vmem>>) target_semaphore(%arg13 : memref<!tpu.dma_semaphore, #tpu.memory_space<semaphore_mem>>)
      } else {
      }
      %dma_wait3A_913 = arith.constant 2 : i32
      %dma_wait3A_914 = arith.constant 0 : i32
      %dma_wait3A_915 = arith.constant 2 : i32
      %dma_wait3A_916 = arith.constant 0 : i32
      %dma_wait3A_917 = arith.constant 0 : i32
      %dma_wait3A_918 = tpu.memref_slice %arg6[%dma_wait3A_915, %dma_wait3A_916, %dma_wait3A_917] : memref<4x384x64xf32, #tpu.memory_space<vmem>> -> memref<1x128x64xf32, #tpu.memory_space<vmem>>
      %dma_wait3A_919 = tpu.memref_squeeze %dma_wait3A_918 : memref<1x128x64xf32, #tpu.memory_space<vmem>> -> memref<128x64xf32, #tpu.memory_space<vmem>>
      %dma_wait3A_920 = arith.constant 0 : i32
      %dma_wait3A_921 = tpu.memref_slice %arg5[%dma_wait3A_913, %dma_wait3A_914, %dma_wait3A_920] : memref<4x3x128xi32, #tpu.memory_space<vmem>> -> memref<1x1x128xi32, #tpu.memory_space<vmem>>
      %dma_wait3A_922 = tpu.memref_squeeze %dma_wait3A_921 : memref<1x1x128xi32, #tpu.memory_space<vmem>> -> memref<128xi32, #tpu.memory_space<vmem>>
      %dma_wait3A_923 = arith.constant 0 : i32
      %dma_wait3A_924 = arith.constant 0 : i32
      %dma_wait3A_925 = tpu.memref_slice %arg3[%dma_wait3A_923, %dma_wait3A_924] : memref<100000x64xf32, #tpu.memory_space<hbm>> -> memref<100000x64xf32, #tpu.memory_space<hbm>>
      tpu.wait_indirect_dma semaphore(%arg10 : memref<!tpu.dma_semaphore, #tpu.memory_space<semaphore_mem>>) src(%dma_wait3A_925 : memref<100000x64xf32, #tpu.memory_space<hbm>>) dst(%dma_wait3A_919 : memref<128x64xf32, #tpu.memory_space<vmem>>)
      %dma_wait3A_926 = arith.constant 2 : i32
      %dma_wait3A_927 = arith.constant 1 : i32
      %dma_wait3A_928 = arith.constant 2 : i32
      %dma_wait3A_929 = arith.constant 128 : i32
      %dma_wait3A_930 = arith.constant 0 : i32
      %dma_wait3A_931 = tpu.memref_slice %arg6[%dma_wait3A_928, %dma_wait3A_929, %dma_wait3A_930] : memref<4x384x64xf32, #tpu.memory_space<vmem>> -> memref<1x128x64xf32, #tpu.memory_space<vmem>>
      %dma_wait3A_932 = tpu.memref_squeeze %dma_wait3A_931 : memref<1x128x64xf32, #tpu.memory_space<vmem>> -> memref<128x64xf32, #tpu.memory_space<vmem>>
      %dma_wait3A_933 = arith.constant 0 : i32
      %dma_wait3A_934 = tpu.memref_slice %arg5[%dma_wait3A_926, %dma_wait3A_927, %dma_wait3A_933] : memref<4x3x128xi32, #tpu.memory_space<vmem>> -> memref<1x1x128xi32, #tpu.memory_space<vmem>>
      %dma_wait3A_935 = tpu.memref_squeeze %dma_wait3A_934 : memref<1x1x128xi32, #tpu.memory_space<vmem>> -> memref<128xi32, #tpu.memory_space<vmem>>
      %dma_wait3A_936 = arith.constant 0 : i32
      %dma_wait3A_937 = arith.constant 0 : i32
      %dma_wait3A_938 = tpu.memref_slice %arg3[%dma_wait3A_936, %dma_wait3A_937] : memref<100000x64xf32, #tpu.memory_space<hbm>> -> memref<100000x64xf32, #tpu.memory_space<hbm>>
      tpu.wait_indirect_dma semaphore(%arg10 : memref<!tpu.dma_semaphore, #tpu.memory_space<semaphore_mem>>) src(%dma_wait3A_938 : memref<100000x64xf32, #tpu.memory_space<hbm>>) dst(%dma_wait3A_932 : memref<128x64xf32, #tpu.memory_space<vmem>>)
      %dma_wait3A_939 = arith.constant 2 : i32
      %dma_wait3A_940 = arith.constant 2 : i32
      %dma_wait3A_941 = arith.constant 2 : i32
      %dma_wait3A_942 = arith.constant 256 : i32
      %dma_wait3A_943 = arith.constant 0 : i32
      %dma_wait3A_944 = tpu.memref_slice %arg6[%dma_wait3A_941, %dma_wait3A_942, %dma_wait3A_943] : memref<4x384x64xf32, #tpu.memory_space<vmem>> -> memref<1x128x64xf32, #tpu.memory_space<vmem>>
      %dma_wait3A_945 = tpu.memref_squeeze %dma_wait3A_944 : memref<1x128x64xf32, #tpu.memory_space<vmem>> -> memref<128x64xf32, #tpu.memory_space<vmem>>
      %dma_wait3A_946 = arith.constant 0 : i32
      %dma_wait3A_947 = tpu.memref_slice %arg5[%dma_wait3A_939, %dma_wait3A_940, %dma_wait3A_946] : memref<4x3x128xi32, #tpu.memory_space<vmem>> -> memref<1x1x128xi32, #tpu.memory_space<vmem>>
      %dma_wait3A_948 = tpu.memref_squeeze %dma_wait3A_947 : memref<1x1x128xi32, #tpu.memory_space<vmem>> -> memref<128xi32, #tpu.memory_space<vmem>>
      %dma_wait3A_949 = arith.constant 0 : i32
      %dma_wait3A_950 = arith.constant 0 : i32
      %dma_wait3A_951 = tpu.memref_slice %arg3[%dma_wait3A_949, %dma_wait3A_950] : memref<100000x64xf32, #tpu.memory_space<hbm>> -> memref<100000x64xf32, #tpu.memory_space<hbm>>
      tpu.wait_indirect_dma semaphore(%arg10 : memref<!tpu.dma_semaphore, #tpu.memory_space<semaphore_mem>>) src(%dma_wait3A_951 : memref<100000x64xf32, #tpu.memory_space<hbm>>) dst(%dma_wait3A_945 : memref<128x64xf32, #tpu.memory_space<vmem>>)
      %gt3A_952 = arith.constant 0 : i32
      %gt3A_953 = arith.cmpi sgt, %add3A_898, %gt3A_952 : i32
      %convert_element_type3A_954 = arith.extui %gt3A_953 : i1 to i32
      %cond3A_955 = arith.constant 0 : i32
      %cond3A_956 = arith.cmpi ne, %convert_element_type3A_954, %cond3A_955 : i32
      scf.if %cond3A_956 {
        %sub3A_1300 = arith.constant 1 : i32
        %sub3A_1301 = arith.subi %add3A_898, %sub3A_1300 : i32
        %mul3A_1302 = arith.constant 8 : i32
        %mul3A_1303 = arith.muli %add3A, %mul3A_1302 : i32
        %jit3A_1304 = arith.constant 8 : i32
        %div3A_1305 = arith.divsi %sub3A_1301, %jit3A_1304 : i32
        %sign3A_1306 = arith.constant 0 : i32
        %sign3A_1307 = arith.cmpi sgt, %sub3A_1301, %sign3A_1306 : i32
        %sign3A_1308 = arith.extui %sign3A_1307 : i1 to i32
        %sign3A_1309 = arith.constant 0 : i32
        %sign3A_1310 = arith.cmpi slt, %sub3A_1301, %sign3A_1309 : i32
        %sign3A_1311 = arith.extui %sign3A_1310 : i1 to i32
        %sign3A_1312 = arith.subi %sign3A_1308, %sign3A_1311 : i32
        %sign3A_1313 = arith.constant 0 : i32
        %sign3A_1314 = arith.cmpi sgt, %jit3A_1304, %sign3A_1313 : i32
        %sign3A_1315 = arith.extui %sign3A_1314 : i1 to i32
        %sign3A_1316 = arith.constant 0 : i32
        %sign3A_1317 = arith.cmpi slt, %jit3A_1304, %sign3A_1316 : i32
        %sign3A_1318 = arith.extui %sign3A_1317 : i1 to i32
        %sign3A_1319 = arith.subi %sign3A_1315, %sign3A_1318 : i32
        %ne3A_1320 = arith.cmpi ne, %sign3A_1312, %sign3A_1319 : i32
        %rem3A_1321 = arith.remsi %sub3A_1301, %jit3A_1304 : i32
        %ne3A_1322 = arith.constant 0 : i32
        %ne3A_1323 = arith.cmpi ne, %rem3A_1321, %ne3A_1322 : i32
        %and3A_1324 = arith.andi %ne3A_1320, %ne3A_1323 : i1
        %sub3A_1325 = arith.constant 1 : i32
        %sub3A_1326 = arith.subi %div3A_1305, %sub3A_1325 : i32
        %select_n3A_1327 = arith.select %and3A_1324, %sub3A_1326, %div3A_1305 : i32
        %add3A_1328 = arith.addi %mul3A_1303, %select_n3A_1327 : i32
        %jit3A_1329 = arith.constant 8 : i32
        %eq3A_1330 = arith.constant 0 : i32
        %eq3A_1331 = arith.cmpi eq, %jit3A_1329, %eq3A_1330 : i32
        %jit3A_1332 = arith.constant 1 : i32
        %select_n3A_1333 = arith.select %eq3A_1331, %jit3A_1332, %jit3A_1329 : i32
        %rem3A_1334 = arith.remsi %sub3A_1301, %select_n3A_1333 : i32
        %ne3A_1335 = arith.constant 0 : i32
        %ne3A_1336 = arith.cmpi ne, %rem3A_1334, %ne3A_1335 : i32
        %lt3A_1337 = arith.constant 0 : i32
        %lt3A_1338 = arith.cmpi slt, %rem3A_1334, %lt3A_1337 : i32
        %lt3A_1339 = arith.constant 0 : i32
        %lt3A_1340 = arith.cmpi slt, %select_n3A_1333, %lt3A_1339 : i32
        %ne3A_1341 = arith.xori %lt3A_1338, %lt3A_1340 : i1
        %and3A_1342 = arith.andi %ne3A_1341, %ne3A_1336 : i1
        %add3A_1343 = arith.addi %rem3A_1334, %select_n3A_1333 : i32
        %select_n3A_1344 = arith.select %and3A_1342, %add3A_1343, %rem3A_1334 : i32
        %jit3A_1345 = arith.constant 16 : i32
        %div3A_1346 = arith.divsi %add3A_1328, %jit3A_1345 : i32
        %sign3A_1347 = arith.constant 0 : i32
        %sign3A_1348 = arith.cmpi sgt, %add3A_1328, %sign3A_1347 : i32
        %sign3A_1349 = arith.extui %sign3A_1348 : i1 to i32
        %sign3A_1350 = arith.constant 0 : i32
        %sign3A_1351 = arith.cmpi slt, %add3A_1328, %sign3A_1350 : i32
        %sign3A_1352 = arith.extui %sign3A_1351 : i1 to i32
        %sign3A_1353 = arith.subi %sign3A_1349, %sign3A_1352 : i32
        %sign3A_1354 = arith.constant 0 : i32
        %sign3A_1355 = arith.cmpi sgt, %jit3A_1345, %sign3A_1354 : i32
        %sign3A_1356 = arith.extui %sign3A_1355 : i1 to i32
        %sign3A_1357 = arith.constant 0 : i32
        %sign3A_1358 = arith.cmpi slt, %jit3A_1345, %sign3A_1357 : i32
        %sign3A_1359 = arith.extui %sign3A_1358 : i1 to i32
        %sign3A_1360 = arith.subi %sign3A_1356, %sign3A_1359 : i32
        %ne3A_1361 = arith.cmpi ne, %sign3A_1353, %sign3A_1360 : i32
        %rem3A_1362 = arith.remsi %add3A_1328, %jit3A_1345 : i32
        %ne3A_1363 = arith.constant 0 : i32
        %ne3A_1364 = arith.cmpi ne, %rem3A_1362, %ne3A_1363 : i32
        %and3A_1365 = arith.andi %ne3A_1361, %ne3A_1364 : i1
        %sub3A_1366 = arith.constant 1 : i32
        %sub3A_1367 = arith.subi %div3A_1346, %sub3A_1366 : i32
        %select_n3A_1368 = arith.select %and3A_1365, %sub3A_1367, %div3A_1346 : i32
        %jit3A_1369 = arith.constant 16 : i32
        %eq3A_1370 = arith.constant 0 : i32
        %eq3A_1371 = arith.cmpi eq, %jit3A_1369, %eq3A_1370 : i32
        %jit3A_1372 = arith.constant 1 : i32
        %select_n3A_1373 = arith.select %eq3A_1371, %jit3A_1372, %jit3A_1369 : i32
        %rem3A_1374 = arith.remsi %add3A_1328, %select_n3A_1373 : i32
        %ne3A_1375 = arith.constant 0 : i32
        %ne3A_1376 = arith.cmpi ne, %rem3A_1374, %ne3A_1375 : i32
        %lt3A_1377 = arith.constant 0 : i32
        %lt3A_1378 = arith.cmpi slt, %rem3A_1374, %lt3A_1377 : i32
        %lt3A_1379 = arith.constant 0 : i32
        %lt3A_1380 = arith.cmpi slt, %select_n3A_1373, %lt3A_1379 : i32
        %ne3A_1381 = arith.xori %lt3A_1378, %lt3A_1380 : i1
        %and3A_1382 = arith.andi %ne3A_1381, %ne3A_1376 : i1
        %add3A_1383 = arith.addi %rem3A_1374, %select_n3A_1373 : i32
        %select_n3A_1384 = arith.select %and3A_1382, %add3A_1383, %rem3A_1374 : i32
        %jit3A_1385 = arith.constant 8 : i32
        %div3A_1386 = arith.divsi %select_n3A_1384, %jit3A_1385 : i32
        %sign3A_1387 = arith.constant 0 : i32
        %sign3A_1388 = arith.cmpi sgt, %select_n3A_1384, %sign3A_1387 : i32
        %sign3A_1389 = arith.extui %sign3A_1388 : i1 to i32
        %sign3A_1390 = arith.constant 0 : i32
        %sign3A_1391 = arith.cmpi slt, %select_n3A_1384, %sign3A_1390 : i32
        %sign3A_1392 = arith.extui %sign3A_1391 : i1 to i32
        %sign3A_1393 = arith.subi %sign3A_1389, %sign3A_1392 : i32
        %sign3A_1394 = arith.constant 0 : i32
        %sign3A_1395 = arith.cmpi sgt, %jit3A_1385, %sign3A_1394 : i32
        %sign3A_1396 = arith.extui %sign3A_1395 : i1 to i32
        %sign3A_1397 = arith.constant 0 : i32
        %sign3A_1398 = arith.cmpi slt, %jit3A_1385, %sign3A_1397 : i32
        %sign3A_1399 = arith.extui %sign3A_1398 : i1 to i32
        %sign3A_1400 = arith.subi %sign3A_1396, %sign3A_1399 : i32
        %ne3A_1401 = arith.cmpi ne, %sign3A_1393, %sign3A_1400 : i32
        %rem3A_1402 = arith.remsi %select_n3A_1384, %jit3A_1385 : i32
        %ne3A_1403 = arith.constant 0 : i32
        %ne3A_1404 = arith.cmpi ne, %rem3A_1402, %ne3A_1403 : i32
        %and3A_1405 = arith.andi %ne3A_1401, %ne3A_1404 : i1
        %sub3A_1406 = arith.constant 1 : i32
        %sub3A_1407 = arith.subi %div3A_1386, %sub3A_1406 : i32
        %select_n3A_1408 = arith.select %and3A_1405, %sub3A_1407, %div3A_1386 : i32
        %jit3A_1409 = arith.constant 8 : i32
        %eq3A_1410 = arith.constant 0 : i32
        %eq3A_1411 = arith.cmpi eq, %jit3A_1409, %eq3A_1410 : i32
        %jit3A_1412 = arith.constant 1 : i32
        %select_n3A_1413 = arith.select %eq3A_1411, %jit3A_1412, %jit3A_1409 : i32
        %rem3A_1414 = arith.remsi %select_n3A_1384, %select_n3A_1413 : i32
        %ne3A_1415 = arith.constant 0 : i32
        %ne3A_1416 = arith.cmpi ne, %rem3A_1414, %ne3A_1415 : i32
        %lt3A_1417 = arith.constant 0 : i32
        %lt3A_1418 = arith.cmpi slt, %rem3A_1414, %lt3A_1417 : i32
        %lt3A_1419 = arith.constant 0 : i32
        %lt3A_1420 = arith.cmpi slt, %select_n3A_1413, %lt3A_1419 : i32
        %ne3A_1421 = arith.xori %lt3A_1418, %lt3A_1420 : i1
        %and3A_1422 = arith.andi %ne3A_1421, %ne3A_1416 : i1
        %add3A_1423 = arith.addi %rem3A_1414, %select_n3A_1413 : i32
        %select_n3A_1424 = arith.select %and3A_1422, %add3A_1423, %rem3A_1414 : i32
        %dma_wait3A_1425 = arith.constant 0 : i32
        %dma_wait3A_1426 = arith.constant 0 : i32
        %dma_wait3A_1427 = tpu.memref_slice %arg7[%dma_wait3A_1425, %dma_wait3A_1426] : memref<64x129xf32, #tpu.memory_space<vmem>> -> memref<64x128xf32, #tpu.memory_space<vmem>>
        %dma_wait3A_1428 = arith.constant 0 : i32
        %dma_wait3A_1429 = arith.constant 0 : i32
        %dma_wait3A_1430 = tpu.memref_slice %arg4[%dma_wait3A_1428, %select_n3A_1368, %select_n3A_1408, %select_n3A_1344, %select_n3A_1424, %dma_wait3A_1429] : memref<64x16x2x8x8x128xf32, #tpu.memory_space<hbm>> -> memref<64x1x1x1x1x128xf32, #tpu.memory_space<hbm>>
        %dma_wait3A_1431 = tpu.memref_squeeze %dma_wait3A_1430 : memref<64x1x1x1x1x128xf32, #tpu.memory_space<hbm>> -> memref<64x128xf32, #tpu.memory_space<hbm>>
        %dma_wait3A_1432 = arith.constant 0 : i32
        %dma_wait3A_1433 = arith.constant 0 : i32
        %dma_wait3A_1434 = tpu.memref_slice %arg4[%dma_wait3A_1432, %select_n3A_1368, %select_n3A_1408, %select_n3A_1344, %select_n3A_1424, %dma_wait3A_1433] : memref<64x16x2x8x8x128xf32, #tpu.memory_space<hbm>> -> memref<64x1x1x1x1x128xf32, #tpu.memory_space<hbm>>
        %dma_wait3A_1435 = tpu.memref_squeeze %dma_wait3A_1434 : memref<64x1x1x1x1x128xf32, #tpu.memory_space<hbm>> -> memref<64x128xf32, #tpu.memory_space<hbm>>
        %dma_wait3A_1436 = arith.constant 0 : i32
        %dma_wait3A_1437 = arith.constant 0 : i32
        %dma_wait3A_1438 = tpu.memref_slice %arg7[%dma_wait3A_1436, %dma_wait3A_1437] : memref<64x129xf32, #tpu.memory_space<vmem>> -> memref<64x128xf32, #tpu.memory_space<vmem>>
        tpu.wait_dma2 semaphore(%arg16 : memref<!tpu.dma_semaphore, #tpu.memory_space<semaphore_mem>>) src(%dma_wait3A_1438 : memref<64x128xf32, #tpu.memory_space<vmem>>) dst(%dma_wait3A_1435 : memref<64x128xf32, #tpu.memory_space<hbm>>)
      } else {
      }
      %parallel_loop3A_957 = arith.constant 0 : i32
      %parallel_loop3A_958 = arith.constant 128 : i32
      %parallel_loop3A_959 = arith.constant 1 : i32
      %parallel_loop3A_960 = arith.constant 2 : i32
      scf.for %parallel_loop3A_1300 = %parallel_loop3A_957 to %parallel_loop3A_958 step %parallel_loop3A_959  : i32 {
        %parallel_loop3A_1301 = arith.constant 0 : i32
        %parallel_loop3A_1302 = vector.broadcast %parallel_loop3A_1301 : i32 to vector<16xi32>
        %parallel_loop3A_1303 = vector.broadcast %parallel_loop3A_1300 : i32 to vector<16xi32>
        %parallel_loop3A_1304 = arith.addi %parallel_loop3A_1302, %parallel_loop3A_1303 : vector<16xi32>
        %parallel_loop3A_1305 = arith.constant 0 : i32
        %parallel_loop3A_1306 = arith.constant 0 : i32
        %parallel_loop3A_1307 = tpu.memref_slice %arg6[%parallel_loop3A_960, %parallel_loop3A_1305, %parallel_loop3A_1306] : memref<4x384x64xf32, #tpu.memory_space<vmem>> -> memref<1x384x64xf32, #tpu.memory_space<vmem>>
        %parallel_loop3A_1308 = tpu.memref_squeeze %parallel_loop3A_1307 : memref<1x384x64xf32, #tpu.memory_space<vmem>> -> memref<384x64xf32, #tpu.memory_space<vmem>>
        %parallel_loop3A_1309 = arith.index_cast %parallel_loop3A_1300 : i32 to index
        %parallel_loop3A_1310 = arith.constant 0 : index
        %parallel_loop3A_1311 = tpu.vector_load %parallel_loop3A_1308[%parallel_loop3A_1309, %parallel_loop3A_1310] {strides = array<i32>} : memref<384x64xf32, #tpu.memory_space<vmem>>, vector<16xf32>,
        %parallel_loop3A_1312 = arith.constant 128 : i32
        %parallel_loop3A_1313 = arith.addi %parallel_loop3A_1312, %parallel_loop3A_1300 : i32
        %parallel_loop3A_1314 = arith.constant 0 : i32
        %parallel_loop3A_1315 = arith.constant 0 : i32
        %parallel_loop3A_1316 = tpu.memref_slice %arg6[%parallel_loop3A_960, %parallel_loop3A_1314, %parallel_loop3A_1315] : memref<4x384x64xf32, #tpu.memory_space<vmem>> -> memref<1x384x64xf32, #tpu.memory_space<vmem>>
        %parallel_loop3A_1317 = tpu.memref_squeeze %parallel_loop3A_1316 : memref<1x384x64xf32, #tpu.memory_space<vmem>> -> memref<384x64xf32, #tpu.memory_space<vmem>>
        %parallel_loop3A_1318 = arith.index_cast %parallel_loop3A_1313 : i32 to index
        %parallel_loop3A_1319 = arith.constant 0 : index
        %parallel_loop3A_1320 = tpu.vector_load %parallel_loop3A_1317[%parallel_loop3A_1318, %parallel_loop3A_1319] {strides = array<i32>} : memref<384x64xf32, #tpu.memory_space<vmem>>, vector<16xf32>,
        %parallel_loop3A_1321 = arith.addf %parallel_loop3A_1311, %parallel_loop3A_1320 : vector<16xf32>
        %parallel_loop3A_1322 = arith.constant 256 : i32
        %parallel_loop3A_1323 = arith.addi %parallel_loop3A_1322, %parallel_loop3A_1300 : i32
        %parallel_loop3A_1324 = arith.constant 0 : i32
        %parallel_loop3A_1325 = arith.constant 0 : i32
        %parallel_loop3A_1326 = tpu.memref_slice %arg6[%parallel_loop3A_960, %parallel_loop3A_1324, %parallel_loop3A_1325] : memref<4x384x64xf32, #tpu.memory_space<vmem>> -> memref<1x384x64xf32, #tpu.memory_space<vmem>>
        %parallel_loop3A_1327 = tpu.memref_squeeze %parallel_loop3A_1326 : memref<1x384x64xf32, #tpu.memory_space<vmem>> -> memref<384x64xf32, #tpu.memory_space<vmem>>
        %parallel_loop3A_1328 = arith.index_cast %parallel_loop3A_1323 : i32 to index
        %parallel_loop3A_1329 = arith.constant 0 : index
        %parallel_loop3A_1330 = tpu.vector_load %parallel_loop3A_1327[%parallel_loop3A_1328, %parallel_loop3A_1329] {strides = array<i32>} : memref<384x64xf32, #tpu.memory_space<vmem>>, vector<16xf32>,
        %parallel_loop3A_1331 = arith.addf %parallel_loop3A_1321, %parallel_loop3A_1330 : vector<16xf32>
        %parallel_loop3A_1332 = vector.broadcast %scan3A : f32 to vector<16xf32>
        %parallel_loop3A_1333 = arith.mulf %parallel_loop3A_1331, %parallel_loop3A_1332 : vector<16xf32>
        tpu.vector_store_idx %arg7[%add3A_3, %parallel_loop3A_1304], %parallel_loop3A_1333 : memref<64x129xf32, #tpu.memory_space<vmem>>[vector<16xi32>, vector<16xi32>], vector<16xf32>,
        %parallel_loop3A_1334 = arith.constant 0 : i32
        %parallel_loop3A_1335 = arith.constant 0 : i32
        %parallel_loop3A_1336 = tpu.memref_slice %arg6[%parallel_loop3A_960, %parallel_loop3A_1334, %parallel_loop3A_1335] : memref<4x384x64xf32, #tpu.memory_space<vmem>> -> memref<1x384x64xf32, #tpu.memory_space<vmem>>
        %parallel_loop3A_1337 = tpu.memref_squeeze %parallel_loop3A_1336 : memref<1x384x64xf32, #tpu.memory_space<vmem>> -> memref<384x64xf32, #tpu.memory_space<vmem>>
        %parallel_loop3A_1338 = arith.index_cast %parallel_loop3A_1300 : i32 to index
        %parallel_loop3A_1339 = arith.constant 16 : index
        %parallel_loop3A_1340 = tpu.vector_load %parallel_loop3A_1337[%parallel_loop3A_1338, %parallel_loop3A_1339] {strides = array<i32>} : memref<384x64xf32, #tpu.memory_space<vmem>>, vector<16xf32>,
        %parallel_loop3A_1341 = arith.constant 128 : i32
        %parallel_loop3A_1342 = arith.addi %parallel_loop3A_1341, %parallel_loop3A_1300 : i32
        %parallel_loop3A_1343 = arith.constant 0 : i32
        %parallel_loop3A_1344 = arith.constant 0 : i32
        %parallel_loop3A_1345 = tpu.memref_slice %arg6[%parallel_loop3A_960, %parallel_loop3A_1343, %parallel_loop3A_1344] : memref<4x384x64xf32, #tpu.memory_space<vmem>> -> memref<1x384x64xf32, #tpu.memory_space<vmem>>
        %parallel_loop3A_1346 = tpu.memref_squeeze %parallel_loop3A_1345 : memref<1x384x64xf32, #tpu.memory_space<vmem>> -> memref<384x64xf32, #tpu.memory_space<vmem>>
        %parallel_loop3A_1347 = arith.index_cast %parallel_loop3A_1342 : i32 to index
        %parallel_loop3A_1348 = arith.constant 16 : index
        %parallel_loop3A_1349 = tpu.vector_load %parallel_loop3A_1346[%parallel_loop3A_1347, %parallel_loop3A_1348] {strides = array<i32>} : memref<384x64xf32, #tpu.memory_space<vmem>>, vector<16xf32>,
        %parallel_loop3A_1350 = arith.addf %parallel_loop3A_1340, %parallel_loop3A_1349 : vector<16xf32>
        %parallel_loop3A_1351 = arith.constant 256 : i32
        %parallel_loop3A_1352 = arith.addi %parallel_loop3A_1351, %parallel_loop3A_1300 : i32
        %parallel_loop3A_1353 = arith.constant 0 : i32
        %parallel_loop3A_1354 = arith.constant 0 : i32
        %parallel_loop3A_1355 = tpu.memref_slice %arg6[%parallel_loop3A_960, %parallel_loop3A_1353, %parallel_loop3A_1354] : memref<4x384x64xf32, #tpu.memory_space<vmem>> -> memref<1x384x64xf32, #tpu.memory_space<vmem>>
        %parallel_loop3A_1356 = tpu.memref_squeeze %parallel_loop3A_1355 : memref<1x384x64xf32, #tpu.memory_space<vmem>> -> memref<384x64xf32, #tpu.memory_space<vmem>>
        %parallel_loop3A_1357 = arith.index_cast %parallel_loop3A_1352 : i32 to index
        %parallel_loop3A_1358 = arith.constant 16 : index
        %parallel_loop3A_1359 = tpu.vector_load %parallel_loop3A_1356[%parallel_loop3A_1357, %parallel_loop3A_1358] {strides = array<i32>} : memref<384x64xf32, #tpu.memory_space<vmem>>, vector<16xf32>,
        %parallel_loop3A_1360 = arith.addf %parallel_loop3A_1350, %parallel_loop3A_1359 : vector<16xf32>
        %parallel_loop3A_1361 = vector.broadcast %scan3A : f32 to vector<16xf32>
        %parallel_loop3A_1362 = arith.mulf %parallel_loop3A_1360, %parallel_loop3A_1361 : vector<16xf32>
        tpu.vector_store_idx %arg7[%add3A_6, %parallel_loop3A_1304], %parallel_loop3A_1362 : memref<64x129xf32, #tpu.memory_space<vmem>>[vector<16xi32>, vector<16xi32>], vector<16xf32>,
        %parallel_loop3A_1363 = arith.constant 0 : i32
        %parallel_loop3A_1364 = arith.constant 0 : i32
        %parallel_loop3A_1365 = tpu.memref_slice %arg6[%parallel_loop3A_960, %parallel_loop3A_1363, %parallel_loop3A_1364] : memref<4x384x64xf32, #tpu.memory_space<vmem>> -> memref<1x384x64xf32, #tpu.memory_space<vmem>>
        %parallel_loop3A_1366 = tpu.memref_squeeze %parallel_loop3A_1365 : memref<1x384x64xf32, #tpu.memory_space<vmem>> -> memref<384x64xf32, #tpu.memory_space<vmem>>
        %parallel_loop3A_1367 = arith.index_cast %parallel_loop3A_1300 : i32 to index
        %parallel_loop3A_1368 = arith.constant 32 : index
        %parallel_loop3A_1369 = tpu.vector_load %parallel_loop3A_1366[%parallel_loop3A_1367, %parallel_loop3A_1368] {strides = array<i32>} : memref<384x64xf32, #tpu.memory_space<vmem>>, vector<16xf32>,
        %parallel_loop3A_1370 = arith.constant 128 : i32
        %parallel_loop3A_1371 = arith.addi %parallel_loop3A_1370, %parallel_loop3A_1300 : i32
        %parallel_loop3A_1372 = arith.constant 0 : i32
        %parallel_loop3A_1373 = arith.constant 0 : i32
        %parallel_loop3A_1374 = tpu.memref_slice %arg6[%parallel_loop3A_960, %parallel_loop3A_1372, %parallel_loop3A_1373] : memref<4x384x64xf32, #tpu.memory_space<vmem>> -> memref<1x384x64xf32, #tpu.memory_space<vmem>>
        %parallel_loop3A_1375 = tpu.memref_squeeze %parallel_loop3A_1374 : memref<1x384x64xf32, #tpu.memory_space<vmem>> -> memref<384x64xf32, #tpu.memory_space<vmem>>
        %parallel_loop3A_1376 = arith.index_cast %parallel_loop3A_1371 : i32 to index
        %parallel_loop3A_1377 = arith.constant 32 : index
        %parallel_loop3A_1378 = tpu.vector_load %parallel_loop3A_1375[%parallel_loop3A_1376, %parallel_loop3A_1377] {strides = array<i32>} : memref<384x64xf32, #tpu.memory_space<vmem>>, vector<16xf32>,
        %parallel_loop3A_1379 = arith.addf %parallel_loop3A_1369, %parallel_loop3A_1378 : vector<16xf32>
        %parallel_loop3A_1380 = arith.constant 256 : i32
        %parallel_loop3A_1381 = arith.addi %parallel_loop3A_1380, %parallel_loop3A_1300 : i32
        %parallel_loop3A_1382 = arith.constant 0 : i32
        %parallel_loop3A_1383 = arith.constant 0 : i32
        %parallel_loop3A_1384 = tpu.memref_slice %arg6[%parallel_loop3A_960, %parallel_loop3A_1382, %parallel_loop3A_1383] : memref<4x384x64xf32, #tpu.memory_space<vmem>> -> memref<1x384x64xf32, #tpu.memory_space<vmem>>
        %parallel_loop3A_1385 = tpu.memref_squeeze %parallel_loop3A_1384 : memref<1x384x64xf32, #tpu.memory_space<vmem>> -> memref<384x64xf32, #tpu.memory_space<vmem>>
        %parallel_loop3A_1386 = arith.index_cast %parallel_loop3A_1381 : i32 to index
        %parallel_loop3A_1387 = arith.constant 32 : index
        %parallel_loop3A_1388 = tpu.vector_load %parallel_loop3A_1385[%parallel_loop3A_1386, %parallel_loop3A_1387] {strides = array<i32>} : memref<384x64xf32, #tpu.memory_space<vmem>>, vector<16xf32>,
        %parallel_loop3A_1389 = arith.addf %parallel_loop3A_1379, %parallel_loop3A_1388 : vector<16xf32>
        %parallel_loop3A_1390 = vector.broadcast %scan3A : f32 to vector<16xf32>
        %parallel_loop3A_1391 = arith.mulf %parallel_loop3A_1389, %parallel_loop3A_1390 : vector<16xf32>
        tpu.vector_store_idx %arg7[%add3A_9, %parallel_loop3A_1304], %parallel_loop3A_1391 : memref<64x129xf32, #tpu.memory_space<vmem>>[vector<16xi32>, vector<16xi32>], vector<16xf32>,
        %parallel_loop3A_1392 = arith.constant 0 : i32
        %parallel_loop3A_1393 = arith.constant 0 : i32
        %parallel_loop3A_1394 = tpu.memref_slice %arg6[%parallel_loop3A_960, %parallel_loop3A_1392, %parallel_loop3A_1393] : memref<4x384x64xf32, #tpu.memory_space<vmem>> -> memref<1x384x64xf32, #tpu.memory_space<vmem>>
        %parallel_loop3A_1395 = tpu.memref_squeeze %parallel_loop3A_1394 : memref<1x384x64xf32, #tpu.memory_space<vmem>> -> memref<384x64xf32, #tpu.memory_space<vmem>>
        %parallel_loop3A_1396 = arith.index_cast %parallel_loop3A_1300 : i32 to index
        %parallel_loop3A_1397 = arith.constant 48 : index
        %parallel_loop3A_1398 = tpu.vector_load %parallel_loop3A_1395[%parallel_loop3A_1396, %parallel_loop3A_1397] {strides = array<i32>} : memref<384x64xf32, #tpu.memory_space<vmem>>, vector<16xf32>,
        %parallel_loop3A_1399 = arith.constant 128 : i32
        %parallel_loop3A_1400 = arith.addi %parallel_loop3A_1399, %parallel_loop3A_1300 : i32
        %parallel_loop3A_1401 = arith.constant 0 : i32
        %parallel_loop3A_1402 = arith.constant 0 : i32
        %parallel_loop3A_1403 = tpu.memref_slice %arg6[%parallel_loop3A_960, %parallel_loop3A_1401, %parallel_loop3A_1402] : memref<4x384x64xf32, #tpu.memory_space<vmem>> -> memref<1x384x64xf32, #tpu.memory_space<vmem>>
        %parallel_loop3A_1404 = tpu.memref_squeeze %parallel_loop3A_1403 : memref<1x384x64xf32, #tpu.memory_space<vmem>> -> memref<384x64xf32, #tpu.memory_space<vmem>>
        %parallel_loop3A_1405 = arith.index_cast %parallel_loop3A_1400 : i32 to index
        %parallel_loop3A_1406 = arith.constant 48 : index
        %parallel_loop3A_1407 = tpu.vector_load %parallel_loop3A_1404[%parallel_loop3A_1405, %parallel_loop3A_1406] {strides = array<i32>} : memref<384x64xf32, #tpu.memory_space<vmem>>, vector<16xf32>,
        %parallel_loop3A_1408 = arith.addf %parallel_loop3A_1398, %parallel_loop3A_1407 : vector<16xf32>
        %parallel_loop3A_1409 = arith.constant 256 : i32
        %parallel_loop3A_1410 = arith.addi %parallel_loop3A_1409, %parallel_loop3A_1300 : i32
        %parallel_loop3A_1411 = arith.constant 0 : i32
        %parallel_loop3A_1412 = arith.constant 0 : i32
        %parallel_loop3A_1413 = tpu.memref_slice %arg6[%parallel_loop3A_960, %parallel_loop3A_1411, %parallel_loop3A_1412] : memref<4x384x64xf32, #tpu.memory_space<vmem>> -> memref<1x384x64xf32, #tpu.memory_space<vmem>>
        %parallel_loop3A_1414 = tpu.memref_squeeze %parallel_loop3A_1413 : memref<1x384x64xf32, #tpu.memory_space<vmem>> -> memref<384x64xf32, #tpu.memory_space<vmem>>
        %parallel_loop3A_1415 = arith.index_cast %parallel_loop3A_1410 : i32 to index
        %parallel_loop3A_1416 = arith.constant 48 : index
        %parallel_loop3A_1417 = tpu.vector_load %parallel_loop3A_1414[%parallel_loop3A_1415, %parallel_loop3A_1416] {strides = array<i32>} : memref<384x64xf32, #tpu.memory_space<vmem>>, vector<16xf32>,
        %parallel_loop3A_1418 = arith.addf %parallel_loop3A_1408, %parallel_loop3A_1417 : vector<16xf32>
        %parallel_loop3A_1419 = vector.broadcast %scan3A : f32 to vector<16xf32>
        %parallel_loop3A_1420 = arith.mulf %parallel_loop3A_1418, %parallel_loop3A_1419 : vector<16xf32>
        tpu.vector_store_idx %arg7[%add3A_12, %parallel_loop3A_1304], %parallel_loop3A_1420 : memref<64x129xf32, #tpu.memory_space<vmem>>[vector<16xi32>, vector<16xi32>], vector<16xf32>,
      } {sc.loop_unroll_factor = 4 : i64, sc.parallel_access}
      %mul3A_961 = arith.constant 8 : i32
      %mul3A_962 = arith.muli %add3A, %mul3A_961 : i32
      %jit3A_963 = arith.constant 8 : i32
      %div3A_964 = arith.divsi %add3A_898, %jit3A_963 : i32
      %sign3A_965 = arith.constant 0 : i32
      %sign3A_966 = arith.cmpi sgt, %add3A_898, %sign3A_965 : i32
      %sign3A_967 = arith.extui %sign3A_966 : i1 to i32
      %sign3A_968 = arith.constant 0 : i32
      %sign3A_969 = arith.cmpi slt, %add3A_898, %sign3A_968 : i32
      %sign3A_970 = arith.extui %sign3A_969 : i1 to i32
      %sign3A_971 = arith.subi %sign3A_967, %sign3A_970 : i32
      %sign3A_972 = arith.constant 0 : i32
      %sign3A_973 = arith.cmpi sgt, %jit3A_963, %sign3A_972 : i32
      %sign3A_974 = arith.extui %sign3A_973 : i1 to i32
      %sign3A_975 = arith.constant 0 : i32
      %sign3A_976 = arith.cmpi slt, %jit3A_963, %sign3A_975 : i32
      %sign3A_977 = arith.extui %sign3A_976 : i1 to i32
      %sign3A_978 = arith.subi %sign3A_974, %sign3A_977 : i32
      %ne3A_979 = arith.cmpi ne, %sign3A_971, %sign3A_978 : i32
      %rem3A_980 = arith.remsi %add3A_898, %jit3A_963 : i32
      %ne3A_981 = arith.constant 0 : i32
      %ne3A_982 = arith.cmpi ne, %rem3A_980, %ne3A_981 : i32
      %and3A_983 = arith.andi %ne3A_979, %ne3A_982 : i1
      %sub3A_984 = arith.constant 1 : i32
      %sub3A_985 = arith.subi %div3A_964, %sub3A_984 : i32
      %select_n3A_986 = arith.select %and3A_983, %sub3A_985, %div3A_964 : i32
      %add3A_987 = arith.addi %mul3A_962, %select_n3A_986 : i32
      %jit3A_988 = arith.constant 8 : i32
      %eq3A_989 = arith.constant 0 : i32
      %eq3A_990 = arith.cmpi eq, %jit3A_988, %eq3A_989 : i32
      %jit3A_991 = arith.constant 1 : i32
      %select_n3A_992 = arith.select %eq3A_990, %jit3A_991, %jit3A_988 : i32
      %rem3A_993 = arith.remsi %add3A_898, %select_n3A_992 : i32
      %ne3A_994 = arith.constant 0 : i32
      %ne3A_995 = arith.cmpi ne, %rem3A_993, %ne3A_994 : i32
      %lt3A_996 = arith.constant 0 : i32
      %lt3A_997 = arith.cmpi slt, %rem3A_993, %lt3A_996 : i32
      %lt3A_998 = arith.constant 0 : i32
      %lt3A_999 = arith.cmpi slt, %select_n3A_992, %lt3A_998 : i32
      %ne3A_1000 = arith.xori %lt3A_997, %lt3A_999 : i1
      %and3A_1001 = arith.andi %ne3A_1000, %ne3A_995 : i1
      %add3A_1002 = arith.addi %rem3A_993, %select_n3A_992 : i32
      %select_n3A_1003 = arith.select %and3A_1001, %add3A_1002, %rem3A_993 : i32
      %jit3A_1004 = arith.constant 16 : i32
      %div3A_1005 = arith.divsi %add3A_987, %jit3A_1004 : i32
      %sign3A_1006 = arith.constant 0 : i32
      %sign3A_1007 = arith.cmpi sgt, %add3A_987, %sign3A_1006 : i32
      %sign3A_1008 = arith.extui %sign3A_1007 : i1 to i32
      %sign3A_1009 = arith.constant 0 : i32
      %sign3A_1010 = arith.cmpi slt, %add3A_987, %sign3A_1009 : i32
      %sign3A_1011 = arith.extui %sign3A_1010 : i1 to i32
      %sign3A_1012 = arith.subi %sign3A_1008, %sign3A_1011 : i32
      %sign3A_1013 = arith.constant 0 : i32
      %sign3A_1014 = arith.cmpi sgt, %jit3A_1004, %sign3A_1013 : i32
      %sign3A_1015 = arith.extui %sign3A_1014 : i1 to i32
      %sign3A_1016 = arith.constant 0 : i32
      %sign3A_1017 = arith.cmpi slt, %jit3A_1004, %sign3A_1016 : i32
      %sign3A_1018 = arith.extui %sign3A_1017 : i1 to i32
      %sign3A_1019 = arith.subi %sign3A_1015, %sign3A_1018 : i32
      %ne3A_1020 = arith.cmpi ne, %sign3A_1012, %sign3A_1019 : i32
      %rem3A_1021 = arith.remsi %add3A_987, %jit3A_1004 : i32
      %ne3A_1022 = arith.constant 0 : i32
      %ne3A_1023 = arith.cmpi ne, %rem3A_1021, %ne3A_1022 : i32
      %and3A_1024 = arith.andi %ne3A_1020, %ne3A_1023 : i1
      %sub3A_1025 = arith.constant 1 : i32
      %sub3A_1026 = arith.subi %div3A_1005, %sub3A_1025 : i32
      %select_n3A_1027 = arith.select %and3A_1024, %sub3A_1026, %div3A_1005 : i32
      %jit3A_1028 = arith.constant 16 : i32
      %eq3A_1029 = arith.constant 0 : i32
      %eq3A_1030 = arith.cmpi eq, %jit3A_1028, %eq3A_1029 : i32
      %jit3A_1031 = arith.constant 1 : i32
      %select_n3A_1032 = arith.select %eq3A_1030, %jit3A_1031, %jit3A_1028 : i32
      %rem3A_1033 = arith.remsi %add3A_987, %select_n3A_1032 : i32
      %ne3A_1034 = arith.constant 0 : i32
      %ne3A_1035 = arith.cmpi ne, %rem3A_1033, %ne3A_1034 : i32
      %lt3A_1036 = arith.constant 0 : i32
      %lt3A_1037 = arith.cmpi slt, %rem3A_1033, %lt3A_1036 : i32
      %lt3A_1038 = arith.constant 0 : i32
      %lt3A_1039 = arith.cmpi slt, %select_n3A_1032, %lt3A_1038 : i32
      %ne3A_1040 = arith.xori %lt3A_1037, %lt3A_1039 : i1
      %and3A_1041 = arith.andi %ne3A_1040, %ne3A_1035 : i1
      %add3A_1042 = arith.addi %rem3A_1033, %select_n3A_1032 : i32
      %select_n3A_1043 = arith.select %and3A_1041, %add3A_1042, %rem3A_1033 : i32
      %jit3A_1044 = arith.constant 8 : i32
      %div3A_1045 = arith.divsi %select_n3A_1043, %jit3A_1044 : i32
      %sign3A_1046 = arith.constant 0 : i32
      %sign3A_1047 = arith.cmpi sgt, %select_n3A_1043, %sign3A_1046 : i32
      %sign3A_1048 = arith.extui %sign3A_1047 : i1 to i32
      %sign3A_1049 = arith.constant 0 : i32
      %sign3A_1050 = arith.cmpi slt, %select_n3A_1043, %sign3A_1049 : i32
      %sign3A_1051 = arith.extui %sign3A_1050 : i1 to i32
      %sign3A_1052 = arith.subi %sign3A_1048, %sign3A_1051 : i32
      %sign3A_1053 = arith.constant 0 : i32
      %sign3A_1054 = arith.cmpi sgt, %jit3A_1044, %sign3A_1053 : i32
      %sign3A_1055 = arith.extui %sign3A_1054 : i1 to i32
      %sign3A_1056 = arith.constant 0 : i32
      %sign3A_1057 = arith.cmpi slt, %jit3A_1044, %sign3A_1056 : i32
      %sign3A_1058 = arith.extui %sign3A_1057 : i1 to i32
      %sign3A_1059 = arith.subi %sign3A_1055, %sign3A_1058 : i32
      %ne3A_1060 = arith.cmpi ne, %sign3A_1052, %sign3A_1059 : i32
      %rem3A_1061 = arith.remsi %select_n3A_1043, %jit3A_1044 : i32
      %ne3A_1062 = arith.constant 0 : i32
      %ne3A_1063 = arith.cmpi ne, %rem3A_1061, %ne3A_1062 : i32
      %and3A_1064 = arith.andi %ne3A_1060, %ne3A_1063 : i1
      %sub3A_1065 = arith.constant 1 : i32
      %sub3A_1066 = arith.subi %div3A_1045, %sub3A_1065 : i32
      %select_n3A_1067 = arith.select %and3A_1064, %sub3A_1066, %div3A_1045 : i32
      %jit3A_1068 = arith.constant 8 : i32
      %eq3A_1069 = arith.constant 0 : i32
      %eq3A_1070 = arith.cmpi eq, %jit3A_1068, %eq3A_1069 : i32
      %jit3A_1071 = arith.constant 1 : i32
      %select_n3A_1072 = arith.select %eq3A_1070, %jit3A_1071, %jit3A_1068 : i32
      %rem3A_1073 = arith.remsi %select_n3A_1043, %select_n3A_1072 : i32
      %ne3A_1074 = arith.constant 0 : i32
      %ne3A_1075 = arith.cmpi ne, %rem3A_1073, %ne3A_1074 : i32
      %lt3A_1076 = arith.constant 0 : i32
      %lt3A_1077 = arith.cmpi slt, %rem3A_1073, %lt3A_1076 : i32
      %lt3A_1078 = arith.constant 0 : i32
      %lt3A_1079 = arith.cmpi slt, %select_n3A_1072, %lt3A_1078 : i32
      %ne3A_1080 = arith.xori %lt3A_1077, %lt3A_1079 : i1
      %and3A_1081 = arith.andi %ne3A_1080, %ne3A_1075 : i1
      %add3A_1082 = arith.addi %rem3A_1073, %select_n3A_1072 : i32
      %select_n3A_1083 = arith.select %and3A_1081, %add3A_1082, %rem3A_1073 : i32
      %dma_start3A_1084 = arith.constant 0 : i32
      %dma_start3A_1085 = arith.constant 0 : i32
      %dma_start3A_1086 = tpu.memref_slice %arg7[%dma_start3A_1084, %dma_start3A_1085] : memref<64x129xf32, #tpu.memory_space<vmem>> -> memref<64x128xf32, #tpu.memory_space<vmem>>
      %dma_start3A_1087 = arith.constant 0 : i32
      %dma_start3A_1088 = arith.constant 0 : i32
      %dma_start3A_1089 = tpu.memref_slice %arg4[%dma_start3A_1087, %select_n3A_1027, %select_n3A_1067, %select_n3A_1003, %select_n3A_1083, %dma_start3A_1088] : memref<64x16x2x8x8x128xf32, #tpu.memory_space<hbm>> -> memref<64x1x1x1x1x128xf32, #tpu.memory_space<hbm>>
      %dma_start3A_1090 = tpu.memref_squeeze %dma_start3A_1089 : memref<64x1x1x1x1x128xf32, #tpu.memory_space<hbm>> -> memref<64x128xf32, #tpu.memory_space<hbm>>
      %dma_start3A_1091 = arith.constant 0 : i32
      %dma_start3A_1092 = arith.constant 0 : i32
      %dma_start3A_1093 = tpu.memref_slice %arg4[%dma_start3A_1091, %select_n3A_1027, %select_n3A_1067, %select_n3A_1003, %select_n3A_1083, %dma_start3A_1092] : memref<64x16x2x8x8x128xf32, #tpu.memory_space<hbm>> -> memref<64x1x1x1x1x128xf32, #tpu.memory_space<hbm>>
      %dma_start3A_1094 = tpu.memref_squeeze %dma_start3A_1093 : memref<64x1x1x1x1x128xf32, #tpu.memory_space<hbm>> -> memref<64x128xf32, #tpu.memory_space<hbm>>
      %dma_start3A_1095 = arith.constant 0 : i32
      %dma_start3A_1096 = arith.constant 0 : i32
      %dma_start3A_1097 = tpu.memref_slice %arg7[%dma_start3A_1095, %dma_start3A_1096] : memref<64x129xf32, #tpu.memory_space<vmem>> -> memref<64x128xf32, #tpu.memory_space<vmem>>
      tpu.enqueue_dma source(%dma_start3A_1097 : memref<64x128xf32, #tpu.memory_space<vmem>>) target(%dma_start3A_1094 : memref<64x128xf32, #tpu.memory_space<hbm>>) target_semaphore(%arg16 : memref<!tpu.dma_semaphore, #tpu.memory_space<semaphore_mem>>)
      %add3A_1098 = arith.constant 3 : i32
      %add3A_1099 = arith.addi %mul3A_498, %add3A_1098 : i32
      %add3A_1100 = arith.constant 2 : i32
      %add3A_1101 = arith.addi %add3A_1099, %add3A_1100 : i32
      %lt3A_1102 = arith.constant 64 : i32
      %lt3A_1103 = arith.cmpi slt, %add3A_1101, %lt3A_1102 : i32
      %convert_element_type3A_1104 = arith.extui %lt3A_1103 : i1 to i32
      %cond3A_1105 = arith.constant 0 : i32
      %cond3A_1106 = arith.cmpi ne, %convert_element_type3A_1104, %cond3A_1105 : i32
      scf.if %cond3A_1106 {
        %add3A_1300 = arith.constant 2 : i32
        %add3A_1301 = arith.addi %add3A_1099, %add3A_1300 : i32
        %mul3A_1302 = arith.constant 8 : i32
        %mul3A_1303 = arith.muli %add3A, %mul3A_1302 : i32
        %jit3A_1304 = arith.constant 8 : i32
        %div3A_1305 = arith.divsi %add3A_1301, %jit3A_1304 : i32
        %sign3A_1306 = arith.constant 0 : i32
        %sign3A_1307 = arith.cmpi sgt, %add3A_1301, %sign3A_1306 : i32
        %sign3A_1308 = arith.extui %sign3A_1307 : i1 to i32
        %sign3A_1309 = arith.constant 0 : i32
        %sign3A_1310 = arith.cmpi slt, %add3A_1301, %sign3A_1309 : i32
        %sign3A_1311 = arith.extui %sign3A_1310 : i1 to i32
        %sign3A_1312 = arith.subi %sign3A_1308, %sign3A_1311 : i32
        %sign3A_1313 = arith.constant 0 : i32
        %sign3A_1314 = arith.cmpi sgt, %jit3A_1304, %sign3A_1313 : i32
        %sign3A_1315 = arith.extui %sign3A_1314 : i1 to i32
        %sign3A_1316 = arith.constant 0 : i32
        %sign3A_1317 = arith.cmpi slt, %jit3A_1304, %sign3A_1316 : i32
        %sign3A_1318 = arith.extui %sign3A_1317 : i1 to i32
        %sign3A_1319 = arith.subi %sign3A_1315, %sign3A_1318 : i32
        %ne3A_1320 = arith.cmpi ne, %sign3A_1312, %sign3A_1319 : i32
        %rem3A_1321 = arith.remsi %add3A_1301, %jit3A_1304 : i32
        %ne3A_1322 = arith.constant 0 : i32
        %ne3A_1323 = arith.cmpi ne, %rem3A_1321, %ne3A_1322 : i32
        %and3A_1324 = arith.andi %ne3A_1320, %ne3A_1323 : i1
        %sub3A_1325 = arith.constant 1 : i32
        %sub3A_1326 = arith.subi %div3A_1305, %sub3A_1325 : i32
        %select_n3A_1327 = arith.select %and3A_1324, %sub3A_1326, %div3A_1305 : i32
        %add3A_1328 = arith.addi %mul3A_1303, %select_n3A_1327 : i32
        %jit3A_1329 = arith.constant 8 : i32
        %eq3A_1330 = arith.constant 0 : i32
        %eq3A_1331 = arith.cmpi eq, %jit3A_1329, %eq3A_1330 : i32
        %jit3A_1332 = arith.constant 1 : i32
        %select_n3A_1333 = arith.select %eq3A_1331, %jit3A_1332, %jit3A_1329 : i32
        %rem3A_1334 = arith.remsi %add3A_1301, %select_n3A_1333 : i32
        %ne3A_1335 = arith.constant 0 : i32
        %ne3A_1336 = arith.cmpi ne, %rem3A_1334, %ne3A_1335 : i32
        %lt3A_1337 = arith.constant 0 : i32
        %lt3A_1338 = arith.cmpi slt, %rem3A_1334, %lt3A_1337 : i32
        %lt3A_1339 = arith.constant 0 : i32
        %lt3A_1340 = arith.cmpi slt, %select_n3A_1333, %lt3A_1339 : i32
        %ne3A_1341 = arith.xori %lt3A_1338, %lt3A_1340 : i1
        %and3A_1342 = arith.andi %ne3A_1341, %ne3A_1336 : i1
        %add3A_1343 = arith.addi %rem3A_1334, %select_n3A_1333 : i32
        %select_n3A_1344 = arith.select %and3A_1342, %add3A_1343, %rem3A_1334 : i32
        %jit3A_1345 = arith.constant 16 : i32
        %div3A_1346 = arith.divsi %add3A_1328, %jit3A_1345 : i32
        %sign3A_1347 = arith.constant 0 : i32
        %sign3A_1348 = arith.cmpi sgt, %add3A_1328, %sign3A_1347 : i32
        %sign3A_1349 = arith.extui %sign3A_1348 : i1 to i32
        %sign3A_1350 = arith.constant 0 : i32
        %sign3A_1351 = arith.cmpi slt, %add3A_1328, %sign3A_1350 : i32
        %sign3A_1352 = arith.extui %sign3A_1351 : i1 to i32
        %sign3A_1353 = arith.subi %sign3A_1349, %sign3A_1352 : i32
        %sign3A_1354 = arith.constant 0 : i32
        %sign3A_1355 = arith.cmpi sgt, %jit3A_1345, %sign3A_1354 : i32
        %sign3A_1356 = arith.extui %sign3A_1355 : i1 to i32
        %sign3A_1357 = arith.constant 0 : i32
        %sign3A_1358 = arith.cmpi slt, %jit3A_1345, %sign3A_1357 : i32
        %sign3A_1359 = arith.extui %sign3A_1358 : i1 to i32
        %sign3A_1360 = arith.subi %sign3A_1356, %sign3A_1359 : i32
        %ne3A_1361 = arith.cmpi ne, %sign3A_1353, %sign3A_1360 : i32
        %rem3A_1362 = arith.remsi %add3A_1328, %jit3A_1345 : i32
        %ne3A_1363 = arith.constant 0 : i32
        %ne3A_1364 = arith.cmpi ne, %rem3A_1362, %ne3A_1363 : i32
        %and3A_1365 = arith.andi %ne3A_1361, %ne3A_1364 : i1
        %sub3A_1366 = arith.constant 1 : i32
        %sub3A_1367 = arith.subi %div3A_1346, %sub3A_1366 : i32
        %select_n3A_1368 = arith.select %and3A_1365, %sub3A_1367, %div3A_1346 : i32
        %jit3A_1369 = arith.constant 16 : i32
        %eq3A_1370 = arith.constant 0 : i32
        %eq3A_1371 = arith.cmpi eq, %jit3A_1369, %eq3A_1370 : i32
        %jit3A_1372 = arith.constant 1 : i32
        %select_n3A_1373 = arith.select %eq3A_1371, %jit3A_1372, %jit3A_1369 : i32
        %rem3A_1374 = arith.remsi %add3A_1328, %select_n3A_1373 : i32
        %ne3A_1375 = arith.constant 0 : i32
        %ne3A_1376 = arith.cmpi ne, %rem3A_1374, %ne3A_1375 : i32
        %lt3A_1377 = arith.constant 0 : i32
        %lt3A_1378 = arith.cmpi slt, %rem3A_1374, %lt3A_1377 : i32
        %lt3A_1379 = arith.constant 0 : i32
        %lt3A_1380 = arith.cmpi slt, %select_n3A_1373, %lt3A_1379 : i32
        %ne3A_1381 = arith.xori %lt3A_1378, %lt3A_1380 : i1
        %and3A_1382 = arith.andi %ne3A_1381, %ne3A_1376 : i1
        %add3A_1383 = arith.addi %rem3A_1374, %select_n3A_1373 : i32
        %select_n3A_1384 = arith.select %and3A_1382, %add3A_1383, %rem3A_1374 : i32
        %dma_wait3A_1385 = arith.constant 1 : i32
        %dma_wait3A_1386 = arith.constant 0 : i32
        %dma_wait3A_1387 = arith.constant 0 : i32
        %dma_wait3A_1388 = tpu.memref_slice %arg5[%dma_wait3A_1385, %dma_wait3A_1386, %dma_wait3A_1387] : memref<4x3x128xi32, #tpu.memory_space<vmem>> -> memref<1x3x128xi32, #tpu.memory_space<vmem>>
        %dma_wait3A_1389 = tpu.memref_squeeze %dma_wait3A_1388 : memref<1x3x128xi32, #tpu.memory_space<vmem>> -> memref<3x128xi32, #tpu.memory_space<vmem>>
        %dma_wait3A_1390 = arith.constant 0 : i32
        %dma_wait3A_1391 = arith.constant 0 : i32
        %dma_wait3A_1392 = tpu.memref_slice %arg2[%dma_wait3A_1390, %select_n3A_1368, %select_n3A_1384, %select_n3A_1344, %dma_wait3A_1391] : memref<3x16x16x8x128xi32, #tpu.memory_space<hbm>> -> memref<3x1x1x1x128xi32, #tpu.memory_space<hbm>>
        %dma_wait3A_1393 = tpu.memref_squeeze %dma_wait3A_1392 : memref<3x1x1x1x128xi32, #tpu.memory_space<hbm>> -> memref<3x128xi32, #tpu.memory_space<hbm>>
        %dma_wait3A_1394 = arith.constant 0 : i32
        %dma_wait3A_1395 = arith.constant 0 : i32
        %dma_wait3A_1396 = tpu.memref_slice %arg5[%dma_wait3A_1385, %dma_wait3A_1394, %dma_wait3A_1395] : memref<4x3x128xi32, #tpu.memory_space<vmem>> -> memref<1x3x128xi32, #tpu.memory_space<vmem>>
        %dma_wait3A_1397 = tpu.memref_squeeze %dma_wait3A_1396 : memref<1x3x128xi32, #tpu.memory_space<vmem>> -> memref<3x128xi32, #tpu.memory_space<vmem>>
        %dma_wait3A_1398 = arith.constant 0 : i32
        %dma_wait3A_1399 = arith.constant 0 : i32
        %dma_wait3A_1400 = tpu.memref_slice %arg2[%dma_wait3A_1398, %select_n3A_1368, %select_n3A_1384, %select_n3A_1344, %dma_wait3A_1399] : memref<3x16x16x8x128xi32, #tpu.memory_space<hbm>> -> memref<3x1x1x1x128xi32, #tpu.memory_space<hbm>>
        %dma_wait3A_1401 = tpu.memref_squeeze %dma_wait3A_1400 : memref<3x1x1x1x128xi32, #tpu.memory_space<hbm>> -> memref<3x128xi32, #tpu.memory_space<hbm>>
        tpu.wait_dma2 semaphore(%arg13 : memref<!tpu.dma_semaphore, #tpu.memory_space<semaphore_mem>>) src(%dma_wait3A_1401 : memref<3x128xi32, #tpu.memory_space<hbm>>) dst(%dma_wait3A_1397 : memref<3x128xi32, #tpu.memory_space<vmem>>)
        %dma_start3A_1402 = arith.constant 1 : i32
        %dma_start3A_1403 = arith.constant 0 : i32
        %dma_start3A_1404 = arith.constant 1 : i32
        %dma_start3A_1405 = arith.constant 0 : i32
        %dma_start3A_1406 = arith.constant 0 : i32
        %dma_start3A_1407 = tpu.memref_slice %arg6[%dma_start3A_1404, %dma_start3A_1405, %dma_start3A_1406] : memref<4x384x64xf32, #tpu.memory_space<vmem>> -> memref<1x128x64xf32, #tpu.memory_space<vmem>>
        %dma_start3A_1408 = tpu.memref_squeeze %dma_start3A_1407 : memref<1x128x64xf32, #tpu.memory_space<vmem>> -> memref<128x64xf32, #tpu.memory_space<vmem>>
        %dma_start3A_1409 = arith.constant 0 : i32
        %dma_start3A_1410 = tpu.memref_slice %arg5[%dma_start3A_1402, %dma_start3A_1403, %dma_start3A_1409] : memref<4x3x128xi32, #tpu.memory_space<vmem>> -> memref<1x1x128xi32, #tpu.memory_space<vmem>>
        %dma_start3A_1411 = tpu.memref_squeeze %dma_start3A_1410 : memref<1x1x128xi32, #tpu.memory_space<vmem>> -> memref<128xi32, #tpu.memory_space<vmem>>
        %dma_start3A_1412 = arith.constant 0 : i32
        %dma_start3A_1413 = arith.constant 0 : i32
        %dma_start3A_1414 = tpu.memref_slice %arg3[%dma_start3A_1412, %dma_start3A_1413] : memref<100000x64xf32, #tpu.memory_space<hbm>> -> memref<100000x64xf32, #tpu.memory_space<hbm>>
        tpu.enqueue_indirect_dma source(%dma_start3A_1414 : memref<100000x64xf32, #tpu.memory_space<hbm>>) target(%dma_start3A_1408 : memref<128x64xf32, #tpu.memory_space<vmem>>) offsets(%dma_start3A_1411 : memref<128xi32, #tpu.memory_space<vmem>>) semaphore(%arg9 : memref<!tpu.dma_semaphore, #tpu.memory_space<semaphore_mem>>)
        %dma_start3A_1415 = arith.constant 1 : i32
        %dma_start3A_1416 = arith.constant 1 : i32
        %dma_start3A_1417 = arith.constant 1 : i32
        %dma_start3A_1418 = arith.constant 128 : i32
        %dma_start3A_1419 = arith.constant 0 : i32
        %dma_start3A_1420 = tpu.memref_slice %arg6[%dma_start3A_1417, %dma_start3A_1418, %dma_start3A_1419] : memref<4x384x64xf32, #tpu.memory_space<vmem>> -> memref<1x128x64xf32, #tpu.memory_space<vmem>>
        %dma_start3A_1421 = tpu.memref_squeeze %dma_start3A_1420 : memref<1x128x64xf32, #tpu.memory_space<vmem>> -> memref<128x64xf32, #tpu.memory_space<vmem>>
        %dma_start3A_1422 = arith.constant 0 : i32
        %dma_start3A_1423 = tpu.memref_slice %arg5[%dma_start3A_1415, %dma_start3A_1416, %dma_start3A_1422] : memref<4x3x128xi32, #tpu.memory_space<vmem>> -> memref<1x1x128xi32, #tpu.memory_space<vmem>>
        %dma_start3A_1424 = tpu.memref_squeeze %dma_start3A_1423 : memref<1x1x128xi32, #tpu.memory_space<vmem>> -> memref<128xi32, #tpu.memory_space<vmem>>
        %dma_start3A_1425 = arith.constant 0 : i32
        %dma_start3A_1426 = arith.constant 0 : i32
        %dma_start3A_1427 = tpu.memref_slice %arg3[%dma_start3A_1425, %dma_start3A_1426] : memref<100000x64xf32, #tpu.memory_space<hbm>> -> memref<100000x64xf32, #tpu.memory_space<hbm>>
        tpu.enqueue_indirect_dma source(%dma_start3A_1427 : memref<100000x64xf32, #tpu.memory_space<hbm>>) target(%dma_start3A_1421 : memref<128x64xf32, #tpu.memory_space<vmem>>) offsets(%dma_start3A_1424 : memref<128xi32, #tpu.memory_space<vmem>>) semaphore(%arg9 : memref<!tpu.dma_semaphore, #tpu.memory_space<semaphore_mem>>)
        %dma_start3A_1428 = arith.constant 1 : i32
        %dma_start3A_1429 = arith.constant 2 : i32
        %dma_start3A_1430 = arith.constant 1 : i32
        %dma_start3A_1431 = arith.constant 256 : i32
        %dma_start3A_1432 = arith.constant 0 : i32
        %dma_start3A_1433 = tpu.memref_slice %arg6[%dma_start3A_1430, %dma_start3A_1431, %dma_start3A_1432] : memref<4x384x64xf32, #tpu.memory_space<vmem>> -> memref<1x128x64xf32, #tpu.memory_space<vmem>>
        %dma_start3A_1434 = tpu.memref_squeeze %dma_start3A_1433 : memref<1x128x64xf32, #tpu.memory_space<vmem>> -> memref<128x64xf32, #tpu.memory_space<vmem>>
        %dma_start3A_1435 = arith.constant 0 : i32
        %dma_start3A_1436 = tpu.memref_slice %arg5[%dma_start3A_1428, %dma_start3A_1429, %dma_start3A_1435] : memref<4x3x128xi32, #tpu.memory_space<vmem>> -> memref<1x1x128xi32, #tpu.memory_space<vmem>>
        %dma_start3A_1437 = tpu.memref_squeeze %dma_start3A_1436 : memref<1x1x128xi32, #tpu.memory_space<vmem>> -> memref<128xi32, #tpu.memory_space<vmem>>
        %dma_start3A_1438 = arith.constant 0 : i32
        %dma_start3A_1439 = arith.constant 0 : i32
        %dma_start3A_1440 = tpu.memref_slice %arg3[%dma_start3A_1438, %dma_start3A_1439] : memref<100000x64xf32, #tpu.memory_space<hbm>> -> memref<100000x64xf32, #tpu.memory_space<hbm>>
        tpu.enqueue_indirect_dma source(%dma_start3A_1440 : memref<100000x64xf32, #tpu.memory_space<hbm>>) target(%dma_start3A_1434 : memref<128x64xf32, #tpu.memory_space<vmem>>) offsets(%dma_start3A_1437 : memref<128xi32, #tpu.memory_space<vmem>>) semaphore(%arg9 : memref<!tpu.dma_semaphore, #tpu.memory_space<semaphore_mem>>)
      } else {
      }
      %add3A_1107 = arith.constant 3 : i32
      %add3A_1108 = arith.addi %add3A_1099, %add3A_1107 : i32
      %lt3A_1109 = arith.constant 64 : i32
      %lt3A_1110 = arith.cmpi slt, %add3A_1108, %lt3A_1109 : i32
      %convert_element_type3A_1111 = arith.extui %lt3A_1110 : i1 to i32
      %cond3A_1112 = arith.constant 0 : i32
      %cond3A_1113 = arith.cmpi ne, %convert_element_type3A_1111, %cond3A_1112 : i32
      scf.if %cond3A_1113 {
        %add3A_1300 = arith.constant 3 : i32
        %add3A_1301 = arith.addi %add3A_1099, %add3A_1300 : i32
        %mul3A_1302 = arith.constant 8 : i32
        %mul3A_1303 = arith.muli %add3A, %mul3A_1302 : i32
        %jit3A_1304 = arith.constant 8 : i32
        %div3A_1305 = arith.divsi %add3A_1301, %jit3A_1304 : i32
        %sign3A_1306 = arith.constant 0 : i32
        %sign3A_1307 = arith.cmpi sgt, %add3A_1301, %sign3A_1306 : i32
        %sign3A_1308 = arith.extui %sign3A_1307 : i1 to i32
        %sign3A_1309 = arith.constant 0 : i32
        %sign3A_1310 = arith.cmpi slt, %add3A_1301, %sign3A_1309 : i32
        %sign3A_1311 = arith.extui %sign3A_1310 : i1 to i32
        %sign3A_1312 = arith.subi %sign3A_1308, %sign3A_1311 : i32
        %sign3A_1313 = arith.constant 0 : i32
        %sign3A_1314 = arith.cmpi sgt, %jit3A_1304, %sign3A_1313 : i32
        %sign3A_1315 = arith.extui %sign3A_1314 : i1 to i32
        %sign3A_1316 = arith.constant 0 : i32
        %sign3A_1317 = arith.cmpi slt, %jit3A_1304, %sign3A_1316 : i32
        %sign3A_1318 = arith.extui %sign3A_1317 : i1 to i32
        %sign3A_1319 = arith.subi %sign3A_1315, %sign3A_1318 : i32
        %ne3A_1320 = arith.cmpi ne, %sign3A_1312, %sign3A_1319 : i32
        %rem3A_1321 = arith.remsi %add3A_1301, %jit3A_1304 : i32
        %ne3A_1322 = arith.constant 0 : i32
        %ne3A_1323 = arith.cmpi ne, %rem3A_1321, %ne3A_1322 : i32
        %and3A_1324 = arith.andi %ne3A_1320, %ne3A_1323 : i1
        %sub3A_1325 = arith.constant 1 : i32
        %sub3A_1326 = arith.subi %div3A_1305, %sub3A_1325 : i32
        %select_n3A_1327 = arith.select %and3A_1324, %sub3A_1326, %div3A_1305 : i32
        %add3A_1328 = arith.addi %mul3A_1303, %select_n3A_1327 : i32
        %jit3A_1329 = arith.constant 8 : i32
        %eq3A_1330 = arith.constant 0 : i32
        %eq3A_1331 = arith.cmpi eq, %jit3A_1329, %eq3A_1330 : i32
        %jit3A_1332 = arith.constant 1 : i32
        %select_n3A_1333 = arith.select %eq3A_1331, %jit3A_1332, %jit3A_1329 : i32
        %rem3A_1334 = arith.remsi %add3A_1301, %select_n3A_1333 : i32
        %ne3A_1335 = arith.constant 0 : i32
        %ne3A_1336 = arith.cmpi ne, %rem3A_1334, %ne3A_1335 : i32
        %lt3A_1337 = arith.constant 0 : i32
        %lt3A_1338 = arith.cmpi slt, %rem3A_1334, %lt3A_1337 : i32
        %lt3A_1339 = arith.constant 0 : i32
        %lt3A_1340 = arith.cmpi slt, %select_n3A_1333, %lt3A_1339 : i32
        %ne3A_1341 = arith.xori %lt3A_1338, %lt3A_1340 : i1
        %and3A_1342 = arith.andi %ne3A_1341, %ne3A_1336 : i1
        %add3A_1343 = arith.addi %rem3A_1334, %select_n3A_1333 : i32
        %select_n3A_1344 = arith.select %and3A_1342, %add3A_1343, %rem3A_1334 : i32
        %jit3A_1345 = arith.constant 16 : i32
        %div3A_1346 = arith.divsi %add3A_1328, %jit3A_1345 : i32
        %sign3A_1347 = arith.constant 0 : i32
        %sign3A_1348 = arith.cmpi sgt, %add3A_1328, %sign3A_1347 : i32
        %sign3A_1349 = arith.extui %sign3A_1348 : i1 to i32
        %sign3A_1350 = arith.constant 0 : i32
        %sign3A_1351 = arith.cmpi slt, %add3A_1328, %sign3A_1350 : i32
        %sign3A_1352 = arith.extui %sign3A_1351 : i1 to i32
        %sign3A_1353 = arith.subi %sign3A_1349, %sign3A_1352 : i32
        %sign3A_1354 = arith.constant 0 : i32
        %sign3A_1355 = arith.cmpi sgt, %jit3A_1345, %sign3A_1354 : i32
        %sign3A_1356 = arith.extui %sign3A_1355 : i1 to i32
        %sign3A_1357 = arith.constant 0 : i32
        %sign3A_1358 = arith.cmpi slt, %jit3A_1345, %sign3A_1357 : i32
        %sign3A_1359 = arith.extui %sign3A_1358 : i1 to i32
        %sign3A_1360 = arith.subi %sign3A_1356, %sign3A_1359 : i32
        %ne3A_1361 = arith.cmpi ne, %sign3A_1353, %sign3A_1360 : i32
        %rem3A_1362 = arith.remsi %add3A_1328, %jit3A_1345 : i32
        %ne3A_1363 = arith.constant 0 : i32
        %ne3A_1364 = arith.cmpi ne, %rem3A_1362, %ne3A_1363 : i32
        %and3A_1365 = arith.andi %ne3A_1361, %ne3A_1364 : i1
        %sub3A_1366 = arith.constant 1 : i32
        %sub3A_1367 = arith.subi %div3A_1346, %sub3A_1366 : i32
        %select_n3A_1368 = arith.select %and3A_1365, %sub3A_1367, %div3A_1346 : i32
        %jit3A_1369 = arith.constant 16 : i32
        %eq3A_1370 = arith.constant 0 : i32
        %eq3A_1371 = arith.cmpi eq, %jit3A_1369, %eq3A_1370 : i32
        %jit3A_1372 = arith.constant 1 : i32
        %select_n3A_1373 = arith.select %eq3A_1371, %jit3A_1372, %jit3A_1369 : i32
        %rem3A_1374 = arith.remsi %add3A_1328, %select_n3A_1373 : i32
        %ne3A_1375 = arith.constant 0 : i32
        %ne3A_1376 = arith.cmpi ne, %rem3A_1374, %ne3A_1375 : i32
        %lt3A_1377 = arith.constant 0 : i32
        %lt3A_1378 = arith.cmpi slt, %rem3A_1374, %lt3A_1377 : i32
        %lt3A_1379 = arith.constant 0 : i32
        %lt3A_1380 = arith.cmpi slt, %select_n3A_1373, %lt3A_1379 : i32
        %ne3A_1381 = arith.xori %lt3A_1378, %lt3A_1380 : i1
        %and3A_1382 = arith.andi %ne3A_1381, %ne3A_1376 : i1
        %add3A_1383 = arith.addi %rem3A_1374, %select_n3A_1373 : i32
        %select_n3A_1384 = arith.select %and3A_1382, %add3A_1383, %rem3A_1374 : i32
        %dma_start3A_1385 = arith.constant 2 : i32
        %dma_start3A_1386 = arith.constant 0 : i32
        %dma_start3A_1387 = arith.constant 0 : i32
        %dma_start3A_1388 = tpu.memref_slice %arg5[%dma_start3A_1385, %dma_start3A_1386, %dma_start3A_1387] : memref<4x3x128xi32, #tpu.memory_space<vmem>> -> memref<1x3x128xi32, #tpu.memory_space<vmem>>
        %dma_start3A_1389 = tpu.memref_squeeze %dma_start3A_1388 : memref<1x3x128xi32, #tpu.memory_space<vmem>> -> memref<3x128xi32, #tpu.memory_space<vmem>>
        %dma_start3A_1390 = arith.constant 0 : i32
        %dma_start3A_1391 = arith.constant 0 : i32
        %dma_start3A_1392 = tpu.memref_slice %arg2[%dma_start3A_1390, %select_n3A_1368, %select_n3A_1384, %select_n3A_1344, %dma_start3A_1391] : memref<3x16x16x8x128xi32, #tpu.memory_space<hbm>> -> memref<3x1x1x1x128xi32, #tpu.memory_space<hbm>>
        %dma_start3A_1393 = tpu.memref_squeeze %dma_start3A_1392 : memref<3x1x1x1x128xi32, #tpu.memory_space<hbm>> -> memref<3x128xi32, #tpu.memory_space<hbm>>
        %dma_start3A_1394 = arith.constant 0 : i32
        %dma_start3A_1395 = arith.constant 0 : i32
        %dma_start3A_1396 = tpu.memref_slice %arg5[%dma_start3A_1385, %dma_start3A_1394, %dma_start3A_1395] : memref<4x3x128xi32, #tpu.memory_space<vmem>> -> memref<1x3x128xi32, #tpu.memory_space<vmem>>
        %dma_start3A_1397 = tpu.memref_squeeze %dma_start3A_1396 : memref<1x3x128xi32, #tpu.memory_space<vmem>> -> memref<3x128xi32, #tpu.memory_space<vmem>>
        %dma_start3A_1398 = arith.constant 0 : i32
        %dma_start3A_1399 = arith.constant 0 : i32
        %dma_start3A_1400 = tpu.memref_slice %arg2[%dma_start3A_1398, %select_n3A_1368, %select_n3A_1384, %select_n3A_1344, %dma_start3A_1399] : memref<3x16x16x8x128xi32, #tpu.memory_space<hbm>> -> memref<3x1x1x1x128xi32, #tpu.memory_space<hbm>>
        %dma_start3A_1401 = tpu.memref_squeeze %dma_start3A_1400 : memref<3x1x1x1x128xi32, #tpu.memory_space<hbm>> -> memref<3x128xi32, #tpu.memory_space<hbm>>
        tpu.enqueue_dma source(%dma_start3A_1401 : memref<3x128xi32, #tpu.memory_space<hbm>>) target(%dma_start3A_1397 : memref<3x128xi32, #tpu.memory_space<vmem>>) target_semaphore(%arg14 : memref<!tpu.dma_semaphore, #tpu.memory_space<semaphore_mem>>)
      } else {
      }
      %dma_wait3A_1114 = arith.constant 3 : i32
      %dma_wait3A_1115 = arith.constant 0 : i32
      %dma_wait3A_1116 = arith.constant 3 : i32
      %dma_wait3A_1117 = arith.constant 0 : i32
      %dma_wait3A_1118 = arith.constant 0 : i32
      %dma_wait3A_1119 = tpu.memref_slice %arg6[%dma_wait3A_1116, %dma_wait3A_1117, %dma_wait3A_1118] : memref<4x384x64xf32, #tpu.memory_space<vmem>> -> memref<1x128x64xf32, #tpu.memory_space<vmem>>
      %dma_wait3A_1120 = tpu.memref_squeeze %dma_wait3A_1119 : memref<1x128x64xf32, #tpu.memory_space<vmem>> -> memref<128x64xf32, #tpu.memory_space<vmem>>
      %dma_wait3A_1121 = arith.constant 0 : i32
      %dma_wait3A_1122 = tpu.memref_slice %arg5[%dma_wait3A_1114, %dma_wait3A_1115, %dma_wait3A_1121] : memref<4x3x128xi32, #tpu.memory_space<vmem>> -> memref<1x1x128xi32, #tpu.memory_space<vmem>>
      %dma_wait3A_1123 = tpu.memref_squeeze %dma_wait3A_1122 : memref<1x1x128xi32, #tpu.memory_space<vmem>> -> memref<128xi32, #tpu.memory_space<vmem>>
      %dma_wait3A_1124 = arith.constant 0 : i32
      %dma_wait3A_1125 = arith.constant 0 : i32
      %dma_wait3A_1126 = tpu.memref_slice %arg3[%dma_wait3A_1124, %dma_wait3A_1125] : memref<100000x64xf32, #tpu.memory_space<hbm>> -> memref<100000x64xf32, #tpu.memory_space<hbm>>
      tpu.wait_indirect_dma semaphore(%arg11 : memref<!tpu.dma_semaphore, #tpu.memory_space<semaphore_mem>>) src(%dma_wait3A_1126 : memref<100000x64xf32, #tpu.memory_space<hbm>>) dst(%dma_wait3A_1120 : memref<128x64xf32, #tpu.memory_space<vmem>>)
      %dma_wait3A_1127 = arith.constant 3 : i32
      %dma_wait3A_1128 = arith.constant 1 : i32
      %dma_wait3A_1129 = arith.constant 3 : i32
      %dma_wait3A_1130 = arith.constant 128 : i32
      %dma_wait3A_1131 = arith.constant 0 : i32
      %dma_wait3A_1132 = tpu.memref_slice %arg6[%dma_wait3A_1129, %dma_wait3A_1130, %dma_wait3A_1131] : memref<4x384x64xf32, #tpu.memory_space<vmem>> -> memref<1x128x64xf32, #tpu.memory_space<vmem>>
      %dma_wait3A_1133 = tpu.memref_squeeze %dma_wait3A_1132 : memref<1x128x64xf32, #tpu.memory_space<vmem>> -> memref<128x64xf32, #tpu.memory_space<vmem>>
      %dma_wait3A_1134 = arith.constant 0 : i32
      %dma_wait3A_1135 = tpu.memref_slice %arg5[%dma_wait3A_1127, %dma_wait3A_1128, %dma_wait3A_1134] : memref<4x3x128xi32, #tpu.memory_space<vmem>> -> memref<1x1x128xi32, #tpu.memory_space<vmem>>
      %dma_wait3A_1136 = tpu.memref_squeeze %dma_wait3A_1135 : memref<1x1x128xi32, #tpu.memory_space<vmem>> -> memref<128xi32, #tpu.memory_space<vmem>>
      %dma_wait3A_1137 = arith.constant 0 : i32
      %dma_wait3A_1138 = arith.constant 0 : i32
      %dma_wait3A_1139 = tpu.memref_slice %arg3[%dma_wait3A_1137, %dma_wait3A_1138] : memref<100000x64xf32, #tpu.memory_space<hbm>> -> memref<100000x64xf32, #tpu.memory_space<hbm>>
      tpu.wait_indirect_dma semaphore(%arg11 : memref<!tpu.dma_semaphore, #tpu.memory_space<semaphore_mem>>) src(%dma_wait3A_1139 : memref<100000x64xf32, #tpu.memory_space<hbm>>) dst(%dma_wait3A_1133 : memref<128x64xf32, #tpu.memory_space<vmem>>)
      %dma_wait3A_1140 = arith.constant 3 : i32
      %dma_wait3A_1141 = arith.constant 2 : i32
      %dma_wait3A_1142 = arith.constant 3 : i32
      %dma_wait3A_1143 = arith.constant 256 : i32
      %dma_wait3A_1144 = arith.constant 0 : i32
      %dma_wait3A_1145 = tpu.memref_slice %arg6[%dma_wait3A_1142, %dma_wait3A_1143, %dma_wait3A_1144] : memref<4x384x64xf32, #tpu.memory_space<vmem>> -> memref<1x128x64xf32, #tpu.memory_space<vmem>>
      %dma_wait3A_1146 = tpu.memref_squeeze %dma_wait3A_1145 : memref<1x128x64xf32, #tpu.memory_space<vmem>> -> memref<128x64xf32, #tpu.memory_space<vmem>>
      %dma_wait3A_1147 = arith.constant 0 : i32
      %dma_wait3A_1148 = tpu.memref_slice %arg5[%dma_wait3A_1140, %dma_wait3A_1141, %dma_wait3A_1147] : memref<4x3x128xi32, #tpu.memory_space<vmem>> -> memref<1x1x128xi32, #tpu.memory_space<vmem>>
      %dma_wait3A_1149 = tpu.memref_squeeze %dma_wait3A_1148 : memref<1x1x128xi32, #tpu.memory_space<vmem>> -> memref<128xi32, #tpu.memory_space<vmem>>
      %dma_wait3A_1150 = arith.constant 0 : i32
      %dma_wait3A_1151 = arith.constant 0 : i32
      %dma_wait3A_1152 = tpu.memref_slice %arg3[%dma_wait3A_1150, %dma_wait3A_1151] : memref<100000x64xf32, #tpu.memory_space<hbm>> -> memref<100000x64xf32, #tpu.memory_space<hbm>>
      tpu.wait_indirect_dma semaphore(%arg11 : memref<!tpu.dma_semaphore, #tpu.memory_space<semaphore_mem>>) src(%dma_wait3A_1152 : memref<100000x64xf32, #tpu.memory_space<hbm>>) dst(%dma_wait3A_1146 : memref<128x64xf32, #tpu.memory_space<vmem>>)
      %gt3A_1153 = arith.constant 0 : i32
      %gt3A_1154 = arith.cmpi sgt, %add3A_1099, %gt3A_1153 : i32
      %convert_element_type3A_1155 = arith.extui %gt3A_1154 : i1 to i32
      %cond3A_1156 = arith.constant 0 : i32
      %cond3A_1157 = arith.cmpi ne, %convert_element_type3A_1155, %cond3A_1156 : i32
      scf.if %cond3A_1157 {
        %sub3A_1300 = arith.constant 1 : i32
        %sub3A_1301 = arith.subi %add3A_1099, %sub3A_1300 : i32
        %mul3A_1302 = arith.constant 8 : i32
        %mul3A_1303 = arith.muli %add3A, %mul3A_1302 : i32
        %jit3A_1304 = arith.constant 8 : i32
        %div3A_1305 = arith.divsi %sub3A_1301, %jit3A_1304 : i32
        %sign3A_1306 = arith.constant 0 : i32
        %sign3A_1307 = arith.cmpi sgt, %sub3A_1301, %sign3A_1306 : i32
        %sign3A_1308 = arith.extui %sign3A_1307 : i1 to i32
        %sign3A_1309 = arith.constant 0 : i32
        %sign3A_1310 = arith.cmpi slt, %sub3A_1301, %sign3A_1309 : i32
        %sign3A_1311 = arith.extui %sign3A_1310 : i1 to i32
        %sign3A_1312 = arith.subi %sign3A_1308, %sign3A_1311 : i32
        %sign3A_1313 = arith.constant 0 : i32
        %sign3A_1314 = arith.cmpi sgt, %jit3A_1304, %sign3A_1313 : i32
        %sign3A_1315 = arith.extui %sign3A_1314 : i1 to i32
        %sign3A_1316 = arith.constant 0 : i32
        %sign3A_1317 = arith.cmpi slt, %jit3A_1304, %sign3A_1316 : i32
        %sign3A_1318 = arith.extui %sign3A_1317 : i1 to i32
        %sign3A_1319 = arith.subi %sign3A_1315, %sign3A_1318 : i32
        %ne3A_1320 = arith.cmpi ne, %sign3A_1312, %sign3A_1319 : i32
        %rem3A_1321 = arith.remsi %sub3A_1301, %jit3A_1304 : i32
        %ne3A_1322 = arith.constant 0 : i32
        %ne3A_1323 = arith.cmpi ne, %rem3A_1321, %ne3A_1322 : i32
        %and3A_1324 = arith.andi %ne3A_1320, %ne3A_1323 : i1
        %sub3A_1325 = arith.constant 1 : i32
        %sub3A_1326 = arith.subi %div3A_1305, %sub3A_1325 : i32
        %select_n3A_1327 = arith.select %and3A_1324, %sub3A_1326, %div3A_1305 : i32
        %add3A_1328 = arith.addi %mul3A_1303, %select_n3A_1327 : i32
        %jit3A_1329 = arith.constant 8 : i32
        %eq3A_1330 = arith.constant 0 : i32
        %eq3A_1331 = arith.cmpi eq, %jit3A_1329, %eq3A_1330 : i32
        %jit3A_1332 = arith.constant 1 : i32
        %select_n3A_1333 = arith.select %eq3A_1331, %jit3A_1332, %jit3A_1329 : i32
        %rem3A_1334 = arith.remsi %sub3A_1301, %select_n3A_1333 : i32
        %ne3A_1335 = arith.constant 0 : i32
        %ne3A_1336 = arith.cmpi ne, %rem3A_1334, %ne3A_1335 : i32
        %lt3A_1337 = arith.constant 0 : i32
        %lt3A_1338 = arith.cmpi slt, %rem3A_1334, %lt3A_1337 : i32
        %lt3A_1339 = arith.constant 0 : i32
        %lt3A_1340 = arith.cmpi slt, %select_n3A_1333, %lt3A_1339 : i32
        %ne3A_1341 = arith.xori %lt3A_1338, %lt3A_1340 : i1
        %and3A_1342 = arith.andi %ne3A_1341, %ne3A_1336 : i1
        %add3A_1343 = arith.addi %rem3A_1334, %select_n3A_1333 : i32
        %select_n3A_1344 = arith.select %and3A_1342, %add3A_1343, %rem3A_1334 : i32
        %jit3A_1345 = arith.constant 16 : i32
        %div3A_1346 = arith.divsi %add3A_1328, %jit3A_1345 : i32
        %sign3A_1347 = arith.constant 0 : i32
        %sign3A_1348 = arith.cmpi sgt, %add3A_1328, %sign3A_1347 : i32
        %sign3A_1349 = arith.extui %sign3A_1348 : i1 to i32
        %sign3A_1350 = arith.constant 0 : i32
        %sign3A_1351 = arith.cmpi slt, %add3A_1328, %sign3A_1350 : i32
        %sign3A_1352 = arith.extui %sign3A_1351 : i1 to i32
        %sign3A_1353 = arith.subi %sign3A_1349, %sign3A_1352 : i32
        %sign3A_1354 = arith.constant 0 : i32
        %sign3A_1355 = arith.cmpi sgt, %jit3A_1345, %sign3A_1354 : i32
        %sign3A_1356 = arith.extui %sign3A_1355 : i1 to i32
        %sign3A_1357 = arith.constant 0 : i32
        %sign3A_1358 = arith.cmpi slt, %jit3A_1345, %sign3A_1357 : i32
        %sign3A_1359 = arith.extui %sign3A_1358 : i1 to i32
        %sign3A_1360 = arith.subi %sign3A_1356, %sign3A_1359 : i32
        %ne3A_1361 = arith.cmpi ne, %sign3A_1353, %sign3A_1360 : i32
        %rem3A_1362 = arith.remsi %add3A_1328, %jit3A_1345 : i32
        %ne3A_1363 = arith.constant 0 : i32
        %ne3A_1364 = arith.cmpi ne, %rem3A_1362, %ne3A_1363 : i32
        %and3A_1365 = arith.andi %ne3A_1361, %ne3A_1364 : i1
        %sub3A_1366 = arith.constant 1 : i32
        %sub3A_1367 = arith.subi %div3A_1346, %sub3A_1366 : i32
        %select_n3A_1368 = arith.select %and3A_1365, %sub3A_1367, %div3A_1346 : i32
        %jit3A_1369 = arith.constant 16 : i32
        %eq3A_1370 = arith.constant 0 : i32
        %eq3A_1371 = arith.cmpi eq, %jit3A_1369, %eq3A_1370 : i32
        %jit3A_1372 = arith.constant 1 : i32
        %select_n3A_1373 = arith.select %eq3A_1371, %jit3A_1372, %jit3A_1369 : i32
        %rem3A_1374 = arith.remsi %add3A_1328, %select_n3A_1373 : i32
        %ne3A_1375 = arith.constant 0 : i32
        %ne3A_1376 = arith.cmpi ne, %rem3A_1374, %ne3A_1375 : i32
        %lt3A_1377 = arith.constant 0 : i32
        %lt3A_1378 = arith.cmpi slt, %rem3A_1374, %lt3A_1377 : i32
        %lt3A_1379 = arith.constant 0 : i32
        %lt3A_1380 = arith.cmpi slt, %select_n3A_1373, %lt3A_1379 : i32
        %ne3A_1381 = arith.xori %lt3A_1378, %lt3A_1380 : i1
        %and3A_1382 = arith.andi %ne3A_1381, %ne3A_1376 : i1
        %add3A_1383 = arith.addi %rem3A_1374, %select_n3A_1373 : i32
        %select_n3A_1384 = arith.select %and3A_1382, %add3A_1383, %rem3A_1374 : i32
        %jit3A_1385 = arith.constant 8 : i32
        %div3A_1386 = arith.divsi %select_n3A_1384, %jit3A_1385 : i32
        %sign3A_1387 = arith.constant 0 : i32
        %sign3A_1388 = arith.cmpi sgt, %select_n3A_1384, %sign3A_1387 : i32
        %sign3A_1389 = arith.extui %sign3A_1388 : i1 to i32
        %sign3A_1390 = arith.constant 0 : i32
        %sign3A_1391 = arith.cmpi slt, %select_n3A_1384, %sign3A_1390 : i32
        %sign3A_1392 = arith.extui %sign3A_1391 : i1 to i32
        %sign3A_1393 = arith.subi %sign3A_1389, %sign3A_1392 : i32
        %sign3A_1394 = arith.constant 0 : i32
        %sign3A_1395 = arith.cmpi sgt, %jit3A_1385, %sign3A_1394 : i32
        %sign3A_1396 = arith.extui %sign3A_1395 : i1 to i32
        %sign3A_1397 = arith.constant 0 : i32
        %sign3A_1398 = arith.cmpi slt, %jit3A_1385, %sign3A_1397 : i32
        %sign3A_1399 = arith.extui %sign3A_1398 : i1 to i32
        %sign3A_1400 = arith.subi %sign3A_1396, %sign3A_1399 : i32
        %ne3A_1401 = arith.cmpi ne, %sign3A_1393, %sign3A_1400 : i32
        %rem3A_1402 = arith.remsi %select_n3A_1384, %jit3A_1385 : i32
        %ne3A_1403 = arith.constant 0 : i32
        %ne3A_1404 = arith.cmpi ne, %rem3A_1402, %ne3A_1403 : i32
        %and3A_1405 = arith.andi %ne3A_1401, %ne3A_1404 : i1
        %sub3A_1406 = arith.constant 1 : i32
        %sub3A_1407 = arith.subi %div3A_1386, %sub3A_1406 : i32
        %select_n3A_1408 = arith.select %and3A_1405, %sub3A_1407, %div3A_1386 : i32
        %jit3A_1409 = arith.constant 8 : i32
        %eq3A_1410 = arith.constant 0 : i32
        %eq3A_1411 = arith.cmpi eq, %jit3A_1409, %eq3A_1410 : i32
        %jit3A_1412 = arith.constant 1 : i32
        %select_n3A_1413 = arith.select %eq3A_1411, %jit3A_1412, %jit3A_1409 : i32
        %rem3A_1414 = arith.remsi %select_n3A_1384, %select_n3A_1413 : i32
        %ne3A_1415 = arith.constant 0 : i32
        %ne3A_1416 = arith.cmpi ne, %rem3A_1414, %ne3A_1415 : i32
        %lt3A_1417 = arith.constant 0 : i32
        %lt3A_1418 = arith.cmpi slt, %rem3A_1414, %lt3A_1417 : i32
        %lt3A_1419 = arith.constant 0 : i32
        %lt3A_1420 = arith.cmpi slt, %select_n3A_1413, %lt3A_1419 : i32
        %ne3A_1421 = arith.xori %lt3A_1418, %lt3A_1420 : i1
        %and3A_1422 = arith.andi %ne3A_1421, %ne3A_1416 : i1
        %add3A_1423 = arith.addi %rem3A_1414, %select_n3A_1413 : i32
        %select_n3A_1424 = arith.select %and3A_1422, %add3A_1423, %rem3A_1414 : i32
        %dma_wait3A_1425 = arith.constant 0 : i32
        %dma_wait3A_1426 = arith.constant 0 : i32
        %dma_wait3A_1427 = tpu.memref_slice %arg7[%dma_wait3A_1425, %dma_wait3A_1426] : memref<64x129xf32, #tpu.memory_space<vmem>> -> memref<64x128xf32, #tpu.memory_space<vmem>>
        %dma_wait3A_1428 = arith.constant 0 : i32
        %dma_wait3A_1429 = arith.constant 0 : i32
        %dma_wait3A_1430 = tpu.memref_slice %arg4[%dma_wait3A_1428, %select_n3A_1368, %select_n3A_1408, %select_n3A_1344, %select_n3A_1424, %dma_wait3A_1429] : memref<64x16x2x8x8x128xf32, #tpu.memory_space<hbm>> -> memref<64x1x1x1x1x128xf32, #tpu.memory_space<hbm>>
        %dma_wait3A_1431 = tpu.memref_squeeze %dma_wait3A_1430 : memref<64x1x1x1x1x128xf32, #tpu.memory_space<hbm>> -> memref<64x128xf32, #tpu.memory_space<hbm>>
        %dma_wait3A_1432 = arith.constant 0 : i32
        %dma_wait3A_1433 = arith.constant 0 : i32
        %dma_wait3A_1434 = tpu.memref_slice %arg4[%dma_wait3A_1432, %select_n3A_1368, %select_n3A_1408, %select_n3A_1344, %select_n3A_1424, %dma_wait3A_1433] : memref<64x16x2x8x8x128xf32, #tpu.memory_space<hbm>> -> memref<64x1x1x1x1x128xf32, #tpu.memory_space<hbm>>
        %dma_wait3A_1435 = tpu.memref_squeeze %dma_wait3A_1434 : memref<64x1x1x1x1x128xf32, #tpu.memory_space<hbm>> -> memref<64x128xf32, #tpu.memory_space<hbm>>
        %dma_wait3A_1436 = arith.constant 0 : i32
        %dma_wait3A_1437 = arith.constant 0 : i32
        %dma_wait3A_1438 = tpu.memref_slice %arg7[%dma_wait3A_1436, %dma_wait3A_1437] : memref<64x129xf32, #tpu.memory_space<vmem>> -> memref<64x128xf32, #tpu.memory_space<vmem>>
        tpu.wait_dma2 semaphore(%arg16 : memref<!tpu.dma_semaphore, #tpu.memory_space<semaphore_mem>>) src(%dma_wait3A_1438 : memref<64x128xf32, #tpu.memory_space<vmem>>) dst(%dma_wait3A_1435 : memref<64x128xf32, #tpu.memory_space<hbm>>)
      } else {
      }
      %parallel_loop3A_1158 = arith.constant 0 : i32
      %parallel_loop3A_1159 = arith.constant 128 : i32
      %parallel_loop3A_1160 = arith.constant 1 : i32
      %parallel_loop3A_1161 = arith.constant 3 : i32
      scf.for %parallel_loop3A_1300 = %parallel_loop3A_1158 to %parallel_loop3A_1159 step %parallel_loop3A_1160  : i32 {
        %parallel_loop3A_1301 = arith.constant 0 : i32
        %parallel_loop3A_1302 = vector.broadcast %parallel_loop3A_1301 : i32 to vector<16xi32>
        %parallel_loop3A_1303 = vector.broadcast %parallel_loop3A_1300 : i32 to vector<16xi32>
        %parallel_loop3A_1304 = arith.addi %parallel_loop3A_1302, %parallel_loop3A_1303 : vector<16xi32>
        %parallel_loop3A_1305 = arith.constant 0 : i32
        %parallel_loop3A_1306 = arith.constant 0 : i32
        %parallel_loop3A_1307 = tpu.memref_slice %arg6[%parallel_loop3A_1161, %parallel_loop3A_1305, %parallel_loop3A_1306] : memref<4x384x64xf32, #tpu.memory_space<vmem>> -> memref<1x384x64xf32, #tpu.memory_space<vmem>>
        %parallel_loop3A_1308 = tpu.memref_squeeze %parallel_loop3A_1307 : memref<1x384x64xf32, #tpu.memory_space<vmem>> -> memref<384x64xf32, #tpu.memory_space<vmem>>
        %parallel_loop3A_1309 = arith.index_cast %parallel_loop3A_1300 : i32 to index
        %parallel_loop3A_1310 = arith.constant 0 : index
        %parallel_loop3A_1311 = tpu.vector_load %parallel_loop3A_1308[%parallel_loop3A_1309, %parallel_loop3A_1310] {strides = array<i32>} : memref<384x64xf32, #tpu.memory_space<vmem>>, vector<16xf32>,
        %parallel_loop3A_1312 = arith.constant 128 : i32
        %parallel_loop3A_1313 = arith.addi %parallel_loop3A_1312, %parallel_loop3A_1300 : i32
        %parallel_loop3A_1314 = arith.constant 0 : i32
        %parallel_loop3A_1315 = arith.constant 0 : i32
        %parallel_loop3A_1316 = tpu.memref_slice %arg6[%parallel_loop3A_1161, %parallel_loop3A_1314, %parallel_loop3A_1315] : memref<4x384x64xf32, #tpu.memory_space<vmem>> -> memref<1x384x64xf32, #tpu.memory_space<vmem>>
        %parallel_loop3A_1317 = tpu.memref_squeeze %parallel_loop3A_1316 : memref<1x384x64xf32, #tpu.memory_space<vmem>> -> memref<384x64xf32, #tpu.memory_space<vmem>>
        %parallel_loop3A_1318 = arith.index_cast %parallel_loop3A_1313 : i32 to index
        %parallel_loop3A_1319 = arith.constant 0 : index
        %parallel_loop3A_1320 = tpu.vector_load %parallel_loop3A_1317[%parallel_loop3A_1318, %parallel_loop3A_1319] {strides = array<i32>} : memref<384x64xf32, #tpu.memory_space<vmem>>, vector<16xf32>,
        %parallel_loop3A_1321 = arith.addf %parallel_loop3A_1311, %parallel_loop3A_1320 : vector<16xf32>
        %parallel_loop3A_1322 = arith.constant 256 : i32
        %parallel_loop3A_1323 = arith.addi %parallel_loop3A_1322, %parallel_loop3A_1300 : i32
        %parallel_loop3A_1324 = arith.constant 0 : i32
        %parallel_loop3A_1325 = arith.constant 0 : i32
        %parallel_loop3A_1326 = tpu.memref_slice %arg6[%parallel_loop3A_1161, %parallel_loop3A_1324, %parallel_loop3A_1325] : memref<4x384x64xf32, #tpu.memory_space<vmem>> -> memref<1x384x64xf32, #tpu.memory_space<vmem>>
        %parallel_loop3A_1327 = tpu.memref_squeeze %parallel_loop3A_1326 : memref<1x384x64xf32, #tpu.memory_space<vmem>> -> memref<384x64xf32, #tpu.memory_space<vmem>>
        %parallel_loop3A_1328 = arith.index_cast %parallel_loop3A_1323 : i32 to index
        %parallel_loop3A_1329 = arith.constant 0 : index
        %parallel_loop3A_1330 = tpu.vector_load %parallel_loop3A_1327[%parallel_loop3A_1328, %parallel_loop3A_1329] {strides = array<i32>} : memref<384x64xf32, #tpu.memory_space<vmem>>, vector<16xf32>,
        %parallel_loop3A_1331 = arith.addf %parallel_loop3A_1321, %parallel_loop3A_1330 : vector<16xf32>
        %parallel_loop3A_1332 = vector.broadcast %scan3A : f32 to vector<16xf32>
        %parallel_loop3A_1333 = arith.mulf %parallel_loop3A_1331, %parallel_loop3A_1332 : vector<16xf32>
        tpu.vector_store_idx %arg7[%add3A_3, %parallel_loop3A_1304], %parallel_loop3A_1333 : memref<64x129xf32, #tpu.memory_space<vmem>>[vector<16xi32>, vector<16xi32>], vector<16xf32>,
        %parallel_loop3A_1334 = arith.constant 0 : i32
        %parallel_loop3A_1335 = arith.constant 0 : i32
        %parallel_loop3A_1336 = tpu.memref_slice %arg6[%parallel_loop3A_1161, %parallel_loop3A_1334, %parallel_loop3A_1335] : memref<4x384x64xf32, #tpu.memory_space<vmem>> -> memref<1x384x64xf32, #tpu.memory_space<vmem>>
        %parallel_loop3A_1337 = tpu.memref_squeeze %parallel_loop3A_1336 : memref<1x384x64xf32, #tpu.memory_space<vmem>> -> memref<384x64xf32, #tpu.memory_space<vmem>>
        %parallel_loop3A_1338 = arith.index_cast %parallel_loop3A_1300 : i32 to index
        %parallel_loop3A_1339 = arith.constant 16 : index
        %parallel_loop3A_1340 = tpu.vector_load %parallel_loop3A_1337[%parallel_loop3A_1338, %parallel_loop3A_1339] {strides = array<i32>} : memref<384x64xf32, #tpu.memory_space<vmem>>, vector<16xf32>,
        %parallel_loop3A_1341 = arith.constant 128 : i32
        %parallel_loop3A_1342 = arith.addi %parallel_loop3A_1341, %parallel_loop3A_1300 : i32
        %parallel_loop3A_1343 = arith.constant 0 : i32
        %parallel_loop3A_1344 = arith.constant 0 : i32
        %parallel_loop3A_1345 = tpu.memref_slice %arg6[%parallel_loop3A_1161, %parallel_loop3A_1343, %parallel_loop3A_1344] : memref<4x384x64xf32, #tpu.memory_space<vmem>> -> memref<1x384x64xf32, #tpu.memory_space<vmem>>
        %parallel_loop3A_1346 = tpu.memref_squeeze %parallel_loop3A_1345 : memref<1x384x64xf32, #tpu.memory_space<vmem>> -> memref<384x64xf32, #tpu.memory_space<vmem>>
        %parallel_loop3A_1347 = arith.index_cast %parallel_loop3A_1342 : i32 to index
        %parallel_loop3A_1348 = arith.constant 16 : index
        %parallel_loop3A_1349 = tpu.vector_load %parallel_loop3A_1346[%parallel_loop3A_1347, %parallel_loop3A_1348] {strides = array<i32>} : memref<384x64xf32, #tpu.memory_space<vmem>>, vector<16xf32>,
        %parallel_loop3A_1350 = arith.addf %parallel_loop3A_1340, %parallel_loop3A_1349 : vector<16xf32>
        %parallel_loop3A_1351 = arith.constant 256 : i32
        %parallel_loop3A_1352 = arith.addi %parallel_loop3A_1351, %parallel_loop3A_1300 : i32
        %parallel_loop3A_1353 = arith.constant 0 : i32
        %parallel_loop3A_1354 = arith.constant 0 : i32
        %parallel_loop3A_1355 = tpu.memref_slice %arg6[%parallel_loop3A_1161, %parallel_loop3A_1353, %parallel_loop3A_1354] : memref<4x384x64xf32, #tpu.memory_space<vmem>> -> memref<1x384x64xf32, #tpu.memory_space<vmem>>
        %parallel_loop3A_1356 = tpu.memref_squeeze %parallel_loop3A_1355 : memref<1x384x64xf32, #tpu.memory_space<vmem>> -> memref<384x64xf32, #tpu.memory_space<vmem>>
        %parallel_loop3A_1357 = arith.index_cast %parallel_loop3A_1352 : i32 to index
        %parallel_loop3A_1358 = arith.constant 16 : index
        %parallel_loop3A_1359 = tpu.vector_load %parallel_loop3A_1356[%parallel_loop3A_1357, %parallel_loop3A_1358] {strides = array<i32>} : memref<384x64xf32, #tpu.memory_space<vmem>>, vector<16xf32>,
        %parallel_loop3A_1360 = arith.addf %parallel_loop3A_1350, %parallel_loop3A_1359 : vector<16xf32>
        %parallel_loop3A_1361 = vector.broadcast %scan3A : f32 to vector<16xf32>
        %parallel_loop3A_1362 = arith.mulf %parallel_loop3A_1360, %parallel_loop3A_1361 : vector<16xf32>
        tpu.vector_store_idx %arg7[%add3A_6, %parallel_loop3A_1304], %parallel_loop3A_1362 : memref<64x129xf32, #tpu.memory_space<vmem>>[vector<16xi32>, vector<16xi32>], vector<16xf32>,
        %parallel_loop3A_1363 = arith.constant 0 : i32
        %parallel_loop3A_1364 = arith.constant 0 : i32
        %parallel_loop3A_1365 = tpu.memref_slice %arg6[%parallel_loop3A_1161, %parallel_loop3A_1363, %parallel_loop3A_1364] : memref<4x384x64xf32, #tpu.memory_space<vmem>> -> memref<1x384x64xf32, #tpu.memory_space<vmem>>
        %parallel_loop3A_1366 = tpu.memref_squeeze %parallel_loop3A_1365 : memref<1x384x64xf32, #tpu.memory_space<vmem>> -> memref<384x64xf32, #tpu.memory_space<vmem>>
        %parallel_loop3A_1367 = arith.index_cast %parallel_loop3A_1300 : i32 to index
        %parallel_loop3A_1368 = arith.constant 32 : index
        %parallel_loop3A_1369 = tpu.vector_load %parallel_loop3A_1366[%parallel_loop3A_1367, %parallel_loop3A_1368] {strides = array<i32>} : memref<384x64xf32, #tpu.memory_space<vmem>>, vector<16xf32>,
        %parallel_loop3A_1370 = arith.constant 128 : i32
        %parallel_loop3A_1371 = arith.addi %parallel_loop3A_1370, %parallel_loop3A_1300 : i32
        %parallel_loop3A_1372 = arith.constant 0 : i32
        %parallel_loop3A_1373 = arith.constant 0 : i32
        %parallel_loop3A_1374 = tpu.memref_slice %arg6[%parallel_loop3A_1161, %parallel_loop3A_1372, %parallel_loop3A_1373] : memref<4x384x64xf32, #tpu.memory_space<vmem>> -> memref<1x384x64xf32, #tpu.memory_space<vmem>>
        %parallel_loop3A_1375 = tpu.memref_squeeze %parallel_loop3A_1374 : memref<1x384x64xf32, #tpu.memory_space<vmem>> -> memref<384x64xf32, #tpu.memory_space<vmem>>
        %parallel_loop3A_1376 = arith.index_cast %parallel_loop3A_1371 : i32 to index
        %parallel_loop3A_1377 = arith.constant 32 : index
        %parallel_loop3A_1378 = tpu.vector_load %parallel_loop3A_1375[%parallel_loop3A_1376, %parallel_loop3A_1377] {strides = array<i32>} : memref<384x64xf32, #tpu.memory_space<vmem>>, vector<16xf32>,
        %parallel_loop3A_1379 = arith.addf %parallel_loop3A_1369, %parallel_loop3A_1378 : vector<16xf32>
        %parallel_loop3A_1380 = arith.constant 256 : i32
        %parallel_loop3A_1381 = arith.addi %parallel_loop3A_1380, %parallel_loop3A_1300 : i32
        %parallel_loop3A_1382 = arith.constant 0 : i32
        %parallel_loop3A_1383 = arith.constant 0 : i32
        %parallel_loop3A_1384 = tpu.memref_slice %arg6[%parallel_loop3A_1161, %parallel_loop3A_1382, %parallel_loop3A_1383] : memref<4x384x64xf32, #tpu.memory_space<vmem>> -> memref<1x384x64xf32, #tpu.memory_space<vmem>>
        %parallel_loop3A_1385 = tpu.memref_squeeze %parallel_loop3A_1384 : memref<1x384x64xf32, #tpu.memory_space<vmem>> -> memref<384x64xf32, #tpu.memory_space<vmem>>
        %parallel_loop3A_1386 = arith.index_cast %parallel_loop3A_1381 : i32 to index
        %parallel_loop3A_1387 = arith.constant 32 : index
        %parallel_loop3A_1388 = tpu.vector_load %parallel_loop3A_1385[%parallel_loop3A_1386, %parallel_loop3A_1387] {strides = array<i32>} : memref<384x64xf32, #tpu.memory_space<vmem>>, vector<16xf32>,
        %parallel_loop3A_1389 = arith.addf %parallel_loop3A_1379, %parallel_loop3A_1388 : vector<16xf32>
        %parallel_loop3A_1390 = vector.broadcast %scan3A : f32 to vector<16xf32>
        %parallel_loop3A_1391 = arith.mulf %parallel_loop3A_1389, %parallel_loop3A_1390 : vector<16xf32>
        tpu.vector_store_idx %arg7[%add3A_9, %parallel_loop3A_1304], %parallel_loop3A_1391 : memref<64x129xf32, #tpu.memory_space<vmem>>[vector<16xi32>, vector<16xi32>], vector<16xf32>,
        %parallel_loop3A_1392 = arith.constant 0 : i32
        %parallel_loop3A_1393 = arith.constant 0 : i32
        %parallel_loop3A_1394 = tpu.memref_slice %arg6[%parallel_loop3A_1161, %parallel_loop3A_1392, %parallel_loop3A_1393] : memref<4x384x64xf32, #tpu.memory_space<vmem>> -> memref<1x384x64xf32, #tpu.memory_space<vmem>>
        %parallel_loop3A_1395 = tpu.memref_squeeze %parallel_loop3A_1394 : memref<1x384x64xf32, #tpu.memory_space<vmem>> -> memref<384x64xf32, #tpu.memory_space<vmem>>
        %parallel_loop3A_1396 = arith.index_cast %parallel_loop3A_1300 : i32 to index
        %parallel_loop3A_1397 = arith.constant 48 : index
        %parallel_loop3A_1398 = tpu.vector_load %parallel_loop3A_1395[%parallel_loop3A_1396, %parallel_loop3A_1397] {strides = array<i32>} : memref<384x64xf32, #tpu.memory_space<vmem>>, vector<16xf32>,
        %parallel_loop3A_1399 = arith.constant 128 : i32
        %parallel_loop3A_1400 = arith.addi %parallel_loop3A_1399, %parallel_loop3A_1300 : i32
        %parallel_loop3A_1401 = arith.constant 0 : i32
        %parallel_loop3A_1402 = arith.constant 0 : i32
        %parallel_loop3A_1403 = tpu.memref_slice %arg6[%parallel_loop3A_1161, %parallel_loop3A_1401, %parallel_loop3A_1402] : memref<4x384x64xf32, #tpu.memory_space<vmem>> -> memref<1x384x64xf32, #tpu.memory_space<vmem>>
        %parallel_loop3A_1404 = tpu.memref_squeeze %parallel_loop3A_1403 : memref<1x384x64xf32, #tpu.memory_space<vmem>> -> memref<384x64xf32, #tpu.memory_space<vmem>>
        %parallel_loop3A_1405 = arith.index_cast %parallel_loop3A_1400 : i32 to index
        %parallel_loop3A_1406 = arith.constant 48 : index
        %parallel_loop3A_1407 = tpu.vector_load %parallel_loop3A_1404[%parallel_loop3A_1405, %parallel_loop3A_1406] {strides = array<i32>} : memref<384x64xf32, #tpu.memory_space<vmem>>, vector<16xf32>,
        %parallel_loop3A_1408 = arith.addf %parallel_loop3A_1398, %parallel_loop3A_1407 : vector<16xf32>
        %parallel_loop3A_1409 = arith.constant 256 : i32
        %parallel_loop3A_1410 = arith.addi %parallel_loop3A_1409, %parallel_loop3A_1300 : i32
        %parallel_loop3A_1411 = arith.constant 0 : i32
        %parallel_loop3A_1412 = arith.constant 0 : i32
        %parallel_loop3A_1413 = tpu.memref_slice %arg6[%parallel_loop3A_1161, %parallel_loop3A_1411, %parallel_loop3A_1412] : memref<4x384x64xf32, #tpu.memory_space<vmem>> -> memref<1x384x64xf32, #tpu.memory_space<vmem>>
        %parallel_loop3A_1414 = tpu.memref_squeeze %parallel_loop3A_1413 : memref<1x384x64xf32, #tpu.memory_space<vmem>> -> memref<384x64xf32, #tpu.memory_space<vmem>>
        %parallel_loop3A_1415 = arith.index_cast %parallel_loop3A_1410 : i32 to index
        %parallel_loop3A_1416 = arith.constant 48 : index
        %parallel_loop3A_1417 = tpu.vector_load %parallel_loop3A_1414[%parallel_loop3A_1415, %parallel_loop3A_1416] {strides = array<i32>} : memref<384x64xf32, #tpu.memory_space<vmem>>, vector<16xf32>,
        %parallel_loop3A_1418 = arith.addf %parallel_loop3A_1408, %parallel_loop3A_1417 : vector<16xf32>
        %parallel_loop3A_1419 = vector.broadcast %scan3A : f32 to vector<16xf32>
        %parallel_loop3A_1420 = arith.mulf %parallel_loop3A_1418, %parallel_loop3A_1419 : vector<16xf32>
        tpu.vector_store_idx %arg7[%add3A_12, %parallel_loop3A_1304], %parallel_loop3A_1420 : memref<64x129xf32, #tpu.memory_space<vmem>>[vector<16xi32>, vector<16xi32>], vector<16xf32>,
      } {sc.loop_unroll_factor = 4 : i64, sc.parallel_access}
      %mul3A_1162 = arith.constant 8 : i32
      %mul3A_1163 = arith.muli %add3A, %mul3A_1162 : i32
      %jit3A_1164 = arith.constant 8 : i32
      %div3A_1165 = arith.divsi %add3A_1099, %jit3A_1164 : i32
      %sign3A_1166 = arith.constant 0 : i32
      %sign3A_1167 = arith.cmpi sgt, %add3A_1099, %sign3A_1166 : i32
      %sign3A_1168 = arith.extui %sign3A_1167 : i1 to i32
      %sign3A_1169 = arith.constant 0 : i32
      %sign3A_1170 = arith.cmpi slt, %add3A_1099, %sign3A_1169 : i32
      %sign3A_1171 = arith.extui %sign3A_1170 : i1 to i32
      %sign3A_1172 = arith.subi %sign3A_1168, %sign3A_1171 : i32
      %sign3A_1173 = arith.constant 0 : i32
      %sign3A_1174 = arith.cmpi sgt, %jit3A_1164, %sign3A_1173 : i32
      %sign3A_1175 = arith.extui %sign3A_1174 : i1 to i32
      %sign3A_1176 = arith.constant 0 : i32
      %sign3A_1177 = arith.cmpi slt, %jit3A_1164, %sign3A_1176 : i32
      %sign3A_1178 = arith.extui %sign3A_1177 : i1 to i32
      %sign3A_1179 = arith.subi %sign3A_1175, %sign3A_1178 : i32
      %ne3A_1180 = arith.cmpi ne, %sign3A_1172, %sign3A_1179 : i32
      %rem3A_1181 = arith.remsi %add3A_1099, %jit3A_1164 : i32
      %ne3A_1182 = arith.constant 0 : i32
      %ne3A_1183 = arith.cmpi ne, %rem3A_1181, %ne3A_1182 : i32
      %and3A_1184 = arith.andi %ne3A_1180, %ne3A_1183 : i1
      %sub3A_1185 = arith.constant 1 : i32
      %sub3A_1186 = arith.subi %div3A_1165, %sub3A_1185 : i32
      %select_n3A_1187 = arith.select %and3A_1184, %sub3A_1186, %div3A_1165 : i32
      %add3A_1188 = arith.addi %mul3A_1163, %select_n3A_1187 : i32
      %jit3A_1189 = arith.constant 8 : i32
      %eq3A_1190 = arith.constant 0 : i32
      %eq3A_1191 = arith.cmpi eq, %jit3A_1189, %eq3A_1190 : i32
      %jit3A_1192 = arith.constant 1 : i32
      %select_n3A_1193 = arith.select %eq3A_1191, %jit3A_1192, %jit3A_1189 : i32
      %rem3A_1194 = arith.remsi %add3A_1099, %select_n3A_1193 : i32
      %ne3A_1195 = arith.constant 0 : i32
      %ne3A_1196 = arith.cmpi ne, %rem3A_1194, %ne3A_1195 : i32
      %lt3A_1197 = arith.constant 0 : i32
      %lt3A_1198 = arith.cmpi slt, %rem3A_1194, %lt3A_1197 : i32
      %lt3A_1199 = arith.constant 0 : i32
      %lt3A_1200 = arith.cmpi slt, %select_n3A_1193, %lt3A_1199 : i32
      %ne3A_1201 = arith.xori %lt3A_1198, %lt3A_1200 : i1
      %and3A_1202 = arith.andi %ne3A_1201, %ne3A_1196 : i1
      %add3A_1203 = arith.addi %rem3A_1194, %select_n3A_1193 : i32
      %select_n3A_1204 = arith.select %and3A_1202, %add3A_1203, %rem3A_1194 : i32
      %jit3A_1205 = arith.constant 16 : i32
      %div3A_1206 = arith.divsi %add3A_1188, %jit3A_1205 : i32
      %sign3A_1207 = arith.constant 0 : i32
      %sign3A_1208 = arith.cmpi sgt, %add3A_1188, %sign3A_1207 : i32
      %sign3A_1209 = arith.extui %sign3A_1208 : i1 to i32
      %sign3A_1210 = arith.constant 0 : i32
      %sign3A_1211 = arith.cmpi slt, %add3A_1188, %sign3A_1210 : i32
      %sign3A_1212 = arith.extui %sign3A_1211 : i1 to i32
      %sign3A_1213 = arith.subi %sign3A_1209, %sign3A_1212 : i32
      %sign3A_1214 = arith.constant 0 : i32
      %sign3A_1215 = arith.cmpi sgt, %jit3A_1205, %sign3A_1214 : i32
      %sign3A_1216 = arith.extui %sign3A_1215 : i1 to i32
      %sign3A_1217 = arith.constant 0 : i32
      %sign3A_1218 = arith.cmpi slt, %jit3A_1205, %sign3A_1217 : i32
      %sign3A_1219 = arith.extui %sign3A_1218 : i1 to i32
      %sign3A_1220 = arith.subi %sign3A_1216, %sign3A_1219 : i32
      %ne3A_1221 = arith.cmpi ne, %sign3A_1213, %sign3A_1220 : i32
      %rem3A_1222 = arith.remsi %add3A_1188, %jit3A_1205 : i32
      %ne3A_1223 = arith.constant 0 : i32
      %ne3A_1224 = arith.cmpi ne, %rem3A_1222, %ne3A_1223 : i32
      %and3A_1225 = arith.andi %ne3A_1221, %ne3A_1224 : i1
      %sub3A_1226 = arith.constant 1 : i32
      %sub3A_1227 = arith.subi %div3A_1206, %sub3A_1226 : i32
      %select_n3A_1228 = arith.select %and3A_1225, %sub3A_1227, %div3A_1206 : i32
      %jit3A_1229 = arith.constant 16 : i32
      %eq3A_1230 = arith.constant 0 : i32
      %eq3A_1231 = arith.cmpi eq, %jit3A_1229, %eq3A_1230 : i32
      %jit3A_1232 = arith.constant 1 : i32
      %select_n3A_1233 = arith.select %eq3A_1231, %jit3A_1232, %jit3A_1229 : i32
      %rem3A_1234 = arith.remsi %add3A_1188, %select_n3A_1233 : i32
      %ne3A_1235 = arith.constant 0 : i32
      %ne3A_1236 = arith.cmpi ne, %rem3A_1234, %ne3A_1235 : i32
      %lt3A_1237 = arith.constant 0 : i32
      %lt3A_1238 = arith.cmpi slt, %rem3A_1234, %lt3A_1237 : i32
      %lt3A_1239 = arith.constant 0 : i32
      %lt3A_1240 = arith.cmpi slt, %select_n3A_1233, %lt3A_1239 : i32
      %ne3A_1241 = arith.xori %lt3A_1238, %lt3A_1240 : i1
      %and3A_1242 = arith.andi %ne3A_1241, %ne3A_1236 : i1
      %add3A_1243 = arith.addi %rem3A_1234, %select_n3A_1233 : i32
      %select_n3A_1244 = arith.select %and3A_1242, %add3A_1243, %rem3A_1234 : i32
      %jit3A_1245 = arith.constant 8 : i32
      %div3A_1246 = arith.divsi %select_n3A_1244, %jit3A_1245 : i32
      %sign3A_1247 = arith.constant 0 : i32
      %sign3A_1248 = arith.cmpi sgt, %select_n3A_1244, %sign3A_1247 : i32
      %sign3A_1249 = arith.extui %sign3A_1248 : i1 to i32
      %sign3A_1250 = arith.constant 0 : i32
      %sign3A_1251 = arith.cmpi slt, %select_n3A_1244, %sign3A_1250 : i32
      %sign3A_1252 = arith.extui %sign3A_1251 : i1 to i32
      %sign3A_1253 = arith.subi %sign3A_1249, %sign3A_1252 : i32
      %sign3A_1254 = arith.constant 0 : i32
      %sign3A_1255 = arith.cmpi sgt, %jit3A_1245, %sign3A_1254 : i32
      %sign3A_1256 = arith.extui %sign3A_1255 : i1 to i32
      %sign3A_1257 = arith.constant 0 : i32
      %sign3A_1258 = arith.cmpi slt, %jit3A_1245, %sign3A_1257 : i32
      %sign3A_1259 = arith.extui %sign3A_1258 : i1 to i32
      %sign3A_1260 = arith.subi %sign3A_1256, %sign3A_1259 : i32
      %ne3A_1261 = arith.cmpi ne, %sign3A_1253, %sign3A_1260 : i32
      %rem3A_1262 = arith.remsi %select_n3A_1244, %jit3A_1245 : i32
      %ne3A_1263 = arith.constant 0 : i32
      %ne3A_1264 = arith.cmpi ne, %rem3A_1262, %ne3A_1263 : i32
      %and3A_1265 = arith.andi %ne3A_1261, %ne3A_1264 : i1
      %sub3A_1266 = arith.constant 1 : i32
      %sub3A_1267 = arith.subi %div3A_1246, %sub3A_1266 : i32
      %select_n3A_1268 = arith.select %and3A_1265, %sub3A_1267, %div3A_1246 : i32
      %jit3A_1269 = arith.constant 8 : i32
      %eq3A_1270 = arith.constant 0 : i32
      %eq3A_1271 = arith.cmpi eq, %jit3A_1269, %eq3A_1270 : i32
      %jit3A_1272 = arith.constant 1 : i32
      %select_n3A_1273 = arith.select %eq3A_1271, %jit3A_1272, %jit3A_1269 : i32
      %rem3A_1274 = arith.remsi %select_n3A_1244, %select_n3A_1273 : i32
      %ne3A_1275 = arith.constant 0 : i32
      %ne3A_1276 = arith.cmpi ne, %rem3A_1274, %ne3A_1275 : i32
      %lt3A_1277 = arith.constant 0 : i32
      %lt3A_1278 = arith.cmpi slt, %rem3A_1274, %lt3A_1277 : i32
      %lt3A_1279 = arith.constant 0 : i32
      %lt3A_1280 = arith.cmpi slt, %select_n3A_1273, %lt3A_1279 : i32
      %ne3A_1281 = arith.xori %lt3A_1278, %lt3A_1280 : i1
      %and3A_1282 = arith.andi %ne3A_1281, %ne3A_1276 : i1
      %add3A_1283 = arith.addi %rem3A_1274, %select_n3A_1273 : i32
      %select_n3A_1284 = arith.select %and3A_1282, %add3A_1283, %rem3A_1274 : i32
      %dma_start3A_1285 = arith.constant 0 : i32
      %dma_start3A_1286 = arith.constant 0 : i32
      %dma_start3A_1287 = tpu.memref_slice %arg7[%dma_start3A_1285, %dma_start3A_1286] : memref<64x129xf32, #tpu.memory_space<vmem>> -> memref<64x128xf32, #tpu.memory_space<vmem>>
      %dma_start3A_1288 = arith.constant 0 : i32
      %dma_start3A_1289 = arith.constant 0 : i32
      %dma_start3A_1290 = tpu.memref_slice %arg4[%dma_start3A_1288, %select_n3A_1228, %select_n3A_1268, %select_n3A_1204, %select_n3A_1284, %dma_start3A_1289] : memref<64x16x2x8x8x128xf32, #tpu.memory_space<hbm>> -> memref<64x1x1x1x1x128xf32, #tpu.memory_space<hbm>>
      %dma_start3A_1291 = tpu.memref_squeeze %dma_start3A_1290 : memref<64x1x1x1x1x128xf32, #tpu.memory_space<hbm>> -> memref<64x128xf32, #tpu.memory_space<hbm>>
      %dma_start3A_1292 = arith.constant 0 : i32
      %dma_start3A_1293 = arith.constant 0 : i32
      %dma_start3A_1294 = tpu.memref_slice %arg4[%dma_start3A_1292, %select_n3A_1228, %select_n3A_1268, %select_n3A_1204, %select_n3A_1284, %dma_start3A_1293] : memref<64x16x2x8x8x128xf32, #tpu.memory_space<hbm>> -> memref<64x1x1x1x1x128xf32, #tpu.memory_space<hbm>>
      %dma_start3A_1295 = tpu.memref_squeeze %dma_start3A_1294 : memref<64x1x1x1x1x128xf32, #tpu.memory_space<hbm>> -> memref<64x128xf32, #tpu.memory_space<hbm>>
      %dma_start3A_1296 = arith.constant 0 : i32
      %dma_start3A_1297 = arith.constant 0 : i32
      %dma_start3A_1298 = tpu.memref_slice %arg7[%dma_start3A_1296, %dma_start3A_1297] : memref<64x129xf32, #tpu.memory_space<vmem>> -> memref<64x128xf32, #tpu.memory_space<vmem>>
      tpu.enqueue_dma source(%dma_start3A_1298 : memref<64x128xf32, #tpu.memory_space<vmem>>) target(%dma_start3A_1295 : memref<64x128xf32, #tpu.memory_space<hbm>>) target_semaphore(%arg16 : memref<!tpu.dma_semaphore, #tpu.memory_space<semaphore_mem>>)
      %scan3A_1299 = arith.constant 0 : i32
      scf.yield %scan3A_1299 : i32
    }
    %scan3A_395 = arith.constant 16 : i32
    %mul3A_396 = arith.constant 8 : i32
    %mul3A_397 = arith.muli %add3A, %mul3A_396 : i32
    %add3A_398 = arith.constant 7 : i32
    %add3A_399 = arith.addi %mul3A_397, %add3A_398 : i32
    %jit3A_400 = arith.constant 16 : i32
    %div3A_401 = arith.divsi %add3A_399, %jit3A_400 : i32
    %sign3A_402 = arith.constant 0 : i32
    %sign3A_403 = arith.cmpi sgt, %add3A_399, %sign3A_402 : i32
    %sign3A_404 = arith.extui %sign3A_403 : i1 to i32
    %sign3A_405 = arith.constant 0 : i32
    %sign3A_406 = arith.cmpi slt, %add3A_399, %sign3A_405 : i32
    %sign3A_407 = arith.extui %sign3A_406 : i1 to i32
    %sign3A_408 = arith.subi %sign3A_404, %sign3A_407 : i32
    %sign3A_409 = arith.constant 0 : i32
    %sign3A_410 = arith.cmpi sgt, %jit3A_400, %sign3A_409 : i32
    %sign3A_411 = arith.extui %sign3A_410 : i1 to i32
    %sign3A_412 = arith.constant 0 : i32
    %sign3A_413 = arith.cmpi slt, %jit3A_400, %sign3A_412 : i32
    %sign3A_414 = arith.extui %sign3A_413 : i1 to i32
    %sign3A_415 = arith.subi %sign3A_411, %sign3A_414 : i32
    %ne3A_416 = arith.cmpi ne, %sign3A_408, %sign3A_415 : i32
    %rem3A_417 = arith.remsi %add3A_399, %jit3A_400 : i32
    %ne3A_418 = arith.constant 0 : i32
    %ne3A_419 = arith.cmpi ne, %rem3A_417, %ne3A_418 : i32
    %and3A_420 = arith.andi %ne3A_416, %ne3A_419 : i1
    %sub3A_421 = arith.constant 1 : i32
    %sub3A_422 = arith.subi %div3A_401, %sub3A_421 : i32
    %select_n3A_423 = arith.select %and3A_420, %sub3A_422, %div3A_401 : i32
    %jit3A_424 = arith.constant 16 : i32
    %eq3A_425 = arith.constant 0 : i32
    %eq3A_426 = arith.cmpi eq, %jit3A_424, %eq3A_425 : i32
    %jit3A_427 = arith.constant 1 : i32
    %select_n3A_428 = arith.select %eq3A_426, %jit3A_427, %jit3A_424 : i32
    %rem3A_429 = arith.remsi %add3A_399, %select_n3A_428 : i32
    %ne3A_430 = arith.constant 0 : i32
    %ne3A_431 = arith.cmpi ne, %rem3A_429, %ne3A_430 : i32
    %lt3A_432 = arith.constant 0 : i32
    %lt3A_433 = arith.cmpi slt, %rem3A_429, %lt3A_432 : i32
    %lt3A_434 = arith.constant 0 : i32
    %lt3A_435 = arith.cmpi slt, %select_n3A_428, %lt3A_434 : i32
    %ne3A_436 = arith.xori %lt3A_433, %lt3A_435 : i1
    %and3A_437 = arith.andi %ne3A_436, %ne3A_431 : i1
    %add3A_438 = arith.addi %rem3A_429, %select_n3A_428 : i32
    %select_n3A_439 = arith.select %and3A_437, %add3A_438, %rem3A_429 : i32
    %jit3A_440 = arith.constant 8 : i32
    %div3A_441 = arith.divsi %select_n3A_439, %jit3A_440 : i32
    %sign3A_442 = arith.constant 0 : i32
    %sign3A_443 = arith.cmpi sgt, %select_n3A_439, %sign3A_442 : i32
    %sign3A_444 = arith.extui %sign3A_443 : i1 to i32
    %sign3A_445 = arith.constant 0 : i32
    %sign3A_446 = arith.cmpi slt, %select_n3A_439, %sign3A_445 : i32
    %sign3A_447 = arith.extui %sign3A_446 : i1 to i32
    %sign3A_448 = arith.subi %sign3A_444, %sign3A_447 : i32
    %sign3A_449 = arith.constant 0 : i32
    %sign3A_450 = arith.cmpi sgt, %jit3A_440, %sign3A_449 : i32
    %sign3A_451 = arith.extui %sign3A_450 : i1 to i32
    %sign3A_452 = arith.constant 0 : i32
    %sign3A_453 = arith.cmpi slt, %jit3A_440, %sign3A_452 : i32
    %sign3A_454 = arith.extui %sign3A_453 : i1 to i32
    %sign3A_455 = arith.subi %sign3A_451, %sign3A_454 : i32
    %ne3A_456 = arith.cmpi ne, %sign3A_448, %sign3A_455 : i32
    %rem3A_457 = arith.remsi %select_n3A_439, %jit3A_440 : i32
    %ne3A_458 = arith.constant 0 : i32
    %ne3A_459 = arith.cmpi ne, %rem3A_457, %ne3A_458 : i32
    %and3A_460 = arith.andi %ne3A_456, %ne3A_459 : i1
    %sub3A_461 = arith.constant 1 : i32
    %sub3A_462 = arith.subi %div3A_441, %sub3A_461 : i32
    %select_n3A_463 = arith.select %and3A_460, %sub3A_462, %div3A_441 : i32
    %jit3A_464 = arith.constant 8 : i32
    %eq3A_465 = arith.constant 0 : i32
    %eq3A_466 = arith.cmpi eq, %jit3A_464, %eq3A_465 : i32
    %jit3A_467 = arith.constant 1 : i32
    %select_n3A_468 = arith.select %eq3A_466, %jit3A_467, %jit3A_464 : i32
    %rem3A_469 = arith.remsi %select_n3A_439, %select_n3A_468 : i32
    %ne3A_470 = arith.constant 0 : i32
    %ne3A_471 = arith.cmpi ne, %rem3A_469, %ne3A_470 : i32
    %lt3A_472 = arith.constant 0 : i32
    %lt3A_473 = arith.cmpi slt, %rem3A_469, %lt3A_472 : i32
    %lt3A_474 = arith.constant 0 : i32
    %lt3A_475 = arith.cmpi slt, %select_n3A_468, %lt3A_474 : i32
    %ne3A_476 = arith.xori %lt3A_473, %lt3A_475 : i1
    %and3A_477 = arith.andi %ne3A_476, %ne3A_471 : i1
    %add3A_478 = arith.addi %rem3A_469, %select_n3A_468 : i32
    %select_n3A_479 = arith.select %and3A_477, %add3A_478, %rem3A_469 : i32
    %dma_wait3A_480 = arith.constant 7 : i32
    %dma_wait3A_481 = arith.constant 0 : i32
    %dma_wait3A_482 = arith.constant 0 : i32
    %dma_wait3A_483 = tpu.memref_slice %arg7[%dma_wait3A_481, %dma_wait3A_482] : memref<64x129xf32, #tpu.memory_space<vmem>> -> memref<64x128xf32, #tpu.memory_space<vmem>>
    %dma_wait3A_484 = arith.constant 0 : i32
    %dma_wait3A_485 = arith.constant 0 : i32
    %dma_wait3A_486 = tpu.memref_slice %arg4[%dma_wait3A_484, %select_n3A_423, %select_n3A_463, %dma_wait3A_480, %select_n3A_479, %dma_wait3A_485] : memref<64x16x2x8x8x128xf32, #tpu.memory_space<hbm>> -> memref<64x1x1x1x1x128xf32, #tpu.memory_space<hbm>>
    %dma_wait3A_487 = tpu.memref_squeeze %dma_wait3A_486 : memref<64x1x1x1x1x128xf32, #tpu.memory_space<hbm>> -> memref<64x128xf32, #tpu.memory_space<hbm>>
    %dma_wait3A_488 = arith.constant 0 : i32
    %dma_wait3A_489 = arith.constant 0 : i32
    %dma_wait3A_490 = tpu.memref_slice %arg4[%dma_wait3A_488, %select_n3A_423, %select_n3A_463, %dma_wait3A_480, %select_n3A_479, %dma_wait3A_489] : memref<64x16x2x8x8x128xf32, #tpu.memory_space<hbm>> -> memref<64x1x1x1x1x128xf32, #tpu.memory_space<hbm>>
    %dma_wait3A_491 = tpu.memref_squeeze %dma_wait3A_490 : memref<64x1x1x1x1x128xf32, #tpu.memory_space<hbm>> -> memref<64x128xf32, #tpu.memory_space<hbm>>
    %dma_wait3A_492 = arith.constant 0 : i32
    %dma_wait3A_493 = arith.constant 0 : i32
    %dma_wait3A_494 = tpu.memref_slice %arg7[%dma_wait3A_492, %dma_wait3A_493] : memref<64x129xf32, #tpu.memory_space<vmem>> -> memref<64x128xf32, #tpu.memory_space<vmem>>
    tpu.wait_dma2 semaphore(%arg16 : memref<!tpu.dma_semaphore, #tpu.memory_space<semaphore_mem>>) src(%dma_wait3A_494 : memref<64x128xf32, #tpu.memory_space<vmem>>) dst(%dma_wait3A_491 : memref<64x128xf32, #tpu.memory_space<hbm>>)
    return
  }
}

</mosaic_0001>

<sc_bundles>
// kernel: kernel.3.cloned.1.call-start
scs
__scs_entry_jumppad:
0x0: {  	(pc) =	sbr.rel $0x88, $3  }
0x1: {  	(tag) =	ssettag $0x0;
	lr =	simm.s32 $0x1  }
0x2: {  	[smem:$0x3F9F] =	sst lr;
	_ =	strace $0xD0000000  }
0x3: {  	_ = 	snop  }
0x4: {  	_ = 	snop  }
0x5: {  	_ = 	snop  }
0x6: {  	_ = 	snop  }
0x7: {  	_ = 	snop  }
__scs_overlays_trampoline_lowered:
0x8: {  	[smem:$0x3FAE] =	sst s0  }
0x9: {  	[smem:$0x3FAF] =	sst s1  }
0xa: {  	[smem:$0x3FB0] =	sst s2  }
0xb: {  	[smem:$0x3FB1] =	sst s3  }
0xc: {  	[smem:$0x3FB2] =	sst s4  }
0xd: {  	[smem:$0x3FB3] =	sst s5  }
0xe: {  	[smem:$0x3FB4] =	sst s6  }
0xf: {  	[smem:$0x3FB5] =	sst s7  }
0x10: {  	[smem:$0x3FB6] =	sst s8  }
0x11: {  	[smem:$0x3FB7] =	sst s9;
	s0 =	simm.s32 @!p0 $0x0  }
0x12: {  	s1 =	sld [smem:$0x3F9D];
	s0 =	simm.s32 @p0 $0x1  }
0x13: {  	[smem:$0x3FB8] =	sst s0;
	s0 =	simm.s32 @!p1 $0x0  }
0x14: {  	s2 =	sld [smem:$0x3F9C];
	s0 =	simm.s32 @p1 $0x1  }
0x15: {  	[smem:$0x3FB9] =	sst s0;
	s0 =	simm.s32 @!p2 $0x0  }
0x16: {  	s3 =	sld [smem:$0x3FDB];
	s0 =	simm.s32 @p2 $0x1  }
0x17: {  	s4 =	simm.s32 $0x1BF5;
	[smem:$0x3FBB] =	sst s0  }
0x18: {  	s0 =	sld [smem:$0x3F9E];
	_ =	swait.ge [sflag:s4], $0x0  }
0x19: {  	s7 =	sld [smem:$0x3F9F]  }
0x1a: {  	s8 =	sadd.s32 $0xFFFFE003, lr  }
0x1b: {  	s9 =	sadd.s32 $0xFFFFFEF7, lr;
	s5 =	simm.s32 $0xFFFFFFFF;
	p2 =	slt.u32 s8, $0xFFFFF086  }
0x1c: {  	p1 =	slt.u32 s9, $0xF7A;
	s5 =	simm.s32 @!p2 $0x0  }
0x1d: {  	s5 =	simm.s32 @p1 $0x1;
	p0 =	seq.s32 s7, s2  }
0x1e: {  	s7 =	smul.u32 @!p0 $0xF7A, s2;
	p2 =	seq.s32 @!p0 s5, $0x0  }
0x1f: {  	s9 =	smul.u32 $0xF7A, s1;
	s8 =	simm.s32 @!p0 $0x1BF5;
	p2 =	por !p2, p0  }
0x20: {  	[sflag:s8] =	ssyncset.s32 @!p0 $0xFFFFF086;
	s6 =	sadd.s32 @!p0 s3, s7;
	s7 =	simm.s32 @!p0 $0x108  }
0x21: {  	s3 =	sadd.s32 s3, s9;
	s6 =	sadd.s32 @!p0 $0x88, s6;
	s7 =	simm.s32 @p2 $0x1082  }
0x22: {  	[simem:s7], [sflag:s8] =	dma.local @!p0 [hbm:s6], $0xF7A  }
0x23: {  	s9 =	sor.u32 $0xD0000000, s2;
	s6 =	simm.s32 $0x108;
	_ =	swait.ge @!p0 [sflag:s8], $0x0  }
0x24: {  	s3 =	sadd.s32 $0x88, s3;
	s6 =	simm.s32 @!p1 $0x1082;
	[sflag:s4] =	ssyncset.s32 $0xFFFFF086  }
0x25: {  	[simem:s6], [sflag:s4] =	dma.local [hbm:s3], $0xF7A  }
0x26: {  	[smem:$0x3F9F] =	sst s1;
	(tag) =	ssettag s2;
	_ =	strace s9  }
0x27: {  	s1 =	sld [smem:$0x3FAF]  }
0x28: {  	s2 =	sld [smem:$0x3FB0]  }
0x29: {  	s4 =	sld [smem:$0x3FB2]  }
0x2a: {  	p0 =	seq.s32 s5, $0x0;
	s5 =	sld [smem:$0x3FB3]  }
0x2b: {  	s6 =	sld [smem:$0x3FB4]  }
0x2c: {  	s7 =	sld [smem:$0x3FB5]  }
0x2d: {  	s3 =	simm.s32 $0x108;
	s8 =	sld [smem:$0x3FB6]  }
0x2e: {  	s3 =	simm.s32 @!p0 $0x1082;
	s9 =	sld [smem:$0x3FB7]  }
0x2f: {  	lr =	sadd.s32 s0, s3;
	s0 =	sld [smem:$0x3FAE]  }
0x30: {  	s3 =	sld [smem:$0x3FB1]  }
0x31: {  	[smem:$0x3FBA] =	sst s10  }
0x32: {  	s10 =	sld [smem:$0x3FB8];
	_ =	sdelay $0x3  }
0x33: {  	p0 =	seq.s32 s10, $0x1;
	s10 =	sld [smem:$0x3FBA];
	_ =	sdelay $0x3  }
0x34: {  	[smem:$0x3FBA] =	sst s10  }
0x35: {  	s10 =	sld [smem:$0x3FB9];
	_ =	sdelay $0x3  }
0x36: {  	p1 =	seq.s32 s10, $0x1;
	s10 =	sld [smem:$0x3FBA];
	_ =	sdelay $0x3  }
0x37: {  	[smem:$0x3FBA] =	sst s10  }
0x38: {  	s10 =	sld [smem:$0x3FBB]  }
0x39: {  	_ = 	snop;
	(pc) =	sbr.ind lr, $3  }
0x3a: {  	_ = 	snop  }
0x3b: {  	_ = 	snop  }
0x3c: {  	p2 =	seq.s32 s10, $0x1;
	s10 =	sld [smem:$0x3FBA]  }
0x3d: {  	_ =	shalt  }
0x3e: {  	_ =	shalt  }
0x3f: {  	_ =	shalt  }
0x40: {  	_ =	shalt  }
0x41: {  	_ =	shalt  }
0x42: {  	_ =	shalt  }
0x43: {  	_ =	shalt  }
0x44: {  	_ =	shalt  }
0x45: {  	_ =	shalt  }
0x46: {  	_ =	shalt  }
0x47: {  	_ =	shalt  }
0x48: {  	_ =	shalt  }
0x49: {  	_ =	shalt  }
0x4a: {  	_ =	shalt  }
0x4b: {  	_ =	shalt  }
0x4c: {  	_ =	shalt  }
0x4d: {  	_ =	shalt  }
0x4e: {  	_ =	shalt  }
0x4f: {  	_ =	shalt  }
0x50: {  	_ =	shalt  }
0x51: {  	_ =	shalt  }
0x52: {  	_ =	shalt  }
0x53: {  	_ =	shalt  }
0x54: {  	_ =	shalt  }
0x55: {  	_ =	shalt  }
0x56: {  	_ =	shalt  }
0x57: {  	_ =	shalt  }
0x58: {  	_ =	shalt  }
0x59: {  	_ =	shalt  }
0x5a: {  	_ =	shalt  }
0x5b: {  	_ =	shalt  }
0x5c: {  	_ =	shalt  }
0x5d: {  	_ =	shalt  }
0x5e: {  	_ =	shalt  }
0x5f: {  	_ =	shalt  }
0x60: {  	_ =	shalt  }
0x61: {  	_ =	shalt  }
0x62: {  	_ =	shalt  }
0x63: {  	_ =	shalt  }
0x64: {  	_ =	shalt  }
0x65: {  	_ =	shalt  }
0x66: {  	_ =	shalt  }
0x67: {  	_ =	shalt  }
0x68: {  	_ =	shalt  }
0x69: {  	_ =	shalt  }
0x6a: {  	_ =	shalt  }
0x6b: {  	_ =	shalt  }
0x6c: {  	_ =	shalt  }
0x6d: {  	_ =	shalt  }
0x6e: {  	_ =	shalt  }
0x6f: {  	_ =	shalt  }
0x70: {  	_ =	shalt  }
0x71: {  	_ =	shalt  }
0x72: {  	_ =	shalt  }
0x73: {  	_ =	shalt  }
0x74: {  	_ =	shalt  }
0x75: {  	_ =	shalt  }
0x76: {  	_ =	shalt  }
0x77: {  	_ =	shalt  }
0x78: {  	_ =	shalt  }
0x79: {  	_ =	shalt  }
0x7a: {  	_ =	shalt  }
0x7b: {  	_ =	shalt  }
0x7c: {  	_ =	shalt  }
0x7d: {  	_ =	shalt  }
0x7e: {  	_ =	shalt  }
0x7f: {  	_ =	shalt  }
0x80: {  	_ =	shalt  }
0x81: {  	_ =	shalt  }
0x82: {  	_ =	shalt  }
0x83: {  	_ =	shalt  }
0x84: {  	_ =	shalt  }
0x85: {  	_ =	shalt  }
0x86: {  	_ =	shalt  }
0x87: {  	_ =	shalt  }
.Lfunc_end0:
.L_simem_size_0:
called_computation_lowered:
.L_overlay_start_0:
0x88: {  	s2 =	sld [smem:$0x3FD9]  }
0x89: {  	s3 =	sld [smem:$0x3FFE];
	_ =	sdelay $0x1  }
0x8a: {  	s1 =	srdreg.scid  }
0x8b: {  	s0 =	sand.u32 $0x1, s1  }
0x8c: {  	s17 =	sshll.u32 s0, $0xA;
	s2 =	sadd.s32 s3, s2  }
0x8d: {  	s2 =	sadd.s32 s2, s17  }
0x8e: {  	[smem:$0x3FC6] =	sst s2  }
0x8f: {  	_ = 	snop  }
0x90: {  	s2 =	sld [smem:$0x3FD0];
	(tm) =	ssettm $0x1  }
0x91: {  	s18 =	sld [smem:$0x3FFB];
	_ =	sdelay $0x3  }
0x92: {  	_ =	strace s18  }
0x93: {  	s3 =	sld [smem:$0x3FFC];
	_ =	sdelay $0x3  }
0x94: {  	_ =	strace s3  }
0x95: {  	s3 =	sld [smem:$0x3FFD];
	_ =	sdelay $0x3  }
0x96: {  	_ =	strace s3  }
0x97: {  	_ =	strace $0x8FFFFFFF  }
0x98: {  	s19 =	sld [smem:$0x3FDB];
	_ =	sdelay $0x1  }
0x99: {  	s4 =	simm.s32 $_scs_section_size  }
0x9a: {  	s5 =	simm.s32 $_size__tile_overlayer_lowered;
	s6 =	simm.s32 $_tile_overlayer_lowered  }
0x9b: {  	s22 =	simm.s32 $0x1BFF;
	s21 =	sshll.u32 s6, $0x1;
	s3 =	sadd.s32 s4, s19  }
0x9c: {  	s7 =	simm.s32 $0x0;
	s20 =	sshll.u32 s5, $0x1;
	s5 =	sadd.s32 s21, s3  }
0x9d: {  	[timem:s7], [sflag:s22] =	dma.local [hbm:s5], s20  }
0x9e: {  	_ =	swait.ge [sflag:s22], s20  }
0x9f: {  	s4 =	ssub.s32 $0x0, s20;
	[sflag:s22] =	ssyncset.done $0x0  }
0xa0: {  	[sflag:s22] =	ssyncadd.s32 s4;
	_ =	sdelay $0x1  }
0xa1: {  	s23 =	simm.s32 $0x1B8B  }
0xa2: {  	_ =	swait.ge [sflag:s23], $0x1  }
0xa3: {  	[sflag:s23] =	ssyncset.done $0x0  }
0xa4: {  	s25 =	simm.s32 $0x1B8E;
	s24 =	sld [smem:$0x3FFE];
	[sflag:s23] =	ssyncadd.s32 $0xFFFFFFFF  }
0xa5: {  	s26 =	simm.s32 $execute0_lowered;
	[smem:$0x3FD2] =	sst s25  }
0xa6: {  	s5 =	sshll.u32 s26, $0x1;
	_ =	strace $0x80000046;
	[dreg:$0x1] =	wrdreg $0xFFFFFFFF  }
0xa7: {  	s28 =	simm.s32 $_size_execute0_lowered;
	s3 =	sadd.s32 s3, s5;
	[dreg:$0x0] =	wrdreg $0x0  }
0xa8: {  	s5 =	sshll.u32 s28, $0x1;
	[dreg:$0x2] =	wrdreg s3  }
0xa9: {  	[dreg:$0x3] =	wrdreg s5  }
0xaa: {  	[dreg:$0x4] =	wrdreg $0xC0  }
0xab: {  	_ =	task [dreg:s7], $0x5FFFF  }
0xac: {  	[dreg:$0x1] =	wrdreg $0xFFFFFFFF  }
0xad: {  	[dreg:$0x0] =	wrdreg $0x60  }
0xae: {  	[dreg:$0x2] =	wrdreg s24  }
0xaf: {  	[dreg:$0x3] =	wrdreg s2  }
0xb0: {  	[dreg:$0x4] =	wrdreg $0x9  }
0xb1: {  	_ =	task.clear_ibuf [dreg:s7], $0x5FFFF;
	_ =	strace $0x90000046  }
0xb2: {  	s29 =	simm.s32 $0x9;
	_ =	strace $0x80000048  }
0xb3: {  	_ =	swait.ge [sflag:s29], $0x1  }
0xb4: {  	[sflag:s29] =	ssyncadd.s32 $0xFFFFFFFF  }
0xb5: {  	_ =	strace $0x90000048  }
0xb6: {  	_ =	sfence  }
0xb7: {  	s30 =	sld [smem:$0x0];
	_ =	sdelay $0x2  }
0xb8: {  	s31 =	sshll.u32 s1, $0xD;
	s1 =	sshrl.u32 s1, $0x2  }
0xb9: {  	s3 =	sand.u32 $0x4000, s31;
	s1 =	sadd.s32 s1, s30  }
0xba: {  	s0 =	sor.u32 s3, s0;
	s1 =	sshll.u32 s1, $0x11  }
0xbb: {  	s0 =	sor.u32 s1, s0  }
0xbc: {  	s0 =	sadd.s32 $0x8F2B, s0  }
0xbd: {  	[sflag:s0] =	ssyncadd.remote.s32 $0x1  }
0xbe: {  	_ =	sfence.sel $0xFFFF  }
0xbf: {  	[dreg:$0x0] =	wrdreg $0xFFFFFFFF;
	(pc) =	sbr.abs _section_cstart, $3  }
0xc0: {  	[dreg:$0x1] =	wrdreg $0xFFFFFFFF  }
0xc1: {  	_ =	task.clear_ibuf [dreg:s7], $0x2FFFF;
	_ =	strace $0x9FFFFFFF  }
0xc2: {  	(tm) =	ssettm $0x7FFFFFFF  }
0xc3: {  	_ =	shalt  }
tec
execute0_lowered:
.L_overlay_start_1:
0x0: {  	(tag) =	ssettag $0x1  }
0x1: {  	s0 =	srdreg.scid;
	s4 =	rddreg [dreg:$0x0]  }
0x2: {  	s10 =	stileid.u32;
	s12 =	rddreg [dreg:$0x1];
	s5 =	simm.s32 $0x0  }
0x3: {  	s17 =	simm.s32 $0x80;
	s28 =	simm.s32 $0x480;
	s29 =	simm.s32 $0x18600  }
0x4: {  	s30 =	simm.s32 $0x8;
	s19 =	simm.s32 $0x9;
	s0 =	sand.u32 $0x1, s0  }
0x5: {  	s1 =	sshll.u32 s10, $0x4;
	[smem:$0x7FF] =	sst s5;
	s2 =	sshll.u32 s0, $0x3  }
0x6: {  	s6 =	sadd.s32 $0x400, s4;
	s7 =	sadd.s32 $0x18400, s4;
	s3 =	sor.u32 s2, s1  }
0x7: {  	s11 =	sshll.u32 s10, $0xB;
	p1 =	seq.s32 s0, $0x1;
	p0 =	seq.s32 s3, $0x0  }
0x8: {  	_ =	strace $0x80000047;
	s8 =	ssub.s32 $0x2, s0;
	p0 =	por !p0, !p1  }
0x9: {  	s9 =	sshll.u32 s0, $0xD;
	s1 =	simm.s32 $0x1;
	p0 =	por !p0, !p0  }
0xa: {  	s0 =	sshll.u32 s0, $0xA;
	s24 =	sshrl.u32 s8, $0x1;
	s1 =	simm.s32 @!p0 $0x0  }
0xb: {  	s13 =	sadd.s32 s6, s11;
	s4 =	ssub.s32 s8, s24;
	s1 =	ssub.s32 s10, s1  }
0xc: {  	s8 =	simm.s32 $0x2;
	s31 =	smax.u32 s4, $0x1;
	s1 =	sshll.u32 s1, $0xE  }
0xd: {  	s4 =	simm.s32 $0x4;
	[dreg:$0x6] =	wrdreg s31;
	s1 =	sor.u32 s9, s1  }
0xe: {  	s10 =	simm.s32 $0x1;
	s9 =	sor.u32 s0, s11;
	s1 =	sshrl.u32 s1, $0x3  }
0xf: {  	v0 =	vlaneseq.u32;
	s0 =	simm.s32 $0x7;
	s11 =	simm.s32 $0x0;
	s1 =	sadd.s32 s6, s1  }
0x10: {  	v0 =	vmul.u32 $0x88, v0;
	s26 =	sadd.s32 s9, s12;
	s25 =	sadd.s32 $0x10, s1;
	[dreg:$0x3] =	wrdreg s1  }
0x11: {  	s14 =	sadd.s32 $0x80, s26;
	s1 =	sadd.s32 $0x20, s1;
	[dreg:$0x4] =	wrdreg s25  }
0x12: {  	v1 =	vadd.s32 $0x880, v0;
	v2 =	vadd.s32 $0x1100, v0;
	v3 =	vadd.s32 $0x1980, v0;
	s15 =	sadd.s32 $0x100, s26;
	[dreg:$0x5] =	wrdreg s1;
	s25 =	simm.s32 $0x3  }
.LBB2_1:
0x13: {  	[dreg:$0x7] =	wrdreg s11  }
0x14: {  	s1 =	rddreg [dreg:$0x3];
	s11 =	simm.s32 $0x40000;
	s23 =	simm.s32 $0x5  }
0x15: {  	[tilespmem:s5], [sflag:$0x5] =	stream.strided.gather [hbm4b:s1+s17], $0x180, s11, s17, $0x38;
	[tilespmem:$0x1A800] =	vst v63  }
0x16: {  	_ =	swait.ge [sflag:s23], $0x180  }
0x17: {  	[sflag:s23] =	ssyncset.done $0x0  }
0x18: {  	s24 =	simm.s32 $0x600;
	[sflag:s23] =	ssyncadd.s32 $0xFFFFFE80  }
0x19: {  	[tilespmem:s24], [sflag:$0x1] =	stream.indirect.gather [hbm4b:s7+s17], $0x40, s5, s17, $0xb8;
	[tilespmem:$0x1A800] =	vst v63  }
0x1a: {  	s26 =	simm.s32 $0x2600  }
0x1b: {  	[tilespmem:s26], [sflag:$0x1] =	stream.indirect.gather [hbm4b:s7+s17], $0x40, s17, s17, $0xb8;
	[tilespmem:$0x1A800] =	vst v63  }
0x1c: {  	s31 =	simm.s32 $0x100;
	s12 =	simm.s32 $0x4600  }
0x1d: {  	[tilespmem:s12], [sflag:$0x1] =	stream.indirect.gather [hbm4b:s7+s17], $0x40, s31, s17, $0xb8;
	[tilespmem:$0x1A800] =	vst v63  }
0x1e: {  	s16 =	simm.s32 $0x180;
	s18 =	simm.s32 $0x6;
	s12 =	rddreg [dreg:$0x4]  }
0x1f: {  	[tilespmem:s16], [sflag:$0x6] =	stream.strided.gather [hbm4b:s12+s17], $0x180, s11, s17, $0x38;
	[tilespmem:$0x1A800] =	vst v63  }
0x20: {  	_ =	swait.ge [sflag:s18], $0x180  }
0x21: {  	[sflag:s18] =	ssyncset.done $0x0  }
0x22: {  	s20 =	simm.s32 $0x6600;
	[sflag:s18] =	ssyncadd.s32 $0xFFFFFE80  }
0x23: {  	[tilespmem:s20], [sflag:$0x2] =	stream.indirect.gather [hbm4b:s7+s17], $0x40, s16, s17, $0xb8;
	[tilespmem:$0x1A800] =	vst v63  }
0x24: {  	s21 =	simm.s32 $0x200;
	s22 =	simm.s32 $0x8600  }
0x25: {  	[tilespmem:s22], [sflag:$0x2] =	stream.indirect.gather [hbm4b:s7+s17], $0x40, s21, s17, $0xb8;
	[tilespmem:$0x1A800] =	vst v63  }
0x26: {  	s23 =	simm.s32 $0x280;
	s24 =	simm.s32 $0xA600  }
0x27: {  	[tilespmem:s24], [sflag:$0x2] =	stream.indirect.gather [hbm4b:s7+s17], $0x40, s23, s17, $0xb8;
	[tilespmem:$0x1A800] =	vst v63  }
0x28: {  	s31 =	simm.s32 $0x300;
	s26 =	rddreg [dreg:$0x5];
	s20 =	simm.s32 $0x0  }
0x29: {  	[tilespmem:s31], [sflag:$0x7] =	stream.strided.gather [hbm4b:s26+s17], $0x180, s11, s17, $0x38;
	[tilespmem:$0x1A800] =	vst v63  }
.LBB2_2:
0x2a: {  	_ =	swait.ge [sflag:s0], $0x180  }
0x2b: {  	[sflag:s0] =	ssyncset.done $0x0  }
0x2c: {  	s1 =	simm.s32 $0x300;
	s11 =	simm.s32 $0xC600;
	[sflag:s0] =	ssyncadd.s32 $0xFFFFFE80  }
0x2d: {  	[tilespmem:s11], [sflag:$0x3] =	stream.indirect.gather [hbm4b:s7+s17], $0x40, s1, s17, $0xb8;
	[tilespmem:$0x1A800] =	vst v63  }
0x2e: {  	s18 =	simm.s32 $0x380;
	s21 =	simm.s32 $0xE600;
	s24 =	sshrl.u32 s20, $0x1  }
0x2f: {  	[tilespmem:s21], [sflag:$0x3] =	stream.indirect.gather [hbm4b:s7+s17], $0x40, s18, s17, $0xb8;
	[tilespmem:$0x1A800] =	vst v63  }
0x30: {  	s22 =	simm.s32 $0x400;
	s1 =	sadd.s32 s2, s24;
	s21 =	sshllo.u32 s20, $0x2  }
0x31: {  	s23 =	simm.s32 $0x10600;
	s1 =	sshll.u32 s1, $0x7;
	s26 =	sshll.u32 s21, $0x4  }
0x32: {  	[tilespmem:s23], [sflag:$0x3] =	stream.indirect.gather [hbm4b:s7+s17], $0x40, s22, s17, $0xb8;
	[tilespmem:$0x1A800] =	vst v63  }
0x33: {  	s1 =	sadd.s32 s1, s13;
	s11 =	sand.u32 $0x70, s26  }
0x34: {  	s31 =	simm.s32 $0x40000;
	s1 =	sadd.s32 s11, s1  }
0x35: {  	[tilespmem:s28], [sflag:$0x8] =	stream.strided.gather [hbm4b:s1+s17], $0x180, s31, s17, $0x38;
	[tilespmem:$0x1A800] =	vst v63  }
0x36: {  	_ =	swait.ge [sflag:s10], $0x2000  }
0x37: {  	[sflag:s10] =	ssyncset.done $0x0  }
0x38: {  	[sflag:s10] =	ssyncadd.s32 $0xFFFFE000  }
0x39: {  	_ =	swait.ge [sflag:s10], $0x2000  }
0x3a: {  	[sflag:s10] =	ssyncset.done $0x0  }
0x3b: {  	[sflag:s10] =	ssyncadd.s32 $0xFFFFE000  }
0x3c: {  	_ =	swait.ge [sflag:s10], $0x2000  }
0x3d: {  	p0 =	seq.s32 s20, $0x0;
	[sflag:s10] =	ssyncset.done $0x0  }
0x3e: {  	s1 =	simm.s32 @!p0 $0x9;
	[sflag:s10] =	ssyncadd.s32 $0xFFFFE000  }
0x3f: {  	_ =	swait.ge @!p0 [sflag:s1], $0x2000  }
0x40: {  	[sflag:s1] =	ssyncset.done @!p0 $0x0  }
0x41: {  	s11 =	simm.s32 $0x600;
	[sflag:s1] =	ssyncadd.s32 @!p0 $0xFFFFE000  }
0x42: {  	v4 =	vld [tilespmem:s11+$0xC0]  }
0x43: {  	v5 =	vld [tilespmem:s11+$0x20C0];
	_ =	sdelay $0x1  }
0x44: {  	v6 =	vld [tilespmem:s11+$0x40C0]  }
0x45: {  	s12 =	simm.s32 $0x3  }
0x46: {  	v7 =	vmov s12  }
0x47: {  	v8 =	vand.u32 $0x7F, v7;
	v4 =	vadd.f32 v5, v4  }
0x48: {  	v7 =	vadd.s32 v0, v8;
	v9 =	vld [tilespmem:s11+$0x2000]  }
0x49: {  	v10 =	vld [tilespmem:s11+$0x2040];
	v4 =	vadd.f32 v6, v4  }
0x4a: {  	v5 =	vld [tilespmem:s11+$0x0]  }
0x4b: {  	v11 =	vld [tilespmem:s11+$0x4000];
	v4 =	vmul.f32 $3.333333430e-01, v4  }
0x4c: {  	v12 =	vld [tilespmem:s11+$0x4040]  }
0x4d: {  	s16 =	simm.s32 $0x0;
	v6 =	vld [tilespmem:s11+$0x40];
	[tilespmem:v7+s29+$0x0] =	vst.idx.msk $0xffff, v4  }
0x4e: {  	v4 =	vmov s16;
	v7 =	vld [tilespmem:s11+$0xD0]  }
0x4f: {  	v5 =	vadd.f32 v9, v5;
	v9 =	vand.u32 $0x7C, v4;
	v4 =	vld [tilespmem:s11+$0x20D0];
	_ =	sdelay $0x1  }
0x50: {  	s18 =	simm.s32 $0x1;
	v16 =	vld [tilespmem:s11+$0x2080]  }
0x51: {  	v13 =	vmov s18;
	v6 =	vadd.f32 v10, v6;
	v5 =	vadd.f32 v11, v5;
	v11 =	vld [tilespmem:s11+$0x40D0]  }
0x52: {  	s22 =	simm.s32 $0x2;
	v10 =	vand.u32 $0x7D, v13;
	v13 =	vld [tilespmem:s11+$0x80]  }
0x53: {  	v6 =	vadd.f32 v12, v6;
	v12 =	vld [tilespmem:s11+$0x4080];
	v4 =	vadd.f32 v4, v7;
	v7 =	vmov s22;
	s22 =	simm.s32 $0x700  }
0x54: {  	v20 =	vld [tilespmem:s22+$0xC0]  }
0x55: {  	v21 =	vld [tilespmem:s22+$0x20C0]  }
0x56: {  	v22 =	vld [tilespmem:s22+$0x0]  }
0x57: {  	v14 =	vadd.s32 v0, v9;
	v23 =	vld [tilespmem:s22+$0x40C0]  }
0x58: {  	v24 =	vld [tilespmem:s22+$0x2000]  }
0x59: {  	v15 =	vadd.s32 v0, v10;
	v27 =	vld [tilespmem:s22+$0x2040]  }
0x5a: {  	v5 =	vmul.f32 $3.333333430e-01, v5;
	v28 =	vld [tilespmem:s22+$0x2080]  }
0x5b: {  	v37 =	vld [tilespmem:s22+$0x4040]  }
0x5c: {  	v6 =	vmul.f32 $3.333333430e-01, v6;
	[tilespmem:v14+s29+$0x0] =	vst.idx.msk $0xffff, v5;
	v5 =	vadd.s32 v1, v8;
	v29 =	vld [tilespmem:s22+$0x4080]  }
0x5d: {  	v14 =	vld [tilespmem:s11+$0x10];
	v4 =	vadd.f32 v11, v4  }
0x5e: {  	[tilespmem:v15+s29+$0x0] =	vst.idx.msk $0xffff, v6;
	v6 =	vld [tilespmem:s11+$0x2010]  }
0x5f: {  	v7 =	vand.u32 $0x7E, v7;
	v11 =	vadd.f32 v16, v13;
	v13 =	vld [tilespmem:s11+$0x50];
	v4 =	vmul.f32 $3.333333430e-01, v4  }
0x60: {  	s23 =	simm.s32 $0x7;
	v15 =	vadd.s32 v0, v7;
	v16 =	vld [tilespmem:s11+$0x2050]  }
0x61: {  	v25 =	vmov s23;
	v11 =	vadd.f32 v12, v11;
	v12 =	vld [tilespmem:s11+$0x4010];
	[tilespmem:v5+s29+$0x0] =	vst.idx.msk $0xffff, v4  }
0x62: {  	v36 =	vand.u32 $0x7F, v25;
	v20 =	vadd.f32 v21, v20;
	v4 =	vld [tilespmem:s11+$0xE0]  }
0x63: {  	v25 =	vadd.s32 v0, v36;
	v5 =	vmul.f32 $3.333333430e-01, v11;
	v11 =	vld [tilespmem:s11+$0x20E0]  }
0x64: {  	v6 =	vadd.f32 v6, v14;
	v14 =	vld [tilespmem:s11+$0x4050];
	v20 =	vadd.f32 v23, v20  }
0x65: {  	[tilespmem:v15+s29+$0x0] =	vst.idx.msk $0xffff, v5;
	v15 =	vld [tilespmem:s11+$0x40E0]  }
0x66: {  	v5 =	vadd.s32 v1, v9;
	v17 =	vld [tilespmem:s11+$0x90];
	v20 =	vmul.f32 $3.333333430e-01, v20  }
0x67: {  	v6 =	vadd.f32 v12, v6;
	v12 =	vld [tilespmem:s11+$0x2090]  }
0x68: {  	v13 =	vadd.f32 v16, v13;
	v4 =	vadd.f32 v11, v4;
	v11 =	vld [tilespmem:s11+$0x4090];
	[tilespmem:v25+s29+$0x0] =	vst.idx.msk $0xffff, v20  }
0x69: {  	v16 =	vadd.s32 v1, v10;
	v6 =	vmul.f32 $3.333333430e-01, v6;
	v25 =	vld [tilespmem:s22+$0xD0]  }
0x6a: {  	v13 =	vadd.f32 v14, v13;
	v14 =	vadd.s32 v2, v8;
	v41 =	vld [tilespmem:s22+$0x20D0]  }
0x6b: {  	[tilespmem:v5+s29+$0x0] =	vst.idx.msk $0xffff, v6;
	v44 =	vld [tilespmem:s22+$0x40D0];
	v4 =	vadd.f32 v15, v4  }
0x6c: {  	v5 =	vld [tilespmem:s11+$0x20];
	v6 =	vmul.f32 $3.333333430e-01, v13  }
0x6d: {  	v12 =	vadd.f32 v12, v17;
	v13 =	vld [tilespmem:s11+$0x2020];
	v4 =	vmul.f32 $3.333333430e-01, v4  }
0x6e: {  	v17 =	vld [tilespmem:s11+$0x4020];
	[tilespmem:v16+s29+$0x0] =	vst.idx.msk $0xffff, v6  }
0x6f: {  	v15 =	vadd.s32 v1, v7;
	v6 =	vadd.f32 v11, v12;
	v11 =	vld [tilespmem:s11+$0x60];
	[tilespmem:v14+s29+$0x0] =	vst.idx.msk $0xffff, v4  }
0x70: {  	v12 =	vld [tilespmem:s11+$0xF0]  }
0x71: {  	v4 =	vmul.f32 $3.333333430e-01, v6;
	v6 =	vld [tilespmem:s11+$0x2060]  }
0x72: {  	v14 =	vld [tilespmem:s11+$0x20F0];
	v5 =	vadd.f32 v13, v5  }
0x73: {  	v26 =	vadd.s32 v2, v9;
	v13 =	vld [tilespmem:s22+$0x40]  }
0x74: {  	[tilespmem:v15+s29+$0x0] =	vst.idx.msk $0xffff, v4;
	v4 =	vld [tilespmem:s11+$0x4060];
	v5 =	vadd.f32 v17, v5  }
0x75: {  	v15 =	vld [tilespmem:s11+$0x40F0]  }
0x76: {  	v5 =	vmul.f32 $3.333333430e-01, v5;
	v6 =	vadd.f32 v6, v11;
	v11 =	vld [tilespmem:s22+$0x4000]  }
0x77: {  	s24 =	simm.s32 $0x4;
	v17 =	vld [tilespmem:s22+$0x80]  }
0x78: {  	v38 =	vadd.s32 v2, v10;
	v16 =	vld [tilespmem:s11+$0xA0];
	[tilespmem:v26+s29+$0x0] =	vst.idx.msk $0xffff, v5;
	v5 =	vmov s24  }
0x79: {  	s26 =	simm.s32 $0x5;
	v22 =	vadd.f32 v24, v22;
	v18 =	vld [tilespmem:s11+$0x20A0];
	v4 =	vadd.f32 v4, v6;
	v5 =	vand.u32 $0x7C, v5  }
0x7a: {  	v19 =	vld [tilespmem:s11+$0x40A0];
	v13 =	vadd.f32 v27, v13;
	v6 =	vmov s26;
	v40 =	vadd.s32 v0, v5  }
0x7b: {  	v39 =	vld [tilespmem:s11+$0x30];
	v6 =	vand.u32 $0x7D, v6;
	v4 =	vmul.f32 $3.333333430e-01, v4;
	v11 =	vadd.f32 v11, v22  }
0x7c: {  	v30 =	vld [tilespmem:s11+$0x2030];
	v43 =	vadd.s32 v0, v6  }
0x7d: {  	s31 =	simm.s32 $0x6;
	v13 =	vadd.f32 v37, v13;
	v56 =	vld [tilespmem:s11+$0x4030];
	[tilespmem:v38+s29+$0x0] =	vst.idx.msk $0xffff, v4;
	v11 =	vmul.f32 $3.333333430e-01, v11  }
0x7e: {  	v42 =	vmov s31;
	v47 =	vadd.s32 v1, v36;
	v22 =	vadd.f32 v41, v25;
	v46 =	vld [tilespmem:s11+$0x70]  }
0x7f: {  	v17 =	vadd.f32 v28, v17;
	v13 =	vmul.f32 $3.333333430e-01, v13;
	v4 =	vand.u32 $0x7E, v42;
	[tilespmem:v40+s29+$0x0] =	vst.idx.msk $0xffff, v11;
	v11 =	vld [tilespmem:s11+$0x2070]  }
0x80: {  	v45 =	vadd.s32 v0, v4;
	v22 =	vadd.f32 v44, v22;
	v24 =	vld [tilespmem:s22+$0x10]  }
0x81: {  	v17 =	vadd.f32 v29, v17;
	[tilespmem:v43+s29+$0x0] =	vst.idx.msk $0xffff, v13;
	v13 =	vld [tilespmem:s22+$0x2010]  }
0x82: {  	v22 =	vmul.f32 $3.333333430e-01, v22;
	v28 =	vld [tilespmem:s22+$0x50]  }
0x83: {  	v17 =	vmul.f32 $3.333333430e-01, v17;
	v50 =	vld [tilespmem:s22+$0x4010]  }
0x84: {  	v16 =	vadd.f32 v18, v16;
	v51 =	vld [tilespmem:s22+$0x4050];
	[tilespmem:v47+s29+$0x0] =	vst.idx.msk $0xffff, v22  }
0x85: {  	v49 =	vadd.s32 v2, v7;
	[tilespmem:v45+s29+$0x0] =	vst.idx.msk $0xffff, v17;
	v17 =	vld [tilespmem:s22+$0x2050]  }
0x86: {  	v16 =	vadd.f32 v19, v16;
	v19 =	vld [tilespmem:s22+$0xE0]  }
0x87: {  	v22 =	vld [tilespmem:s22+$0x20E0]  }
0x88: {  	v16 =	vmul.f32 $3.333333430e-01, v16;
	v31 =	vld [tilespmem:s22+$0x40E0];
	v13 =	vadd.f32 v13, v24  }
0x89: {  	v52 =	vadd.s32 v1, v5;
	v48 =	vld [tilespmem:s22+$0x90]  }
0x8a: {  	[tilespmem:v49+s29+$0x0] =	vst.idx.msk $0xffff, v16;
	v18 =	vld [tilespmem:s22+$0x2090];
	v13 =	vadd.f32 v50, v13;
	v17 =	vadd.f32 v17, v28  }
0x8b: {  	v53 =	vadd.s32 v1, v6;
	v26 =	vld [tilespmem:s11+$0xB0]  }
0x8c: {  	v16 =	vld [tilespmem:s22+$0x4090];
	v19 =	vadd.f32 v22, v19;
	v13 =	vmul.f32 $3.333333430e-01, v13;
	v17 =	vadd.f32 v51, v17  }
0x8d: {  	v55 =	vadd.s32 v2, v36;
	v54 =	vld [tilespmem:s11+$0x20B0]  }
0x8e: {  	[tilespmem:v52+s29+$0x0] =	vst.idx.msk $0xffff, v13;
	v13 =	vadd.f32 v31, v19;
	v19 =	vld [tilespmem:s11+$0x4070];
	v17 =	vmul.f32 $3.333333430e-01, v17  }
0x8f: {  	v18 =	vadd.f32 v18, v48;
	v25 =	vld [tilespmem:s22+$0x20]  }
0x90: {  	v57 =	vld [tilespmem:s22+$0x2020];
	v13 =	vmul.f32 $3.333333430e-01, v13;
	[tilespmem:v53+s29+$0x0] =	vst.idx.msk $0xffff, v17;
	v17 =	vadd.s32 v1, v4  }
0x91: {  	v16 =	vadd.f32 v16, v18;
	v58 =	vld [tilespmem:s22+$0x4020]  }
0x92: {  	v18 =	vld [tilespmem:s22+$0x60];
	[tilespmem:v55+s29+$0x0] =	vst.idx.msk $0xffff, v13  }
0x93: {  	v16 =	vmul.f32 $3.333333430e-01, v16;
	v13 =	vld [tilespmem:s22+$0xF0]  }
0x94: {  	v12 =	vadd.f32 v14, v12;
	v24 =	vld [tilespmem:s22+$0x20F0]  }
0x95: {  	v14 =	vld [tilespmem:s22+$0x2060];
	[tilespmem:v17+s29+$0x0] =	vst.idx.msk $0xffff, v16;
	v16 =	vadd.f32 v30, v39  }
0x96: {  	v9 =	vadd.s32 v3, v9;
	v12 =	vadd.f32 v15, v12;
	v11 =	vadd.f32 v11, v46;
	v17 =	vld [tilespmem:s22+$0x40F0]  }
0x97: {  	v8 =	vadd.s32 v3, v8;
	v59 =	vadd.f32 v57, v25;
	v15 =	vld [tilespmem:s22+$0xA0];
	v16 =	vadd.f32 v56, v16  }
0x98: {  	v10 =	vadd.s32 v3, v10;
	v11 =	vadd.f32 v19, v11;
	v19 =	vadd.s32 v2, v5;
	v60 =	vld [tilespmem:s22+$0x20A0]  }
0x99: {  	v61 =	vld [tilespmem:s22+$0x4060];
	v20 =	vadd.f32 v58, v59;
	v13 =	vadd.f32 v24, v13;
	v16 =	vmul.f32 $3.333333430e-01, v16  }
0x9a: {  	v12 =	vmul.f32 $3.333333430e-01, v12;
	v62 =	vld [tilespmem:s22+$0x40A0]  }
0x9b: {  	v21 =	vadd.s32 v3, v36;
	s24 =	simm.s32 $0x800;
	v63 =	vld [tilespmem:s11+$0x40B0];
	v13 =	vadd.f32 v17, v13;
	[tilespmem:v9+s29+$0x0] =	vst.idx.msk $0xffff, v16;
	v9 =	vmul.f32 $3.333333430e-01, v20  }
0x9c: {  	[tilespmem:v8+s29+$0x0] =	vst.idx.msk $0xffff, v12;
	v8 =	vld [tilespmem:s24+$0xC0];
	v11 =	vmul.f32 $3.333333430e-01, v11;
	v12 =	vadd.f32 v14, v18;
	v18 =	vadd.f32 v54, v26  }
0x9d: {  	v14 =	vld [tilespmem:s24+$0x20C0];
	v16 =	vadd.f32 v60, v15;
	[tilespmem:v19+s29+$0x0] =	vst.idx.msk $0xffff, v9;
	v9 =	vmul.f32 $3.333333430e-01, v13;
	v13 =	vadd.s32 v2, v6  }
0x9e: {  	[tilespmem:v10+s29+$0x0] =	vst.idx.msk $0xffff, v11;
	v10 =	vld [tilespmem:s24+$0x0];
	v11 =	vadd.s32 v2, v4;
	v17 =	vadd.f32 v61, v12  }
0x9f: {  	s12 =	simm.s32 $0xC;
	v7 =	vadd.s32 v3, v7;
	v15 =	vld [tilespmem:s24+$0x40C0];
	v12 =	vadd.f32 v62, v16  }
0xa0: {  	s23 =	sshll.u32 s20, $0x2;
	s16 =	simm.s32 $0xB;
	s11 =	simm.s32 $0x8;
	v17 =	vmul.f32 $3.333333430e-01, v17;
	v16 =	vld [tilespmem:s24+$0x2000];
	[tilespmem:v21+s29+$0x0] =	vst.idx.msk $0xffff, v9;
	v9 =	vadd.f32 v63, v18  }
.LBB2_3:
0xa1: {  	p0 =	slt.u32 s12, $0x7C;
	v18 =	vld [tilespmem:s24+$0x40];
	v19 =	vmov s16;
	v12 =	vmul.f32 $3.333333430e-01, v12  }
0xa2: {  	v20 =	vld [tilespmem:s24+$0x2040];
	v14 =	vadd.f32 v14, v8;
	v8 =	vand.u32 $0x7F, v19;
	[tilespmem:v13+s29+$0x0] =	vst.idx.msk $0xffff, v17;
	v9 =	vmul.f32 $3.333333430e-01, v9  }
0xa3: {  	v13 =	vld [tilespmem:s24+$0x80];
	v17 =	vadd.s32 v0, v8;
	[tilespmem:v11+s29+$0x0] =	vst.idx.msk $0xffff, v12  }
0xa4: {  	v11 =	vld [tilespmem:s24+$0x2080];
	v12 =	vadd.f32 v15, v14;
	[tilespmem:v7+s29+$0x0] =	vst.idx.msk $0xffff, v9  }
0xa5: {  	v7 =	vadd.f32 v16, v10;
	v9 =	vld [tilespmem:s24+$0x4000]  }
0xa6: {  	v10 =	vld [tilespmem:s24+$0x4040];
	v12 =	vmul.f32 $3.333333430e-01, v12  }
0xa7: {  	s1 =	sadd.s32 $0x1, s11;
	s16 =	sadd.s32 $0x2, s11;
	v14 =	vmov s11;
	s11 =	smov.u32 s12;
	v15 =	vadd.f32 v20, v18;
	v16 =	vld [tilespmem:s24+$0x4080]  }
0xa8: {  	v19 =	vmov s16;
	v14 =	vand.u32 $0x7C, v14;
	v18 =	vmov s1;
	[tilespmem:v17+s29+$0x0] =	vst.idx.msk $0xffff, v12;
	v12 =	vld [tilespmem:s22+$0x30]  }
0xa9: {  	v17 =	vadd.s32 v0, v14;
	v18 =	vand.u32 $0x7D, v18;
	v11 =	vadd.f32 v11, v13;
	v13 =	vld [tilespmem:s24+$0xD0]  }
0xaa: {  	v20 =	vadd.s32 v0, v18;
	v7 =	vadd.f32 v9, v7;
	v9 =	vand.u32 $0x7E, v19;
	v19 =	vld [tilespmem:s24+$0x20D0]  }
0xab: {  	v10 =	vadd.f32 v10, v15;
	v15 =	vadd.s32 v0, v9;
	v21 =	vld [tilespmem:s22+$0x2030]  }
0xac: {  	v7 =	vmul.f32 $3.333333430e-01, v7;
	v11 =	vadd.f32 v16, v11;
	v16 =	vld [tilespmem:s24+$0x40D0]  }
0xad: {  	v10 =	vmul.f32 $3.333333430e-01, v10;
	v22 =	vld [tilespmem:s22+$0x70]  }
0xae: {  	[tilespmem:v17+s29+$0x0] =	vst.idx.msk $0xffff, v7;
	v7 =	vmul.f32 $3.333333430e-01, v11;
	v11 =	vld [tilespmem:s22+$0x2070]  }
0xaf: {  	v17 =	vld [tilespmem:s24+$0x10];
	[tilespmem:v20+s29+$0x0] =	vst.idx.msk $0xffff, v10;
	v10 =	vadd.f32 v19, v13  }
0xb0: {  	v13 =	vld [tilespmem:s24+$0x2010];
	[tilespmem:v15+s29+$0x0] =	vst.idx.msk $0xffff, v7;
	v7 =	vadd.s32 v1, v8;
	v12 =	vadd.f32 v21, v12  }
0xb1: {  	v15 =	vld [tilespmem:s24+$0x50];
	v10 =	vadd.f32 v16, v10  }
0xb2: {  	v16 =	vld [tilespmem:s24+$0x2050]  }
0xb3: {  	v19 =	vld [tilespmem:s24+$0x90];
	v10 =	vmul.f32 $3.333333430e-01, v10;
	v11 =	vadd.f32 v11, v22  }
0xb4: {  	v20 =	vld [tilespmem:s24+$0x2090]  }
0xb5: {  	v13 =	vadd.f32 v13, v17;
	v17 =	vld [tilespmem:s24+$0x4010];
	[tilespmem:v7+s29+$0x0] =	vst.idx.msk $0xffff, v10  }
0xb6: {  	v7 =	vld [tilespmem:s24+$0xE0]  }
0xb7: {  	v10 =	vadd.f32 v16, v15;
	v15 =	vld [tilespmem:s24+$0x20E0]  }
0xb8: {  	v16 =	vld [tilespmem:s24+$0x4050]  }
0xb9: {  	v21 =	vadd.s32 v1, v14;
	v19 =	vadd.f32 v20, v19;
	v20 =	vld [tilespmem:s24+$0x40E0]  }
0xba: {  	v13 =	vadd.f32 v17, v13;
	v17 =	vld [tilespmem:s24+$0x4090]  }
0xbb: {  	v22 =	vld [tilespmem:s22+$0xB0]  }
0xbc: {  	v23 =	vadd.s32 v1, v18;
	v13 =	vmul.f32 $3.333333430e-01, v13;
	v7 =	vadd.f32 v15, v7;
	v15 =	vld [tilespmem:s22+$0x20B0]  }
0xbd: {  	v10 =	vadd.f32 v16, v10;
	v16 =	vadd.s32 v2, v8;
	v24 =	vld [tilespmem:s22+$0x4030]  }
0xbe: {  	[tilespmem:v21+s29+$0x0] =	vst.idx.msk $0xffff, v13;
	v13 =	vadd.s32 v1, v9;
	v7 =	vadd.f32 v20, v7;
	v20 =	vld [tilespmem:s22+$0x4070]  }
0xbf: {  	v21 =	vld [tilespmem:s24+$0x20];
	v10 =	vmul.f32 $3.333333430e-01, v10;
	v17 =	vadd.f32 v17, v19  }
0xc0: {  	v19 =	vld [tilespmem:s24+$0x2020];
	v7 =	vmul.f32 $3.333333430e-01, v7  }
0xc1: {  	v25 =	vld [tilespmem:s24+$0x4020];
	[tilespmem:v23+s29+$0x0] =	vst.idx.msk $0xffff, v10;
	v10 =	vmul.f32 $3.333333430e-01, v17;
	v17 =	vadd.s32 v3, v5;
	v22 =	vadd.f32 v15, v22  }
0xc2: {  	v5 =	vmov v14;
	v15 =	vld [tilespmem:s24+$0x60];
	[tilespmem:v16+s29+$0x0] =	vst.idx.msk $0xffff, v7;
	v7 =	vadd.f32 v24, v12;
	v12 =	vadd.s32 v3, v6  }
0xc3: {  	v6 =	vmov v18;
	[tilespmem:v13+s29+$0x0] =	vst.idx.msk $0xffff, v10;
	v10 =	vld [tilespmem:s24+$0xF0];
	v11 =	vadd.f32 v20, v11  }
0xc4: {  	v13 =	vld [tilespmem:s24+$0x20F0];
	v7 =	vmul.f32 $3.333333430e-01, v7  }
0xc5: {  	v14 =	vadd.f32 v19, v21;
	v16 =	vld [tilespmem:s24+$0x2060];
	v11 =	vmul.f32 $3.333333430e-01, v11  }
0xc6: {  	v18 =	vadd.s32 v2, v5;
	v19 =	vld [tilespmem:s24+$0x40F0];
	[tilespmem:v17+s29+$0x0] =	vst.idx.msk $0xffff, v7  }
0xc7: {  	v7 =	vadd.f32 v25, v14;
	v17 =	vld [tilespmem:s24+$0xA0];
	[tilespmem:v12+s29+$0x0] =	vst.idx.msk $0xffff, v11  }
0xc8: {  	v11 =	vld [tilespmem:s24+$0x20A0]  }
0xc9: {  	v7 =	vmul.f32 $3.333333430e-01, v7;
	v12 =	vld [tilespmem:s24+$0x4060];
	v10 =	vadd.f32 v13, v10  }
0xca: {  	v20 =	vadd.s32 v3, v8;
	v15 =	vadd.f32 v16, v15;
	v16 =	vld [tilespmem:s24+$0x40A0]  }
0xcb: {  	[tilespmem:v18+s29+$0x0] =	vst.idx.msk $0xffff, v7;
	v7 =	vadd.f32 v19, v10;
	v18 =	vld [tilespmem:s22+$0x40B0];
	s22 =	smov.u32 s24;
	s24 =	sadd.s32 $0x100, s24  }
.Ltmp0:
0xcc: {  	v8 =	vld [tilespmem:s24+$0xC0];
	(pc) =	sbr.rel @p0 .LBB2_3-.Ltmp0, $4  }
0xcd: {  	v13 =	vadd.s32 v2, v6;
	v14 =	vld [tilespmem:s24+$0x20C0];
	v17 =	vadd.f32 v11, v17;
	v7 =	vmul.f32 $3.333333430e-01, v7  }
0xce: {  	v11 =	vadd.s32 v2, v9;
	v10 =	vld [tilespmem:s24+$0x0];
	v19 =	vadd.f32 v12, v15  }
0xcf: {  	v15 =	vld [tilespmem:s24+$0x40C0];
	v12 =	vadd.f32 v16, v17;
	[tilespmem:v20+s29+$0x0] =	vst.idx.msk $0xffff, v7;
	v7 =	vadd.s32 v3, v4;
	v4 =	vmov v9  }
0xd0: {  	s12 =	sadd.s32 $0x4, s12;
	s16 =	sadd.s32 $0x3, s11;
	v16 =	vld [tilespmem:s24+$0x2000];
	v17 =	vmul.f32 $3.333333430e-01, v19;
	v9 =	vadd.f32 v18, v22  }
0xd1: {  	v18 =	vld [tilespmem:s24+$0x40]  }
0xd2: {  	v20 =	vld [tilespmem:s24+$0x2040]  }
0xd3: {  	v40 =	vld [tilespmem:s24+$0x80]  }
0xd4: {  	v22 =	vld [tilespmem:s24+$0x2080]  }
0xd5: {  	v19 =	vmov s16;
	v41 =	vld [tilespmem:s24+$0x4000]  }
0xd6: {  	v23 =	vld [tilespmem:s24+$0x4040];
	v14 =	vadd.f32 v14, v8;
	v8 =	vand.u32 $0x7F, v19  }
0xd7: {  	v25 =	vld [tilespmem:s24+$0x4080];
	v12 =	vmul.f32 $3.333333430e-01, v12;
	v21 =	vadd.s32 v0, v8  }
0xd8: {  	v24 =	vmov s11;
	v27 =	vld [tilespmem:s22+$0x2030];
	v14 =	vadd.f32 v15, v14  }
0xd9: {  	v29 =	vld [tilespmem:s22+$0x4030];
	[tilespmem:v11+s29+$0x0] =	vst.idx.msk $0xffff, v12;
	v16 =	vadd.f32 v16, v10;
	v10 =	vand.u32 $0x7C, v24  }
0xda: {  	s12 =	sadd.s32 $0x2, s11;
	v61 =	vld [tilespmem:s22+$0xB0];
	v14 =	vmul.f32 $3.333333430e-01, v14;
	v24 =	vadd.s32 v0, v10  }
0xdb: {  	[tilespmem:v13+s29+$0x0] =	vst.idx.msk $0xffff, v17;
	v44 =	vmov s12;
	v62 =	vld [tilespmem:s22+$0x20B0];
	v15 =	vadd.f32 v41, v16  }
0xdc: {  	v13 =	vand.u32 $0x7E, v44;
	v19 =	vadd.f32 v22, v40;
	v22 =	vld [tilespmem:s22+$0x70];
	[tilespmem:v21+s29+$0x0] =	vst.idx.msk $0xffff, v14  }
0xdd: {  	s1 =	sadd.s32 $0x1, s11;
	v47 =	vadd.s32 v0, v13;
	v26 =	vld [tilespmem:s24+$0xD0];
	v15 =	vmul.f32 $3.333333430e-01, v15  }
0xde: {  	v42 =	vmov s1;
	v19 =	vadd.f32 v25, v19;
	v43 =	vld [tilespmem:s24+$0x20D0]  }
0xdf: {  	v18 =	vadd.f32 v20, v18;
	v20 =	vand.u32 $0x7D, v42;
	v46 =	vld [tilespmem:s24+$0x40D0];
	[tilespmem:v24+s29+$0x0] =	vst.idx.msk $0xffff, v15  }
0xe0: {  	v21 =	vadd.s32 v0, v20;
	v19 =	vmul.f32 $3.333333430e-01, v19;
	v24 =	vld [tilespmem:s24+$0x10]  }
0xe1: {  	v45 =	vadd.f32 v23, v18;
	v48 =	vld [tilespmem:s24+$0x2010]  }
0xe2: {  	[tilespmem:v47+s29+$0x0] =	vst.idx.msk $0xffff, v19;
	v52 =	vld [tilespmem:s24+$0x4010]  }
0xe3: {  	v17 =	vmul.f32 $3.333333430e-01, v45;
	v23 =	vld [tilespmem:s24+$0x90]  }
0xe4: {  	v53 =	vld [tilespmem:s24+$0x2090];
	v16 =	vadd.f32 v43, v26  }
0xe5: {  	v49 =	vadd.s32 v1, v8;
	[tilespmem:v21+s29+$0x0] =	vst.idx.msk $0xffff, v17;
	v56 =	vld [tilespmem:s24+$0x4090]  }
0xe6: {  	v50 =	vld [tilespmem:s24+$0x50];
	v16 =	vadd.f32 v46, v16  }
0xe7: {  	v51 =	vld [tilespmem:s24+$0x2050];
	v17 =	vadd.f32 v48, v24  }
0xe8: {  	v55 =	vadd.s32 v1, v10;
	v41 =	vld [tilespmem:s22+$0x4070];
	v16 =	vmul.f32 $3.333333430e-01, v16  }
0xe9: {  	v54 =	vld [tilespmem:s24+$0x4050];
	v17 =	vadd.f32 v52, v17  }
0xea: {  	v14 =	vld [tilespmem:s22+$0x30];
	v23 =	vadd.f32 v53, v23;
	[tilespmem:v49+s29+$0x0] =	vst.idx.msk $0xffff, v16  }
0xeb: {  	v63 =	vadd.s32 v1, v13;
	v21 =	vld [tilespmem:s24+$0xE0];
	v59 =	vmul.f32 $3.333333430e-01, v17  }
0xec: {  	v18 =	vadd.f32 v51, v50;
	v19 =	vadd.f32 v56, v23;
	v57 =	vld [tilespmem:s24+$0x20E0]  }
0xed: {  	v60 =	vadd.s32 v1, v20;
	v58 =	vld [tilespmem:s24+$0x40E0];
	[tilespmem:v55+s29+$0x0] =	vst.idx.msk $0xffff, v59  }
0xee: {  	v16 =	vadd.f32 v54, v18;
	v33 =	vmul.f32 $3.333333430e-01, v19;
	v24 =	vld [tilespmem:s24+$0x20]  }
0xef: {  	v32 =	vld [tilespmem:s24+$0x2020]  }
0xf0: {  	v16 =	vmul.f32 $3.333333430e-01, v16;
	v28 =	vld [tilespmem:s24+$0x4020];
	[tilespmem:v63+s29+$0x0] =	vst.idx.msk $0xffff, v33  }
0xf1: {  	v37 =	vld [tilespmem:s24+$0xA0]  }
0xf2: {  	[tilespmem:v60+s29+$0x0] =	vst.idx.msk $0xffff, v16;
	v38 =	vld [tilespmem:s24+$0x20A0];
	v34 =	vadd.f32 v57, v21  }
0xf3: {  	v36 =	vadd.s32 v2, v8;
	v17 =	vld [tilespmem:s24+$0x60]  }
0xf4: {  	v35 =	vld [tilespmem:s24+$0x2060];
	v11 =	vadd.f32 v58, v34  }
0xf5: {  	v30 =	vld [tilespmem:s24+$0x40A0];
	v23 =	vadd.f32 v32, v24  }
0xf6: {  	v40 =	vadd.s32 v2, v10;
	v39 =	vld [tilespmem:s24+$0x4060];
	v11 =	vmul.f32 $3.333333430e-01, v11  }
0xf7: {  	v15 =	vld [tilespmem:s22+$0x2070];
	v42 =	vadd.f32 v28, v23  }
0xf8: {  	v48 =	vld [tilespmem:s22+$0x40B0];
	v19 =	vadd.f32 v38, v37;
	[tilespmem:v36+s29+$0x0] =	vst.idx.msk $0xffff, v11  }
0xf9: {  	v47 =	vadd.s32 v2, v13;
	v12 =	vadd.f32 v35, v17;
	v43 =	vld [tilespmem:s24+$0xF0];
	v16 =	vmul.f32 $3.333333430e-01, v42  }
0xfa: {  	v44 =	vadd.s32 v2, v20;
	v19 =	vadd.f32 v30, v19;
	v45 =	vld [tilespmem:s24+$0x20F0]  }
0xfb: {  	v12 =	vadd.f32 v39, v12;
	v46 =	vld [tilespmem:s24+$0x40F0];
	[tilespmem:v40+s29+$0x0] =	vst.idx.msk $0xffff, v16  }
0xfc: {  	v19 =	vmul.f32 $3.333333430e-01, v19;
	v24 =	vld [tilespmem:s24+$0x30]  }
0xfd: {  	v12 =	vmul.f32 $3.333333430e-01, v12;
	v49 =	vld [tilespmem:s24+$0x2030]  }
0xfe: {  	[tilespmem:v47+s29+$0x0] =	vst.idx.msk $0xffff, v19;
	v52 =	vld [tilespmem:s24+$0x4030]  }
0xff: {  	[tilespmem:v44+s29+$0x0] =	vst.idx.msk $0xffff, v12;
	v51 =	vld [tilespmem:s24+$0xB0]  }
0x100: {  	v14 =	vadd.f32 v27, v14;
	v23 =	vld [tilespmem:s24+$0x70]  }
0x101: {  	v5 =	vadd.s32 v3, v5;
	v6 =	vadd.s32 v3, v6;
	v4 =	vadd.s32 v3, v4;
	v50 =	vld [tilespmem:s24+$0x2070]  }
0x102: {  	v9 =	vmul.f32 $3.333333430e-01, v9;
	v14 =	vadd.f32 v29, v14;
	v54 =	vadd.f32 v62, v61;
	v25 =	vld [tilespmem:s24+$0x20B0]  }
0x103: {  	v8 =	vadd.s32 v3, v8;
	v10 =	vadd.s32 v3, v10;
	v17 =	vadd.f32 v45, v43;
	v53 =	vld [tilespmem:s24+$0x4070]  }
0x104: {  	[tilespmem:v7+s29+$0x0] =	vst.idx.msk $0xffff, v9;
	v15 =	vadd.f32 v15, v22;
	v14 =	vmul.f32 $3.333333430e-01, v14;
	v7 =	vadd.f32 v48, v54;
	v56 =	vld [tilespmem:s24+$0x40B0]  }
0x105: {  	v59 =	vadd.s32 v3, v20;
	v17 =	vadd.f32 v46, v17;
	v12 =	vadd.f32 v49, v24  }
0x106: {  	v60 =	vmul.f32 $3.333333430e-01, v7;
	v11 =	vadd.f32 v41, v15;
	v57 =	vadd.f32 v50, v23  }
0x107: {  	[tilespmem:v5+s29+$0x0] =	vst.idx.msk $0xffff, v14;
	v5 =	vmul.f32 $3.333333430e-01, v17;
	v58 =	vadd.f32 v25, v51;
	v12 =	vadd.f32 v52, v12  }
0x108: {  	v62 =	vadd.s32 v3, v13;
	[tilespmem:v4+s29+$0x0] =	vst.idx.msk $0xffff, v60;
	v55 =	vmul.f32 $3.333333430e-01, v11;
	v61 =	vadd.f32 v53, v57  }
0x109: {  	[tilespmem:v8+s29+$0x0] =	vst.idx.msk $0xffff, v5;
	v63 =	vadd.f32 v56, v58;
	v5 =	vmul.f32 $3.333333430e-01, v12  }
0x10a: {  	s16 =	sshll.u32 s20, $0x9;
	s18 =	sshll.u32 s20, $0x3;
	[tilespmem:v6+s29+$0x0] =	vst.idx.msk $0xffff, v55;
	v4 =	vmul.f32 $3.333333430e-01, v61  }
0x10b: {  	s31 =	sand.u32 $0x200, s16;
	s26 =	sand.u32 $0x70, s18;
	s22 =	rddreg [dreg:$0x1];
	[tilespmem:v10+s29+$0x0] =	vst.idx.msk $0xffff, v5;
	v5 =	vmul.f32 $3.333333430e-01, v63  }
0x10c: {  	s1 =	sor.u32 s31, s9;
	s22 =	sadd.s32 s22, s26;
	[tilespmem:v59+s29+$0x0] =	vst.idx.msk $0xffff, v4  }
0x10d: {  	s11 =	simm.s32 $0x220;
	s1 =	sadd.s32 s1, s22;
	s24 =	simm.s32 $0x18600;
	[tilespmem:v62+s29+$0x0] =	vst.idx.msk $0xffff, v5  }
0x10e: {  	[hbm4b:s1+s5] =	stream.linear.scatter [tilespmem:s24], [sflag:$0x9], $0x80, $0x38;
	[tilespmem:$0x1A800] =	vst v63  }
.LBB2_5:
0x10f: {  	p0 =	sne.s32 s11, $0x85E0  }
.Ltmp1:
0x110: {  	_ = 	snop;
	(pc) =	sbr.rel @p0 .LBB2_5-.Ltmp1, $4  }
0x111: {  	_ = 	snop  }
0x112: {  	s12 =	sshra.s32 s11, $0x2;
	s11 =	sadd.s32 $0x220, s11  }
0x113: {  	s1 =	sadd.s32 $0x8000, s1;
	s12 =	sadd.s32 $0x18600, s12  }
0x114: {  	[hbm4b:s1+s5] =	stream.linear.scatter [tilespmem:s12], [sflag:$0x9], $0x80, $0x38;
	[tilespmem:$0x1A800] =	vst v63  }
0x115: {  	_ =	swait.ge [sflag:s30], $0x180  }
0x116: {  	[sflag:s30] =	ssyncset.done $0x0  }
0x117: {  	s1 =	simm.s32 $0x12600;
	p0 =	seq.s32 s20, $0xF;
	[sflag:s30] =	ssyncadd.s32 $0xFFFFFE80  }
0x118: {  	[tilespmem:s1], [sflag:$0x4] =	stream.indirect.gather [hbm4b:s7+s17], $0x40, s28, s17, $0xb8;
	[tilespmem:$0x1A800] =	vst v63  }
0x119: {  	s24 =	simm.s32 $0x500;
	s11 =	simm.s32 $0x14600;
	s1 =	sadd.s32 @!p0 $0x4, s23  }
0x11a: {  	[tilespmem:s11], [sflag:$0x4] =	stream.indirect.gather [hbm4b:s7+s17], $0x40, s24, s17, $0xb8;
	[tilespmem:$0x1A800] =	vst v63  }
0x11b: {  	s12 =	simm.s32 $0x580;
	s11 =	sshrl.u32 @!p0 s1, $0x3  }
0x11c: {  	s16 =	simm.s32 $0x16600;
	s1 =	sshll.u32 @!p0 s1, $0x4;
	s11 =	sadd.s32 @!p0 s3, s11  }
0x11d: {  	[tilespmem:s16], [sflag:$0x4] =	stream.indirect.gather [hbm4b:s7+s17], $0x40, s12, s17, $0xb8;
	[tilespmem:$0x1A800] =	vst v63  }
0x11e: {  	s1 =	sand.u32 @!p0 $0x40, s1;
	s11 =	sshll.u32 @!p0 s11, $0x7  }
0x11f: {  	s1 =	sadd.s32 @!p0 s6, s1;
	s12 =	simm.s32 @!p0 $0x40000;
	s11 =	sand.u32 @!p0 $0xFFFFF80, s11  }
0x120: {  	s16 =	simm.s32 @!p0 $0x0;
	s1 =	sadd.s32 @!p0 s11, s1;
	s11 =	simm.s32 @!p0 $0x80  }
0x121: {  	[tilespmem:s16], [sflag:$0x5] =	stream.strided.gather @!p0 [hbm4b:s1+s11], $0x180, s12, s11, $0x38;
	[tilespmem:$0x1A800] =	vst v63  }
0x122: {  	_ =	swait.ge [sflag:s8], $0x2000  }
0x123: {  	[sflag:s8] =	ssyncset.done $0x0  }
0x124: {  	[sflag:s8] =	ssyncadd.s32 $0xFFFFE000  }
0x125: {  	_ =	swait.ge [sflag:s8], $0x2000  }
0x126: {  	[sflag:s8] =	ssyncset.done $0x0  }
0x127: {  	[sflag:s8] =	ssyncadd.s32 $0xFFFFE000  }
0x128: {  	_ =	swait.ge [sflag:s8], $0x2000  }
0x129: {  	[sflag:s8] =	ssyncset.done $0x0  }
0x12a: {  	[sflag:s8] =	ssyncadd.s32 $0xFFFFE000  }
0x12b: {  	_ =	swait.ge [sflag:s19], $0x2000  }
0x12c: {  	[sflag:s19] =	ssyncset.done $0x0  }
0x12d: {  	s12 =	simm.s32 $0x6600;
	[sflag:s19] =	ssyncadd.s32 $0xFFFFE000  }
0x12e: {  	v4 =	vld [tilespmem:s12+$0xC0]  }
0x12f: {  	v5 =	vld [tilespmem:s12+$0x20C0];
	_ =	sdelay $0x1  }
0x130: {  	v6 =	vld [tilespmem:s12+$0x40C0]  }
0x131: {  	s18 =	simm.s32 $0x3  }
0x132: {  	v7 =	vmov s18  }
0x133: {  	v8 =	vand.u32 $0x7F, v7;
	v9 =	vld [tilespmem:s12+$0x2000];
	v4 =	vadd.f32 v5, v4  }
0x134: {  	v7 =	vadd.s32 v0, v8;
	v10 =	vld [tilespmem:s12+$0x2040]  }
0x135: {  	v5 =	vld [tilespmem:s12+$0x0];
	v4 =	vadd.f32 v6, v4  }
0x136: {  	v11 =	vld [tilespmem:s12+$0x4000]  }
0x137: {  	v12 =	vld [tilespmem:s12+$0x4040];
	v4 =	vmul.f32 $3.333333430e-01, v4  }
0x138: {  	v6 =	vld [tilespmem:s12+$0x40]  }
0x139: {  	s24 =	simm.s32 $0x0;
	v16 =	vld [tilespmem:s12+$0x2080];
	[tilespmem:v7+s29+$0x0] =	vst.idx.msk $0xffff, v4  }
0x13a: {  	v5 =	vadd.f32 v9, v5;
	v4 =	vmov s24;
	v7 =	vld [tilespmem:s12+$0xD0]  }
0x13b: {  	s11 =	simm.s32 $0x1;
	v9 =	vand.u32 $0x7C, v4;
	v4 =	vld [tilespmem:s12+$0x20D0]  }
0x13c: {  	v13 =	vmov s11;
	v5 =	vadd.f32 v11, v5;
	v11 =	vld [tilespmem:s12+$0x40D0]  }
0x13d: {  	s24 =	simm.s32 $0x6700;
	v6 =	vadd.f32 v10, v6;
	v10 =	vand.u32 $0x7D, v13;
	v13 =	vld [tilespmem:s12+$0x80]  }
0x13e: {  	v20 =	vld [tilespmem:s24+$0xC0]  }
0x13f: {  	v21 =	vld [tilespmem:s24+$0x20C0]  }
0x140: {  	v22 =	vld [tilespmem:s24+$0x0]  }
0x141: {  	v23 =	vld [tilespmem:s24+$0x40C0]  }
0x142: {  	v24 =	vld [tilespmem:s24+$0x2000];
	v14 =	vadd.s32 v0, v9  }
0x143: {  	v27 =	vld [tilespmem:s24+$0x2040]  }
0x144: {  	v28 =	vld [tilespmem:s24+$0x2080];
	v15 =	vadd.s32 v0, v10  }
0x145: {  	v37 =	vld [tilespmem:s24+$0x4040];
	v6 =	vadd.f32 v12, v6;
	v5 =	vmul.f32 $3.333333430e-01, v5  }
0x146: {  	s18 =	simm.s32 $0x7;
	v29 =	vld [tilespmem:s24+$0x4080];
	v4 =	vadd.f32 v4, v7  }
0x147: {  	v25 =	vmov s18;
	v12 =	vld [tilespmem:s12+$0x4080];
	v6 =	vmul.f32 $3.333333430e-01, v6;
	[tilespmem:v14+s29+$0x0] =	vst.idx.msk $0xffff, v5;
	v5 =	vadd.s32 v1, v8  }
0x148: {  	v36 =	vand.u32 $0x7F, v25;
	v14 =	vld [tilespmem:s12+$0x10];
	v4 =	vadd.f32 v11, v4  }
0x149: {  	v25 =	vadd.s32 v0, v36;
	s16 =	simm.s32 $0x2;
	v20 =	vadd.f32 v21, v20;
	[tilespmem:v15+s29+$0x0] =	vst.idx.msk $0xffff, v6;
	v6 =	vld [tilespmem:s12+$0x2010]  }
0x14a: {  	v7 =	vmov s16;
	v11 =	vadd.f32 v16, v13;
	v13 =	vld [tilespmem:s12+$0x50];
	v4 =	vmul.f32 $3.333333430e-01, v4  }
0x14b: {  	v7 =	vand.u32 $0x7E, v7;
	v16 =	vld [tilespmem:s12+$0x2050];
	v20 =	vadd.f32 v23, v20  }
0x14c: {  	v15 =	vadd.s32 v0, v7;
	v11 =	vadd.f32 v12, v11;
	v12 =	vld [tilespmem:s12+$0x4010];
	[tilespmem:v5+s29+$0x0] =	vst.idx.msk $0xffff, v4  }
0x14d: {  	v20 =	vmul.f32 $3.333333430e-01, v20;
	v4 =	vld [tilespmem:s12+$0xE0]  }
0x14e: {  	v5 =	vmul.f32 $3.333333430e-01, v11;
	v11 =	vld [tilespmem:s12+$0x20E0]  }
0x14f: {  	[tilespmem:v25+s29+$0x0] =	vst.idx.msk $0xffff, v20;
	v6 =	vadd.f32 v6, v14;
	v14 =	vld [tilespmem:s12+$0x4050]  }
0x150: {  	v25 =	vld [tilespmem:s24+$0xD0]  }
0x151: {  	[tilespmem:v15+s29+$0x0] =	vst.idx.msk $0xffff, v5;
	v5 =	vadd.s32 v1, v9;
	v15 =	vld [tilespmem:s12+$0x40E0]  }
0x152: {  	v17 =	vld [tilespmem:s12+$0x90];
	v6 =	vadd.f32 v12, v6  }
0x153: {  	v13 =	vadd.f32 v16, v13;
	v12 =	vld [tilespmem:s12+$0x2090]  }
0x154: {  	v16 =	vadd.s32 v1, v10;
	v41 =	vld [tilespmem:s24+$0x20D0];
	v6 =	vmul.f32 $3.333333430e-01, v6;
	v4 =	vadd.f32 v11, v4  }
0x155: {  	v11 =	vld [tilespmem:s12+$0x4090];
	v13 =	vadd.f32 v14, v13;
	v14 =	vadd.s32 v2, v8  }
0x156: {  	v44 =	vld [tilespmem:s24+$0x40D0];
	[tilespmem:v5+s29+$0x0] =	vst.idx.msk $0xffff, v6;
	v4 =	vadd.f32 v15, v4  }
0x157: {  	v5 =	vld [tilespmem:s12+$0x20];
	v6 =	vmul.f32 $3.333333430e-01, v13  }
0x158: {  	v12 =	vadd.f32 v12, v17;
	v13 =	vld [tilespmem:s12+$0x2020];
	v4 =	vmul.f32 $3.333333430e-01, v4  }
0x159: {  	v17 =	vld [tilespmem:s12+$0x4020];
	[tilespmem:v16+s29+$0x0] =	vst.idx.msk $0xffff, v6  }
0x15a: {  	v15 =	vadd.s32 v1, v7;
	v6 =	vadd.f32 v11, v12;
	v11 =	vld [tilespmem:s12+$0x60];
	[tilespmem:v14+s29+$0x0] =	vst.idx.msk $0xffff, v4  }
0x15b: {  	v12 =	vld [tilespmem:s12+$0xF0]  }
0x15c: {  	v4 =	vmul.f32 $3.333333430e-01, v6;
	v6 =	vld [tilespmem:s12+$0x2060]  }
0x15d: {  	v14 =	vld [tilespmem:s12+$0x20F0];
	v5 =	vadd.f32 v13, v5  }
0x15e: {  	v26 =	vadd.s32 v2, v9;
	v13 =	vld [tilespmem:s24+$0x40]  }
0x15f: {  	[tilespmem:v15+s29+$0x0] =	vst.idx.msk $0xffff, v4;
	v4 =	vld [tilespmem:s12+$0x4060];
	v5 =	vadd.f32 v17, v5  }
0x160: {  	v15 =	vld [tilespmem:s12+$0x40F0]  }
0x161: {  	v5 =	vmul.f32 $3.333333430e-01, v5;
	v6 =	vadd.f32 v6, v11;
	v11 =	vld [tilespmem:s24+$0x4000]  }
0x162: {  	s11 =	simm.s32 $0x4;
	v17 =	vld [tilespmem:s24+$0x80]  }
0x163: {  	v38 =	vadd.s32 v2, v10;
	v16 =	vld [tilespmem:s12+$0xA0];
	[tilespmem:v26+s29+$0x0] =	vst.idx.msk $0xffff, v5;
	v5 =	vmov s11  }
0x164: {  	v22 =	vadd.f32 v24, v22;
	s16 =	simm.s32 $0x5;
	v18 =	vld [tilespmem:s12+$0x20A0];
	v4 =	vadd.f32 v4, v6;
	v5 =	vand.u32 $0x7C, v5  }
0x165: {  	v19 =	vld [tilespmem:s12+$0x40A0];
	v13 =	vadd.f32 v27, v13;
	v6 =	vmov s16;
	v40 =	vadd.s32 v0, v5  }
0x166: {  	v39 =	vld [tilespmem:s12+$0x30];
	v6 =	vand.u32 $0x7D, v6;
	v4 =	vmul.f32 $3.333333430e-01, v4;
	v11 =	vadd.f32 v11, v22  }
0x167: {  	v30 =	vld [tilespmem:s12+$0x2030];
	v43 =	vadd.s32 v0, v6  }
0x168: {  	s18 =	simm.s32 $0x6;
	v13 =	vadd.f32 v37, v13;
	v56 =	vld [tilespmem:s12+$0x4030];
	[tilespmem:v38+s29+$0x0] =	vst.idx.msk $0xffff, v4;
	v11 =	vmul.f32 $3.333333430e-01, v11  }
0x169: {  	v42 =	vmov s18;
	v47 =	vadd.s32 v1, v36;
	v22 =	vadd.f32 v41, v25;
	v46 =	vld [tilespmem:s12+$0x70]  }
0x16a: {  	v17 =	vadd.f32 v28, v17;
	v13 =	vmul.f32 $3.333333430e-01, v13;
	v4 =	vand.u32 $0x7E, v42;
	[tilespmem:v40+s29+$0x0] =	vst.idx.msk $0xffff, v11;
	v11 =	vld [tilespmem:s12+$0x2070]  }
0x16b: {  	v45 =	vadd.s32 v0, v4;
	v22 =	vadd.f32 v44, v22;
	v24 =	vld [tilespmem:s24+$0x10]  }
0x16c: {  	v17 =	vadd.f32 v29, v17;
	[tilespmem:v43+s29+$0x0] =	vst.idx.msk $0xffff, v13;
	v13 =	vld [tilespmem:s24+$0x2010]  }
0x16d: {  	v22 =	vmul.f32 $3.333333430e-01, v22;
	v28 =	vld [tilespmem:s24+$0x50]  }
0x16e: {  	v17 =	vmul.f32 $3.333333430e-01, v17;
	v50 =	vld [tilespmem:s24+$0x4010]  }
0x16f: {  	v16 =	vadd.f32 v18, v16;
	v51 =	vld [tilespmem:s24+$0x4050];
	[tilespmem:v47+s29+$0x0] =	vst.idx.msk $0xffff, v22  }
0x170: {  	v49 =	vadd.s32 v2, v7;
	[tilespmem:v45+s29+$0x0] =	vst.idx.msk $0xffff, v17;
	v17 =	vld [tilespmem:s24+$0x2050]  }
0x171: {  	v16 =	vadd.f32 v19, v16;
	v19 =	vld [tilespmem:s24+$0xE0]  }
0x172: {  	v22 =	vld [tilespmem:s24+$0x20E0]  }
0x173: {  	v16 =	vmul.f32 $3.333333430e-01, v16;
	v31 =	vld [tilespmem:s24+$0x40E0];
	v13 =	vadd.f32 v13, v24  }
0x174: {  	v52 =	vadd.s32 v1, v5;
	v48 =	vld [tilespmem:s24+$0x90]  }
0x175: {  	[tilespmem:v49+s29+$0x0] =	vst.idx.msk $0xffff, v16;
	v18 =	vld [tilespmem:s24+$0x2090];
	v13 =	vadd.f32 v50, v13;
	v17 =	vadd.f32 v17, v28  }
0x176: {  	v53 =	vadd.s32 v1, v6;
	v26 =	vld [tilespmem:s12+$0xB0]  }
0x177: {  	v16 =	vld [tilespmem:s24+$0x4090];
	v19 =	vadd.f32 v22, v19;
	v13 =	vmul.f32 $3.333333430e-01, v13;
	v17 =	vadd.f32 v51, v17  }
0x178: {  	v55 =	vadd.s32 v2, v36;
	v54 =	vld [tilespmem:s12+$0x20B0]  }
0x179: {  	[tilespmem:v52+s29+$0x0] =	vst.idx.msk $0xffff, v13;
	v13 =	vadd.f32 v31, v19;
	v19 =	vld [tilespmem:s12+$0x4070];
	v17 =	vmul.f32 $3.333333430e-01, v17  }
0x17a: {  	v18 =	vadd.f32 v18, v48;
	v25 =	vld [tilespmem:s24+$0x20]  }
0x17b: {  	v57 =	vld [tilespmem:s24+$0x2020];
	v13 =	vmul.f32 $3.333333430e-01, v13;
	[tilespmem:v53+s29+$0x0] =	vst.idx.msk $0xffff, v17;
	v17 =	vadd.s32 v1, v4  }
0x17c: {  	v16 =	vadd.f32 v16, v18;
	v58 =	vld [tilespmem:s24+$0x4020]  }
0x17d: {  	v18 =	vld [tilespmem:s24+$0x60];
	[tilespmem:v55+s29+$0x0] =	vst.idx.msk $0xffff, v13  }
0x17e: {  	v16 =	vmul.f32 $3.333333430e-01, v16;
	v13 =	vld [tilespmem:s24+$0xF0]  }
0x17f: {  	v12 =	vadd.f32 v14, v12;
	v24 =	vld [tilespmem:s24+$0x20F0]  }
0x180: {  	v14 =	vld [tilespmem:s24+$0x2060];
	[tilespmem:v17+s29+$0x0] =	vst.idx.msk $0xffff, v16;
	v16 =	vadd.f32 v30, v39  }
0x181: {  	v9 =	vadd.s32 v3, v9;
	v12 =	vadd.f32 v15, v12;
	v11 =	vadd.f32 v11, v46;
	v17 =	vld [tilespmem:s24+$0x40F0]  }
0x182: {  	v8 =	vadd.s32 v3, v8;
	v59 =	vadd.f32 v57, v25;
	v15 =	vld [tilespmem:s24+$0xA0];
	v16 =	vadd.f32 v56, v16  }
0x183: {  	v10 =	vadd.s32 v3, v10;
	v11 =	vadd.f32 v19, v11;
	v19 =	vadd.s32 v2, v5;
	v60 =	vld [tilespmem:s24+$0x20A0]  }
0x184: {  	v61 =	vld [tilespmem:s24+$0x4060];
	v20 =	vadd.f32 v58, v59;
	v13 =	vadd.f32 v24, v13;
	v16 =	vmul.f32 $3.333333430e-01, v16  }
0x185: {  	v12 =	vmul.f32 $3.333333430e-01, v12;
	v62 =	vld [tilespmem:s24+$0x40A0]  }
0x186: {  	v21 =	vadd.s32 v3, v36;
	s11 =	simm.s32 $0x6800;
	v63 =	vld [tilespmem:s12+$0x40B0];
	v13 =	vadd.f32 v17, v13;
	[tilespmem:v9+s29+$0x0] =	vst.idx.msk $0xffff, v16;
	v9 =	vmul.f32 $3.333333430e-01, v20  }
0x187: {  	[tilespmem:v8+s29+$0x0] =	vst.idx.msk $0xffff, v12;
	v8 =	vld [tilespmem:s11+$0xC0];
	v11 =	vmul.f32 $3.333333430e-01, v11;
	v12 =	vadd.f32 v14, v18;
	v18 =	vadd.f32 v54, v26  }
0x188: {  	v14 =	vld [tilespmem:s11+$0x20C0];
	v16 =	vadd.f32 v60, v15;
	[tilespmem:v19+s29+$0x0] =	vst.idx.msk $0xffff, v9;
	v9 =	vmul.f32 $3.333333430e-01, v13;
	v13 =	vadd.s32 v2, v6  }
0x189: {  	[tilespmem:v10+s29+$0x0] =	vst.idx.msk $0xffff, v11;
	v10 =	vld [tilespmem:s11+$0x0];
	v11 =	vadd.s32 v2, v4;
	v17 =	vadd.f32 v61, v12  }
0x18a: {  	v7 =	vadd.s32 v3, v7;
	v15 =	vld [tilespmem:s11+$0x40C0];
	v12 =	vadd.f32 v62, v16  }
0x18b: {  	s1 =	simm.s32 $0xB;
	s16 =	simm.s32 $0xC;
	s12 =	simm.s32 $0x8;
	v17 =	vmul.f32 $3.333333430e-01, v17;
	v16 =	vld [tilespmem:s11+$0x2000];
	[tilespmem:v21+s29+$0x0] =	vst.idx.msk $0xffff, v9;
	v9 =	vadd.f32 v63, v18  }
.LBB2_7:
0x18c: {  	p1 =	slt.u32 s16, $0x7C;
	v18 =	vld [tilespmem:s11+$0x40];
	v19 =	vmov s1;
	v12 =	vmul.f32 $3.333333430e-01, v12  }
0x18d: {  	v20 =	vld [tilespmem:s11+$0x2040];
	v14 =	vadd.f32 v14, v8;
	v8 =	vand.u32 $0x7F, v19;
	[tilespmem:v13+s29+$0x0] =	vst.idx.msk $0xffff, v17;
	v9 =	vmul.f32 $3.333333430e-01, v9  }
0x18e: {  	v13 =	vld [tilespmem:s11+$0x80];
	v17 =	vadd.s32 v0, v8;
	[tilespmem:v11+s29+$0x0] =	vst.idx.msk $0xffff, v12  }
0x18f: {  	v11 =	vld [tilespmem:s11+$0x2080];
	v12 =	vadd.f32 v15, v14;
	[tilespmem:v7+s29+$0x0] =	vst.idx.msk $0xffff, v9  }
0x190: {  	v7 =	vadd.f32 v16, v10;
	v9 =	vld [tilespmem:s11+$0x4000]  }
0x191: {  	v10 =	vld [tilespmem:s11+$0x4040];
	v12 =	vmul.f32 $3.333333430e-01, v12  }
0x192: {  	s1 =	sadd.s32 $0x1, s12;
	s18 =	sadd.s32 $0x2, s12;
	v14 =	vmov s12;
	s12 =	smov.u32 s16;
	v15 =	vadd.f32 v20, v18;
	v16 =	vld [tilespmem:s11+$0x4080]  }
0x193: {  	v19 =	vmov s18;
	v14 =	vand.u32 $0x7C, v14;
	v18 =	vmov s1;
	[tilespmem:v17+s29+$0x0] =	vst.idx.msk $0xffff, v12;
	v12 =	vld [tilespmem:s24+$0x30]  }
0x194: {  	v17 =	vadd.s32 v0, v14;
	v18 =	vand.u32 $0x7D, v18;
	v11 =	vadd.f32 v11, v13;
	v13 =	vld [tilespmem:s11+$0xD0]  }
0x195: {  	v20 =	vadd.s32 v0, v18;
	v7 =	vadd.f32 v9, v7;
	v9 =	vand.u32 $0x7E, v19;
	v19 =	vld [tilespmem:s11+$0x20D0]  }
0x196: {  	v10 =	vadd.f32 v10, v15;
	v15 =	vadd.s32 v0, v9;
	v21 =	vld [tilespmem:s24+$0x2030]  }
0x197: {  	v7 =	vmul.f32 $3.333333430e-01, v7;
	v11 =	vadd.f32 v16, v11;
	v16 =	vld [tilespmem:s11+$0x40D0]  }
0x198: {  	v10 =	vmul.f32 $3.333333430e-01, v10;
	v22 =	vld [tilespmem:s24+$0x70]  }
0x199: {  	[tilespmem:v17+s29+$0x0] =	vst.idx.msk $0xffff, v7;
	v7 =	vmul.f32 $3.333333430e-01, v11;
	v11 =	vld [tilespmem:s24+$0x2070]  }
0x19a: {  	v17 =	vld [tilespmem:s11+$0x10];
	[tilespmem:v20+s29+$0x0] =	vst.idx.msk $0xffff, v10;
	v10 =	vadd.f32 v19, v13  }
0x19b: {  	v13 =	vld [tilespmem:s11+$0x2010];
	[tilespmem:v15+s29+$0x0] =	vst.idx.msk $0xffff, v7;
	v7 =	vadd.s32 v1, v8;
	v12 =	vadd.f32 v21, v12  }
0x19c: {  	v15 =	vld [tilespmem:s11+$0x50];
	v10 =	vadd.f32 v16, v10  }
0x19d: {  	v16 =	vld [tilespmem:s11+$0x2050]  }
0x19e: {  	v19 =	vld [tilespmem:s11+$0x90];
	v10 =	vmul.f32 $3.333333430e-01, v10;
	v11 =	vadd.f32 v11, v22  }
0x19f: {  	v20 =	vld [tilespmem:s11+$0x2090]  }
0x1a0: {  	v13 =	vadd.f32 v13, v17;
	v17 =	vld [tilespmem:s11+$0x4010];
	[tilespmem:v7+s29+$0x0] =	vst.idx.msk $0xffff, v10  }
0x1a1: {  	v7 =	vld [tilespmem:s11+$0xE0]  }
0x1a2: {  	v10 =	vadd.f32 v16, v15;
	v15 =	vld [tilespmem:s11+$0x20E0]  }
0x1a3: {  	v16 =	vld [tilespmem:s11+$0x4050]  }
0x1a4: {  	v21 =	vadd.s32 v1, v14;
	v19 =	vadd.f32 v20, v19;
	v20 =	vld [tilespmem:s11+$0x40E0]  }
0x1a5: {  	v13 =	vadd.f32 v17, v13;
	v17 =	vld [tilespmem:s11+$0x4090]  }
0x1a6: {  	v22 =	vld [tilespmem:s24+$0xB0]  }
0x1a7: {  	v23 =	vadd.s32 v1, v18;
	v13 =	vmul.f32 $3.333333430e-01, v13;
	v7 =	vadd.f32 v15, v7;
	v15 =	vld [tilespmem:s24+$0x20B0]  }
0x1a8: {  	v10 =	vadd.f32 v16, v10;
	v16 =	vadd.s32 v2, v8;
	v24 =	vld [tilespmem:s24+$0x4030]  }
0x1a9: {  	[tilespmem:v21+s29+$0x0] =	vst.idx.msk $0xffff, v13;
	v13 =	vadd.s32 v1, v9;
	v7 =	vadd.f32 v20, v7;
	v20 =	vld [tilespmem:s24+$0x4070]  }
0x1aa: {  	v21 =	vld [tilespmem:s11+$0x20];
	v10 =	vmul.f32 $3.333333430e-01, v10;
	v17 =	vadd.f32 v17, v19  }
0x1ab: {  	v19 =	vld [tilespmem:s11+$0x2020];
	v7 =	vmul.f32 $3.333333430e-01, v7  }
0x1ac: {  	v25 =	vld [tilespmem:s11+$0x4020];
	[tilespmem:v23+s29+$0x0] =	vst.idx.msk $0xffff, v10;
	v10 =	vmul.f32 $3.333333430e-01, v17;
	v17 =	vadd.s32 v3, v5;
	v22 =	vadd.f32 v15, v22  }
0x1ad: {  	v5 =	vmov v14;
	v15 =	vld [tilespmem:s11+$0x60];
	[tilespmem:v16+s29+$0x0] =	vst.idx.msk $0xffff, v7;
	v7 =	vadd.f32 v24, v12;
	v12 =	vadd.s32 v3, v6  }
0x1ae: {  	v6 =	vmov v18;
	[tilespmem:v13+s29+$0x0] =	vst.idx.msk $0xffff, v10;
	v10 =	vld [tilespmem:s11+$0xF0];
	v11 =	vadd.f32 v20, v11  }
0x1af: {  	v13 =	vld [tilespmem:s11+$0x20F0];
	v7 =	vmul.f32 $3.333333430e-01, v7  }
0x1b0: {  	v14 =	vadd.f32 v19, v21;
	v16 =	vld [tilespmem:s11+$0x2060];
	v11 =	vmul.f32 $3.333333430e-01, v11  }
0x1b1: {  	v18 =	vadd.s32 v2, v5;
	v19 =	vld [tilespmem:s11+$0x40F0];
	[tilespmem:v17+s29+$0x0] =	vst.idx.msk $0xffff, v7  }
0x1b2: {  	v7 =	vadd.f32 v25, v14;
	v17 =	vld [tilespmem:s11+$0xA0];
	[tilespmem:v12+s29+$0x0] =	vst.idx.msk $0xffff, v11  }
0x1b3: {  	v11 =	vld [tilespmem:s11+$0x20A0]  }
0x1b4: {  	v7 =	vmul.f32 $3.333333430e-01, v7;
	v12 =	vld [tilespmem:s11+$0x4060];
	v10 =	vadd.f32 v13, v10  }
0x1b5: {  	v20 =	vadd.s32 v3, v8;
	v15 =	vadd.f32 v16, v15;
	v16 =	vld [tilespmem:s11+$0x40A0]  }
0x1b6: {  	[tilespmem:v18+s29+$0x0] =	vst.idx.msk $0xffff, v7;
	v7 =	vadd.f32 v19, v10;
	v18 =	vld [tilespmem:s24+$0x40B0];
	s24 =	smov.u32 s11;
	s11 =	sadd.s32 $0x100, s11  }
.Ltmp2:
0x1b7: {  	v8 =	vld [tilespmem:s11+$0xC0];
	(pc) =	sbr.rel @p1 .LBB2_7-.Ltmp2, $4  }
0x1b8: {  	v13 =	vadd.s32 v2, v6;
	v14 =	vld [tilespmem:s11+$0x20C0];
	v17 =	vadd.f32 v11, v17;
	v7 =	vmul.f32 $3.333333430e-01, v7  }
0x1b9: {  	v11 =	vadd.s32 v2, v9;
	v10 =	vld [tilespmem:s11+$0x0];
	v19 =	vadd.f32 v12, v15  }
0x1ba: {  	v15 =	vld [tilespmem:s11+$0x40C0];
	v12 =	vadd.f32 v16, v17;
	[tilespmem:v20+s29+$0x0] =	vst.idx.msk $0xffff, v7;
	v7 =	vadd.s32 v3, v4;
	v4 =	vmov v9  }
0x1bb: {  	s16 =	sadd.s32 $0x4, s16;
	s1 =	sadd.s32 $0x3, s12;
	v16 =	vld [tilespmem:s11+$0x2000];
	v17 =	vmul.f32 $3.333333430e-01, v19;
	v9 =	vadd.f32 v18, v22  }
0x1bc: {  	v18 =	vld [tilespmem:s11+$0x40]  }
0x1bd: {  	v20 =	vld [tilespmem:s11+$0x2040]  }
0x1be: {  	v40 =	vld [tilespmem:s11+$0x80]  }
0x1bf: {  	v22 =	vld [tilespmem:s11+$0x2080]  }
0x1c0: {  	v19 =	vmov s1;
	v41 =	vld [tilespmem:s11+$0x4000]  }
0x1c1: {  	v23 =	vld [tilespmem:s11+$0x4040];
	v14 =	vadd.f32 v14, v8;
	v8 =	vand.u32 $0x7F, v19  }
0x1c2: {  	v25 =	vld [tilespmem:s11+$0x4080];
	v12 =	vmul.f32 $3.333333430e-01, v12;
	v21 =	vadd.s32 v0, v8  }
0x1c3: {  	v24 =	vmov s12;
	v27 =	vld [tilespmem:s24+$0x2030];
	v14 =	vadd.f32 v15, v14  }
0x1c4: {  	v29 =	vld [tilespmem:s24+$0x4030];
	[tilespmem:v11+s29+$0x0] =	vst.idx.msk $0xffff, v12;
	v16 =	vadd.f32 v16, v10;
	v10 =	vand.u32 $0x7C, v24  }
0x1c5: {  	s16 =	sadd.s32 $0x2, s12;
	v61 =	vld [tilespmem:s24+$0xB0];
	v14 =	vmul.f32 $3.333333430e-01, v14;
	v24 =	vadd.s32 v0, v10  }
0x1c6: {  	[tilespmem:v13+s29+$0x0] =	vst.idx.msk $0xffff, v17;
	v44 =	vmov s16;
	v62 =	vld [tilespmem:s24+$0x20B0];
	v15 =	vadd.f32 v41, v16  }
0x1c7: {  	v13 =	vand.u32 $0x7E, v44;
	v19 =	vadd.f32 v22, v40;
	v22 =	vld [tilespmem:s24+$0x70];
	[tilespmem:v21+s29+$0x0] =	vst.idx.msk $0xffff, v14  }
0x1c8: {  	s18 =	sadd.s32 $0x1, s12;
	v47 =	vadd.s32 v0, v13;
	v26 =	vld [tilespmem:s11+$0xD0];
	v15 =	vmul.f32 $3.333333430e-01, v15  }
0x1c9: {  	v42 =	vmov s18;
	v19 =	vadd.f32 v25, v19;
	v43 =	vld [tilespmem:s11+$0x20D0]  }
0x1ca: {  	v18 =	vadd.f32 v20, v18;
	v20 =	vand.u32 $0x7D, v42;
	v46 =	vld [tilespmem:s11+$0x40D0];
	[tilespmem:v24+s29+$0x0] =	vst.idx.msk $0xffff, v15  }
0x1cb: {  	v21 =	vadd.s32 v0, v20;
	v19 =	vmul.f32 $3.333333430e-01, v19;
	v24 =	vld [tilespmem:s11+$0x10]  }
0x1cc: {  	v45 =	vadd.f32 v23, v18;
	v48 =	vld [tilespmem:s11+$0x2010]  }
0x1cd: {  	[tilespmem:v47+s29+$0x0] =	vst.idx.msk $0xffff, v19;
	v52 =	vld [tilespmem:s11+$0x4010]  }
0x1ce: {  	v17 =	vmul.f32 $3.333333430e-01, v45;
	v23 =	vld [tilespmem:s11+$0x90]  }
0x1cf: {  	v53 =	vld [tilespmem:s11+$0x2090];
	v16 =	vadd.f32 v43, v26  }
0x1d0: {  	v49 =	vadd.s32 v1, v8;
	[tilespmem:v21+s29+$0x0] =	vst.idx.msk $0xffff, v17;
	v56 =	vld [tilespmem:s11+$0x4090]  }
0x1d1: {  	v50 =	vld [tilespmem:s11+$0x50];
	v16 =	vadd.f32 v46, v16  }
0x1d2: {  	v51 =	vld [tilespmem:s11+$0x2050];
	v17 =	vadd.f32 v48, v24  }
0x1d3: {  	v55 =	vadd.s32 v1, v10;
	v41 =	vld [tilespmem:s24+$0x4070];
	v16 =	vmul.f32 $3.333333430e-01, v16  }
0x1d4: {  	v54 =	vld [tilespmem:s11+$0x4050];
	v17 =	vadd.f32 v52, v17  }
0x1d5: {  	v14 =	vld [tilespmem:s24+$0x30];
	v23 =	vadd.f32 v53, v23;
	[tilespmem:v49+s29+$0x0] =	vst.idx.msk $0xffff, v16  }
0x1d6: {  	v63 =	vadd.s32 v1, v13;
	v21 =	vld [tilespmem:s11+$0xE0];
	v59 =	vmul.f32 $3.333333430e-01, v17  }
0x1d7: {  	v18 =	vadd.f32 v51, v50;
	v19 =	vadd.f32 v56, v23;
	v57 =	vld [tilespmem:s11+$0x20E0]  }
0x1d8: {  	v60 =	vadd.s32 v1, v20;
	v58 =	vld [tilespmem:s11+$0x40E0];
	[tilespmem:v55+s29+$0x0] =	vst.idx.msk $0xffff, v59  }
0x1d9: {  	v16 =	vadd.f32 v54, v18;
	v33 =	vmul.f32 $3.333333430e-01, v19;
	v24 =	vld [tilespmem:s11+$0x20]  }
0x1da: {  	v32 =	vld [tilespmem:s11+$0x2020]  }
0x1db: {  	v16 =	vmul.f32 $3.333333430e-01, v16;
	v28 =	vld [tilespmem:s11+$0x4020];
	[tilespmem:v63+s29+$0x0] =	vst.idx.msk $0xffff, v33  }
0x1dc: {  	v37 =	vld [tilespmem:s11+$0xA0]  }
0x1dd: {  	[tilespmem:v60+s29+$0x0] =	vst.idx.msk $0xffff, v16;
	v38 =	vld [tilespmem:s11+$0x20A0];
	v34 =	vadd.f32 v57, v21  }
0x1de: {  	v36 =	vadd.s32 v2, v8;
	v17 =	vld [tilespmem:s11+$0x60]  }
0x1df: {  	v35 =	vld [tilespmem:s11+$0x2060];
	v11 =	vadd.f32 v58, v34  }
0x1e0: {  	v30 =	vld [tilespmem:s11+$0x40A0];
	v23 =	vadd.f32 v32, v24  }
0x1e1: {  	v40 =	vadd.s32 v2, v10;
	v39 =	vld [tilespmem:s11+$0x4060];
	v11 =	vmul.f32 $3.333333430e-01, v11  }
0x1e2: {  	v15 =	vld [tilespmem:s24+$0x2070];
	v42 =	vadd.f32 v28, v23  }
0x1e3: {  	v48 =	vld [tilespmem:s24+$0x40B0];
	v19 =	vadd.f32 v38, v37;
	[tilespmem:v36+s29+$0x0] =	vst.idx.msk $0xffff, v11  }
0x1e4: {  	v47 =	vadd.s32 v2, v13;
	v12 =	vadd.f32 v35, v17;
	v43 =	vld [tilespmem:s11+$0xF0];
	v16 =	vmul.f32 $3.333333430e-01, v42  }
0x1e5: {  	v44 =	vadd.s32 v2, v20;
	v19 =	vadd.f32 v30, v19;
	v45 =	vld [tilespmem:s11+$0x20F0]  }
0x1e6: {  	v12 =	vadd.f32 v39, v12;
	v46 =	vld [tilespmem:s11+$0x40F0];
	[tilespmem:v40+s29+$0x0] =	vst.idx.msk $0xffff, v16  }
0x1e7: {  	v19 =	vmul.f32 $3.333333430e-01, v19;
	v24 =	vld [tilespmem:s11+$0x30]  }
0x1e8: {  	v12 =	vmul.f32 $3.333333430e-01, v12;
	v49 =	vld [tilespmem:s11+$0x2030]  }
0x1e9: {  	[tilespmem:v47+s29+$0x0] =	vst.idx.msk $0xffff, v19;
	v52 =	vld [tilespmem:s11+$0x4030]  }
0x1ea: {  	[tilespmem:v44+s29+$0x0] =	vst.idx.msk $0xffff, v12;
	v51 =	vld [tilespmem:s11+$0xB0]  }
0x1eb: {  	v14 =	vadd.f32 v27, v14;
	v23 =	vld [tilespmem:s11+$0x70]  }
0x1ec: {  	v5 =	vadd.s32 v3, v5;
	v6 =	vadd.s32 v3, v6;
	v4 =	vadd.s32 v3, v4;
	v50 =	vld [tilespmem:s11+$0x2070]  }
0x1ed: {  	v9 =	vmul.f32 $3.333333430e-01, v9;
	v14 =	vadd.f32 v29, v14;
	v54 =	vadd.f32 v62, v61;
	v25 =	vld [tilespmem:s11+$0x20B0]  }
0x1ee: {  	v8 =	vadd.s32 v3, v8;
	v10 =	vadd.s32 v3, v10;
	v17 =	vadd.f32 v45, v43;
	v53 =	vld [tilespmem:s11+$0x4070]  }
0x1ef: {  	[tilespmem:v7+s29+$0x0] =	vst.idx.msk $0xffff, v9;
	v15 =	vadd.f32 v15, v22;
	v14 =	vmul.f32 $3.333333430e-01, v14;
	v7 =	vadd.f32 v48, v54;
	v56 =	vld [tilespmem:s11+$0x40B0]  }
0x1f0: {  	v59 =	vadd.s32 v3, v20;
	v17 =	vadd.f32 v46, v17;
	v12 =	vadd.f32 v49, v24  }
0x1f1: {  	v60 =	vmul.f32 $3.333333430e-01, v7;
	v11 =	vadd.f32 v41, v15;
	v57 =	vadd.f32 v50, v23  }
0x1f2: {  	[tilespmem:v5+s29+$0x0] =	vst.idx.msk $0xffff, v14;
	v5 =	vmul.f32 $3.333333430e-01, v17;
	v58 =	vadd.f32 v25, v51;
	v12 =	vadd.f32 v52, v12  }
0x1f3: {  	v62 =	vadd.s32 v3, v13;
	[tilespmem:v4+s29+$0x0] =	vst.idx.msk $0xffff, v60;
	v55 =	vmul.f32 $3.333333430e-01, v11;
	v61 =	vadd.f32 v53, v57  }
0x1f4: {  	[tilespmem:v8+s29+$0x0] =	vst.idx.msk $0xffff, v5;
	v63 =	vadd.f32 v56, v58;
	v5 =	vmul.f32 $3.333333430e-01, v12  }
0x1f5: {  	[tilespmem:v6+s29+$0x0] =	vst.idx.msk $0xffff, v55;
	v4 =	vmul.f32 $3.333333430e-01, v61  }
0x1f6: {  	[tilespmem:v10+s29+$0x0] =	vst.idx.msk $0xffff, v5;
	v5 =	vmul.f32 $3.333333430e-01, v63  }
0x1f7: {  	s18 =	sadd.s32 s31, s14;
	[tilespmem:v59+s29+$0x0] =	vst.idx.msk $0xffff, v4  }
0x1f8: {  	s1 =	sadd.s32 s26, s18;
	s24 =	simm.s32 $0x18600;
	s11 =	simm.s32 $0x220;
	[tilespmem:v62+s29+$0x0] =	vst.idx.msk $0xffff, v5  }
0x1f9: {  	[hbm4b:s1+s5] =	stream.linear.scatter [tilespmem:s24], [sflag:$0x9], $0x80, $0x38;
	[tilespmem:$0x1A800] =	vst v63  }
.LBB2_9:
0x1fa: {  	p1 =	sne.s32 s11, $0x85E0  }
.Ltmp3:
0x1fb: {  	_ = 	snop;
	(pc) =	sbr.rel @p1 .LBB2_9-.Ltmp3, $4  }
0x1fc: {  	_ = 	snop  }
0x1fd: {  	s12 =	sshra.s32 s11, $0x2;
	s11 =	sadd.s32 $0x220, s11  }
0x1fe: {  	s1 =	sadd.s32 $0x8000, s1;
	s12 =	sadd.s32 $0x18600, s12  }
0x1ff: {  	[hbm4b:s1+s5] =	stream.linear.scatter [tilespmem:s12], [sflag:$0x9], $0x80, $0x38;
	[tilespmem:$0x1A800] =	vst v63  }
0x200: {  	s1 =	simm.s32 @!p0 $0x5  }
0x201: {  	_ =	swait.ge @!p0 [sflag:s1], $0x180  }
0x202: {  	s11 =	simm.s32 @!p0 $0x0;
	[sflag:s1] =	ssyncset.done @!p0 $0x0  }
0x203: {  	s12 =	simm.s32 @!p0 $0x600;
	[sflag:s1] =	ssyncadd.s32 @!p0 $0xFFFFFE80;
	s1 =	simm.s32 @!p0 $0x80  }
0x204: {  	[tilespmem:s12], [sflag:$0x1] =	stream.indirect.gather @!p0 [hbm4b:s7+s1], $0x40, s11, s1, $0xb8;
	[tilespmem:$0x1A800] =	vst v63  }
0x205: {  	s11 =	simm.s32 @!p0 $0x2600  }
0x206: {  	[tilespmem:s11], [sflag:$0x1] =	stream.indirect.gather @!p0 [hbm4b:s7+s1], $0x40, s1, s1, $0xb8;
	[tilespmem:$0x1A800] =	vst v63  }
0x207: {  	s12 =	simm.s32 @!p0 $0x4600;
	s11 =	simm.s32 @!p0 $0x100  }
0x208: {  	[tilespmem:s12], [sflag:$0x1] =	stream.indirect.gather @!p0 [hbm4b:s7+s1], $0x40, s11, s1, $0xb8;
	[tilespmem:$0x1A800] =	vst v63  }
0x209: {  	s11 =	sadd.s32 @!p0 $0x5, s23  }
0x20a: {  	s12 =	sshrl.u32 @!p0 s11, $0x3  }
0x20b: {  	s11 =	sshll.u32 @!p0 s11, $0x4;
	s12 =	sadd.s32 @!p0 s3, s12  }
0x20c: {  	s11 =	sand.u32 @!p0 $0x50, s11;
	s12 =	sshll.u32 @!p0 s12, $0x7  }
0x20d: {  	s11 =	sadd.s32 @!p0 s6, s11;
	s12 =	sand.u32 @!p0 $0xFFFFF80, s12  }
0x20e: {  	s16 =	simm.s32 @!p0 $0x180;
	s11 =	sadd.s32 @!p0 s12, s11;
	s12 =	simm.s32 @!p0 $0x40000  }
0x20f: {  	[tilespmem:s16], [sflag:$0x6] =	stream.strided.gather @!p0 [hbm4b:s11+s1], $0x180, s12, s1, $0x38;
	[tilespmem:$0x1A800] =	vst v63  }
0x210: {  	_ =	swait.ge [sflag:s25], $0x2000  }
0x211: {  	[sflag:s25] =	ssyncset.done $0x0  }
0x212: {  	[sflag:s25] =	ssyncadd.s32 $0xFFFFE000  }
0x213: {  	_ =	swait.ge [sflag:s25], $0x2000  }
0x214: {  	[sflag:s25] =	ssyncset.done $0x0  }
0x215: {  	[sflag:s25] =	ssyncadd.s32 $0xFFFFE000  }
0x216: {  	_ =	swait.ge [sflag:s25], $0x2000  }
0x217: {  	[sflag:s25] =	ssyncset.done $0x0  }
0x218: {  	[sflag:s25] =	ssyncadd.s32 $0xFFFFE000  }
0x219: {  	_ =	swait.ge [sflag:s19], $0x2000  }
0x21a: {  	[sflag:s19] =	ssyncset.done $0x0  }
0x21b: {  	s12 =	simm.s32 $0xC600;
	[sflag:s19] =	ssyncadd.s32 $0xFFFFE000  }
0x21c: {  	v4 =	vld [tilespmem:s12+$0xC0]  }
0x21d: {  	v5 =	vld [tilespmem:s12+$0x20C0];
	_ =	sdelay $0x1  }
0x21e: {  	v6 =	vld [tilespmem:s12+$0x40C0]  }
0x21f: {  	s18 =	simm.s32 $0x3  }
0x220: {  	v7 =	vmov s18  }
0x221: {  	v8 =	vand.u32 $0x7F, v7;
	v9 =	vld [tilespmem:s12+$0x2000];
	v4 =	vadd.f32 v5, v4  }
0x222: {  	v7 =	vadd.s32 v0, v8;
	v10 =	vld [tilespmem:s12+$0x2040]  }
0x223: {  	v5 =	vld [tilespmem:s12+$0x0];
	v4 =	vadd.f32 v6, v4  }
0x224: {  	v11 =	vld [tilespmem:s12+$0x4000]  }
0x225: {  	v12 =	vld [tilespmem:s12+$0x4040];
	v4 =	vmul.f32 $3.333333430e-01, v4  }
0x226: {  	v6 =	vld [tilespmem:s12+$0x40]  }
0x227: {  	s24 =	simm.s32 $0x0;
	v16 =	vld [tilespmem:s12+$0x2080];
	[tilespmem:v7+s29+$0x0] =	vst.idx.msk $0xffff, v4  }
0x228: {  	v5 =	vadd.f32 v9, v5;
	v4 =	vmov s24;
	v7 =	vld [tilespmem:s12+$0xD0]  }
0x229: {  	s11 =	simm.s32 $0x1;
	v9 =	vand.u32 $0x7C, v4;
	v4 =	vld [tilespmem:s12+$0x20D0]  }
0x22a: {  	v13 =	vmov s11;
	v5 =	vadd.f32 v11, v5;
	v11 =	vld [tilespmem:s12+$0x40D0]  }
0x22b: {  	s24 =	simm.s32 $0xC700;
	v6 =	vadd.f32 v10, v6;
	v10 =	vand.u32 $0x7D, v13;
	v13 =	vld [tilespmem:s12+$0x80]  }
0x22c: {  	v20 =	vld [tilespmem:s24+$0xC0]  }
0x22d: {  	v21 =	vld [tilespmem:s24+$0x20C0]  }
0x22e: {  	v22 =	vld [tilespmem:s24+$0x0]  }
0x22f: {  	v23 =	vld [tilespmem:s24+$0x40C0]  }
0x230: {  	v24 =	vld [tilespmem:s24+$0x2000];
	v14 =	vadd.s32 v0, v9  }
0x231: {  	v27 =	vld [tilespmem:s24+$0x2040]  }
0x232: {  	v28 =	vld [tilespmem:s24+$0x2080];
	v15 =	vadd.s32 v0, v10  }
0x233: {  	v37 =	vld [tilespmem:s24+$0x4040];
	v6 =	vadd.f32 v12, v6;
	v5 =	vmul.f32 $3.333333430e-01, v5  }
0x234: {  	s18 =	simm.s32 $0x7;
	v29 =	vld [tilespmem:s24+$0x4080];
	v4 =	vadd.f32 v4, v7  }
0x235: {  	v25 =	vmov s18;
	v12 =	vld [tilespmem:s12+$0x4080];
	v6 =	vmul.f32 $3.333333430e-01, v6;
	[tilespmem:v14+s29+$0x0] =	vst.idx.msk $0xffff, v5;
	v5 =	vadd.s32 v1, v8  }
0x236: {  	v36 =	vand.u32 $0x7F, v25;
	v14 =	vld [tilespmem:s12+$0x10];
	v4 =	vadd.f32 v11, v4  }
0x237: {  	v25 =	vadd.s32 v0, v36;
	s16 =	simm.s32 $0x2;
	v20 =	vadd.f32 v21, v20;
	[tilespmem:v15+s29+$0x0] =	vst.idx.msk $0xffff, v6;
	v6 =	vld [tilespmem:s12+$0x2010]  }
0x238: {  	v7 =	vmov s16;
	v11 =	vadd.f32 v16, v13;
	v13 =	vld [tilespmem:s12+$0x50];
	v4 =	vmul.f32 $3.333333430e-01, v4  }
0x239: {  	v7 =	vand.u32 $0x7E, v7;
	v16 =	vld [tilespmem:s12+$0x2050];
	v20 =	vadd.f32 v23, v20  }
0x23a: {  	v15 =	vadd.s32 v0, v7;
	v11 =	vadd.f32 v12, v11;
	v12 =	vld [tilespmem:s12+$0x4010];
	[tilespmem:v5+s29+$0x0] =	vst.idx.msk $0xffff, v4  }
0x23b: {  	v20 =	vmul.f32 $3.333333430e-01, v20;
	v4 =	vld [tilespmem:s12+$0xE0]  }
0x23c: {  	v5 =	vmul.f32 $3.333333430e-01, v11;
	v11 =	vld [tilespmem:s12+$0x20E0]  }
0x23d: {  	[tilespmem:v25+s29+$0x0] =	vst.idx.msk $0xffff, v20;
	v6 =	vadd.f32 v6, v14;
	v14 =	vld [tilespmem:s12+$0x4050]  }
0x23e: {  	v25 =	vld [tilespmem:s24+$0xD0]  }
0x23f: {  	[tilespmem:v15+s29+$0x0] =	vst.idx.msk $0xffff, v5;
	v5 =	vadd.s32 v1, v9;
	v15 =	vld [tilespmem:s12+$0x40E0]  }
0x240: {  	v17 =	vld [tilespmem:s12+$0x90];
	v6 =	vadd.f32 v12, v6  }
0x241: {  	v13 =	vadd.f32 v16, v13;
	v12 =	vld [tilespmem:s12+$0x2090]  }
0x242: {  	v16 =	vadd.s32 v1, v10;
	v41 =	vld [tilespmem:s24+$0x20D0];
	v6 =	vmul.f32 $3.333333430e-01, v6;
	v4 =	vadd.f32 v11, v4  }
0x243: {  	v11 =	vld [tilespmem:s12+$0x4090];
	v13 =	vadd.f32 v14, v13;
	v14 =	vadd.s32 v2, v8  }
0x244: {  	v44 =	vld [tilespmem:s24+$0x40D0];
	[tilespmem:v5+s29+$0x0] =	vst.idx.msk $0xffff, v6;
	v4 =	vadd.f32 v15, v4  }
0x245: {  	v5 =	vld [tilespmem:s12+$0x20];
	v6 =	vmul.f32 $3.333333430e-01, v13  }
0x246: {  	v12 =	vadd.f32 v12, v17;
	v13 =	vld [tilespmem:s12+$0x2020];
	v4 =	vmul.f32 $3.333333430e-01, v4  }
0x247: {  	v17 =	vld [tilespmem:s12+$0x4020];
	[tilespmem:v16+s29+$0x0] =	vst.idx.msk $0xffff, v6  }
0x248: {  	v15 =	vadd.s32 v1, v7;
	v6 =	vadd.f32 v11, v12;
	v11 =	vld [tilespmem:s12+$0x60];
	[tilespmem:v14+s29+$0x0] =	vst.idx.msk $0xffff, v4  }
0x249: {  	v12 =	vld [tilespmem:s12+$0xF0]  }
0x24a: {  	v4 =	vmul.f32 $3.333333430e-01, v6;
	v6 =	vld [tilespmem:s12+$0x2060]  }
0x24b: {  	v14 =	vld [tilespmem:s12+$0x20F0];
	v5 =	vadd.f32 v13, v5  }
0x24c: {  	v26 =	vadd.s32 v2, v9;
	v13 =	vld [tilespmem:s24+$0x40]  }
0x24d: {  	[tilespmem:v15+s29+$0x0] =	vst.idx.msk $0xffff, v4;
	v4 =	vld [tilespmem:s12+$0x4060];
	v5 =	vadd.f32 v17, v5  }
0x24e: {  	v15 =	vld [tilespmem:s12+$0x40F0]  }
0x24f: {  	v5 =	vmul.f32 $3.333333430e-01, v5;
	v6 =	vadd.f32 v6, v11;
	v11 =	vld [tilespmem:s24+$0x4000]  }
0x250: {  	s11 =	simm.s32 $0x4;
	v17 =	vld [tilespmem:s24+$0x80]  }
0x251: {  	v38 =	vadd.s32 v2, v10;
	v16 =	vld [tilespmem:s12+$0xA0];
	[tilespmem:v26+s29+$0x0] =	vst.idx.msk $0xffff, v5;
	v5 =	vmov s11  }
0x252: {  	v22 =	vadd.f32 v24, v22;
	s16 =	simm.s32 $0x5;
	v18 =	vld [tilespmem:s12+$0x20A0];
	v4 =	vadd.f32 v4, v6;
	v5 =	vand.u32 $0x7C, v5  }
0x253: {  	v19 =	vld [tilespmem:s12+$0x40A0];
	v13 =	vadd.f32 v27, v13;
	v6 =	vmov s16;
	v40 =	vadd.s32 v0, v5  }
0x254: {  	v39 =	vld [tilespmem:s12+$0x30];
	v6 =	vand.u32 $0x7D, v6;
	v4 =	vmul.f32 $3.333333430e-01, v4;
	v11 =	vadd.f32 v11, v22  }
0x255: {  	v30 =	vld [tilespmem:s12+$0x2030];
	v43 =	vadd.s32 v0, v6  }
0x256: {  	s18 =	simm.s32 $0x6;
	v13 =	vadd.f32 v37, v13;
	v56 =	vld [tilespmem:s12+$0x4030];
	[tilespmem:v38+s29+$0x0] =	vst.idx.msk $0xffff, v4;
	v11 =	vmul.f32 $3.333333430e-01, v11  }
0x257: {  	v42 =	vmov s18;
	v47 =	vadd.s32 v1, v36;
	v22 =	vadd.f32 v41, v25;
	v46 =	vld [tilespmem:s12+$0x70]  }
0x258: {  	v17 =	vadd.f32 v28, v17;
	v13 =	vmul.f32 $3.333333430e-01, v13;
	v4 =	vand.u32 $0x7E, v42;
	[tilespmem:v40+s29+$0x0] =	vst.idx.msk $0xffff, v11;
	v11 =	vld [tilespmem:s12+$0x2070]  }
0x259: {  	v45 =	vadd.s32 v0, v4;
	v22 =	vadd.f32 v44, v22;
	v24 =	vld [tilespmem:s24+$0x10]  }
0x25a: {  	v17 =	vadd.f32 v29, v17;
	[tilespmem:v43+s29+$0x0] =	vst.idx.msk $0xffff, v13;
	v13 =	vld [tilespmem:s24+$0x2010]  }
0x25b: {  	v22 =	vmul.f32 $3.333333430e-01, v22;
	v28 =	vld [tilespmem:s24+$0x50]  }
0x25c: {  	v17 =	vmul.f32 $3.333333430e-01, v17;
	v50 =	vld [tilespmem:s24+$0x4010]  }
0x25d: {  	v16 =	vadd.f32 v18, v16;
	v51 =	vld [tilespmem:s24+$0x4050];
	[tilespmem:v47+s29+$0x0] =	vst.idx.msk $0xffff, v22  }
0x25e: {  	v49 =	vadd.s32 v2, v7;
	[tilespmem:v45+s29+$0x0] =	vst.idx.msk $0xffff, v17;
	v17 =	vld [tilespmem:s24+$0x2050]  }
0x25f: {  	v16 =	vadd.f32 v19, v16;
	v19 =	vld [tilespmem:s24+$0xE0]  }
0x260: {  	v22 =	vld [tilespmem:s24+$0x20E0]  }
0x261: {  	v16 =	vmul.f32 $3.333333430e-01, v16;
	v31 =	vld [tilespmem:s24+$0x40E0];
	v13 =	vadd.f32 v13, v24  }
0x262: {  	v52 =	vadd.s32 v1, v5;
	v48 =	vld [tilespmem:s24+$0x90]  }
0x263: {  	[tilespmem:v49+s29+$0x0] =	vst.idx.msk $0xffff, v16;
	v18 =	vld [tilespmem:s24+$0x2090];
	v13 =	vadd.f32 v50, v13;
	v17 =	vadd.f32 v17, v28  }
0x264: {  	v53 =	vadd.s32 v1, v6;
	v26 =	vld [tilespmem:s12+$0xB0]  }
0x265: {  	v16 =	vld [tilespmem:s24+$0x4090];
	v19 =	vadd.f32 v22, v19;
	v13 =	vmul.f32 $3.333333430e-01, v13;
	v17 =	vadd.f32 v51, v17  }
0x266: {  	v55 =	vadd.s32 v2, v36;
	v54 =	vld [tilespmem:s12+$0x20B0]  }
0x267: {  	[tilespmem:v52+s29+$0x0] =	vst.idx.msk $0xffff, v13;
	v13 =	vadd.f32 v31, v19;
	v19 =	vld [tilespmem:s12+$0x4070];
	v17 =	vmul.f32 $3.333333430e-01, v17  }
0x268: {  	v18 =	vadd.f32 v18, v48;
	v25 =	vld [tilespmem:s24+$0x20]  }
0x269: {  	v57 =	vld [tilespmem:s24+$0x2020];
	v13 =	vmul.f32 $3.333333430e-01, v13;
	[tilespmem:v53+s29+$0x0] =	vst.idx.msk $0xffff, v17;
	v17 =	vadd.s32 v1, v4  }
0x26a: {  	v16 =	vadd.f32 v16, v18;
	v58 =	vld [tilespmem:s24+$0x4020]  }
0x26b: {  	v18 =	vld [tilespmem:s24+$0x60];
	[tilespmem:v55+s29+$0x0] =	vst.idx.msk $0xffff, v13  }
0x26c: {  	v16 =	vmul.f32 $3.333333430e-01, v16;
	v13 =	vld [tilespmem:s24+$0xF0]  }
0x26d: {  	v12 =	vadd.f32 v14, v12;
	v24 =	vld [tilespmem:s24+$0x20F0]  }
0x26e: {  	v14 =	vld [tilespmem:s24+$0x2060];
	[tilespmem:v17+s29+$0x0] =	vst.idx.msk $0xffff, v16;
	v16 =	vadd.f32 v30, v39  }
0x26f: {  	v9 =	vadd.s32 v3, v9;
	v12 =	vadd.f32 v15, v12;
	v11 =	vadd.f32 v11, v46;
	v17 =	vld [tilespmem:s24+$0x40F0]  }
0x270: {  	v8 =	vadd.s32 v3, v8;
	v59 =	vadd.f32 v57, v25;
	v15 =	vld [tilespmem:s24+$0xA0];
	v16 =	vadd.f32 v56, v16  }
0x271: {  	v10 =	vadd.s32 v3, v10;
	v11 =	vadd.f32 v19, v11;
	v19 =	vadd.s32 v2, v5;
	v60 =	vld [tilespmem:s24+$0x20A0]  }
0x272: {  	v61 =	vld [tilespmem:s24+$0x4060];
	v20 =	vadd.f32 v58, v59;
	v13 =	vadd.f32 v24, v13;
	v16 =	vmul.f32 $3.333333430e-01, v16  }
0x273: {  	v12 =	vmul.f32 $3.333333430e-01, v12;
	v62 =	vld [tilespmem:s24+$0x40A0]  }
0x274: {  	v21 =	vadd.s32 v3, v36;
	s11 =	simm.s32 $0xC800;
	v63 =	vld [tilespmem:s12+$0x40B0];
	v13 =	vadd.f32 v17, v13;
	[tilespmem:v9+s29+$0x0] =	vst.idx.msk $0xffff, v16;
	v9 =	vmul.f32 $3.333333430e-01, v20  }
0x275: {  	[tilespmem:v8+s29+$0x0] =	vst.idx.msk $0xffff, v12;
	v8 =	vld [tilespmem:s11+$0xC0];
	v11 =	vmul.f32 $3.333333430e-01, v11;
	v12 =	vadd.f32 v14, v18;
	v18 =	vadd.f32 v54, v26  }
0x276: {  	v14 =	vld [tilespmem:s11+$0x20C0];
	v16 =	vadd.f32 v60, v15;
	[tilespmem:v19+s29+$0x0] =	vst.idx.msk $0xffff, v9;
	v9 =	vmul.f32 $3.333333430e-01, v13;
	v13 =	vadd.s32 v2, v6  }
0x277: {  	[tilespmem:v10+s29+$0x0] =	vst.idx.msk $0xffff, v11;
	v10 =	vld [tilespmem:s11+$0x0];
	v11 =	vadd.s32 v2, v4;
	v17 =	vadd.f32 v61, v12  }
0x278: {  	v7 =	vadd.s32 v3, v7;
	v15 =	vld [tilespmem:s11+$0x40C0];
	v12 =	vadd.f32 v62, v16  }
0x279: {  	s1 =	simm.s32 $0xB;
	s16 =	simm.s32 $0xC;
	s12 =	simm.s32 $0x8;
	v17 =	vmul.f32 $3.333333430e-01, v17;
	v16 =	vld [tilespmem:s11+$0x2000];
	[tilespmem:v21+s29+$0x0] =	vst.idx.msk $0xffff, v9;
	v9 =	vadd.f32 v63, v18  }
.LBB2_11:
0x27a: {  	p1 =	slt.u32 s16, $0x7C;
	v18 =	vld [tilespmem:s11+$0x40];
	v19 =	vmov s1;
	v12 =	vmul.f32 $3.333333430e-01, v12  }
0x27b: {  	v20 =	vld [tilespmem:s11+$0x2040];
	v14 =	vadd.f32 v14, v8;
	v8 =	vand.u32 $0x7F, v19;
	[tilespmem:v13+s29+$0x0] =	vst.idx.msk $0xffff, v17;
	v9 =	vmul.f32 $3.333333430e-01, v9  }
0x27c: {  	v13 =	vld [tilespmem:s11+$0x80];
	v17 =	vadd.s32 v0, v8;
	[tilespmem:v11+s29+$0x0] =	vst.idx.msk $0xffff, v12  }
0x27d: {  	v11 =	vld [tilespmem:s11+$0x2080];
	v12 =	vadd.f32 v15, v14;
	[tilespmem:v7+s29+$0x0] =	vst.idx.msk $0xffff, v9  }
0x27e: {  	v7 =	vadd.f32 v16, v10;
	v9 =	vld [tilespmem:s11+$0x4000]  }
0x27f: {  	v10 =	vld [tilespmem:s11+$0x4040];
	v12 =	vmul.f32 $3.333333430e-01, v12  }
0x280: {  	s1 =	sadd.s32 $0x1, s12;
	s18 =	sadd.s32 $0x2, s12;
	v14 =	vmov s12;
	s12 =	smov.u32 s16;
	v15 =	vadd.f32 v20, v18;
	v16 =	vld [tilespmem:s11+$0x4080]  }
0x281: {  	v19 =	vmov s18;
	v14 =	vand.u32 $0x7C, v14;
	v18 =	vmov s1;
	[tilespmem:v17+s29+$0x0] =	vst.idx.msk $0xffff, v12;
	v12 =	vld [tilespmem:s24+$0x30]  }
0x282: {  	v17 =	vadd.s32 v0, v14;
	v18 =	vand.u32 $0x7D, v18;
	v11 =	vadd.f32 v11, v13;
	v13 =	vld [tilespmem:s11+$0xD0]  }
0x283: {  	v20 =	vadd.s32 v0, v18;
	v7 =	vadd.f32 v9, v7;
	v9 =	vand.u32 $0x7E, v19;
	v19 =	vld [tilespmem:s11+$0x20D0]  }
0x284: {  	v10 =	vadd.f32 v10, v15;
	v15 =	vadd.s32 v0, v9;
	v21 =	vld [tilespmem:s24+$0x2030]  }
0x285: {  	v7 =	vmul.f32 $3.333333430e-01, v7;
	v11 =	vadd.f32 v16, v11;
	v16 =	vld [tilespmem:s11+$0x40D0]  }
0x286: {  	v10 =	vmul.f32 $3.333333430e-01, v10;
	v22 =	vld [tilespmem:s24+$0x70]  }
0x287: {  	[tilespmem:v17+s29+$0x0] =	vst.idx.msk $0xffff, v7;
	v7 =	vmul.f32 $3.333333430e-01, v11;
	v11 =	vld [tilespmem:s24+$0x2070]  }
0x288: {  	v17 =	vld [tilespmem:s11+$0x10];
	[tilespmem:v20+s29+$0x0] =	vst.idx.msk $0xffff, v10;
	v10 =	vadd.f32 v19, v13  }
0x289: {  	v13 =	vld [tilespmem:s11+$0x2010];
	[tilespmem:v15+s29+$0x0] =	vst.idx.msk $0xffff, v7;
	v7 =	vadd.s32 v1, v8;
	v12 =	vadd.f32 v21, v12  }
0x28a: {  	v15 =	vld [tilespmem:s11+$0x50];
	v10 =	vadd.f32 v16, v10  }
0x28b: {  	v16 =	vld [tilespmem:s11+$0x2050]  }
0x28c: {  	v19 =	vld [tilespmem:s11+$0x90];
	v10 =	vmul.f32 $3.333333430e-01, v10;
	v11 =	vadd.f32 v11, v22  }
0x28d: {  	v20 =	vld [tilespmem:s11+$0x2090]  }
0x28e: {  	v13 =	vadd.f32 v13, v17;
	v17 =	vld [tilespmem:s11+$0x4010];
	[tilespmem:v7+s29+$0x0] =	vst.idx.msk $0xffff, v10  }
0x28f: {  	v7 =	vld [tilespmem:s11+$0xE0]  }
0x290: {  	v10 =	vadd.f32 v16, v15;
	v15 =	vld [tilespmem:s11+$0x20E0]  }
0x291: {  	v16 =	vld [tilespmem:s11+$0x4050]  }
0x292: {  	v21 =	vadd.s32 v1, v14;
	v19 =	vadd.f32 v20, v19;
	v20 =	vld [tilespmem:s11+$0x40E0]  }
0x293: {  	v13 =	vadd.f32 v17, v13;
	v17 =	vld [tilespmem:s11+$0x4090]  }
0x294: {  	v22 =	vld [tilespmem:s24+$0xB0]  }
0x295: {  	v23 =	vadd.s32 v1, v18;
	v13 =	vmul.f32 $3.333333430e-01, v13;
	v7 =	vadd.f32 v15, v7;
	v15 =	vld [tilespmem:s24+$0x20B0]  }
0x296: {  	v10 =	vadd.f32 v16, v10;
	v16 =	vadd.s32 v2, v8;
	v24 =	vld [tilespmem:s24+$0x4030]  }
0x297: {  	[tilespmem:v21+s29+$0x0] =	vst.idx.msk $0xffff, v13;
	v13 =	vadd.s32 v1, v9;
	v7 =	vadd.f32 v20, v7;
	v20 =	vld [tilespmem:s24+$0x4070]  }
0x298: {  	v21 =	vld [tilespmem:s11+$0x20];
	v10 =	vmul.f32 $3.333333430e-01, v10;
	v17 =	vadd.f32 v17, v19  }
0x299: {  	v19 =	vld [tilespmem:s11+$0x2020];
	v7 =	vmul.f32 $3.333333430e-01, v7  }
0x29a: {  	v25 =	vld [tilespmem:s11+$0x4020];
	[tilespmem:v23+s29+$0x0] =	vst.idx.msk $0xffff, v10;
	v10 =	vmul.f32 $3.333333430e-01, v17;
	v17 =	vadd.s32 v3, v5;
	v22 =	vadd.f32 v15, v22  }
0x29b: {  	v5 =	vmov v14;
	v15 =	vld [tilespmem:s11+$0x60];
	[tilespmem:v16+s29+$0x0] =	vst.idx.msk $0xffff, v7;
	v7 =	vadd.f32 v24, v12;
	v12 =	vadd.s32 v3, v6  }
0x29c: {  	v6 =	vmov v18;
	[tilespmem:v13+s29+$0x0] =	vst.idx.msk $0xffff, v10;
	v10 =	vld [tilespmem:s11+$0xF0];
	v11 =	vadd.f32 v20, v11  }
0x29d: {  	v13 =	vld [tilespmem:s11+$0x20F0];
	v7 =	vmul.f32 $3.333333430e-01, v7  }
0x29e: {  	v14 =	vadd.f32 v19, v21;
	v16 =	vld [tilespmem:s11+$0x2060];
	v11 =	vmul.f32 $3.333333430e-01, v11  }
0x29f: {  	v18 =	vadd.s32 v2, v5;
	v19 =	vld [tilespmem:s11+$0x40F0];
	[tilespmem:v17+s29+$0x0] =	vst.idx.msk $0xffff, v7  }
0x2a0: {  	v7 =	vadd.f32 v25, v14;
	v17 =	vld [tilespmem:s11+$0xA0];
	[tilespmem:v12+s29+$0x0] =	vst.idx.msk $0xffff, v11  }
0x2a1: {  	v11 =	vld [tilespmem:s11+$0x20A0]  }
0x2a2: {  	v7 =	vmul.f32 $3.333333430e-01, v7;
	v12 =	vld [tilespmem:s11+$0x4060];
	v10 =	vadd.f32 v13, v10  }
0x2a3: {  	v20 =	vadd.s32 v3, v8;
	v15 =	vadd.f32 v16, v15;
	v16 =	vld [tilespmem:s11+$0x40A0]  }
0x2a4: {  	[tilespmem:v18+s29+$0x0] =	vst.idx.msk $0xffff, v7;
	v7 =	vadd.f32 v19, v10;
	v18 =	vld [tilespmem:s24+$0x40B0];
	s24 =	smov.u32 s11;
	s11 =	sadd.s32 $0x100, s11  }
.Ltmp4:
0x2a5: {  	v8 =	vld [tilespmem:s11+$0xC0];
	(pc) =	sbr.rel @p1 .LBB2_11-.Ltmp4, $4  }
0x2a6: {  	v13 =	vadd.s32 v2, v6;
	v14 =	vld [tilespmem:s11+$0x20C0];
	v17 =	vadd.f32 v11, v17;
	v7 =	vmul.f32 $3.333333430e-01, v7  }
0x2a7: {  	v11 =	vadd.s32 v2, v9;
	v10 =	vld [tilespmem:s11+$0x0];
	v19 =	vadd.f32 v12, v15  }
0x2a8: {  	v15 =	vld [tilespmem:s11+$0x40C0];
	v12 =	vadd.f32 v16, v17;
	[tilespmem:v20+s29+$0x0] =	vst.idx.msk $0xffff, v7;
	v7 =	vadd.s32 v3, v4;
	v4 =	vmov v9  }
0x2a9: {  	s16 =	sadd.s32 $0x4, s16;
	s1 =	sadd.s32 $0x3, s12;
	v16 =	vld [tilespmem:s11+$0x2000];
	v17 =	vmul.f32 $3.333333430e-01, v19;
	v9 =	vadd.f32 v18, v22  }
0x2aa: {  	v18 =	vld [tilespmem:s11+$0x40]  }
0x2ab: {  	v20 =	vld [tilespmem:s11+$0x2040]  }
0x2ac: {  	v40 =	vld [tilespmem:s11+$0x80]  }
0x2ad: {  	v22 =	vld [tilespmem:s11+$0x2080]  }
0x2ae: {  	v19 =	vmov s1;
	v41 =	vld [tilespmem:s11+$0x4000]  }
0x2af: {  	v23 =	vld [tilespmem:s11+$0x4040];
	v14 =	vadd.f32 v14, v8;
	v8 =	vand.u32 $0x7F, v19  }
0x2b0: {  	v25 =	vld [tilespmem:s11+$0x4080];
	v12 =	vmul.f32 $3.333333430e-01, v12;
	v21 =	vadd.s32 v0, v8  }
0x2b1: {  	v24 =	vmov s12;
	v27 =	vld [tilespmem:s24+$0x2030];
	v14 =	vadd.f32 v15, v14  }
0x2b2: {  	v29 =	vld [tilespmem:s24+$0x4030];
	[tilespmem:v11+s29+$0x0] =	vst.idx.msk $0xffff, v12;
	v16 =	vadd.f32 v16, v10;
	v10 =	vand.u32 $0x7C, v24  }
0x2b3: {  	s18 =	sadd.s32 $0x2, s12;
	v61 =	vld [tilespmem:s24+$0xB0];
	v14 =	vmul.f32 $3.333333430e-01, v14;
	v24 =	vadd.s32 v0, v10  }
0x2b4: {  	[tilespmem:v13+s29+$0x0] =	vst.idx.msk $0xffff, v17;
	v44 =	vmov s18;
	v62 =	vld [tilespmem:s24+$0x20B0];
	v15 =	vadd.f32 v41, v16  }
0x2b5: {  	v13 =	vand.u32 $0x7E, v44;
	v19 =	vadd.f32 v22, v40;
	v22 =	vld [tilespmem:s24+$0x70];
	[tilespmem:v21+s29+$0x0] =	vst.idx.msk $0xffff, v14  }
0x2b6: {  	s16 =	sadd.s32 $0x1, s12;
	v47 =	vadd.s32 v0, v13;
	v26 =	vld [tilespmem:s11+$0xD0];
	v15 =	vmul.f32 $3.333333430e-01, v15  }
0x2b7: {  	v42 =	vmov s16;
	v19 =	vadd.f32 v25, v19;
	v43 =	vld [tilespmem:s11+$0x20D0]  }
0x2b8: {  	v18 =	vadd.f32 v20, v18;
	v20 =	vand.u32 $0x7D, v42;
	v46 =	vld [tilespmem:s11+$0x40D0];
	[tilespmem:v24+s29+$0x0] =	vst.idx.msk $0xffff, v15  }
0x2b9: {  	v21 =	vadd.s32 v0, v20;
	v19 =	vmul.f32 $3.333333430e-01, v19;
	v24 =	vld [tilespmem:s11+$0x10]  }
0x2ba: {  	v45 =	vadd.f32 v23, v18;
	v48 =	vld [tilespmem:s11+$0x2010]  }
0x2bb: {  	[tilespmem:v47+s29+$0x0] =	vst.idx.msk $0xffff, v19;
	v52 =	vld [tilespmem:s11+$0x4010]  }
0x2bc: {  	v17 =	vmul.f32 $3.333333430e-01, v45;
	v23 =	vld [tilespmem:s11+$0x90]  }
0x2bd: {  	v53 =	vld [tilespmem:s11+$0x2090];
	v16 =	vadd.f32 v43, v26  }
0x2be: {  	v49 =	vadd.s32 v1, v8;
	[tilespmem:v21+s29+$0x0] =	vst.idx.msk $0xffff, v17;
	v56 =	vld [tilespmem:s11+$0x4090]  }
0x2bf: {  	v50 =	vld [tilespmem:s11+$0x50];
	v16 =	vadd.f32 v46, v16  }
0x2c0: {  	v51 =	vld [tilespmem:s11+$0x2050];
	v17 =	vadd.f32 v48, v24  }
0x2c1: {  	v55 =	vadd.s32 v1, v10;
	v41 =	vld [tilespmem:s24+$0x4070];
	v16 =	vmul.f32 $3.333333430e-01, v16  }
0x2c2: {  	v54 =	vld [tilespmem:s11+$0x4050];
	v17 =	vadd.f32 v52, v17  }
0x2c3: {  	v14 =	vld [tilespmem:s24+$0x30];
	v23 =	vadd.f32 v53, v23;
	[tilespmem:v49+s29+$0x0] =	vst.idx.msk $0xffff, v16  }
0x2c4: {  	v63 =	vadd.s32 v1, v13;
	v21 =	vld [tilespmem:s11+$0xE0];
	v59 =	vmul.f32 $3.333333430e-01, v17  }
0x2c5: {  	v18 =	vadd.f32 v51, v50;
	v19 =	vadd.f32 v56, v23;
	v57 =	vld [tilespmem:s11+$0x20E0]  }
0x2c6: {  	v60 =	vadd.s32 v1, v20;
	v58 =	vld [tilespmem:s11+$0x40E0];
	[tilespmem:v55+s29+$0x0] =	vst.idx.msk $0xffff, v59  }
0x2c7: {  	v16 =	vadd.f32 v54, v18;
	v33 =	vmul.f32 $3.333333430e-01, v19;
	v24 =	vld [tilespmem:s11+$0x20]  }
0x2c8: {  	v32 =	vld [tilespmem:s11+$0x2020]  }
0x2c9: {  	v16 =	vmul.f32 $3.333333430e-01, v16;
	v28 =	vld [tilespmem:s11+$0x4020];
	[tilespmem:v63+s29+$0x0] =	vst.idx.msk $0xffff, v33  }
0x2ca: {  	v37 =	vld [tilespmem:s11+$0xA0]  }
0x2cb: {  	[tilespmem:v60+s29+$0x0] =	vst.idx.msk $0xffff, v16;
	v38 =	vld [tilespmem:s11+$0x20A0];
	v34 =	vadd.f32 v57, v21  }
0x2cc: {  	v36 =	vadd.s32 v2, v8;
	v17 =	vld [tilespmem:s11+$0x60]  }
0x2cd: {  	v35 =	vld [tilespmem:s11+$0x2060];
	v11 =	vadd.f32 v58, v34  }
0x2ce: {  	v30 =	vld [tilespmem:s11+$0x40A0];
	v23 =	vadd.f32 v32, v24  }
0x2cf: {  	v40 =	vadd.s32 v2, v10;
	v39 =	vld [tilespmem:s11+$0x4060];
	v11 =	vmul.f32 $3.333333430e-01, v11  }
0x2d0: {  	v15 =	vld [tilespmem:s24+$0x2070];
	v42 =	vadd.f32 v28, v23  }
0x2d1: {  	v48 =	vld [tilespmem:s24+$0x40B0];
	v19 =	vadd.f32 v38, v37;
	[tilespmem:v36+s29+$0x0] =	vst.idx.msk $0xffff, v11  }
0x2d2: {  	v47 =	vadd.s32 v2, v13;
	v12 =	vadd.f32 v35, v17;
	v43 =	vld [tilespmem:s11+$0xF0];
	v16 =	vmul.f32 $3.333333430e-01, v42  }
0x2d3: {  	v44 =	vadd.s32 v2, v20;
	v19 =	vadd.f32 v30, v19;
	v45 =	vld [tilespmem:s11+$0x20F0]  }
0x2d4: {  	v12 =	vadd.f32 v39, v12;
	v46 =	vld [tilespmem:s11+$0x40F0];
	[tilespmem:v40+s29+$0x0] =	vst.idx.msk $0xffff, v16  }
0x2d5: {  	v19 =	vmul.f32 $3.333333430e-01, v19;
	v24 =	vld [tilespmem:s11+$0x30]  }
0x2d6: {  	v12 =	vmul.f32 $3.333333430e-01, v12;
	v49 =	vld [tilespmem:s11+$0x2030]  }
0x2d7: {  	[tilespmem:v47+s29+$0x0] =	vst.idx.msk $0xffff, v19;
	v52 =	vld [tilespmem:s11+$0x4030]  }
0x2d8: {  	[tilespmem:v44+s29+$0x0] =	vst.idx.msk $0xffff, v12;
	v51 =	vld [tilespmem:s11+$0xB0]  }
0x2d9: {  	v14 =	vadd.f32 v27, v14;
	v23 =	vld [tilespmem:s11+$0x70]  }
0x2da: {  	v5 =	vadd.s32 v3, v5;
	v6 =	vadd.s32 v3, v6;
	v4 =	vadd.s32 v3, v4;
	v50 =	vld [tilespmem:s11+$0x2070]  }
0x2db: {  	v9 =	vmul.f32 $3.333333430e-01, v9;
	v14 =	vadd.f32 v29, v14;
	v54 =	vadd.f32 v62, v61;
	v25 =	vld [tilespmem:s11+$0x20B0]  }
0x2dc: {  	v8 =	vadd.s32 v3, v8;
	v10 =	vadd.s32 v3, v10;
	v17 =	vadd.f32 v45, v43;
	v53 =	vld [tilespmem:s11+$0x4070]  }
0x2dd: {  	[tilespmem:v7+s29+$0x0] =	vst.idx.msk $0xffff, v9;
	v15 =	vadd.f32 v15, v22;
	v14 =	vmul.f32 $3.333333430e-01, v14;
	v7 =	vadd.f32 v48, v54;
	v56 =	vld [tilespmem:s11+$0x40B0]  }
0x2de: {  	v59 =	vadd.s32 v3, v20;
	v17 =	vadd.f32 v46, v17;
	v12 =	vadd.f32 v49, v24  }
0x2df: {  	v60 =	vmul.f32 $3.333333430e-01, v7;
	v11 =	vadd.f32 v41, v15;
	v57 =	vadd.f32 v50, v23  }
0x2e0: {  	[tilespmem:v5+s29+$0x0] =	vst.idx.msk $0xffff, v14;
	v5 =	vmul.f32 $3.333333430e-01, v17;
	v58 =	vadd.f32 v25, v51;
	v12 =	vadd.f32 v52, v12  }
0x2e1: {  	v62 =	vadd.s32 v3, v13;
	[tilespmem:v4+s29+$0x0] =	vst.idx.msk $0xffff, v60;
	v55 =	vmul.f32 $3.333333430e-01, v11;
	v61 =	vadd.f32 v53, v57  }
0x2e2: {  	[tilespmem:v8+s29+$0x0] =	vst.idx.msk $0xffff, v5;
	v63 =	vadd.f32 v56, v58;
	v5 =	vmul.f32 $3.333333430e-01, v12  }
0x2e3: {  	[tilespmem:v6+s29+$0x0] =	vst.idx.msk $0xffff, v55;
	v4 =	vmul.f32 $3.333333430e-01, v61  }
0x2e4: {  	[tilespmem:v10+s29+$0x0] =	vst.idx.msk $0xffff, v5;
	v5 =	vmul.f32 $3.333333430e-01, v63  }
0x2e5: {  	s24 =	sadd.s32 s31, s15;
	[tilespmem:v59+s29+$0x0] =	vst.idx.msk $0xffff, v4  }
0x2e6: {  	s31 =	simm.s32 $0x18600;
	s1 =	sadd.s32 s26, s24;
	s11 =	simm.s32 $0x220;
	[tilespmem:v62+s29+$0x0] =	vst.idx.msk $0xffff, v5  }
0x2e7: {  	[hbm4b:s1+s5] =	stream.linear.scatter [tilespmem:s31], [sflag:$0x9], $0x80, $0x38;
	[tilespmem:$0x1A800] =	vst v63  }
.LBB2_13:
0x2e8: {  	p1 =	sne.s32 s11, $0x85E0  }
.Ltmp5:
0x2e9: {  	_ = 	snop;
	(pc) =	sbr.rel @p1 .LBB2_13-.Ltmp5, $4  }
0x2ea: {  	_ = 	snop  }
0x2eb: {  	s12 =	sshra.s32 s11, $0x2;
	s11 =	sadd.s32 $0x220, s11  }
0x2ec: {  	s1 =	sadd.s32 $0x8000, s1;
	s12 =	sadd.s32 $0x18600, s12  }
0x2ed: {  	[hbm4b:s1+s5] =	stream.linear.scatter [tilespmem:s12], [sflag:$0x9], $0x80, $0x38;
	[tilespmem:$0x1A800] =	vst v63  }
0x2ee: {  	s1 =	simm.s32 @!p0 $0x6  }
0x2ef: {  	_ =	swait.ge @!p0 [sflag:s1], $0x180  }
0x2f0: {  	s11 =	simm.s32 @!p0 $0x180;
	[sflag:s1] =	ssyncset.done @!p0 $0x0  }
0x2f1: {  	s12 =	simm.s32 @!p0 $0x6600;
	[sflag:s1] =	ssyncadd.s32 @!p0 $0xFFFFFE80;
	s1 =	simm.s32 @!p0 $0x80  }
0x2f2: {  	[tilespmem:s12], [sflag:$0x2] =	stream.indirect.gather @!p0 [hbm4b:s7+s1], $0x40, s11, s1, $0xb8;
	[tilespmem:$0x1A800] =	vst v63  }
0x2f3: {  	s11 =	simm.s32 @!p0 $0x200;
	s12 =	simm.s32 @!p0 $0x8600  }
0x2f4: {  	[tilespmem:s12], [sflag:$0x2] =	stream.indirect.gather @!p0 [hbm4b:s7+s1], $0x40, s11, s1, $0xb8;
	[tilespmem:$0x1A800] =	vst v63  }
0x2f5: {  	s11 =	simm.s32 @!p0 $0x280;
	s12 =	simm.s32 @!p0 $0xA600  }
0x2f6: {  	[tilespmem:s12], [sflag:$0x2] =	stream.indirect.gather @!p0 [hbm4b:s7+s1], $0x40, s11, s1, $0xb8;
	[tilespmem:$0x1A800] =	vst v63  }
0x2f7: {  	s11 =	sadd.s32 @!p0 $0x6, s23  }
0x2f8: {  	s12 =	sshrl.u32 @!p0 s11, $0x3  }
0x2f9: {  	s11 =	sshll.u32 @!p0 s11, $0x4;
	s12 =	sadd.s32 @!p0 s3, s12  }
0x2fa: {  	s11 =	sand.u32 @!p0 $0x60, s11;
	s12 =	sshll.u32 @!p0 s12, $0x7  }
0x2fb: {  	s11 =	sadd.s32 @!p0 s6, s11;
	s12 =	sand.u32 @!p0 $0xFFFFF80, s12  }
0x2fc: {  	s16 =	simm.s32 @!p0 $0x300;
	s11 =	sadd.s32 @!p0 s12, s11;
	s12 =	simm.s32 @!p0 $0x40000  }
0x2fd: {  	[tilespmem:s16], [sflag:$0x7] =	stream.strided.gather @!p0 [hbm4b:s11+s1], $0x180, s12, s1, $0x38;
	[tilespmem:$0x1A800] =	vst v63  }
0x2fe: {  	_ =	swait.ge [sflag:s4], $0x2000  }
0x2ff: {  	[sflag:s4] =	ssyncset.done $0x0  }
0x300: {  	[sflag:s4] =	ssyncadd.s32 $0xFFFFE000  }
0x301: {  	_ =	swait.ge [sflag:s4], $0x2000  }
0x302: {  	[sflag:s4] =	ssyncset.done $0x0  }
0x303: {  	[sflag:s4] =	ssyncadd.s32 $0xFFFFE000  }
0x304: {  	_ =	swait.ge [sflag:s4], $0x2000  }
0x305: {  	[sflag:s4] =	ssyncset.done $0x0  }
0x306: {  	[sflag:s4] =	ssyncadd.s32 $0xFFFFE000  }
0x307: {  	_ =	swait.ge [sflag:s19], $0x2000  }
0x308: {  	[sflag:s19] =	ssyncset.done $0x0  }
0x309: {  	s12 =	simm.s32 $0x12600;
	[sflag:s19] =	ssyncadd.s32 $0xFFFFE000  }
0x30a: {  	v4 =	vld [tilespmem:s12+$0xC0]  }
0x30b: {  	v5 =	vld [tilespmem:s12+$0x20C0]  }
0x30c: {  	v6 =	vld [tilespmem:s12+$0x40C0]  }
0x30d: {  	v9 =	vld [tilespmem:s12+$0x2000]  }
0x30e: {  	v10 =	vld [tilespmem:s12+$0x2040]  }
0x30f: {  	v11 =	vld [tilespmem:s12+$0x4000]  }
0x310: {  	v12 =	vld [tilespmem:s12+$0x4040]  }
0x311: {  	s23 =	simm.s32 $0x12700;
	v16 =	vld [tilespmem:s12+$0x2080]  }
0x312: {  	s26 =	simm.s32 $0x3;
	v20 =	vld [tilespmem:s23+$0xC0]  }
0x313: {  	v7 =	vmov s26;
	v21 =	vld [tilespmem:s23+$0x20C0]  }
0x314: {  	v8 =	vand.u32 $0x7F, v7;
	v22 =	vld [tilespmem:s23+$0x0];
	v4 =	vadd.f32 v5, v4  }
0x315: {  	v7 =	vadd.s32 v0, v8;
	v23 =	vld [tilespmem:s23+$0x40C0]  }
0x316: {  	v24 =	vld [tilespmem:s23+$0x2000];
	v4 =	vadd.f32 v6, v4  }
0x317: {  	v5 =	vld [tilespmem:s12+$0x0]  }
0x318: {  	s18 =	simm.s32 $0x7;
	v27 =	vld [tilespmem:s23+$0x2040];
	v4 =	vmul.f32 $3.333333430e-01, v4  }
0x319: {  	v25 =	vmov s18;
	v20 =	vadd.f32 v21, v20;
	v6 =	vld [tilespmem:s12+$0x40]  }
0x31a: {  	s31 =	simm.s32 $0x0;
	v36 =	vand.u32 $0x7F, v25;
	v28 =	vld [tilespmem:s23+$0x2080];
	[tilespmem:v7+s29+$0x0] =	vst.idx.msk $0xffff, v4  }
0x31b: {  	v25 =	vadd.s32 v0, v36;
	v20 =	vadd.f32 v23, v20;
	v4 =	vmov s31;
	v7 =	vld [tilespmem:s12+$0xD0]  }
0x31c: {  	s11 =	simm.s32 $0x1;
	v5 =	vadd.f32 v9, v5;
	v9 =	vand.u32 $0x7C, v4;
	v4 =	vld [tilespmem:s12+$0x20D0]  }
0x31d: {  	v13 =	vmov s11;
	v37 =	vld [tilespmem:s23+$0x4040];
	v20 =	vmul.f32 $3.333333430e-01, v20;
	v14 =	vadd.s32 v0, v9  }
0x31e: {  	v6 =	vadd.f32 v10, v6;
	v10 =	vand.u32 $0x7D, v13;
	v5 =	vadd.f32 v11, v5;
	v11 =	vld [tilespmem:s12+$0x40D0]  }
0x31f: {  	v29 =	vld [tilespmem:s23+$0x4080];
	v15 =	vadd.s32 v0, v10  }
0x320: {  	[tilespmem:v25+s29+$0x0] =	vst.idx.msk $0xffff, v20;
	v13 =	vld [tilespmem:s12+$0x80];
	v6 =	vadd.f32 v12, v6;
	v5 =	vmul.f32 $3.333333430e-01, v5  }
0x321: {  	v25 =	vld [tilespmem:s23+$0xD0];
	v4 =	vadd.f32 v4, v7  }
0x322: {  	v12 =	vld [tilespmem:s12+$0x4080];
	v6 =	vmul.f32 $3.333333430e-01, v6;
	[tilespmem:v14+s29+$0x0] =	vst.idx.msk $0xffff, v5;
	v5 =	vadd.s32 v1, v8  }
0x323: {  	s16 =	simm.s32 $0x2;
	v14 =	vld [tilespmem:s12+$0x10];
	v4 =	vadd.f32 v11, v4  }
0x324: {  	v7 =	vmov s16;
	[tilespmem:v15+s29+$0x0] =	vst.idx.msk $0xffff, v6;
	v6 =	vld [tilespmem:s12+$0x2010]  }
0x325: {  	v7 =	vand.u32 $0x7E, v7;
	v11 =	vadd.f32 v16, v13;
	v13 =	vld [tilespmem:s12+$0x50];
	v4 =	vmul.f32 $3.333333430e-01, v4  }
0x326: {  	v15 =	vadd.s32 v0, v7;
	v16 =	vld [tilespmem:s12+$0x2050]  }
0x327: {  	v11 =	vadd.f32 v12, v11;
	v12 =	vld [tilespmem:s12+$0x4010];
	[tilespmem:v5+s29+$0x0] =	vst.idx.msk $0xffff, v4  }
0x328: {  	v4 =	vld [tilespmem:s12+$0xE0]  }
0x329: {  	v5 =	vmul.f32 $3.333333430e-01, v11;
	v11 =	vld [tilespmem:s12+$0x20E0]  }
0x32a: {  	v6 =	vadd.f32 v6, v14;
	v14 =	vld [tilespmem:s12+$0x4050]  }
0x32b: {  	[tilespmem:v15+s29+$0x0] =	vst.idx.msk $0xffff, v5;
	v5 =	vadd.s32 v1, v9;
	v15 =	vld [tilespmem:s12+$0x40E0]  }
0x32c: {  	v17 =	vld [tilespmem:s12+$0x90];
	v6 =	vadd.f32 v12, v6  }
0x32d: {  	v13 =	vadd.f32 v16, v13;
	v12 =	vld [tilespmem:s12+$0x2090]  }
0x32e: {  	v41 =	vld [tilespmem:s23+$0x20D0];
	v16 =	vadd.s32 v1, v10;
	v6 =	vmul.f32 $3.333333430e-01, v6;
	v4 =	vadd.f32 v11, v4  }
0x32f: {  	v11 =	vld [tilespmem:s12+$0x4090];
	v13 =	vadd.f32 v14, v13;
	v14 =	vadd.s32 v2, v8  }
0x330: {  	v44 =	vld [tilespmem:s23+$0x40D0];
	[tilespmem:v5+s29+$0x0] =	vst.idx.msk $0xffff, v6;
	v4 =	vadd.f32 v15, v4  }
0x331: {  	v5 =	vld [tilespmem:s12+$0x20];
	v6 =	vmul.f32 $3.333333430e-01, v13  }
0x332: {  	v12 =	vadd.f32 v12, v17;
	v13 =	vld [tilespmem:s12+$0x2020];
	v4 =	vmul.f32 $3.333333430e-01, v4  }
0x333: {  	v17 =	vld [tilespmem:s12+$0x4020];
	[tilespmem:v16+s29+$0x0] =	vst.idx.msk $0xffff, v6  }
0x334: {  	v15 =	vadd.s32 v1, v7;
	v6 =	vadd.f32 v11, v12;
	v11 =	vld [tilespmem:s12+$0x60];
	[tilespmem:v14+s29+$0x0] =	vst.idx.msk $0xffff, v4  }
0x335: {  	v12 =	vld [tilespmem:s12+$0xF0]  }
0x336: {  	v4 =	vmul.f32 $3.333333430e-01, v6;
	v6 =	vld [tilespmem:s12+$0x2060]  }
0x337: {  	v14 =	vld [tilespmem:s12+$0x20F0];
	v5 =	vadd.f32 v13, v5  }
0x338: {  	v26 =	vadd.s32 v2, v9;
	v13 =	vld [tilespmem:s23+$0x40]  }
0x339: {  	[tilespmem:v15+s29+$0x0] =	vst.idx.msk $0xffff, v4;
	v4 =	vld [tilespmem:s12+$0x4060];
	v5 =	vadd.f32 v17, v5  }
0x33a: {  	v15 =	vld [tilespmem:s12+$0x40F0]  }
0x33b: {  	v5 =	vmul.f32 $3.333333430e-01, v5;
	v6 =	vadd.f32 v6, v11;
	v11 =	vld [tilespmem:s23+$0x4000]  }
0x33c: {  	s24 =	simm.s32 $0x4;
	v17 =	vld [tilespmem:s23+$0x80]  }
0x33d: {  	v38 =	vadd.s32 v2, v10;
	v16 =	vld [tilespmem:s12+$0xA0];
	[tilespmem:v26+s29+$0x0] =	vst.idx.msk $0xffff, v5;
	v5 =	vmov s24  }
0x33e: {  	s26 =	simm.s32 $0x5;
	v22 =	vadd.f32 v24, v22;
	v18 =	vld [tilespmem:s12+$0x20A0];
	v4 =	vadd.f32 v4, v6;
	v5 =	vand.u32 $0x7C, v5  }
0x33f: {  	v19 =	vld [tilespmem:s12+$0x40A0];
	v13 =	vadd.f32 v27, v13;
	v6 =	vmov s26;
	v40 =	vadd.s32 v0, v5  }
0x340: {  	v39 =	vld [tilespmem:s12+$0x30];
	v6 =	vand.u32 $0x7D, v6;
	v4 =	vmul.f32 $3.333333430e-01, v4;
	v11 =	vadd.f32 v11, v22  }
0x341: {  	v30 =	vld [tilespmem:s12+$0x2030];
	v43 =	vadd.s32 v0, v6  }
0x342: {  	s31 =	simm.s32 $0x6;
	v13 =	vadd.f32 v37, v13;
	v56 =	vld [tilespmem:s12+$0x4030];
	[tilespmem:v38+s29+$0x0] =	vst.idx.msk $0xffff, v4;
	v11 =	vmul.f32 $3.333333430e-01, v11  }
0x343: {  	v47 =	vadd.s32 v1, v36;
	v42 =	vmov s31;
	v22 =	vadd.f32 v41, v25;
	v46 =	vld [tilespmem:s12+$0x70]  }
0x344: {  	v17 =	vadd.f32 v28, v17;
	v13 =	vmul.f32 $3.333333430e-01, v13;
	v4 =	vand.u32 $0x7E, v42;
	[tilespmem:v40+s29+$0x0] =	vst.idx.msk $0xffff, v11;
	v11 =	vld [tilespmem:s12+$0x2070]  }
0x345: {  	v45 =	vadd.s32 v0, v4;
	v22 =	vadd.f32 v44, v22;
	v24 =	vld [tilespmem:s23+$0x10]  }
0x346: {  	v17 =	vadd.f32 v29, v17;
	[tilespmem:v43+s29+$0x0] =	vst.idx.msk $0xffff, v13;
	v13 =	vld [tilespmem:s23+$0x2010]  }
0x347: {  	v22 =	vmul.f32 $3.333333430e-01, v22;
	v28 =	vld [tilespmem:s23+$0x50]  }
0x348: {  	v17 =	vmul.f32 $3.333333430e-01, v17;
	v50 =	vld [tilespmem:s23+$0x4010]  }
0x349: {  	v16 =	vadd.f32 v18, v16;
	v51 =	vld [tilespmem:s23+$0x4050];
	[tilespmem:v47+s29+$0x0] =	vst.idx.msk $0xffff, v22  }
0x34a: {  	v49 =	vadd.s32 v2, v7;
	[tilespmem:v45+s29+$0x0] =	vst.idx.msk $0xffff, v17;
	v17 =	vld [tilespmem:s23+$0x2050]  }
0x34b: {  	v16 =	vadd.f32 v19, v16;
	v19 =	vld [tilespmem:s23+$0xE0]  }
0x34c: {  	v22 =	vld [tilespmem:s23+$0x20E0]  }
0x34d: {  	v16 =	vmul.f32 $3.333333430e-01, v16;
	v31 =	vld [tilespmem:s23+$0x40E0];
	v13 =	vadd.f32 v13, v24  }
0x34e: {  	v52 =	vadd.s32 v1, v5;
	v48 =	vld [tilespmem:s23+$0x90]  }
0x34f: {  	[tilespmem:v49+s29+$0x0] =	vst.idx.msk $0xffff, v16;
	v18 =	vld [tilespmem:s23+$0x2090];
	v13 =	vadd.f32 v50, v13;
	v17 =	vadd.f32 v17, v28  }
0x350: {  	v53 =	vadd.s32 v1, v6;
	v26 =	vld [tilespmem:s12+$0xB0]  }
0x351: {  	v16 =	vld [tilespmem:s23+$0x4090];
	v19 =	vadd.f32 v22, v19;
	v13 =	vmul.f32 $3.333333430e-01, v13;
	v17 =	vadd.f32 v51, v17  }
0x352: {  	v55 =	vadd.s32 v2, v36;
	v54 =	vld [tilespmem:s12+$0x20B0]  }
0x353: {  	[tilespmem:v52+s29+$0x0] =	vst.idx.msk $0xffff, v13;
	v13 =	vadd.f32 v31, v19;
	v19 =	vld [tilespmem:s12+$0x4070];
	v17 =	vmul.f32 $3.333333430e-01, v17  }
0x354: {  	v18 =	vadd.f32 v18, v48;
	v25 =	vld [tilespmem:s23+$0x20]  }
0x355: {  	v57 =	vld [tilespmem:s23+$0x2020];
	v13 =	vmul.f32 $3.333333430e-01, v13;
	[tilespmem:v53+s29+$0x0] =	vst.idx.msk $0xffff, v17;
	v17 =	vadd.s32 v1, v4  }
0x356: {  	v16 =	vadd.f32 v16, v18;
	v58 =	vld [tilespmem:s23+$0x4020]  }
0x357: {  	v18 =	vld [tilespmem:s23+$0x60];
	[tilespmem:v55+s29+$0x0] =	vst.idx.msk $0xffff, v13  }
0x358: {  	v16 =	vmul.f32 $3.333333430e-01, v16;
	v13 =	vld [tilespmem:s23+$0xF0]  }
0x359: {  	v12 =	vadd.f32 v14, v12;
	v24 =	vld [tilespmem:s23+$0x20F0]  }
0x35a: {  	v14 =	vld [tilespmem:s23+$0x2060];
	[tilespmem:v17+s29+$0x0] =	vst.idx.msk $0xffff, v16;
	v16 =	vadd.f32 v30, v39  }
0x35b: {  	v9 =	vadd.s32 v3, v9;
	v12 =	vadd.f32 v15, v12;
	v11 =	vadd.f32 v11, v46;
	v17 =	vld [tilespmem:s23+$0x40F0]  }
0x35c: {  	v8 =	vadd.s32 v3, v8;
	v59 =	vadd.f32 v57, v25;
	v15 =	vld [tilespmem:s23+$0xA0];
	v16 =	vadd.f32 v56, v16  }
0x35d: {  	v10 =	vadd.s32 v3, v10;
	v11 =	vadd.f32 v19, v11;
	v19 =	vadd.s32 v2, v5;
	v60 =	vld [tilespmem:s23+$0x20A0]  }
0x35e: {  	v61 =	vld [tilespmem:s23+$0x4060];
	v20 =	vadd.f32 v58, v59;
	v13 =	vadd.f32 v24, v13;
	v16 =	vmul.f32 $3.333333430e-01, v16  }
0x35f: {  	v12 =	vmul.f32 $3.333333430e-01, v12;
	v62 =	vld [tilespmem:s23+$0x40A0]  }
0x360: {  	s11 =	simm.s32 $0x12800;
	v21 =	vadd.s32 v3, v36;
	v63 =	vld [tilespmem:s12+$0x40B0];
	v13 =	vadd.f32 v17, v13;
	[tilespmem:v9+s29+$0x0] =	vst.idx.msk $0xffff, v16;
	v9 =	vmul.f32 $3.333333430e-01, v20  }
0x361: {  	[tilespmem:v8+s29+$0x0] =	vst.idx.msk $0xffff, v12;
	v8 =	vld [tilespmem:s11+$0xC0];
	v11 =	vmul.f32 $3.333333430e-01, v11;
	v12 =	vadd.f32 v14, v18;
	v18 =	vadd.f32 v54, v26  }
0x362: {  	v14 =	vld [tilespmem:s11+$0x20C0];
	v16 =	vadd.f32 v60, v15;
	[tilespmem:v19+s29+$0x0] =	vst.idx.msk $0xffff, v9;
	v9 =	vmul.f32 $3.333333430e-01, v13;
	v13 =	vadd.s32 v2, v6  }
0x363: {  	[tilespmem:v10+s29+$0x0] =	vst.idx.msk $0xffff, v11;
	v10 =	vld [tilespmem:s11+$0x0];
	v11 =	vadd.s32 v2, v4;
	v17 =	vadd.f32 v61, v12  }
0x364: {  	v7 =	vadd.s32 v3, v7;
	v15 =	vld [tilespmem:s11+$0x40C0];
	v12 =	vadd.f32 v62, v16  }
0x365: {  	s1 =	simm.s32 $0xB;
	s16 =	simm.s32 $0xC;
	s12 =	simm.s32 $0x8;
	v17 =	vmul.f32 $3.333333430e-01, v17;
	v16 =	vld [tilespmem:s11+$0x2000];
	[tilespmem:v21+s29+$0x0] =	vst.idx.msk $0xffff, v9;
	v9 =	vadd.f32 v63, v18  }
.LBB2_15:
0x366: {  	p0 =	slt.u32 s16, $0x7C;
	v18 =	vld [tilespmem:s11+$0x40];
	v19 =	vmov s1;
	v12 =	vmul.f32 $3.333333430e-01, v12  }
0x367: {  	v20 =	vld [tilespmem:s11+$0x2040];
	v14 =	vadd.f32 v14, v8;
	v8 =	vand.u32 $0x7F, v19;
	[tilespmem:v13+s29+$0x0] =	vst.idx.msk $0xffff, v17;
	v9 =	vmul.f32 $3.333333430e-01, v9  }
0x368: {  	v13 =	vld [tilespmem:s11+$0x80];
	v17 =	vadd.s32 v0, v8;
	[tilespmem:v11+s29+$0x0] =	vst.idx.msk $0xffff, v12  }
0x369: {  	v11 =	vld [tilespmem:s11+$0x2080];
	v12 =	vadd.f32 v15, v14;
	[tilespmem:v7+s29+$0x0] =	vst.idx.msk $0xffff, v9  }
0x36a: {  	v7 =	vadd.f32 v16, v10;
	v9 =	vld [tilespmem:s11+$0x4000]  }
0x36b: {  	v10 =	vld [tilespmem:s11+$0x4040];
	v12 =	vmul.f32 $3.333333430e-01, v12  }
0x36c: {  	s1 =	sadd.s32 $0x1, s12;
	s18 =	sadd.s32 $0x2, s12;
	v14 =	vmov s12;
	s12 =	smov.u32 s16;
	v15 =	vadd.f32 v20, v18;
	v16 =	vld [tilespmem:s11+$0x4080]  }
0x36d: {  	v19 =	vmov s18;
	v14 =	vand.u32 $0x7C, v14;
	v18 =	vmov s1;
	[tilespmem:v17+s29+$0x0] =	vst.idx.msk $0xffff, v12;
	v12 =	vld [tilespmem:s23+$0x30]  }
0x36e: {  	v17 =	vadd.s32 v0, v14;
	v18 =	vand.u32 $0x7D, v18;
	v11 =	vadd.f32 v11, v13;
	v13 =	vld [tilespmem:s11+$0xD0]  }
0x36f: {  	v20 =	vadd.s32 v0, v18;
	v7 =	vadd.f32 v9, v7;
	v9 =	vand.u32 $0x7E, v19;
	v19 =	vld [tilespmem:s11+$0x20D0]  }
0x370: {  	v10 =	vadd.f32 v10, v15;
	v15 =	vadd.s32 v0, v9;
	v21 =	vld [tilespmem:s23+$0x2030]  }
0x371: {  	v7 =	vmul.f32 $3.333333430e-01, v7;
	v11 =	vadd.f32 v16, v11;
	v16 =	vld [tilespmem:s11+$0x40D0]  }
0x372: {  	v10 =	vmul.f32 $3.333333430e-01, v10;
	v22 =	vld [tilespmem:s23+$0x70]  }
0x373: {  	[tilespmem:v17+s29+$0x0] =	vst.idx.msk $0xffff, v7;
	v7 =	vmul.f32 $3.333333430e-01, v11;
	v11 =	vld [tilespmem:s23+$0x2070]  }
0x374: {  	v17 =	vld [tilespmem:s11+$0x10];
	[tilespmem:v20+s29+$0x0] =	vst.idx.msk $0xffff, v10;
	v10 =	vadd.f32 v19, v13  }
0x375: {  	v13 =	vld [tilespmem:s11+$0x2010];
	[tilespmem:v15+s29+$0x0] =	vst.idx.msk $0xffff, v7;
	v7 =	vadd.s32 v1, v8;
	v12 =	vadd.f32 v21, v12  }
0x376: {  	v15 =	vld [tilespmem:s11+$0x50];
	v10 =	vadd.f32 v16, v10  }
0x377: {  	v16 =	vld [tilespmem:s11+$0x2050]  }
0x378: {  	v19 =	vld [tilespmem:s11+$0x90];
	v10 =	vmul.f32 $3.333333430e-01, v10;
	v11 =	vadd.f32 v11, v22  }
0x379: {  	v20 =	vld [tilespmem:s11+$0x2090]  }
0x37a: {  	v13 =	vadd.f32 v13, v17;
	v17 =	vld [tilespmem:s11+$0x4010];
	[tilespmem:v7+s29+$0x0] =	vst.idx.msk $0xffff, v10  }
0x37b: {  	v7 =	vld [tilespmem:s11+$0xE0]  }
0x37c: {  	v10 =	vadd.f32 v16, v15;
	v15 =	vld [tilespmem:s11+$0x20E0]  }
0x37d: {  	v16 =	vld [tilespmem:s11+$0x4050]  }
0x37e: {  	v21 =	vadd.s32 v1, v14;
	v19 =	vadd.f32 v20, v19;
	v20 =	vld [tilespmem:s11+$0x40E0]  }
0x37f: {  	v13 =	vadd.f32 v17, v13;
	v17 =	vld [tilespmem:s11+$0x4090]  }
0x380: {  	v22 =	vld [tilespmem:s23+$0xB0]  }
0x381: {  	v23 =	vadd.s32 v1, v18;
	v13 =	vmul.f32 $3.333333430e-01, v13;
	v7 =	vadd.f32 v15, v7;
	v15 =	vld [tilespmem:s23+$0x20B0]  }
0x382: {  	v10 =	vadd.f32 v16, v10;
	v16 =	vadd.s32 v2, v8;
	v24 =	vld [tilespmem:s23+$0x4030]  }
0x383: {  	[tilespmem:v21+s29+$0x0] =	vst.idx.msk $0xffff, v13;
	v13 =	vadd.s32 v1, v9;
	v7 =	vadd.f32 v20, v7;
	v20 =	vld [tilespmem:s23+$0x4070]  }
0x384: {  	v21 =	vld [tilespmem:s11+$0x20];
	v10 =	vmul.f32 $3.333333430e-01, v10;
	v17 =	vadd.f32 v17, v19  }
0x385: {  	v19 =	vld [tilespmem:s11+$0x2020];
	v7 =	vmul.f32 $3.333333430e-01, v7  }
0x386: {  	v25 =	vld [tilespmem:s11+$0x4020];
	[tilespmem:v23+s29+$0x0] =	vst.idx.msk $0xffff, v10;
	v10 =	vmul.f32 $3.333333430e-01, v17;
	v17 =	vadd.s32 v3, v5;
	v22 =	vadd.f32 v15, v22  }
0x387: {  	v5 =	vmov v14;
	v15 =	vld [tilespmem:s11+$0x60];
	[tilespmem:v16+s29+$0x0] =	vst.idx.msk $0xffff, v7;
	v7 =	vadd.f32 v24, v12;
	v12 =	vadd.s32 v3, v6  }
0x388: {  	v6 =	vmov v18;
	[tilespmem:v13+s29+$0x0] =	vst.idx.msk $0xffff, v10;
	v10 =	vld [tilespmem:s11+$0xF0];
	v11 =	vadd.f32 v20, v11  }
0x389: {  	v13 =	vld [tilespmem:s11+$0x20F0];
	v7 =	vmul.f32 $3.333333430e-01, v7  }
0x38a: {  	v14 =	vadd.f32 v19, v21;
	v16 =	vld [tilespmem:s11+$0x2060];
	v11 =	vmul.f32 $3.333333430e-01, v11  }
0x38b: {  	v18 =	vadd.s32 v2, v5;
	v19 =	vld [tilespmem:s11+$0x40F0];
	[tilespmem:v17+s29+$0x0] =	vst.idx.msk $0xffff, v7  }
0x38c: {  	v7 =	vadd.f32 v25, v14;
	v17 =	vld [tilespmem:s11+$0xA0];
	[tilespmem:v12+s29+$0x0] =	vst.idx.msk $0xffff, v11  }
0x38d: {  	v11 =	vld [tilespmem:s11+$0x20A0]  }
0x38e: {  	v7 =	vmul.f32 $3.333333430e-01, v7;
	v12 =	vld [tilespmem:s11+$0x4060];
	v10 =	vadd.f32 v13, v10  }
0x38f: {  	v20 =	vadd.s32 v3, v8;
	v15 =	vadd.f32 v16, v15;
	v16 =	vld [tilespmem:s11+$0x40A0]  }
0x390: {  	[tilespmem:v18+s29+$0x0] =	vst.idx.msk $0xffff, v7;
	v7 =	vadd.f32 v19, v10;
	v18 =	vld [tilespmem:s23+$0x40B0];
	s23 =	smov.u32 s11;
	s11 =	sadd.s32 $0x100, s11  }
.Ltmp6:
0x391: {  	v8 =	vld [tilespmem:s11+$0xC0];
	(pc) =	sbr.rel @p0 .LBB2_15-.Ltmp6, $4  }
0x392: {  	v13 =	vadd.s32 v2, v6;
	v14 =	vld [tilespmem:s11+$0x20C0];
	v17 =	vadd.f32 v11, v17;
	v7 =	vmul.f32 $3.333333430e-01, v7  }
0x393: {  	v11 =	vadd.s32 v2, v9;
	v10 =	vld [tilespmem:s11+$0x0];
	v19 =	vadd.f32 v12, v15  }
0x394: {  	v15 =	vld [tilespmem:s11+$0x40C0];
	v12 =	vadd.f32 v16, v17;
	[tilespmem:v20+s29+$0x0] =	vst.idx.msk $0xffff, v7;
	v7 =	vadd.s32 v3, v4;
	v4 =	vmov v9  }
0x395: {  	s16 =	sadd.s32 $0x4, s16;
	s1 =	sadd.s32 $0x3, s12;
	v16 =	vld [tilespmem:s11+$0x2000];
	v17 =	vmul.f32 $3.333333430e-01, v19;
	v9 =	vadd.f32 v18, v22  }
0x396: {  	v18 =	vld [tilespmem:s11+$0x40]  }
0x397: {  	v20 =	vld [tilespmem:s11+$0x2040]  }
0x398: {  	v40 =	vld [tilespmem:s11+$0x80]  }
0x399: {  	v22 =	vld [tilespmem:s11+$0x2080]  }
0x39a: {  	v19 =	vmov s1;
	v41 =	vld [tilespmem:s11+$0x4000]  }
0x39b: {  	v23 =	vld [tilespmem:s11+$0x4040];
	v14 =	vadd.f32 v14, v8;
	v8 =	vand.u32 $0x7F, v19  }
0x39c: {  	v25 =	vld [tilespmem:s11+$0x4080];
	v12 =	vmul.f32 $3.333333430e-01, v12;
	v21 =	vadd.s32 v0, v8  }
0x39d: {  	v24 =	vmov s12;
	v27 =	vld [tilespmem:s23+$0x2030];
	v14 =	vadd.f32 v15, v14  }
0x39e: {  	v29 =	vld [tilespmem:s23+$0x4030];
	[tilespmem:v11+s29+$0x0] =	vst.idx.msk $0xffff, v12;
	v16 =	vadd.f32 v16, v10;
	v10 =	vand.u32 $0x7C, v24  }
0x39f: {  	s24 =	sadd.s32 $0x2, s12;
	v61 =	vld [tilespmem:s23+$0xB0];
	v14 =	vmul.f32 $3.333333430e-01, v14;
	v24 =	vadd.s32 v0, v10  }
0x3a0: {  	[tilespmem:v13+s29+$0x0] =	vst.idx.msk $0xffff, v17;
	v44 =	vmov s24;
	v62 =	vld [tilespmem:s23+$0x20B0];
	v15 =	vadd.f32 v41, v16  }
0x3a1: {  	v13 =	vand.u32 $0x7E, v44;
	v19 =	vadd.f32 v22, v40;
	v22 =	vld [tilespmem:s23+$0x70];
	[tilespmem:v21+s29+$0x0] =	vst.idx.msk $0xffff, v14  }
0x3a2: {  	s18 =	sadd.s32 $0x1, s12;
	v47 =	vadd.s32 v0, v13;
	v26 =	vld [tilespmem:s11+$0xD0];
	v15 =	vmul.f32 $3.333333430e-01, v15  }
0x3a3: {  	v42 =	vmov s18;
	v19 =	vadd.f32 v25, v19;
	v43 =	vld [tilespmem:s11+$0x20D0]  }
0x3a4: {  	v18 =	vadd.f32 v20, v18;
	v20 =	vand.u32 $0x7D, v42;
	v46 =	vld [tilespmem:s11+$0x40D0];
	[tilespmem:v24+s29+$0x0] =	vst.idx.msk $0xffff, v15  }
0x3a5: {  	v21 =	vadd.s32 v0, v20;
	v19 =	vmul.f32 $3.333333430e-01, v19;
	v24 =	vld [tilespmem:s11+$0x10]  }
0x3a6: {  	v45 =	vadd.f32 v23, v18;
	v48 =	vld [tilespmem:s11+$0x2010]  }
0x3a7: {  	[tilespmem:v47+s29+$0x0] =	vst.idx.msk $0xffff, v19;
	v52 =	vld [tilespmem:s11+$0x4010]  }
0x3a8: {  	v17 =	vmul.f32 $3.333333430e-01, v45;
	v23 =	vld [tilespmem:s11+$0x90]  }
0x3a9: {  	v53 =	vld [tilespmem:s11+$0x2090];
	v16 =	vadd.f32 v43, v26  }
0x3aa: {  	v49 =	vadd.s32 v1, v8;
	[tilespmem:v21+s29+$0x0] =	vst.idx.msk $0xffff, v17;
	v56 =	vld [tilespmem:s11+$0x4090]  }
0x3ab: {  	v50 =	vld [tilespmem:s11+$0x50];
	v16 =	vadd.f32 v46, v16  }
0x3ac: {  	v51 =	vld [tilespmem:s11+$0x2050];
	v17 =	vadd.f32 v48, v24  }
0x3ad: {  	v55 =	vadd.s32 v1, v10;
	v41 =	vld [tilespmem:s23+$0x4070];
	v16 =	vmul.f32 $3.333333430e-01, v16  }
0x3ae: {  	v54 =	vld [tilespmem:s11+$0x4050];
	v17 =	vadd.f32 v52, v17  }
0x3af: {  	v14 =	vld [tilespmem:s23+$0x30];
	v23 =	vadd.f32 v53, v23;
	[tilespmem:v49+s29+$0x0] =	vst.idx.msk $0xffff, v16  }
0x3b0: {  	v63 =	vadd.s32 v1, v13;
	v21 =	vld [tilespmem:s11+$0xE0];
	v59 =	vmul.f32 $3.333333430e-01, v17  }
0x3b1: {  	v18 =	vadd.f32 v51, v50;
	v19 =	vadd.f32 v56, v23;
	v57 =	vld [tilespmem:s11+$0x20E0]  }
0x3b2: {  	v60 =	vadd.s32 v1, v20;
	v58 =	vld [tilespmem:s11+$0x40E0];
	[tilespmem:v55+s29+$0x0] =	vst.idx.msk $0xffff, v59  }
0x3b3: {  	v16 =	vadd.f32 v54, v18;
	v33 =	vmul.f32 $3.333333430e-01, v19;
	v24 =	vld [tilespmem:s11+$0x20]  }
0x3b4: {  	v32 =	vld [tilespmem:s11+$0x2020]  }
0x3b5: {  	v16 =	vmul.f32 $3.333333430e-01, v16;
	v28 =	vld [tilespmem:s11+$0x4020];
	[tilespmem:v63+s29+$0x0] =	vst.idx.msk $0xffff, v33  }
0x3b6: {  	v37 =	vld [tilespmem:s11+$0xA0]  }
0x3b7: {  	[tilespmem:v60+s29+$0x0] =	vst.idx.msk $0xffff, v16;
	v38 =	vld [tilespmem:s11+$0x20A0];
	v34 =	vadd.f32 v57, v21  }
0x3b8: {  	v36 =	vadd.s32 v2, v8;
	v17 =	vld [tilespmem:s11+$0x60]  }
0x3b9: {  	v35 =	vld [tilespmem:s11+$0x2060];
	v11 =	vadd.f32 v58, v34  }
0x3ba: {  	v30 =	vld [tilespmem:s11+$0x40A0];
	v23 =	vadd.f32 v32, v24  }
0x3bb: {  	v40 =	vadd.s32 v2, v10;
	v39 =	vld [tilespmem:s11+$0x4060];
	v11 =	vmul.f32 $3.333333430e-01, v11  }
0x3bc: {  	v15 =	vld [tilespmem:s23+$0x2070];
	v42 =	vadd.f32 v28, v23  }
0x3bd: {  	v48 =	vld [tilespmem:s23+$0x40B0];
	v19 =	vadd.f32 v38, v37;
	[tilespmem:v36+s29+$0x0] =	vst.idx.msk $0xffff, v11  }
0x3be: {  	v47 =	vadd.s32 v2, v13;
	v12 =	vadd.f32 v35, v17;
	v43 =	vld [tilespmem:s11+$0xF0];
	v16 =	vmul.f32 $3.333333430e-01, v42  }
0x3bf: {  	v44 =	vadd.s32 v2, v20;
	v19 =	vadd.f32 v30, v19;
	v45 =	vld [tilespmem:s11+$0x20F0]  }
0x3c0: {  	v12 =	vadd.f32 v39, v12;
	v46 =	vld [tilespmem:s11+$0x40F0];
	[tilespmem:v40+s29+$0x0] =	vst.idx.msk $0xffff, v16  }
0x3c1: {  	v19 =	vmul.f32 $3.333333430e-01, v19;
	v24 =	vld [tilespmem:s11+$0x30]  }
0x3c2: {  	v12 =	vmul.f32 $3.333333430e-01, v12;
	v49 =	vld [tilespmem:s11+$0x2030]  }
0x3c3: {  	[tilespmem:v47+s29+$0x0] =	vst.idx.msk $0xffff, v19;
	v52 =	vld [tilespmem:s11+$0x4030]  }
0x3c4: {  	[tilespmem:v44+s29+$0x0] =	vst.idx.msk $0xffff, v12;
	v51 =	vld [tilespmem:s11+$0xB0]  }
0x3c5: {  	v14 =	vadd.f32 v27, v14;
	v23 =	vld [tilespmem:s11+$0x70]  }
0x3c6: {  	v5 =	vadd.s32 v3, v5;
	v6 =	vadd.s32 v3, v6;
	v4 =	vadd.s32 v3, v4;
	v50 =	vld [tilespmem:s11+$0x2070]  }
0x3c7: {  	v9 =	vmul.f32 $3.333333430e-01, v9;
	v14 =	vadd.f32 v29, v14;
	v54 =	vadd.f32 v62, v61;
	v25 =	vld [tilespmem:s11+$0x20B0]  }
0x3c8: {  	v8 =	vadd.s32 v3, v8;
	v10 =	vadd.s32 v3, v10;
	v17 =	vadd.f32 v45, v43;
	v53 =	vld [tilespmem:s11+$0x4070]  }
0x3c9: {  	[tilespmem:v7+s29+$0x0] =	vst.idx.msk $0xffff, v9;
	v15 =	vadd.f32 v15, v22;
	v14 =	vmul.f32 $3.333333430e-01, v14;
	v7 =	vadd.f32 v48, v54;
	v56 =	vld [tilespmem:s11+$0x40B0]  }
0x3ca: {  	v59 =	vadd.s32 v3, v20;
	v17 =	vadd.f32 v46, v17;
	v12 =	vadd.f32 v49, v24  }
0x3cb: {  	v60 =	vmul.f32 $3.333333430e-01, v7;
	v11 =	vadd.f32 v41, v15;
	v57 =	vadd.f32 v50, v23  }
0x3cc: {  	[tilespmem:v5+s29+$0x0] =	vst.idx.msk $0xffff, v14;
	v5 =	vmul.f32 $3.333333430e-01, v17;
	v58 =	vadd.f32 v25, v51;
	v12 =	vadd.f32 v52, v12  }
0x3cd: {  	v62 =	vadd.s32 v3, v13;
	[tilespmem:v4+s29+$0x0] =	vst.idx.msk $0xffff, v60;
	v55 =	vmul.f32 $3.333333430e-01, v11;
	v61 =	vadd.f32 v53, v57  }
0x3ce: {  	[tilespmem:v8+s29+$0x0] =	vst.idx.msk $0xffff, v5;
	v63 =	vadd.f32 v56, v58;
	v5 =	vmul.f32 $3.333333430e-01, v12  }
0x3cf: {  	s26 =	sshll.u32 s21, $0x7;
	[tilespmem:v6+s29+$0x0] =	vst.idx.msk $0xffff, v55;
	v4 =	vmul.f32 $3.333333430e-01, v61  }
0x3d0: {  	s1 =	sand.u32 $0x380, s26;
	[tilespmem:v10+s29+$0x0] =	vst.idx.msk $0xffff, v5;
	v5 =	vmul.f32 $3.333333430e-01, v63  }
0x3d1: {  	s1 =	sor.u32 s1, s9;
	[tilespmem:v59+s29+$0x0] =	vst.idx.msk $0xffff, v4  }
0x3d2: {  	s31 =	simm.s32 $0x18600;
	s1 =	sadd.s32 s1, s22;
	s11 =	simm.s32 $0x220;
	[tilespmem:v62+s29+$0x0] =	vst.idx.msk $0xffff, v5  }
0x3d3: {  	[hbm4b:s1+s5] =	stream.linear.scatter [tilespmem:s31], [sflag:$0x9], $0x80, $0x38;
	[tilespmem:$0x1A800] =	vst v63  }
.LBB2_17:
0x3d4: {  	p0 =	sne.s32 s11, $0x85E0  }
.Ltmp7:
0x3d5: {  	_ = 	snop;
	(pc) =	sbr.rel @p0 .LBB2_17-.Ltmp7, $4  }
0x3d6: {  	_ = 	snop  }
0x3d7: {  	s12 =	sshra.s32 s11, $0x2;
	s11 =	sadd.s32 $0x220, s11  }
0x3d8: {  	s1 =	sadd.s32 $0x8000, s1;
	s12 =	sadd.s32 $0x18600, s12  }
0x3d9: {  	[hbm4b:s1+s5] =	stream.linear.scatter [tilespmem:s12], [sflag:$0x9], $0x80, $0x38;
	[tilespmem:$0x1A800] =	vst v63  }
0x3da: {  	s20 =	sadd.s32 $0x1, s20  }
0x3db: {  	p0 =	sne.s32 s20, $0x10  }
.Ltmp8:
0x3dc: {  	_ = 	snop;
	(pc) =	sbr.rel @p0 .LBB2_2-.Ltmp8, $1  }
0x3dd: {  	_ =	sdelay $0x3  }
0x3de: {  	_ =	swait.ge [sflag:s19], $0x2000  }
0x3df: {  	s11 =	rddreg [dreg:$0x7]  }
0x3e0: {  	s1 =	rddreg [dreg:$0x6];
	s11 =	sadd.s32 $0x1, s11  }
0x3e1: {  	p0 =	sne.s32 s11, s1  }
.Ltmp9:
0x3e2: {  	_ = 	snop;
	(pc) =	sbr.rel @p0 .LBB2_1-.Ltmp9, $3  }
0x3e3: {  	_ =	sdelay $0x1  }
0x3e4: {  	[sflag:s19] =	ssyncset.done $0x0  }
0x3e5: {  	[sflag:s19] =	ssyncadd.s32 $0xFFFFE000  }
0x3e6: {  	_ =	sfence.sel $0x180000  }
0x3e7: {  	[bflag:$0x0] =	sbarrier.arrive $0xFFFF  }
0x3e8: {  	_ =	strace $0x90000047  }
0x3e9: {  	s0 =	stileid.u32;
	[bflag:$0x2] =	sbarrier.arrive $0xFFFF  }
0x3ea: {  	p0 =	sne.s32 s0, $0x0;
	s0 =	rddreg [dreg:$0x2]  }
0x3eb: {  	s0 =	sadd.s32 @!p0 $0x100000, s0  }
0x3ec: {  	[sflag:s0] =	ssyncadd.tile.s32 @!p0 $0x1;
	_ =	shalt  }
.Lfunc_end2:
_tile_overlayer_lowered:
.L_overlay_start_2:
0x3ed: {  	(tag) =	ssettag $0x2  }
0x3ee: {  	s0 =	rddreg [dreg:$0x0];
	s2 =	stileid.u32  }
0x3ef: {  	s1 =	rddreg [dreg:$0x1];
	p0 =	sne.s32 s2, $0x0  }
0x3f0: {  	s3 =	rddreg [dreg:$0x2];
	[bflag:$0x3] =	sbarrier.arrive $0xFFFF;
	s2 =	simm.s32 @!p0 $0x1C0A  }
0x3f1: {  	[timem:s3], [sflag:s2] =	dma.local @!p0 [hbm:s0], s1  }
0x3f2: {  	s0 =	simm.s32 @!p0 $0xA  }
0x3f3: {  	_ =	swait.ge @!p0 [sflag:s0], s1  }
0x3f4: {  	s1 =	ssub.s32 @!p0 $0x0, s1;
	[sflag:s0] =	ssyncset.done @!p0 $0x0  }
0x3f5: {  	[sflag:s0] =	ssyncadd.s32 @!p0 s1  }
0x3f6: {  	[bflag:$0x3] =	sbarrier.arrive $0xFFFF  }
0x3f7: {  	_ =	shalt  }

</sc_bundles>
